<compile_context>
chip_gen: v7x
topology: tpu7x:2x2x1
jax: 0.10.2.dev20260603
libtpu: 0.0.44.dev20260713+nightly
codegen_flags: <defaults>
</compile_context>

<pallas_src>
import functools

import jax
import jax.numpy as jnp
from jax import lax
from jax.experimental import pallas as pl
from jax.experimental.pallas import tpu as pltpu
from jax.experimental.pallas import tpu_sc as plsc

NN = 50000
EE = 800000
HH = 64
HC = 32
NPAD = 51200
EPAD = 819200
EROWS = EPAD // 128
SENT = 50000
NC, NS = 2, 16
TSTRIPE = NPAD // NS

BLK = 3200
GRID = NPAD // BLK

HB = 8
HNB = EROWS // (NC * NS) // HB
AB = 8
ANB = EROWS // NS // AB
RD = 4


def _sc_mesh():
    return plsc.VectorSubcoreMesh(
        core_axis_name="c", subcore_axis_name="s",
        num_cores=NC, num_subcores=NS)


def _hist_body(epad, out, oep, hs_sp, hd_sp, zb, ones_v, ib, *sems):
    cid = lax.axis_index("c")
    sid = lax.axis_index("s")
    wid = sid * NC + cid
    ssem = sems[:4]
    dsem = sems[4:]

    def _z(i, c):
        zb[pl.ds(i * 16, 16)] = jnp.zeros((16,), jnp.float32)
        return c
    lax.fori_loop(0, TSTRIPE // 16, _z, 0)

    def _o(i, c):
        ones_v[pl.ds(i * 16, 16)] = jnp.ones((16,), jnp.float32)
        return c
    lax.fori_loop(0, 128 // 16, _o, 0)

    pltpu.sync_copy(zb, hs_sp.at[pl.ds(sid * TSTRIPE, TSTRIPE)])
    pltpu.sync_copy(zb, hd_sp.at[pl.ds(sid * TSTRIPE, TSTRIPE)])
    plsc.subcore_barrier()

    base = wid * (HNB * HB)

    def _stage(blk, slot):
        sl = pl.ds(base + blk * HB, HB)
        pltpu.sync_copy(epad.at[0, sl], ib.at[0, slot])
        pltpu.sync_copy(epad.at[1, sl], ib.at[1, slot])
        pltpu.sync_copy(ib.at[0, slot], oep.at[0, sl])
        pltpu.sync_copy(ib.at[1, slot], oep.at[1, sl])

    _stage(0, 0)

    def _blk(blk, c):
        slot = lax.rem(blk, 2)
        nslot = 1 - slot
        for r in range(HB):
            if r == 4:
                @pl.when(blk < HNB - 1)
                def _():
                    _stage(blk + 1, nslot)
            b2 = (r + 2) % 4
            if r < 2:
                @pl.when(blk > 0)
                def _():
                    pltpu.make_async_copy(
                        ones_v, hs_sp.at[ib.at[0, 0, r]], ssem[b2]).wait()
                    pltpu.make_async_copy(
                        ones_v, hd_sp.at[ib.at[1, 0, r]], dsem[b2]).wait()
            else:
                pltpu.make_async_copy(
                    ones_v, hs_sp.at[ib.at[0, 0, r]], ssem[b2]).wait()
                pltpu.make_async_copy(
                    ones_v, hd_sp.at[ib.at[1, 0, r]], dsem[b2]).wait()
            pltpu.async_copy(ones_v, hs_sp.at[ib.at[0, slot, r]],
                             ssem[r % 4], add=True)
            pltpu.async_copy(ones_v, hd_sp.at[ib.at[1, slot, r]],
                             dsem[r % 4], add=True)
        return c
    lax.fori_loop(0, HNB, _blk, 0)

    for r in range(2, 4):
        pltpu.make_async_copy(ones_v, hs_sp.at[ib.at[0, 0, r]],
                              ssem[r]).wait()
        pltpu.make_async_copy(ones_v, hd_sp.at[ib.at[1, 0, r]],
                              dsem[r]).wait()

    plsc.subcore_barrier()
    sl = pl.ds(sid * TSTRIPE, TSTRIPE)
    pltpu.sync_copy(hs_sp.at[sl], out.at[cid, 0, sl])
    pltpu.sync_copy(hd_sp.at[sl], out.at[cid, 1, sl])


@functools.cache
def _hist_kernel():
    return pl.kernel(
        _hist_body,
        out_type=(jax.ShapeDtypeStruct((NC, 2, NPAD), jnp.float32),
                  jax.ShapeDtypeStruct((2, EROWS, 128), jnp.int32)),
        mesh=_sc_mesh(),
        compiler_params=pltpu.CompilerParams(use_tc_tiling_on_sc=False),
        scratch_types=[
            pltpu.VMEM_SHARED((NPAD,), jnp.float32),
            pltpu.VMEM_SHARED((NPAD,), jnp.float32),
            pltpu.VMEM((TSTRIPE,), jnp.float32),
            pltpu.VMEM((128,), jnp.float32),
            pltpu.VMEM((2, 2, HB, 128), jnp.int32),
        ] + [pltpu.SemaphoreType.DMA] * 8,
    )


def _hist_call(epad):
    return _hist_kernel()(epad)


def _agg_body(hp, epad, out, acc, zb, rows, sib, dib, *sems):
    cid = lax.axis_index("c")
    sid = lax.axis_index("s")
    gsem = sems[:RD]
    ssem = sems[RD:]

    def _z(i, c):
        zb[i // 2, pl.ds((i % 2) * 16, 16)] = jnp.zeros((16,), jnp.float32)
        return c
    lax.fori_loop(0, 128 * HC // 16, _z, 0)

    def _zc(i, c):
        pltpu.sync_copy(zb, acc.at[pl.ds(sid * TSTRIPE + i * 128, 128)])
        return c
    lax.fori_loop(0, TSTRIPE // 128, _zc, 0)
    plsc.subcore_barrier()

    base = sid * (ANB * AB)

    def _stage(blk, slot):
        pltpu.sync_copy(epad.at[0, pl.ds(base + blk * AB, AB)], sib.at[slot])
        pltpu.sync_copy(epad.at[1, pl.ds(base + blk * AB, AB)], dib.at[slot])

    _stage(0, 0)
    for r in range(2):
        pltpu.async_copy(hp.at[cid].at[sib.at[0, r]], rows.at[r], gsem[r])

    def _blk(blk, c):
        slot = lax.rem(blk, 2)
        nslot = 1 - slot
        for r in range(AB):
            if r == 4:
                @pl.when(blk < ANB - 1)
                def _():
                    _stage(blk + 1, nslot)
            b2 = (r + 2) % RD
            if r < 2:
                @pl.when(blk > 0)
                def _():
                    pltpu.make_async_copy(
                        rows.at[b2], acc.at[dib.at[nslot, r + 6]],
                        ssem[b2]).wait()

                pltpu.async_copy(hp.at[cid].at[sib.at[slot, r + 2]],
                                 rows.at[b2], gsem[b2])
            elif r < 6:
                pltpu.make_async_copy(
                    rows.at[b2], acc.at[dib.at[slot, r - 2]],
                    ssem[b2]).wait()
                pltpu.async_copy(hp.at[cid].at[sib.at[slot, r + 2]],
                                 rows.at[b2], gsem[b2])
            else:
                pltpu.make_async_copy(
                    rows.at[b2], acc.at[dib.at[slot, r - 2]],
                    ssem[b2]).wait()

                @pl.when(blk < ANB - 1)
                def _():
                    pltpu.async_copy(hp.at[cid].at[sib.at[nslot, r - 6]],
                                     rows.at[b2], gsem[b2])
            pltpu.make_async_copy(
                hp.at[cid].at[sib.at[slot, r]], rows.at[r % RD],
                gsem[r % RD]).wait()
            pltpu.async_copy(rows.at[r % RD], acc.at[dib.at[slot, r]],
                             ssem[r % RD], add=True)
        return c
    lax.fori_loop(0, ANB, _blk, 0)

    for r in range(2, RD):
        pltpu.make_async_copy(rows.at[r], acc.at[dib.at[0, r]],
                              ssem[r]).wait()

    plsc.subcore_barrier()
    sl = pl.ds(sid * TSTRIPE, TSTRIPE)
    pltpu.sync_copy(acc.at[sl], out.at[sl, pl.ds(cid * HC, HC)])


@functools.cache
def _agg_kernel():
    return pl.kernel(
        _agg_body,
        out_type=jax.ShapeDtypeStruct((NPAD, 128), jnp.float32),
        mesh=_sc_mesh(),
        compiler_params=pltpu.CompilerParams(use_tc_tiling_on_sc=False),
        scratch_types=[
            pltpu.VMEM_SHARED((NPAD, HC), jnp.float32),
            pltpu.VMEM((128, HC), jnp.float32),
            pltpu.VMEM((RD, 128, HC), jnp.float32),
            pltpu.VMEM((2, AB, 128), jnp.int32),
            pltpu.VMEM((2, AB, 128), jnp.int32),
        ] + [pltpu.SemaphoreType.DMA] * (2 * RD),
    )


def _agg_call(hps, epad):
    return _agg_kernel()(hps, epad)


def _b1_body(h4, cs, cd, mx):
    h = h4[...]
    a = h[0:1] + h[2:3]
    d = h[1:2] + h[3:4]
    cs[...] = a
    cd[...] = d
    ii = lax.broadcasted_iota(jnp.int32, (1, NPAD), 1)
    mx[...] = jnp.reshape(jnp.max(jnp.where(ii < NN, a, -1.0)), (1, 1))


def _b1_call(h4):
    return pl.pallas_call(
        _b1_body,
        out_shape=(
            jax.ShapeDtypeStruct((1, NPAD), jnp.float32),
            jax.ShapeDtypeStruct((1, NPAD), jnp.float32),
            jax.ShapeDtypeStruct((1, 1), jnp.float32),
        ),
    )(h4)


def _b2_body(ni, w1, mx, hh):
    m = jnp.maximum(mx[0, 0], 1.0)
    degf = ni[:, 0:1] / m
    x = jnp.concatenate([ni[:, 2:4], degf], axis=1)
    h = jnp.dot(x, w1[...], preferred_element_type=jnp.float32)
    di = lax.rsqrt(ni[:, 1:2] + 1.0)
    hp = h * di
    hh[...] = jnp.concatenate(
        [hp, di, jnp.zeros((BLK, 127 - HH), jnp.float32)], axis=1)


def _b2_body2(ni, w1, mx, hh, hps):
    _b2_body(ni, w1, mx, hh)
    hp = hh[:, :HH]
    hps[...] = jnp.stack([hp[:, :HC], hp[:, HC:]], axis=0)


def _b2_call(ni, w1, mx):
    return pl.pallas_call(
        _b2_body2,
        grid=(GRID,),
        in_specs=[
            pl.BlockSpec((BLK, 4), lambda i: (i, 0)),
            pl.BlockSpec((3, HH), lambda i: (0, 0)),
            pl.BlockSpec((1, 1), lambda i: (0, 0)),
        ],
        out_specs=(pl.BlockSpec((BLK, 128), lambda i: (i, 0)),
                   pl.BlockSpec((2, BLK, HC), lambda i: (0, i, 0))),
        out_shape=(jax.ShapeDtypeStruct((NPAD, 128), jnp.float32),
                   jax.ShapeDtypeStruct((2, NPAD, HC), jnp.float32)),
    )(ni, w1, mx)


def _d_body(agg, hh1, b1, w2, hh2):
    a = agg[:, :HH]
    hp1 = hh1[:, :HH]
    di = hh1[:, HH:HH + 1]
    x1 = jnp.maximum(di * (a + hp1) + b1[...], 0.0)
    h2 = jnp.dot(x1, w2[...], preferred_element_type=jnp.float32)
    hh2[...] = jnp.concatenate(
        [h2 * di, di, jnp.zeros((BLK, 127 - HH), jnp.float32)], axis=1)


def _d_body2(agg, hh1, b1, w2, hh2, hps):
    _d_body(agg, hh1, b1, w2, hh2)
    hp = hh2[:, :HH]
    hps[...] = jnp.stack([hp[:, :HC], hp[:, HC:]], axis=0)


def _d_call(agg, hh1, b1, w2):
    return pl.pallas_call(
        _d_body2,
        grid=(GRID,),
        in_specs=[
            pl.BlockSpec((BLK, 128), lambda i: (i, 0)),
            pl.BlockSpec((BLK, 128), lambda i: (i, 0)),
            pl.BlockSpec((1, HH), lambda i: (0, 0)),
            pl.BlockSpec((HH, HH), lambda i: (0, 0)),
        ],
        out_specs=(pl.BlockSpec((BLK, 128), lambda i: (i, 0)),
                   pl.BlockSpec((2, BLK, HC), lambda i: (0, i, 0))),
        out_shape=(jax.ShapeDtypeStruct((NPAD, 128), jnp.float32),
                   jax.ShapeDtypeStruct((2, NPAD, HC), jnp.float32)),
    )(agg, hh1, b1, w2)


def _e1_body(agg, hh2, b2, wst, bst, wmut, bmut, wlst, blst,
             wv1, bv1, wv2, bv2,
             s_o, mu_o, ls_o, macc, sacc, xsum, lse, val):
    i = pl.program_id(0)
    a = agg[:, :HH]
    hp2 = hh2[:, :HH]
    di = hh2[:, HH:HH + 1]
    x2 = jnp.maximum(di * (a + hp2) + b2[...], 0.0)
    cdims = (((1,), (1,)), ((), ()))
    s = lax.dot_general(wst[...], x2, cdims,
                        preferred_element_type=jnp.float32) + bst[...]
    mu_o[...] = lax.dot_general(wmut[...], x2, cdims,
                                preferred_element_type=jnp.float32) + bmut[...]
    ls_o[...] = jnp.clip(
        lax.dot_general(wlst[...], x2, cdims,
                        preferred_element_type=jnp.float32) + blst[...],
        -4.0, 2.0)
    s_o[...] = s

    cidx = i * BLK + lax.broadcasted_iota(jnp.int32, (1, BLK), 1)
    mask = cidx < NN
    sm = jnp.where(mask, s, -1e30)
    bmax = jnp.max(sm)
    ridx = i * BLK + lax.broadcasted_iota(jnp.int32, (BLK, 1), 0)
    xs = jnp.sum(jnp.where(ridx < NN, x2, 0.0), axis=0, keepdims=True)

    bmax11 = jnp.reshape(bmax, (1, 1))

    @pl.when(i == 0)
    def _():
        macc[...] = bmax11
        sacc[...] = jnp.reshape(jnp.sum(jnp.exp(sm - bmax)), (1, 1))
        xsum[...] = xs

    @pl.when(i > 0)
    def _():
        m0 = macc[...]
        mn = jnp.maximum(m0, bmax11)
        sacc[...] = (sacc[...] * jnp.exp(m0 - mn)
                     + jnp.reshape(jnp.sum(jnp.exp(sm - mn)), (1, 1)))
        macc[...] = mn
        xsum[...] = xsum[...] + xs

    @pl.when(i == GRID - 1)
    def _():
        lse[...] = macc[...] + jnp.log(sacc[...])
        ge = xsum[...] * (1.0 / NN)
        v1 = jnp.maximum(
            jnp.dot(ge, wv1[...], preferred_element_type=jnp.float32,
                    precision=lax.Precision.HIGHEST)
            + bv1[...], 0.0)
        val[...] = jnp.dot(v1, wv2[...], preferred_element_type=jnp.float32,
                           precision=lax.Precision.HIGHEST) + bv2[...]


def _e1_call(agg, hh2, b2, wst, bst, wmut, bmut, wlst, blst,
             wv1, bv1, wv2, bv2):
    def small(r, c):
        return pl.BlockSpec((r, c), lambda i: (0, 0))
    return pl.pallas_call(
        _e1_body,
        grid=(GRID,),
        in_specs=[
            pl.BlockSpec((BLK, 128), lambda i: (i, 0)),
            pl.BlockSpec((BLK, 128), lambda i: (i, 0)),
            small(1, HH), small(1, HH), small(1, 1),
            small(2, HH), small(2, 1), small(2, HH), small(2, 1),
            small(HH, HH), small(1, HH), small(HH, 1), small(1, 1),
        ],
        out_specs=(
            pl.BlockSpec((1, BLK), lambda i: (0, i)),
            pl.BlockSpec((2, BLK), lambda i: (0, i)),
            pl.BlockSpec((2, BLK), lambda i: (0, i)),
            small(1, 1), small(1, 1), small(1, HH), small(1, 1), small(1, 1),
        ),
        out_shape=(
            jax.ShapeDtypeStruct((1, NPAD), jnp.float32),
            jax.ShapeDtypeStruct((2, NPAD), jnp.float32),
            jax.ShapeDtypeStruct((2, NPAD), jnp.float32),
            jax.ShapeDtypeStruct((1, 1), jnp.float32),
            jax.ShapeDtypeStruct((1, 1), jnp.float32),
            jax.ShapeDtypeStruct((1, HH), jnp.float32),
            jax.ShapeDtypeStruct((1, 1), jnp.float32),
            jax.ShapeDtypeStruct((1, 1), jnp.float32),
        ),
    )(agg, hh2, b2, wst, bst, wmut, bmut, wlst, blst, wv1, bv1, wv2, bv2)


def _e2_body(s, lse, out):
    out[...] = s[...] - lse[...]


def _e2_call(s, lse):
    return pl.pallas_call(
        _e2_body,
        out_shape=jax.ShapeDtypeStruct((1, NPAD), jnp.float32),
    )(s, lse)


def kernel(coords, edge_index, W1, b1, W2, b2, Ws, bs, Wmu, bmu,
           Wls, bls, Wv1, bv1, Wv2, bv2):
    pad_idx = SENT + jnp.arange(EPAD - EE, dtype=jnp.int32) % (NPAD - NN)
    fill = jnp.broadcast_to(pad_idx, (2, EPAD - EE))
    epad = jnp.concatenate(
        [edge_index.astype(jnp.int32), fill], axis=1).reshape(2, EROWS, 128)
    coords_pad = jnp.pad(coords, ((0, NPAD - NN), (0, 0)))

    hist, epad_sc = _hist_call(epad)
    cs_row, cd_row, mx = _b1_call(hist.reshape(4, NPAD))
    nodein = jnp.concatenate(
        [cs_row.reshape(NPAD, 1), cd_row.reshape(NPAD, 1), coords_pad],
        axis=1)

    hh1, hps1 = _b2_call(nodein, W1, mx)
    agg1 = _agg_call(hps1, epad_sc)
    hh2, hps2 = _d_call(agg1, hh1, b1.reshape(1, HH), W2)
    agg2 = _agg_call(hps2, epad_sc)

    s, mu_t, ls_t, _, _, xsum, lse, _ = _e1_call(
        agg2, hh2, b2.reshape(1, HH), Ws.T, bs.reshape(1, 1),
        Wmu.T, bmu.reshape(2, 1), Wls.T, bls.reshape(2, 1),
        Wv1, bv1.reshape(1, HH), Wv2, bv2.reshape(1, 1))
    logits = _e2_call(s, lse)

    ge = xsum[0] / NN
    value = (jax.nn.relu(ge @ Wv1 + bv1) @ Wv2 + bv2).squeeze()

    return (logits[0, :NN], mu_t[:, :NN].T, ls_t[:, :NN].T, value)

# --- scband reference (transcript-rebuilt; emitter-appended) ---
"""Pipeline reference for scband-gnnpolicy-11802570130124 (READ-ONLY COPY).

The authoritative reference and input builder live on the scoring server;
editing this copy changes nothing except your own understanding.
"""

import jax, jax.numpy as jnp
import numpy as np

N = 50000
E = 800000
H = 64


def _init_linear(key, fan_in, fan_out):
    k1, k2 = jax.random.split(key)
    bound = 1.0 / np.sqrt(fan_in)
    W = jax.random.uniform(k1, (fan_in, fan_out), minval=-bound, maxval=bound, dtype=jnp.float32)
    b = jax.random.uniform(k2, (fan_out,), minval=-bound, maxval=bound, dtype=jnp.float32)
    return W, b


def setup_inputs(seed: int = 0) -> dict:
    key = jax.random.key(seed)
    ks = jax.random.split(key, 10)
    coords = jax.random.uniform(ks[0], (N, 2), dtype=jnp.float32)
    edge_index = jax.random.randint(ks[1], (2, E), 0, N, dtype=jnp.int32)
    W1, b1 = _init_linear(ks[2], 3, H)
    W2, b2 = _init_linear(ks[3], H, H)
    Ws, bs = _init_linear(ks[4], H, 1)
    Wmu, bmu = _init_linear(ks[5], H, 2)
    Wls, bls = _init_linear(ks[6], H, 2)
    Wv1, bv1 = _init_linear(ks[7], H, 64)
    Wv2, bv2 = _init_linear(ks[8], 64, 1)
    return {
        'coords': coords, 'edge_index': edge_index,
        'W1': W1, 'b1': b1, 'W2': W2, 'b2': b2,
        'Ws': Ws, 'bs': bs, 'Wmu': Wmu, 'bmu': bmu,
        'Wls': Wls, 'bls': bls, 'Wv1': Wv1, 'bv1': bv1,
        'Wv2': Wv2, 'bv2': bv2,
    }


def _gcn_conv(x, edge_index, W, b):
    # PyG GCNConv: add self-loops, symmetric deg^{-1/2} normalization,
    # linear transform, scatter-add aggregation at dst, then bias.
    n = x.shape[0]
    src = edge_index[0]
    dst = edge_index[1]
    loop = jnp.arange(n, dtype=src.dtype)
    src = jnp.concatenate([src, loop])
    dst = jnp.concatenate([dst, loop])
    deg = jnp.zeros((n,), dtype=x.dtype).at[dst].add(1.0)
    dinv = jnp.where(deg > 0, jax.lax.rsqrt(deg), 0.0)
    norm = dinv[src] * dinv[dst]
    h = x @ W
    msg = h[src] * norm[:, None]
    out = jnp.zeros((n, W.shape[1]), dtype=x.dtype).at[dst].add(msg)
    return out + b


def reference(coords, edge_index, W1, b1, W2, b2, Ws, bs, Wmu, bmu, Wls, bls, Wv1, bv1, Wv2, bv2):
    n = coords.shape[0]
    degree = jnp.zeros((n,), dtype=jnp.float32).at[edge_index[0]].add(jnp.ones((edge_index.shape[1],), dtype=jnp.float32))
    degree = degree / jnp.maximum(degree.max(), 1.0)
    x = jnp.concatenate([coords, degree[:, None]], axis=1)
    x = jax.nn.relu(_gcn_conv(x, edge_index, W1, b1))
    x = jax.nn.relu(_gcn_conv(x, edge_index, W2, b2))
    node_logits = (x @ Ws + bs).squeeze(-1)
    node_logits = jax.nn.log_softmax(node_logits, axis=0)
    mu = x @ Wmu + bmu
    log_std = jnp.clip(x @ Wls + bls, -4.0, 2.0)
    global_emb = x.mean(axis=0)
    value = (jax.nn.relu(global_emb @ Wv1 + bv1) @ Wv2 + bv2).squeeze()
    return (node_logits, mu, log_std, value)

if __name__ == "__main__":
    import jax
    _d = setup_inputs()
    print(jax.jit(kernel)(*tuple(_d.values())))

</pallas_src>

<mosaic_0001>
#map = affine_map<(d0, d1) -> (0, 0, 0)>
#map1 = affine_map<(d0, d1) -> (0, 0)>
module attributes {stable_mosaic.version = 14 : i64} {
  func.func @_agg_body(%arg0: i32, %arg1: i32, %arg2: memref<2x51200x32xf32, #tpu.memory_space<hbm>>, %arg3: memref<2x6400x128xi32, #tpu.memory_space<hbm>>, %arg4: memref<51200x128xf32, #tpu.memory_space<hbm>>, %arg5: memref<51200x32xf32, #tpu.memory_space<vmem_shared>>, %arg6: memref<128x32xf32, #tpu.memory_space<vmem>>, %arg7: memref<4x128x32xf32, #tpu.memory_space<vmem>>, %arg8: memref<2x8x128xi32, #tpu.memory_space<vmem>>, %arg9: memref<2x8x128xi32, #tpu.memory_space<vmem>>, %arg10: memref<!tpu.dma_semaphore, #tpu.memory_space<semaphore_mem>>, %arg11: memref<!tpu.dma_semaphore, #tpu.memory_space<semaphore_mem>>, %arg12: memref<!tpu.dma_semaphore, #tpu.memory_space<semaphore_mem>>, %arg13: memref<!tpu.dma_semaphore, #tpu.memory_space<semaphore_mem>>, %arg14: memref<!tpu.dma_semaphore, #tpu.memory_space<semaphore_mem>>, %arg15: memref<!tpu.dma_semaphore, #tpu.memory_space<semaphore_mem>>, %arg16: memref<!tpu.dma_semaphore, #tpu.memory_space<semaphore_mem>>, %arg17: memref<!tpu.dma_semaphore, #tpu.memory_space<semaphore_mem>>) attributes {dimension_semantics = [#tpu.dimension_semantics<core_parallel>, #tpu.dimension_semantics<subcore_parallel>], iteration_bounds = array<i64: 2, 16>, scalar_prefetch = 0 : i64, scratch_operands = 13 : i64, tpu.core_type = #tpu.core_type<sc_vector_subcore>, window_params = [{transform_indices = #map}, {transform_indices = #map}, {transform_indices = #map1}]} {
    %scan3A = arith.constant 0 : i32
    %scan3A_0 = arith.constant 0 : i32
    %scan3A_1 = arith.constant 256 : i32
    %scan3A_2 = arith.addi %scan3A_0, %scan3A_1 : i32
    %scan3A_3 = arith.constant 1 : i32
    scf.for %scan3A_87 = %scan3A_0 to %scan3A_2 step %scan3A_3  : i32 {
      %broadcast_in_dim3A = arith.constant 0.000000e+00 : f32
      %broadcast_in_dim3A_88 = vector.broadcast %broadcast_in_dim3A : f32 to vector<16xf32>
      %jit3A = arith.constant 2 : i32
      %div3A = arith.divsi %scan3A_87, %jit3A : i32
      %sign3A = arith.constant 0 : i32
      %sign3A_89 = arith.cmpi sgt, %scan3A_87, %sign3A : i32
      %sign3A_90 = arith.extui %sign3A_89 : i1 to i32
      %sign3A_91 = arith.constant 0 : i32
      %sign3A_92 = arith.cmpi slt, %scan3A_87, %sign3A_91 : i32
      %sign3A_93 = arith.extui %sign3A_92 : i1 to i32
      %sign3A_94 = arith.subi %sign3A_90, %sign3A_93 : i32
      %sign3A_95 = arith.constant 0 : i32
      %sign3A_96 = arith.cmpi sgt, %jit3A, %sign3A_95 : i32
      %sign3A_97 = arith.extui %sign3A_96 : i1 to i32
      %sign3A_98 = arith.constant 0 : i32
      %sign3A_99 = arith.cmpi slt, %jit3A, %sign3A_98 : i32
      %sign3A_100 = arith.extui %sign3A_99 : i1 to i32
      %sign3A_101 = arith.subi %sign3A_97, %sign3A_100 : i32
      %ne3A = arith.cmpi ne, %sign3A_94, %sign3A_101 : i32
      %rem3A = arith.remsi %scan3A_87, %jit3A : i32
      %ne3A_102 = arith.constant 0 : i32
      %ne3A_103 = arith.cmpi ne, %rem3A, %ne3A_102 : i32
      %and3A = arith.andi %ne3A, %ne3A_103 : i1
      %sub3A = arith.constant 1 : i32
      %sub3A_104 = arith.subi %div3A, %sub3A : i32
      %select_n3A = arith.select %and3A, %sub3A_104, %div3A : i32
      %jit3A_105 = arith.constant 2 : i32
      %eq3A = arith.constant 0 : i32
      %eq3A_106 = arith.cmpi eq, %jit3A_105, %eq3A : i32
      %jit3A_107 = arith.constant 1 : i32
      %select_n3A_108 = arith.select %eq3A_106, %jit3A_107, %jit3A_105 : i32
      %rem3A_109 = arith.remsi %scan3A_87, %select_n3A_108 : i32
      %ne3A_110 = arith.constant 0 : i32
      %ne3A_111 = arith.cmpi ne, %rem3A_109, %ne3A_110 : i32
      %lt3A = arith.constant 0 : i32
      %lt3A_112 = arith.cmpi slt, %rem3A_109, %lt3A : i32
      %lt3A_113 = arith.constant 0 : i32
      %lt3A_114 = arith.cmpi slt, %select_n3A_108, %lt3A_113 : i32
      %ne3A_115 = arith.xori %lt3A_112, %lt3A_114 : i1
      %and3A_116 = arith.andi %ne3A_115, %ne3A_111 : i1
      %add3A_117 = arith.addi %rem3A_109, %select_n3A_108 : i32
      %select_n3A_118 = arith.select %and3A_116, %add3A_117, %rem3A_109 : i32
      %mul3A_119 = arith.constant 16 : i32
      %mul3A_120 = arith.muli %select_n3A_118, %mul3A_119 : i32
      %swap3A = arith.index_cast %select_n3A : i32 to index
      %swap3A_121 = arith.index_cast %mul3A_120 : i32 to index
      %swap3A_122 = tpu.vector_load %arg6[%swap3A, %swap3A_121] {strides = array<i32>} : memref<128x32xf32, #tpu.memory_space<vmem>>, vector<1x16xf32>,
      %swap3A_123 = vector.shape_cast %swap3A_122 : vector<1x16xf32> to vector<16xf32>
      %swap3A_124 = vector.shape_cast %broadcast_in_dim3A_88 : vector<16xf32> to vector<1x16xf32>
      tpu.vector_store %arg6[%swap3A, %swap3A_121], %swap3A_124 {strides = array<i32>} : memref<128x32xf32, #tpu.memory_space<vmem>>, vector<1x16xf32>,
    }
    %scan3A_4 = arith.constant 256 : i32
    %scan3A_5 = arith.constant 0 : i32
    %scan3A_6 = arith.constant 0 : i32
    %scan3A_7 = arith.constant 25 : i32
    %scan3A_8 = arith.addi %scan3A_6, %scan3A_7 : i32
    %scan3A_9 = arith.constant 1 : i32
    scf.for %scan3A_87 = %scan3A_6 to %scan3A_8 step %scan3A_9  : i32 {
      %mul3A_88 = arith.constant 3200 : i32
      %mul3A_89 = arith.muli %arg1, %mul3A_88 : i32
      %mul3A_90 = arith.constant 128 : i32
      %mul3A_91 = arith.muli %scan3A_87, %mul3A_90 : i32
      %add3A_92 = arith.addi %mul3A_89, %mul3A_91 : i32
      "tpu.region"() ({
        %run_scoped3A_93 = tpu.sem_alloc : memref<!tpu.dma_semaphore, #tpu.memory_space<semaphore_mem>>
        %dma_start3A_94 = arith.constant 0 : i32
        %dma_start3A_95 = tpu.memref_slice %arg5[%add3A_92, %dma_start3A_94] : memref<51200x32xf32, #tpu.memory_space<vmem_shared>> -> memref<128x32xf32, #tpu.memory_space<vmem_shared>>
        %dma_start3A_96 = arith.constant 0 : i32
        %dma_start3A_97 = tpu.memref_slice %arg5[%add3A_92, %dma_start3A_96] : memref<51200x32xf32, #tpu.memory_space<vmem_shared>> -> memref<128x32xf32, #tpu.memory_space<vmem_shared>>
        tpu.enqueue_dma source(%arg6 : memref<128x32xf32, #tpu.memory_space<vmem>>) target(%dma_start3A_97 : memref<128x32xf32, #tpu.memory_space<vmem_shared>>) target_semaphore(%run_scoped3A_93 : memref<!tpu.dma_semaphore, #tpu.memory_space<semaphore_mem>>)
        %dma_wait3A_98 = arith.constant 0 : i32
        %dma_wait3A_99 = tpu.memref_slice %arg5[%add3A_92, %dma_wait3A_98] : memref<51200x32xf32, #tpu.memory_space<vmem_shared>> -> memref<128x32xf32, #tpu.memory_space<vmem_shared>>
        %dma_wait3A_100 = arith.constant 0 : i32
        %dma_wait3A_101 = tpu.memref_slice %arg5[%add3A_92, %dma_wait3A_100] : memref<51200x32xf32, #tpu.memory_space<vmem_shared>> -> memref<128x32xf32, #tpu.memory_space<vmem_shared>>
        tpu.wait_dma2 semaphore(%run_scoped3A_93 : memref<!tpu.dma_semaphore, #tpu.memory_space<semaphore_mem>>) src(%arg6 : memref<128x32xf32, #tpu.memory_space<vmem>>) dst(%dma_wait3A_101 : memref<128x32xf32, #tpu.memory_space<vmem_shared>>)
        tpu.yield
      }) : () -> ()
    }
    %scan3A_10 = arith.constant 25 : i32
    %barrier3A = arith.constant 0 : index
    tpu.barrier barrier_id(%barrier3A)
    %mul3A = arith.constant 400 : i32
    %mul3A_11 = arith.muli %arg1, %mul3A : i32
    %add3A = arith.constant 0 : i32
    %add3A_12 = arith.addi %mul3A_11, %add3A : i32
    %run_scoped3A = arith.constant 0 : i32
    %run_scoped3A_13 = arith.constant 0 : i32
    "tpu.region"() ({
      %run_scoped3A_87 = tpu.sem_alloc : memref<!tpu.dma_semaphore, #tpu.memory_space<semaphore_mem>>
      %dma_start3A_88 = arith.constant 0 : i32
      %dma_start3A_89 = arith.constant 0 : i32
      %dma_start3A_90 = tpu.memref_slice %arg8[%run_scoped3A_13, %dma_start3A_88, %dma_start3A_89] : memref<2x8x128xi32, #tpu.memory_space<vmem>> -> memref<1x8x128xi32, #tpu.memory_space<vmem>>
      %dma_start3A_91 = tpu.memref_squeeze %dma_start3A_90 : memref<1x8x128xi32, #tpu.memory_space<vmem>> -> memref<8x128xi32, #tpu.memory_space<vmem>>
      %dma_start3A_92 = arith.constant 0 : i32
      %dma_start3A_93 = tpu.memref_slice %arg3[%run_scoped3A, %add3A_12, %dma_start3A_92] : memref<2x6400x128xi32, #tpu.memory_space<hbm>> -> memref<1x8x128xi32, #tpu.memory_space<hbm>>
      %dma_start3A_94 = tpu.memref_squeeze %dma_start3A_93 : memref<1x8x128xi32, #tpu.memory_space<hbm>> -> memref<8x128xi32, #tpu.memory_space<hbm>>
      %dma_start3A_95 = arith.constant 0 : i32
      %dma_start3A_96 = arith.constant 0 : i32
      %dma_start3A_97 = tpu.memref_slice %arg8[%run_scoped3A_13, %dma_start3A_95, %dma_start3A_96] : memref<2x8x128xi32, #tpu.memory_space<vmem>> -> memref<1x8x128xi32, #tpu.memory_space<vmem>>
      %dma_start3A_98 = tpu.memref_squeeze %dma_start3A_97 : memref<1x8x128xi32, #tpu.memory_space<vmem>> -> memref<8x128xi32, #tpu.memory_space<vmem>>
      %dma_start3A_99 = arith.constant 0 : i32
      %dma_start3A_100 = tpu.memref_slice %arg3[%run_scoped3A, %add3A_12, %dma_start3A_99] : memref<2x6400x128xi32, #tpu.memory_space<hbm>> -> memref<1x8x128xi32, #tpu.memory_space<hbm>>
      %dma_start3A_101 = tpu.memref_squeeze %dma_start3A_100 : memref<1x8x128xi32, #tpu.memory_space<hbm>> -> memref<8x128xi32, #tpu.memory_space<hbm>>
      tpu.enqueue_dma source(%dma_start3A_101 : memref<8x128xi32, #tpu.memory_space<hbm>>) target(%dma_start3A_98 : memref<8x128xi32, #tpu.memory_space<vmem>>) target_semaphore(%run_scoped3A_87 : memref<!tpu.dma_semaphore, #tpu.memory_space<semaphore_mem>>)
      %dma_wait3A_102 = arith.constant 0 : i32
      %dma_wait3A_103 = arith.constant 0 : i32
      %dma_wait3A_104 = tpu.memref_slice %arg8[%run_scoped3A_13, %dma_wait3A_102, %dma_wait3A_103] : memref<2x8x128xi32, #tpu.memory_space<vmem>> -> memref<1x8x128xi32, #tpu.memory_space<vmem>>
      %dma_wait3A_105 = tpu.memref_squeeze %dma_wait3A_104 : memref<1x8x128xi32, #tpu.memory_space<vmem>> -> memref<8x128xi32, #tpu.memory_space<vmem>>
      %dma_wait3A_106 = arith.constant 0 : i32
      %dma_wait3A_107 = tpu.memref_slice %arg3[%run_scoped3A, %add3A_12, %dma_wait3A_106] : memref<2x6400x128xi32, #tpu.memory_space<hbm>> -> memref<1x8x128xi32, #tpu.memory_space<hbm>>
      %dma_wait3A_108 = tpu.memref_squeeze %dma_wait3A_107 : memref<1x8x128xi32, #tpu.memory_space<hbm>> -> memref<8x128xi32, #tpu.memory_space<hbm>>
      %dma_wait3A_109 = arith.constant 0 : i32
      %dma_wait3A_110 = arith.constant 0 : i32
      %dma_wait3A_111 = tpu.memref_slice %arg8[%run_scoped3A_13, %dma_wait3A_109, %dma_wait3A_110] : memref<2x8x128xi32, #tpu.memory_space<vmem>> -> memref<1x8x128xi32, #tpu.memory_space<vmem>>
      %dma_wait3A_112 = tpu.memref_squeeze %dma_wait3A_111 : memref<1x8x128xi32, #tpu.memory_space<vmem>> -> memref<8x128xi32, #tpu.memory_space<vmem>>
      %dma_wait3A_113 = arith.constant 0 : i32
      %dma_wait3A_114 = tpu.memref_slice %arg3[%run_scoped3A, %add3A_12, %dma_wait3A_113] : memref<2x6400x128xi32, #tpu.memory_space<hbm>> -> memref<1x8x128xi32, #tpu.memory_space<hbm>>
      %dma_wait3A_115 = tpu.memref_squeeze %dma_wait3A_114 : memref<1x8x128xi32, #tpu.memory_space<hbm>> -> memref<8x128xi32, #tpu.memory_space<hbm>>
      tpu.wait_dma2 semaphore(%run_scoped3A_87 : memref<!tpu.dma_semaphore, #tpu.memory_space<semaphore_mem>>) src(%dma_wait3A_115 : memref<8x128xi32, #tpu.memory_space<hbm>>) dst(%dma_wait3A_112 : memref<8x128xi32, #tpu.memory_space<vmem>>)
      tpu.yield
    }) : () -> ()
    %add3A_14 = arith.constant 0 : i32
    %add3A_15 = arith.addi %mul3A_11, %add3A_14 : i32
    %run_scoped3A_16 = arith.constant 1 : i32
    %run_scoped3A_17 = arith.constant 0 : i32
    "tpu.region"() ({
      %run_scoped3A_87 = tpu.sem_alloc : memref<!tpu.dma_semaphore, #tpu.memory_space<semaphore_mem>>
      %dma_start3A_88 = arith.constant 0 : i32
      %dma_start3A_89 = arith.constant 0 : i32
      %dma_start3A_90 = tpu.memref_slice %arg9[%run_scoped3A_17, %dma_start3A_88, %dma_start3A_89] : memref<2x8x128xi32, #tpu.memory_space<vmem>> -> memref<1x8x128xi32, #tpu.memory_space<vmem>>
      %dma_start3A_91 = tpu.memref_squeeze %dma_start3A_90 : memref<1x8x128xi32, #tpu.memory_space<vmem>> -> memref<8x128xi32, #tpu.memory_space<vmem>>
      %dma_start3A_92 = arith.constant 0 : i32
      %dma_start3A_93 = tpu.memref_slice %arg3[%run_scoped3A_16, %add3A_15, %dma_start3A_92] : memref<2x6400x128xi32, #tpu.memory_space<hbm>> -> memref<1x8x128xi32, #tpu.memory_space<hbm>>
      %dma_start3A_94 = tpu.memref_squeeze %dma_start3A_93 : memref<1x8x128xi32, #tpu.memory_space<hbm>> -> memref<8x128xi32, #tpu.memory_space<hbm>>
      %dma_start3A_95 = arith.constant 0 : i32
      %dma_start3A_96 = arith.constant 0 : i32
      %dma_start3A_97 = tpu.memref_slice %arg9[%run_scoped3A_17, %dma_start3A_95, %dma_start3A_96] : memref<2x8x128xi32, #tpu.memory_space<vmem>> -> memref<1x8x128xi32, #tpu.memory_space<vmem>>
      %dma_start3A_98 = tpu.memref_squeeze %dma_start3A_97 : memref<1x8x128xi32, #tpu.memory_space<vmem>> -> memref<8x128xi32, #tpu.memory_space<vmem>>
      %dma_start3A_99 = arith.constant 0 : i32
      %dma_start3A_100 = tpu.memref_slice %arg3[%run_scoped3A_16, %add3A_15, %dma_start3A_99] : memref<2x6400x128xi32, #tpu.memory_space<hbm>> -> memref<1x8x128xi32, #tpu.memory_space<hbm>>
      %dma_start3A_101 = tpu.memref_squeeze %dma_start3A_100 : memref<1x8x128xi32, #tpu.memory_space<hbm>> -> memref<8x128xi32, #tpu.memory_space<hbm>>
      tpu.enqueue_dma source(%dma_start3A_101 : memref<8x128xi32, #tpu.memory_space<hbm>>) target(%dma_start3A_98 : memref<8x128xi32, #tpu.memory_space<vmem>>) target_semaphore(%run_scoped3A_87 : memref<!tpu.dma_semaphore, #tpu.memory_space<semaphore_mem>>)
      %dma_wait3A_102 = arith.constant 0 : i32
      %dma_wait3A_103 = arith.constant 0 : i32
      %dma_wait3A_104 = tpu.memref_slice %arg9[%run_scoped3A_17, %dma_wait3A_102, %dma_wait3A_103] : memref<2x8x128xi32, #tpu.memory_space<vmem>> -> memref<1x8x128xi32, #tpu.memory_space<vmem>>
      %dma_wait3A_105 = tpu.memref_squeeze %dma_wait3A_104 : memref<1x8x128xi32, #tpu.memory_space<vmem>> -> memref<8x128xi32, #tpu.memory_space<vmem>>
      %dma_wait3A_106 = arith.constant 0 : i32
      %dma_wait3A_107 = tpu.memref_slice %arg3[%run_scoped3A_16, %add3A_15, %dma_wait3A_106] : memref<2x6400x128xi32, #tpu.memory_space<hbm>> -> memref<1x8x128xi32, #tpu.memory_space<hbm>>
      %dma_wait3A_108 = tpu.memref_squeeze %dma_wait3A_107 : memref<1x8x128xi32, #tpu.memory_space<hbm>> -> memref<8x128xi32, #tpu.memory_space<hbm>>
      %dma_wait3A_109 = arith.constant 0 : i32
      %dma_wait3A_110 = arith.constant 0 : i32
      %dma_wait3A_111 = tpu.memref_slice %arg9[%run_scoped3A_17, %dma_wait3A_109, %dma_wait3A_110] : memref<2x8x128xi32, #tpu.memory_space<vmem>> -> memref<1x8x128xi32, #tpu.memory_space<vmem>>
      %dma_wait3A_112 = tpu.memref_squeeze %dma_wait3A_111 : memref<1x8x128xi32, #tpu.memory_space<vmem>> -> memref<8x128xi32, #tpu.memory_space<vmem>>
      %dma_wait3A_113 = arith.constant 0 : i32
      %dma_wait3A_114 = tpu.memref_slice %arg3[%run_scoped3A_16, %add3A_15, %dma_wait3A_113] : memref<2x6400x128xi32, #tpu.memory_space<hbm>> -> memref<1x8x128xi32, #tpu.memory_space<hbm>>
      %dma_wait3A_115 = tpu.memref_squeeze %dma_wait3A_114 : memref<1x8x128xi32, #tpu.memory_space<hbm>> -> memref<8x128xi32, #tpu.memory_space<hbm>>
      tpu.wait_dma2 semaphore(%run_scoped3A_87 : memref<!tpu.dma_semaphore, #tpu.memory_space<semaphore_mem>>) src(%dma_wait3A_115 : memref<8x128xi32, #tpu.memory_space<hbm>>) dst(%dma_wait3A_112 : memref<8x128xi32, #tpu.memory_space<vmem>>)
      tpu.yield
    }) : () -> ()
    %dma_start3A = arith.constant 0 : i32
    %dma_start3A_18 = arith.constant 0 : i32
    %dma_start3A_19 = arith.constant 0 : i32
    %dma_start3A_20 = arith.constant 0 : i32
    %dma_start3A_21 = arith.constant 0 : i32
    %dma_start3A_22 = tpu.memref_slice %arg7[%dma_start3A_19, %dma_start3A_20, %dma_start3A_21] : memref<4x128x32xf32, #tpu.memory_space<vmem>> -> memref<1x128x32xf32, #tpu.memory_space<vmem>>
    %dma_start3A_23 = tpu.memref_squeeze %dma_start3A_22 : memref<1x128x32xf32, #tpu.memory_space<vmem>> -> memref<128x32xf32, #tpu.memory_space<vmem>>
    %dma_start3A_24 = arith.constant 0 : i32
    %dma_start3A_25 = tpu.memref_slice %arg8[%dma_start3A, %dma_start3A_18, %dma_start3A_24] : memref<2x8x128xi32, #tpu.memory_space<vmem>> -> memref<1x1x128xi32, #tpu.memory_space<vmem>>
    %dma_start3A_26 = tpu.memref_squeeze %dma_start3A_25 : memref<1x1x128xi32, #tpu.memory_space<vmem>> -> memref<128xi32, #tpu.memory_space<vmem>>
    %dma_start3A_27 = arith.constant 0 : i32
    %dma_start3A_28 = arith.constant 0 : i32
    %dma_start3A_29 = tpu.memref_slice %arg2[%arg0, %dma_start3A_27, %dma_start3A_28] : memref<2x51200x32xf32, #tpu.memory_space<hbm>> -> memref<1x51200x32xf32, #tpu.memory_space<hbm>>
    %dma_start3A_30 = tpu.memref_squeeze %dma_start3A_29 : memref<1x51200x32xf32, #tpu.memory_space<hbm>> -> memref<51200x32xf32, #tpu.memory_space<hbm>>
    %dma_start3A_31 = arith.constant 0 : i32
    %dma_start3A_32 = arith.constant 0 : i32
    %dma_start3A_33 = tpu.memref_slice %dma_start3A_30[%dma_start3A_31, %dma_start3A_32] : memref<51200x32xf32, #tpu.memory_space<hbm>> -> memref<51200x32xf32, #tpu.memory_space<hbm>>
    tpu.enqueue_indirect_dma source(%dma_start3A_33 : memref<51200x32xf32, #tpu.memory_space<hbm>>) target(%dma_start3A_23 : memref<128x32xf32, #tpu.memory_space<vmem>>) offsets(%dma_start3A_26 : memref<128xi32, #tpu.memory_space<vmem>>) semaphore(%arg10 : memref<!tpu.dma_semaphore, #tpu.memory_space<semaphore_mem>>)
    %dma_start3A_34 = arith.constant 0 : i32
    %dma_start3A_35 = arith.constant 1 : i32
    %dma_start3A_36 = arith.constant 1 : i32
    %dma_start3A_37 = arith.constant 0 : i32
    %dma_start3A_38 = arith.constant 0 : i32
    %dma_start3A_39 = tpu.memref_slice %arg7[%dma_start3A_36, %dma_start3A_37, %dma_start3A_38] : memref<4x128x32xf32, #tpu.memory_space<vmem>> -> memref<1x128x32xf32, #tpu.memory_space<vmem>>
    %dma_start3A_40 = tpu.memref_squeeze %dma_start3A_39 : memref<1x128x32xf32, #tpu.memory_space<vmem>> -> memref<128x32xf32, #tpu.memory_space<vmem>>
    %dma_start3A_41 = arith.constant 0 : i32
    %dma_start3A_42 = tpu.memref_slice %arg8[%dma_start3A_34, %dma_start3A_35, %dma_start3A_41] : memref<2x8x128xi32, #tpu.memory_space<vmem>> -> memref<1x1x128xi32, #tpu.memory_space<vmem>>
    %dma_start3A_43 = tpu.memref_squeeze %dma_start3A_42 : memref<1x1x128xi32, #tpu.memory_space<vmem>> -> memref<128xi32, #tpu.memory_space<vmem>>
    %dma_start3A_44 = arith.constant 0 : i32
    %dma_start3A_45 = arith.constant 0 : i32
    %dma_start3A_46 = tpu.memref_slice %arg2[%arg0, %dma_start3A_44, %dma_start3A_45] : memref<2x51200x32xf32, #tpu.memory_space<hbm>> -> memref<1x51200x32xf32, #tpu.memory_space<hbm>>
    %dma_start3A_47 = tpu.memref_squeeze %dma_start3A_46 : memref<1x51200x32xf32, #tpu.memory_space<hbm>> -> memref<51200x32xf32, #tpu.memory_space<hbm>>
    %dma_start3A_48 = arith.constant 0 : i32
    %dma_start3A_49 = arith.constant 0 : i32
    %dma_start3A_50 = tpu.memref_slice %dma_start3A_47[%dma_start3A_48, %dma_start3A_49] : memref<51200x32xf32, #tpu.memory_space<hbm>> -> memref<51200x32xf32, #tpu.memory_space<hbm>>
    tpu.enqueue_indirect_dma source(%dma_start3A_50 : memref<51200x32xf32, #tpu.memory_space<hbm>>) target(%dma_start3A_40 : memref<128x32xf32, #tpu.memory_space<vmem>>) offsets(%dma_start3A_43 : memref<128xi32, #tpu.memory_space<vmem>>) semaphore(%arg11 : memref<!tpu.dma_semaphore, #tpu.memory_space<semaphore_mem>>)
    %scan3A_51 = arith.constant 0 : i32
    %scan3A_52 = arith.constant 0 : i32
    %scan3A_53 = arith.constant 50 : i32
    %scan3A_54 = arith.addi %scan3A_52, %scan3A_53 : i32
    %scan3A_55 = arith.constant 1 : i32
    scf.for %scan3A_87 = %scan3A_52 to %scan3A_54 step %scan3A_55  : i32 {
      %rem3A = arith.constant 2 : i32
      %rem3A_88 = arith.remsi %scan3A_87, %rem3A : i32
      %sub3A = arith.constant 1 : i32
      %sub3A_89 = arith.subi %sub3A, %rem3A_88 : i32
      %gt3A = arith.constant 0 : i32
      %gt3A_90 = arith.cmpi sgt, %scan3A_87, %gt3A : i32
      %convert_element_type3A = arith.extui %gt3A_90 : i1 to i32
      %cond3A = arith.constant 0 : i32
      %cond3A_91 = arith.cmpi ne, %convert_element_type3A, %cond3A : i32
      scf.if %cond3A_91 {
        %dma_wait3A_503 = arith.constant 2 : i32
        %dma_wait3A_504 = arith.constant 6 : i32
        %dma_wait3A_505 = arith.constant 0 : i32
        %dma_wait3A_506 = arith.constant 0 : i32
        %dma_wait3A_507 = tpu.memref_slice %arg7[%dma_wait3A_503, %dma_wait3A_505, %dma_wait3A_506] : memref<4x128x32xf32, #tpu.memory_space<vmem>> -> memref<1x128x32xf32, #tpu.memory_space<vmem>>
        %dma_wait3A_508 = tpu.memref_squeeze %dma_wait3A_507 : memref<1x128x32xf32, #tpu.memory_space<vmem>> -> memref<128x32xf32, #tpu.memory_space<vmem>>
        %dma_wait3A_509 = arith.constant 0 : i32
        %dma_wait3A_510 = tpu.memref_slice %arg9[%sub3A_89, %dma_wait3A_504, %dma_wait3A_509] : memref<2x8x128xi32, #tpu.memory_space<vmem>> -> memref<1x1x128xi32, #tpu.memory_space<vmem>>
        %dma_wait3A_511 = tpu.memref_squeeze %dma_wait3A_510 : memref<1x1x128xi32, #tpu.memory_space<vmem>> -> memref<128xi32, #tpu.memory_space<vmem>>
        %dma_wait3A_512 = arith.constant 0 : i32
        %dma_wait3A_513 = arith.constant 0 : i32
        %dma_wait3A_514 = tpu.memref_slice %arg5[%dma_wait3A_512, %dma_wait3A_513] : memref<51200x32xf32, #tpu.memory_space<vmem_shared>> -> memref<51200x32xf32, #tpu.memory_space<vmem_shared>>
        tpu.wait_indirect_dma semaphore(%arg16 : memref<!tpu.dma_semaphore, #tpu.memory_space<semaphore_mem>>) src(%dma_wait3A_508 : memref<128x32xf32, #tpu.memory_space<vmem>>) dst(%dma_wait3A_514 : memref<51200x32xf32, #tpu.memory_space<vmem_shared>>)
      } else {
      }
      %dma_start3A_92 = arith.constant 2 : i32
      %dma_start3A_93 = arith.constant 2 : i32
      %dma_start3A_94 = arith.constant 0 : i32
      %dma_start3A_95 = arith.constant 0 : i32
      %dma_start3A_96 = tpu.memref_slice %arg7[%dma_start3A_93, %dma_start3A_94, %dma_start3A_95] : memref<4x128x32xf32, #tpu.memory_space<vmem>> -> memref<1x128x32xf32, #tpu.memory_space<vmem>>
      %dma_start3A_97 = tpu.memref_squeeze %dma_start3A_96 : memref<1x128x32xf32, #tpu.memory_space<vmem>> -> memref<128x32xf32, #tpu.memory_space<vmem>>
      %dma_start3A_98 = arith.constant 0 : i32
      %dma_start3A_99 = tpu.memref_slice %arg8[%rem3A_88, %dma_start3A_92, %dma_start3A_98] : memref<2x8x128xi32, #tpu.memory_space<vmem>> -> memref<1x1x128xi32, #tpu.memory_space<vmem>>
      %dma_start3A_100 = tpu.memref_squeeze %dma_start3A_99 : memref<1x1x128xi32, #tpu.memory_space<vmem>> -> memref<128xi32, #tpu.memory_space<vmem>>
      %dma_start3A_101 = arith.constant 0 : i32
      %dma_start3A_102 = arith.constant 0 : i32
      %dma_start3A_103 = tpu.memref_slice %arg2[%arg0, %dma_start3A_101, %dma_start3A_102] : memref<2x51200x32xf32, #tpu.memory_space<hbm>> -> memref<1x51200x32xf32, #tpu.memory_space<hbm>>
      %dma_start3A_104 = tpu.memref_squeeze %dma_start3A_103 : memref<1x51200x32xf32, #tpu.memory_space<hbm>> -> memref<51200x32xf32, #tpu.memory_space<hbm>>
      %dma_start3A_105 = arith.constant 0 : i32
      %dma_start3A_106 = arith.constant 0 : i32
      %dma_start3A_107 = tpu.memref_slice %dma_start3A_104[%dma_start3A_105, %dma_start3A_106] : memref<51200x32xf32, #tpu.memory_space<hbm>> -> memref<51200x32xf32, #tpu.memory_space<hbm>>
      tpu.enqueue_indirect_dma source(%dma_start3A_107 : memref<51200x32xf32, #tpu.memory_space<hbm>>) target(%dma_start3A_97 : memref<128x32xf32, #tpu.memory_space<vmem>>) offsets(%dma_start3A_100 : memref<128xi32, #tpu.memory_space<vmem>>) semaphore(%arg12 : memref<!tpu.dma_semaphore, #tpu.memory_space<semaphore_mem>>)
      %dma_wait3A_108 = arith.constant 0 : i32
      %dma_wait3A_109 = arith.constant 0 : i32
      %dma_wait3A_110 = arith.constant 0 : i32
      %dma_wait3A_111 = arith.constant 0 : i32
      %dma_wait3A_112 = tpu.memref_slice %arg7[%dma_wait3A_109, %dma_wait3A_110, %dma_wait3A_111] : memref<4x128x32xf32, #tpu.memory_space<vmem>> -> memref<1x128x32xf32, #tpu.memory_space<vmem>>
      %dma_wait3A_113 = tpu.memref_squeeze %dma_wait3A_112 : memref<1x128x32xf32, #tpu.memory_space<vmem>> -> memref<128x32xf32, #tpu.memory_space<vmem>>
      %dma_wait3A_114 = arith.constant 0 : i32
      %dma_wait3A_115 = tpu.memref_slice %arg8[%rem3A_88, %dma_wait3A_108, %dma_wait3A_114] : memref<2x8x128xi32, #tpu.memory_space<vmem>> -> memref<1x1x128xi32, #tpu.memory_space<vmem>>
      %dma_wait3A_116 = tpu.memref_squeeze %dma_wait3A_115 : memref<1x1x128xi32, #tpu.memory_space<vmem>> -> memref<128xi32, #tpu.memory_space<vmem>>
      %dma_wait3A_117 = arith.constant 0 : i32
      %dma_wait3A_118 = arith.constant 0 : i32
      %dma_wait3A_119 = tpu.memref_slice %arg2[%arg0, %dma_wait3A_117, %dma_wait3A_118] : memref<2x51200x32xf32, #tpu.memory_space<hbm>> -> memref<1x51200x32xf32, #tpu.memory_space<hbm>>
      %dma_wait3A_120 = tpu.memref_squeeze %dma_wait3A_119 : memref<1x51200x32xf32, #tpu.memory_space<hbm>> -> memref<51200x32xf32, #tpu.memory_space<hbm>>
      %dma_wait3A_121 = arith.constant 0 : i32
      %dma_wait3A_122 = arith.constant 0 : i32
      %dma_wait3A_123 = tpu.memref_slice %dma_wait3A_120[%dma_wait3A_121, %dma_wait3A_122] : memref<51200x32xf32, #tpu.memory_space<hbm>> -> memref<51200x32xf32, #tpu.memory_space<hbm>>
      tpu.wait_indirect_dma semaphore(%arg10 : memref<!tpu.dma_semaphore, #tpu.memory_space<semaphore_mem>>) src(%dma_wait3A_123 : memref<51200x32xf32, #tpu.memory_space<hbm>>) dst(%dma_wait3A_113 : memref<128x32xf32, #tpu.memory_space<vmem>>)
      %dma_start3A_124 = arith.constant 0 : i32
      %dma_start3A_125 = arith.constant 0 : i32
      %dma_start3A_126 = arith.constant 0 : i32
      %dma_start3A_127 = arith.constant 0 : i32
      %dma_start3A_128 = tpu.memref_slice %arg7[%dma_start3A_124, %dma_start3A_126, %dma_start3A_127] : memref<4x128x32xf32, #tpu.memory_space<vmem>> -> memref<1x128x32xf32, #tpu.memory_space<vmem>>
      %dma_start3A_129 = tpu.memref_squeeze %dma_start3A_128 : memref<1x128x32xf32, #tpu.memory_space<vmem>> -> memref<128x32xf32, #tpu.memory_space<vmem>>
      %dma_start3A_130 = arith.constant 0 : i32
      %dma_start3A_131 = tpu.memref_slice %arg9[%rem3A_88, %dma_start3A_125, %dma_start3A_130] : memref<2x8x128xi32, #tpu.memory_space<vmem>> -> memref<1x1x128xi32, #tpu.memory_space<vmem>>
      %dma_start3A_132 = tpu.memref_squeeze %dma_start3A_131 : memref<1x1x128xi32, #tpu.memory_space<vmem>> -> memref<128xi32, #tpu.memory_space<vmem>>
      %dma_start3A_133 = arith.constant 0 : i32
      %dma_start3A_134 = arith.constant 0 : i32
      %dma_start3A_135 = tpu.memref_slice %arg5[%dma_start3A_133, %dma_start3A_134] : memref<51200x32xf32, #tpu.memory_space<vmem_shared>> -> memref<51200x32xf32, #tpu.memory_space<vmem_shared>>
      tpu.enqueue_indirect_dma source(%dma_start3A_129 : memref<128x32xf32, #tpu.memory_space<vmem>>) target(%dma_start3A_135 : memref<51200x32xf32, #tpu.memory_space<vmem_shared>>) offsets(%dma_start3A_132 : memref<128xi32, #tpu.memory_space<vmem>>) semaphore(%arg14 : memref<!tpu.dma_semaphore, #tpu.memory_space<semaphore_mem>>) {add = true}
      %gt3A_136 = arith.constant 0 : i32
      %gt3A_137 = arith.cmpi sgt, %scan3A_87, %gt3A_136 : i32
      %convert_element_type3A_138 = arith.extui %gt3A_137 : i1 to i32
      %cond3A_139 = arith.constant 0 : i32
      %cond3A_140 = arith.cmpi ne, %convert_element_type3A_138, %cond3A_139 : i32
      scf.if %cond3A_140 {
        %dma_wait3A_503 = arith.constant 3 : i32
        %dma_wait3A_504 = arith.constant 7 : i32
        %dma_wait3A_505 = arith.constant 0 : i32
        %dma_wait3A_506 = arith.constant 0 : i32
        %dma_wait3A_507 = tpu.memref_slice %arg7[%dma_wait3A_503, %dma_wait3A_505, %dma_wait3A_506] : memref<4x128x32xf32, #tpu.memory_space<vmem>> -> memref<1x128x32xf32, #tpu.memory_space<vmem>>
        %dma_wait3A_508 = tpu.memref_squeeze %dma_wait3A_507 : memref<1x128x32xf32, #tpu.memory_space<vmem>> -> memref<128x32xf32, #tpu.memory_space<vmem>>
        %dma_wait3A_509 = arith.constant 0 : i32
        %dma_wait3A_510 = tpu.memref_slice %arg9[%sub3A_89, %dma_wait3A_504, %dma_wait3A_509] : memref<2x8x128xi32, #tpu.memory_space<vmem>> -> memref<1x1x128xi32, #tpu.memory_space<vmem>>
        %dma_wait3A_511 = tpu.memref_squeeze %dma_wait3A_510 : memref<1x1x128xi32, #tpu.memory_space<vmem>> -> memref<128xi32, #tpu.memory_space<vmem>>
        %dma_wait3A_512 = arith.constant 0 : i32
        %dma_wait3A_513 = arith.constant 0 : i32
        %dma_wait3A_514 = tpu.memref_slice %arg5[%dma_wait3A_512, %dma_wait3A_513] : memref<51200x32xf32, #tpu.memory_space<vmem_shared>> -> memref<51200x32xf32, #tpu.memory_space<vmem_shared>>
        tpu.wait_indirect_dma semaphore(%arg17 : memref<!tpu.dma_semaphore, #tpu.memory_space<semaphore_mem>>) src(%dma_wait3A_508 : memref<128x32xf32, #tpu.memory_space<vmem>>) dst(%dma_wait3A_514 : memref<51200x32xf32, #tpu.memory_space<vmem_shared>>)
      } else {
      }
      %dma_start3A_141 = arith.constant 3 : i32
      %dma_start3A_142 = arith.constant 3 : i32
      %dma_start3A_143 = arith.constant 0 : i32
      %dma_start3A_144 = arith.constant 0 : i32
      %dma_start3A_145 = tpu.memref_slice %arg7[%dma_start3A_142, %dma_start3A_143, %dma_start3A_144] : memref<4x128x32xf32, #tpu.memory_space<vmem>> -> memref<1x128x32xf32, #tpu.memory_space<vmem>>
      %dma_start3A_146 = tpu.memref_squeeze %dma_start3A_145 : memref<1x128x32xf32, #tpu.memory_space<vmem>> -> memref<128x32xf32, #tpu.memory_space<vmem>>
      %dma_start3A_147 = arith.constant 0 : i32
      %dma_start3A_148 = tpu.memref_slice %arg8[%rem3A_88, %dma_start3A_141, %dma_start3A_147] : memref<2x8x128xi32, #tpu.memory_space<vmem>> -> memref<1x1x128xi32, #tpu.memory_space<vmem>>
      %dma_start3A_149 = tpu.memref_squeeze %dma_start3A_148 : memref<1x1x128xi32, #tpu.memory_space<vmem>> -> memref<128xi32, #tpu.memory_space<vmem>>
      %dma_start3A_150 = arith.constant 0 : i32
      %dma_start3A_151 = arith.constant 0 : i32
      %dma_start3A_152 = tpu.memref_slice %arg2[%arg0, %dma_start3A_150, %dma_start3A_151] : memref<2x51200x32xf32, #tpu.memory_space<hbm>> -> memref<1x51200x32xf32, #tpu.memory_space<hbm>>
      %dma_start3A_153 = tpu.memref_squeeze %dma_start3A_152 : memref<1x51200x32xf32, #tpu.memory_space<hbm>> -> memref<51200x32xf32, #tpu.memory_space<hbm>>
      %dma_start3A_154 = arith.constant 0 : i32
      %dma_start3A_155 = arith.constant 0 : i32
      %dma_start3A_156 = tpu.memref_slice %dma_start3A_153[%dma_start3A_154, %dma_start3A_155] : memref<51200x32xf32, #tpu.memory_space<hbm>> -> memref<51200x32xf32, #tpu.memory_space<hbm>>
      tpu.enqueue_indirect_dma source(%dma_start3A_156 : memref<51200x32xf32, #tpu.memory_space<hbm>>) target(%dma_start3A_146 : memref<128x32xf32, #tpu.memory_space<vmem>>) offsets(%dma_start3A_149 : memref<128xi32, #tpu.memory_space<vmem>>) semaphore(%arg13 : memref<!tpu.dma_semaphore, #tpu.memory_space<semaphore_mem>>)
      %dma_wait3A_157 = arith.constant 1 : i32
      %dma_wait3A_158 = arith.constant 1 : i32
      %dma_wait3A_159 = arith.constant 0 : i32
      %dma_wait3A_160 = arith.constant 0 : i32
      %dma_wait3A_161 = tpu.memref_slice %arg7[%dma_wait3A_158, %dma_wait3A_159, %dma_wait3A_160] : memref<4x128x32xf32, #tpu.memory_space<vmem>> -> memref<1x128x32xf32, #tpu.memory_space<vmem>>
      %dma_wait3A_162 = tpu.memref_squeeze %dma_wait3A_161 : memref<1x128x32xf32, #tpu.memory_space<vmem>> -> memref<128x32xf32, #tpu.memory_space<vmem>>
      %dma_wait3A_163 = arith.constant 0 : i32
      %dma_wait3A_164 = tpu.memref_slice %arg8[%rem3A_88, %dma_wait3A_157, %dma_wait3A_163] : memref<2x8x128xi32, #tpu.memory_space<vmem>> -> memref<1x1x128xi32, #tpu.memory_space<vmem>>
      %dma_wait3A_165 = tpu.memref_squeeze %dma_wait3A_164 : memref<1x1x128xi32, #tpu.memory_space<vmem>> -> memref<128xi32, #tpu.memory_space<vmem>>
      %dma_wait3A_166 = arith.constant 0 : i32
      %dma_wait3A_167 = arith.constant 0 : i32
      %dma_wait3A_168 = tpu.memref_slice %arg2[%arg0, %dma_wait3A_166, %dma_wait3A_167] : memref<2x51200x32xf32, #tpu.memory_space<hbm>> -> memref<1x51200x32xf32, #tpu.memory_space<hbm>>
      %dma_wait3A_169 = tpu.memref_squeeze %dma_wait3A_168 : memref<1x51200x32xf32, #tpu.memory_space<hbm>> -> memref<51200x32xf32, #tpu.memory_space<hbm>>
      %dma_wait3A_170 = arith.constant 0 : i32
      %dma_wait3A_171 = arith.constant 0 : i32
      %dma_wait3A_172 = tpu.memref_slice %dma_wait3A_169[%dma_wait3A_170, %dma_wait3A_171] : memref<51200x32xf32, #tpu.memory_space<hbm>> -> memref<51200x32xf32, #tpu.memory_space<hbm>>
      tpu.wait_indirect_dma semaphore(%arg11 : memref<!tpu.dma_semaphore, #tpu.memory_space<semaphore_mem>>) src(%dma_wait3A_172 : memref<51200x32xf32, #tpu.memory_space<hbm>>) dst(%dma_wait3A_162 : memref<128x32xf32, #tpu.memory_space<vmem>>)
      %dma_start3A_173 = arith.constant 1 : i32
      %dma_start3A_174 = arith.constant 1 : i32
      %dma_start3A_175 = arith.constant 0 : i32
      %dma_start3A_176 = arith.constant 0 : i32
      %dma_start3A_177 = tpu.memref_slice %arg7[%dma_start3A_173, %dma_start3A_175, %dma_start3A_176] : memref<4x128x32xf32, #tpu.memory_space<vmem>> -> memref<1x128x32xf32, #tpu.memory_space<vmem>>
      %dma_start3A_178 = tpu.memref_squeeze %dma_start3A_177 : memref<1x128x32xf32, #tpu.memory_space<vmem>> -> memref<128x32xf32, #tpu.memory_space<vmem>>
      %dma_start3A_179 = arith.constant 0 : i32
      %dma_start3A_180 = tpu.memref_slice %arg9[%rem3A_88, %dma_start3A_174, %dma_start3A_179] : memref<2x8x128xi32, #tpu.memory_space<vmem>> -> memref<1x1x128xi32, #tpu.memory_space<vmem>>
      %dma_start3A_181 = tpu.memref_squeeze %dma_start3A_180 : memref<1x1x128xi32, #tpu.memory_space<vmem>> -> memref<128xi32, #tpu.memory_space<vmem>>
      %dma_start3A_182 = arith.constant 0 : i32
      %dma_start3A_183 = arith.constant 0 : i32
      %dma_start3A_184 = tpu.memref_slice %arg5[%dma_start3A_182, %dma_start3A_183] : memref<51200x32xf32, #tpu.memory_space<vmem_shared>> -> memref<51200x32xf32, #tpu.memory_space<vmem_shared>>
      tpu.enqueue_indirect_dma source(%dma_start3A_178 : memref<128x32xf32, #tpu.memory_space<vmem>>) target(%dma_start3A_184 : memref<51200x32xf32, #tpu.memory_space<vmem_shared>>) offsets(%dma_start3A_181 : memref<128xi32, #tpu.memory_space<vmem>>) semaphore(%arg15 : memref<!tpu.dma_semaphore, #tpu.memory_space<semaphore_mem>>) {add = true}
      %dma_wait3A_185 = arith.constant 0 : i32
      %dma_wait3A_186 = arith.constant 0 : i32
      %dma_wait3A_187 = arith.constant 0 : i32
      %dma_wait3A_188 = arith.constant 0 : i32
      %dma_wait3A_189 = tpu.memref_slice %arg7[%dma_wait3A_185, %dma_wait3A_187, %dma_wait3A_188] : memref<4x128x32xf32, #tpu.memory_space<vmem>> -> memref<1x128x32xf32, #tpu.memory_space<vmem>>
      %dma_wait3A_190 = tpu.memref_squeeze %dma_wait3A_189 : memref<1x128x32xf32, #tpu.memory_space<vmem>> -> memref<128x32xf32, #tpu.memory_space<vmem>>
      %dma_wait3A_191 = arith.constant 0 : i32
      %dma_wait3A_192 = tpu.memref_slice %arg9[%rem3A_88, %dma_wait3A_186, %dma_wait3A_191] : memref<2x8x128xi32, #tpu.memory_space<vmem>> -> memref<1x1x128xi32, #tpu.memory_space<vmem>>
      %dma_wait3A_193 = tpu.memref_squeeze %dma_wait3A_192 : memref<1x1x128xi32, #tpu.memory_space<vmem>> -> memref<128xi32, #tpu.memory_space<vmem>>
      %dma_wait3A_194 = arith.constant 0 : i32
      %dma_wait3A_195 = arith.constant 0 : i32
      %dma_wait3A_196 = tpu.memref_slice %arg5[%dma_wait3A_194, %dma_wait3A_195] : memref<51200x32xf32, #tpu.memory_space<vmem_shared>> -> memref<51200x32xf32, #tpu.memory_space<vmem_shared>>
      tpu.wait_indirect_dma semaphore(%arg14 : memref<!tpu.dma_semaphore, #tpu.memory_space<semaphore_mem>>) src(%dma_wait3A_190 : memref<128x32xf32, #tpu.memory_space<vmem>>) dst(%dma_wait3A_196 : memref<51200x32xf32, #tpu.memory_space<vmem_shared>>)
      %dma_start3A_197 = arith.constant 4 : i32
      %dma_start3A_198 = arith.constant 0 : i32
      %dma_start3A_199 = arith.constant 0 : i32
      %dma_start3A_200 = arith.constant 0 : i32
      %dma_start3A_201 = tpu.memref_slice %arg7[%dma_start3A_198, %dma_start3A_199, %dma_start3A_200] : memref<4x128x32xf32, #tpu.memory_space<vmem>> -> memref<1x128x32xf32, #tpu.memory_space<vmem>>
      %dma_start3A_202 = tpu.memref_squeeze %dma_start3A_201 : memref<1x128x32xf32, #tpu.memory_space<vmem>> -> memref<128x32xf32, #tpu.memory_space<vmem>>
      %dma_start3A_203 = arith.constant 0 : i32
      %dma_start3A_204 = tpu.memref_slice %arg8[%rem3A_88, %dma_start3A_197, %dma_start3A_203] : memref<2x8x128xi32, #tpu.memory_space<vmem>> -> memref<1x1x128xi32, #tpu.memory_space<vmem>>
      %dma_start3A_205 = tpu.memref_squeeze %dma_start3A_204 : memref<1x1x128xi32, #tpu.memory_space<vmem>> -> memref<128xi32, #tpu.memory_space<vmem>>
      %dma_start3A_206 = arith.constant 0 : i32
      %dma_start3A_207 = arith.constant 0 : i32
      %dma_start3A_208 = tpu.memref_slice %arg2[%arg0, %dma_start3A_206, %dma_start3A_207] : memref<2x51200x32xf32, #tpu.memory_space<hbm>> -> memref<1x51200x32xf32, #tpu.memory_space<hbm>>
      %dma_start3A_209 = tpu.memref_squeeze %dma_start3A_208 : memref<1x51200x32xf32, #tpu.memory_space<hbm>> -> memref<51200x32xf32, #tpu.memory_space<hbm>>
      %dma_start3A_210 = arith.constant 0 : i32
      %dma_start3A_211 = arith.constant 0 : i32
      %dma_start3A_212 = tpu.memref_slice %dma_start3A_209[%dma_start3A_210, %dma_start3A_211] : memref<51200x32xf32, #tpu.memory_space<hbm>> -> memref<51200x32xf32, #tpu.memory_space<hbm>>
      tpu.enqueue_indirect_dma source(%dma_start3A_212 : memref<51200x32xf32, #tpu.memory_space<hbm>>) target(%dma_start3A_202 : memref<128x32xf32, #tpu.memory_space<vmem>>) offsets(%dma_start3A_205 : memref<128xi32, #tpu.memory_space<vmem>>) semaphore(%arg10 : memref<!tpu.dma_semaphore, #tpu.memory_space<semaphore_mem>>)
      %dma_wait3A_213 = arith.constant 2 : i32
      %dma_wait3A_214 = arith.constant 2 : i32
      %dma_wait3A_215 = arith.constant 0 : i32
      %dma_wait3A_216 = arith.constant 0 : i32
      %dma_wait3A_217 = tpu.memref_slice %arg7[%dma_wait3A_214, %dma_wait3A_215, %dma_wait3A_216] : memref<4x128x32xf32, #tpu.memory_space<vmem>> -> memref<1x128x32xf32, #tpu.memory_space<vmem>>
      %dma_wait3A_218 = tpu.memref_squeeze %dma_wait3A_217 : memref<1x128x32xf32, #tpu.memory_space<vmem>> -> memref<128x32xf32, #tpu.memory_space<vmem>>
      %dma_wait3A_219 = arith.constant 0 : i32
      %dma_wait3A_220 = tpu.memref_slice %arg8[%rem3A_88, %dma_wait3A_213, %dma_wait3A_219] : memref<2x8x128xi32, #tpu.memory_space<vmem>> -> memref<1x1x128xi32, #tpu.memory_space<vmem>>
      %dma_wait3A_221 = tpu.memref_squeeze %dma_wait3A_220 : memref<1x1x128xi32, #tpu.memory_space<vmem>> -> memref<128xi32, #tpu.memory_space<vmem>>
      %dma_wait3A_222 = arith.constant 0 : i32
      %dma_wait3A_223 = arith.constant 0 : i32
      %dma_wait3A_224 = tpu.memref_slice %arg2[%arg0, %dma_wait3A_222, %dma_wait3A_223] : memref<2x51200x32xf32, #tpu.memory_space<hbm>> -> memref<1x51200x32xf32, #tpu.memory_space<hbm>>
      %dma_wait3A_225 = tpu.memref_squeeze %dma_wait3A_224 : memref<1x51200x32xf32, #tpu.memory_space<hbm>> -> memref<51200x32xf32, #tpu.memory_space<hbm>>
      %dma_wait3A_226 = arith.constant 0 : i32
      %dma_wait3A_227 = arith.constant 0 : i32
      %dma_wait3A_228 = tpu.memref_slice %dma_wait3A_225[%dma_wait3A_226, %dma_wait3A_227] : memref<51200x32xf32, #tpu.memory_space<hbm>> -> memref<51200x32xf32, #tpu.memory_space<hbm>>
      tpu.wait_indirect_dma semaphore(%arg12 : memref<!tpu.dma_semaphore, #tpu.memory_space<semaphore_mem>>) src(%dma_wait3A_228 : memref<51200x32xf32, #tpu.memory_space<hbm>>) dst(%dma_wait3A_218 : memref<128x32xf32, #tpu.memory_space<vmem>>)
      %dma_start3A_229 = arith.constant 2 : i32
      %dma_start3A_230 = arith.constant 2 : i32
      %dma_start3A_231 = arith.constant 0 : i32
      %dma_start3A_232 = arith.constant 0 : i32
      %dma_start3A_233 = tpu.memref_slice %arg7[%dma_start3A_229, %dma_start3A_231, %dma_start3A_232] : memref<4x128x32xf32, #tpu.memory_space<vmem>> -> memref<1x128x32xf32, #tpu.memory_space<vmem>>
      %dma_start3A_234 = tpu.memref_squeeze %dma_start3A_233 : memref<1x128x32xf32, #tpu.memory_space<vmem>> -> memref<128x32xf32, #tpu.memory_space<vmem>>
      %dma_start3A_235 = arith.constant 0 : i32
      %dma_start3A_236 = tpu.memref_slice %arg9[%rem3A_88, %dma_start3A_230, %dma_start3A_235] : memref<2x8x128xi32, #tpu.memory_space<vmem>> -> memref<1x1x128xi32, #tpu.memory_space<vmem>>
      %dma_start3A_237 = tpu.memref_squeeze %dma_start3A_236 : memref<1x1x128xi32, #tpu.memory_space<vmem>> -> memref<128xi32, #tpu.memory_space<vmem>>
      %dma_start3A_238 = arith.constant 0 : i32
      %dma_start3A_239 = arith.constant 0 : i32
      %dma_start3A_240 = tpu.memref_slice %arg5[%dma_start3A_238, %dma_start3A_239] : memref<51200x32xf32, #tpu.memory_space<vmem_shared>> -> memref<51200x32xf32, #tpu.memory_space<vmem_shared>>
      tpu.enqueue_indirect_dma source(%dma_start3A_234 : memref<128x32xf32, #tpu.memory_space<vmem>>) target(%dma_start3A_240 : memref<51200x32xf32, #tpu.memory_space<vmem_shared>>) offsets(%dma_start3A_237 : memref<128xi32, #tpu.memory_space<vmem>>) semaphore(%arg16 : memref<!tpu.dma_semaphore, #tpu.memory_space<semaphore_mem>>) {add = true}
      %dma_wait3A_241 = arith.constant 1 : i32
      %dma_wait3A_242 = arith.constant 1 : i32
      %dma_wait3A_243 = arith.constant 0 : i32
      %dma_wait3A_244 = arith.constant 0 : i32
      %dma_wait3A_245 = tpu.memref_slice %arg7[%dma_wait3A_241, %dma_wait3A_243, %dma_wait3A_244] : memref<4x128x32xf32, #tpu.memory_space<vmem>> -> memref<1x128x32xf32, #tpu.memory_space<vmem>>
      %dma_wait3A_246 = tpu.memref_squeeze %dma_wait3A_245 : memref<1x128x32xf32, #tpu.memory_space<vmem>> -> memref<128x32xf32, #tpu.memory_space<vmem>>
      %dma_wait3A_247 = arith.constant 0 : i32
      %dma_wait3A_248 = tpu.memref_slice %arg9[%rem3A_88, %dma_wait3A_242, %dma_wait3A_247] : memref<2x8x128xi32, #tpu.memory_space<vmem>> -> memref<1x1x128xi32, #tpu.memory_space<vmem>>
      %dma_wait3A_249 = tpu.memref_squeeze %dma_wait3A_248 : memref<1x1x128xi32, #tpu.memory_space<vmem>> -> memref<128xi32, #tpu.memory_space<vmem>>
      %dma_wait3A_250 = arith.constant 0 : i32
      %dma_wait3A_251 = arith.constant 0 : i32
      %dma_wait3A_252 = tpu.memref_slice %arg5[%dma_wait3A_250, %dma_wait3A_251] : memref<51200x32xf32, #tpu.memory_space<vmem_shared>> -> memref<51200x32xf32, #tpu.memory_space<vmem_shared>>
      tpu.wait_indirect_dma semaphore(%arg15 : memref<!tpu.dma_semaphore, #tpu.memory_space<semaphore_mem>>) src(%dma_wait3A_246 : memref<128x32xf32, #tpu.memory_space<vmem>>) dst(%dma_wait3A_252 : memref<51200x32xf32, #tpu.memory_space<vmem_shared>>)
      %dma_start3A_253 = arith.constant 5 : i32
      %dma_start3A_254 = arith.constant 1 : i32
      %dma_start3A_255 = arith.constant 0 : i32
      %dma_start3A_256 = arith.constant 0 : i32
      %dma_start3A_257 = tpu.memref_slice %arg7[%dma_start3A_254, %dma_start3A_255, %dma_start3A_256] : memref<4x128x32xf32, #tpu.memory_space<vmem>> -> memref<1x128x32xf32, #tpu.memory_space<vmem>>
      %dma_start3A_258 = tpu.memref_squeeze %dma_start3A_257 : memref<1x128x32xf32, #tpu.memory_space<vmem>> -> memref<128x32xf32, #tpu.memory_space<vmem>>
      %dma_start3A_259 = arith.constant 0 : i32
      %dma_start3A_260 = tpu.memref_slice %arg8[%rem3A_88, %dma_start3A_253, %dma_start3A_259] : memref<2x8x128xi32, #tpu.memory_space<vmem>> -> memref<1x1x128xi32, #tpu.memory_space<vmem>>
      %dma_start3A_261 = tpu.memref_squeeze %dma_start3A_260 : memref<1x1x128xi32, #tpu.memory_space<vmem>> -> memref<128xi32, #tpu.memory_space<vmem>>
      %dma_start3A_262 = arith.constant 0 : i32
      %dma_start3A_263 = arith.constant 0 : i32
      %dma_start3A_264 = tpu.memref_slice %arg2[%arg0, %dma_start3A_262, %dma_start3A_263] : memref<2x51200x32xf32, #tpu.memory_space<hbm>> -> memref<1x51200x32xf32, #tpu.memory_space<hbm>>
      %dma_start3A_265 = tpu.memref_squeeze %dma_start3A_264 : memref<1x51200x32xf32, #tpu.memory_space<hbm>> -> memref<51200x32xf32, #tpu.memory_space<hbm>>
      %dma_start3A_266 = arith.constant 0 : i32
      %dma_start3A_267 = arith.constant 0 : i32
      %dma_start3A_268 = tpu.memref_slice %dma_start3A_265[%dma_start3A_266, %dma_start3A_267] : memref<51200x32xf32, #tpu.memory_space<hbm>> -> memref<51200x32xf32, #tpu.memory_space<hbm>>
      tpu.enqueue_indirect_dma source(%dma_start3A_268 : memref<51200x32xf32, #tpu.memory_space<hbm>>) target(%dma_start3A_258 : memref<128x32xf32, #tpu.memory_space<vmem>>) offsets(%dma_start3A_261 : memref<128xi32, #tpu.memory_space<vmem>>) semaphore(%arg11 : memref<!tpu.dma_semaphore, #tpu.memory_space<semaphore_mem>>)
      %dma_wait3A_269 = arith.constant 3 : i32
      %dma_wait3A_270 = arith.constant 3 : i32
      %dma_wait3A_271 = arith.constant 0 : i32
      %dma_wait3A_272 = arith.constant 0 : i32
      %dma_wait3A_273 = tpu.memref_slice %arg7[%dma_wait3A_270, %dma_wait3A_271, %dma_wait3A_272] : memref<4x128x32xf32, #tpu.memory_space<vmem>> -> memref<1x128x32xf32, #tpu.memory_space<vmem>>
      %dma_wait3A_274 = tpu.memref_squeeze %dma_wait3A_273 : memref<1x128x32xf32, #tpu.memory_space<vmem>> -> memref<128x32xf32, #tpu.memory_space<vmem>>
      %dma_wait3A_275 = arith.constant 0 : i32
      %dma_wait3A_276 = tpu.memref_slice %arg8[%rem3A_88, %dma_wait3A_269, %dma_wait3A_275] : memref<2x8x128xi32, #tpu.memory_space<vmem>> -> memref<1x1x128xi32, #tpu.memory_space<vmem>>
      %dma_wait3A_277 = tpu.memref_squeeze %dma_wait3A_276 : memref<1x1x128xi32, #tpu.memory_space<vmem>> -> memref<128xi32, #tpu.memory_space<vmem>>
      %dma_wait3A_278 = arith.constant 0 : i32
      %dma_wait3A_279 = arith.constant 0 : i32
      %dma_wait3A_280 = tpu.memref_slice %arg2[%arg0, %dma_wait3A_278, %dma_wait3A_279] : memref<2x51200x32xf32, #tpu.memory_space<hbm>> -> memref<1x51200x32xf32, #tpu.memory_space<hbm>>
      %dma_wait3A_281 = tpu.memref_squeeze %dma_wait3A_280 : memref<1x51200x32xf32, #tpu.memory_space<hbm>> -> memref<51200x32xf32, #tpu.memory_space<hbm>>
      %dma_wait3A_282 = arith.constant 0 : i32
      %dma_wait3A_283 = arith.constant 0 : i32
      %dma_wait3A_284 = tpu.memref_slice %dma_wait3A_281[%dma_wait3A_282, %dma_wait3A_283] : memref<51200x32xf32, #tpu.memory_space<hbm>> -> memref<51200x32xf32, #tpu.memory_space<hbm>>
      tpu.wait_indirect_dma semaphore(%arg13 : memref<!tpu.dma_semaphore, #tpu.memory_space<semaphore_mem>>) src(%dma_wait3A_284 : memref<51200x32xf32, #tpu.memory_space<hbm>>) dst(%dma_wait3A_274 : memref<128x32xf32, #tpu.memory_space<vmem>>)
      %dma_start3A_285 = arith.constant 3 : i32
      %dma_start3A_286 = arith.constant 3 : i32
      %dma_start3A_287 = arith.constant 0 : i32
      %dma_start3A_288 = arith.constant 0 : i32
      %dma_start3A_289 = tpu.memref_slice %arg7[%dma_start3A_285, %dma_start3A_287, %dma_start3A_288] : memref<4x128x32xf32, #tpu.memory_space<vmem>> -> memref<1x128x32xf32, #tpu.memory_space<vmem>>
      %dma_start3A_290 = tpu.memref_squeeze %dma_start3A_289 : memref<1x128x32xf32, #tpu.memory_space<vmem>> -> memref<128x32xf32, #tpu.memory_space<vmem>>
      %dma_start3A_291 = arith.constant 0 : i32
      %dma_start3A_292 = tpu.memref_slice %arg9[%rem3A_88, %dma_start3A_286, %dma_start3A_291] : memref<2x8x128xi32, #tpu.memory_space<vmem>> -> memref<1x1x128xi32, #tpu.memory_space<vmem>>
      %dma_start3A_293 = tpu.memref_squeeze %dma_start3A_292 : memref<1x1x128xi32, #tpu.memory_space<vmem>> -> memref<128xi32, #tpu.memory_space<vmem>>
      %dma_start3A_294 = arith.constant 0 : i32
      %dma_start3A_295 = arith.constant 0 : i32
      %dma_start3A_296 = tpu.memref_slice %arg5[%dma_start3A_294, %dma_start3A_295] : memref<51200x32xf32, #tpu.memory_space<vmem_shared>> -> memref<51200x32xf32, #tpu.memory_space<vmem_shared>>
      tpu.enqueue_indirect_dma source(%dma_start3A_290 : memref<128x32xf32, #tpu.memory_space<vmem>>) target(%dma_start3A_296 : memref<51200x32xf32, #tpu.memory_space<vmem_shared>>) offsets(%dma_start3A_293 : memref<128xi32, #tpu.memory_space<vmem>>) semaphore(%arg17 : memref<!tpu.dma_semaphore, #tpu.memory_space<semaphore_mem>>) {add = true}
      %lt3A = arith.constant 49 : i32
      %lt3A_297 = arith.cmpi slt, %scan3A_87, %lt3A : i32
      %convert_element_type3A_298 = arith.extui %lt3A_297 : i1 to i32
      %cond3A_299 = arith.constant 0 : i32
      %cond3A_300 = arith.cmpi ne, %convert_element_type3A_298, %cond3A_299 : i32
      scf.if %cond3A_300 {
        %add3A_503 = arith.constant 1 : i32
        %add3A_504 = arith.addi %scan3A_87, %add3A_503 : i32
        %mul3A_505 = arith.constant 8 : i32
        %mul3A_506 = arith.muli %add3A_504, %mul3A_505 : i32
        %add3A_507 = arith.addi %mul3A_11, %mul3A_506 : i32
        %run_scoped3A_508 = arith.constant 0 : i32
        "tpu.region"() ({
          %run_scoped3A_513 = tpu.sem_alloc : memref<!tpu.dma_semaphore, #tpu.memory_space<semaphore_mem>>
          %dma_start3A_514 = arith.constant 0 : i32
          %dma_start3A_515 = arith.constant 0 : i32
          %dma_start3A_516 = tpu.memref_slice %arg8[%sub3A_89, %dma_start3A_514, %dma_start3A_515] : memref<2x8x128xi32, #tpu.memory_space<vmem>> -> memref<1x8x128xi32, #tpu.memory_space<vmem>>
          %dma_start3A_517 = tpu.memref_squeeze %dma_start3A_516 : memref<1x8x128xi32, #tpu.memory_space<vmem>> -> memref<8x128xi32, #tpu.memory_space<vmem>>
          %dma_start3A_518 = arith.constant 0 : i32
          %dma_start3A_519 = tpu.memref_slice %arg3[%run_scoped3A_508, %add3A_507, %dma_start3A_518] : memref<2x6400x128xi32, #tpu.memory_space<hbm>> -> memref<1x8x128xi32, #tpu.memory_space<hbm>>
          %dma_start3A_520 = tpu.memref_squeeze %dma_start3A_519 : memref<1x8x128xi32, #tpu.memory_space<hbm>> -> memref<8x128xi32, #tpu.memory_space<hbm>>
          %dma_start3A_521 = arith.constant 0 : i32
          %dma_start3A_522 = arith.constant 0 : i32
          %dma_start3A_523 = tpu.memref_slice %arg8[%sub3A_89, %dma_start3A_521, %dma_start3A_522] : memref<2x8x128xi32, #tpu.memory_space<vmem>> -> memref<1x8x128xi32, #tpu.memory_space<vmem>>
          %dma_start3A_524 = tpu.memref_squeeze %dma_start3A_523 : memref<1x8x128xi32, #tpu.memory_space<vmem>> -> memref<8x128xi32, #tpu.memory_space<vmem>>
          %dma_start3A_525 = arith.constant 0 : i32
          %dma_start3A_526 = tpu.memref_slice %arg3[%run_scoped3A_508, %add3A_507, %dma_start3A_525] : memref<2x6400x128xi32, #tpu.memory_space<hbm>> -> memref<1x8x128xi32, #tpu.memory_space<hbm>>
          %dma_start3A_527 = tpu.memref_squeeze %dma_start3A_526 : memref<1x8x128xi32, #tpu.memory_space<hbm>> -> memref<8x128xi32, #tpu.memory_space<hbm>>
          tpu.enqueue_dma source(%dma_start3A_527 : memref<8x128xi32, #tpu.memory_space<hbm>>) target(%dma_start3A_524 : memref<8x128xi32, #tpu.memory_space<vmem>>) target_semaphore(%run_scoped3A_513 : memref<!tpu.dma_semaphore, #tpu.memory_space<semaphore_mem>>)
          %dma_wait3A_528 = arith.constant 0 : i32
          %dma_wait3A_529 = arith.constant 0 : i32
          %dma_wait3A_530 = tpu.memref_slice %arg8[%sub3A_89, %dma_wait3A_528, %dma_wait3A_529] : memref<2x8x128xi32, #tpu.memory_space<vmem>> -> memref<1x8x128xi32, #tpu.memory_space<vmem>>
          %dma_wait3A_531 = tpu.memref_squeeze %dma_wait3A_530 : memref<1x8x128xi32, #tpu.memory_space<vmem>> -> memref<8x128xi32, #tpu.memory_space<vmem>>
          %dma_wait3A_532 = arith.constant 0 : i32
          %dma_wait3A_533 = tpu.memref_slice %arg3[%run_scoped3A_508, %add3A_507, %dma_wait3A_532] : memref<2x6400x128xi32, #tpu.memory_space<hbm>> -> memref<1x8x128xi32, #tpu.memory_space<hbm>>
          %dma_wait3A_534 = tpu.memref_squeeze %dma_wait3A_533 : memref<1x8x128xi32, #tpu.memory_space<hbm>> -> memref<8x128xi32, #tpu.memory_space<hbm>>
          %dma_wait3A_535 = arith.constant 0 : i32
          %dma_wait3A_536 = arith.constant 0 : i32
          %dma_wait3A_537 = tpu.memref_slice %arg8[%sub3A_89, %dma_wait3A_535, %dma_wait3A_536] : memref<2x8x128xi32, #tpu.memory_space<vmem>> -> memref<1x8x128xi32, #tpu.memory_space<vmem>>
          %dma_wait3A_538 = tpu.memref_squeeze %dma_wait3A_537 : memref<1x8x128xi32, #tpu.memory_space<vmem>> -> memref<8x128xi32, #tpu.memory_space<vmem>>
          %dma_wait3A_539 = arith.constant 0 : i32
          %dma_wait3A_540 = tpu.memref_slice %arg3[%run_scoped3A_508, %add3A_507, %dma_wait3A_539] : memref<2x6400x128xi32, #tpu.memory_space<hbm>> -> memref<1x8x128xi32, #tpu.memory_space<hbm>>
          %dma_wait3A_541 = tpu.memref_squeeze %dma_wait3A_540 : memref<1x8x128xi32, #tpu.memory_space<hbm>> -> memref<8x128xi32, #tpu.memory_space<hbm>>
          tpu.wait_dma2 semaphore(%run_scoped3A_513 : memref<!tpu.dma_semaphore, #tpu.memory_space<semaphore_mem>>) src(%dma_wait3A_541 : memref<8x128xi32, #tpu.memory_space<hbm>>) dst(%dma_wait3A_538 : memref<8x128xi32, #tpu.memory_space<vmem>>)
          tpu.yield
        }) : () -> ()
        %mul3A_509 = arith.constant 8 : i32
        %mul3A_510 = arith.muli %add3A_504, %mul3A_509 : i32
        %add3A_511 = arith.addi %mul3A_11, %mul3A_510 : i32
        %run_scoped3A_512 = arith.constant 1 : i32
        "tpu.region"() ({
          %run_scoped3A_513 = tpu.sem_alloc : memref<!tpu.dma_semaphore, #tpu.memory_space<semaphore_mem>>
          %dma_start3A_514 = arith.constant 0 : i32
          %dma_start3A_515 = arith.constant 0 : i32
          %dma_start3A_516 = tpu.memref_slice %arg9[%sub3A_89, %dma_start3A_514, %dma_start3A_515] : memref<2x8x128xi32, #tpu.memory_space<vmem>> -> memref<1x8x128xi32, #tpu.memory_space<vmem>>
          %dma_start3A_517 = tpu.memref_squeeze %dma_start3A_516 : memref<1x8x128xi32, #tpu.memory_space<vmem>> -> memref<8x128xi32, #tpu.memory_space<vmem>>
          %dma_start3A_518 = arith.constant 0 : i32
          %dma_start3A_519 = tpu.memref_slice %arg3[%run_scoped3A_512, %add3A_511, %dma_start3A_518] : memref<2x6400x128xi32, #tpu.memory_space<hbm>> -> memref<1x8x128xi32, #tpu.memory_space<hbm>>
          %dma_start3A_520 = tpu.memref_squeeze %dma_start3A_519 : memref<1x8x128xi32, #tpu.memory_space<hbm>> -> memref<8x128xi32, #tpu.memory_space<hbm>>
          %dma_start3A_521 = arith.constant 0 : i32
          %dma_start3A_522 = arith.constant 0 : i32
          %dma_start3A_523 = tpu.memref_slice %arg9[%sub3A_89, %dma_start3A_521, %dma_start3A_522] : memref<2x8x128xi32, #tpu.memory_space<vmem>> -> memref<1x8x128xi32, #tpu.memory_space<vmem>>
          %dma_start3A_524 = tpu.memref_squeeze %dma_start3A_523 : memref<1x8x128xi32, #tpu.memory_space<vmem>> -> memref<8x128xi32, #tpu.memory_space<vmem>>
          %dma_start3A_525 = arith.constant 0 : i32
          %dma_start3A_526 = tpu.memref_slice %arg3[%run_scoped3A_512, %add3A_511, %dma_start3A_525] : memref<2x6400x128xi32, #tpu.memory_space<hbm>> -> memref<1x8x128xi32, #tpu.memory_space<hbm>>
          %dma_start3A_527 = tpu.memref_squeeze %dma_start3A_526 : memref<1x8x128xi32, #tpu.memory_space<hbm>> -> memref<8x128xi32, #tpu.memory_space<hbm>>
          tpu.enqueue_dma source(%dma_start3A_527 : memref<8x128xi32, #tpu.memory_space<hbm>>) target(%dma_start3A_524 : memref<8x128xi32, #tpu.memory_space<vmem>>) target_semaphore(%run_scoped3A_513 : memref<!tpu.dma_semaphore, #tpu.memory_space<semaphore_mem>>)
          %dma_wait3A_528 = arith.constant 0 : i32
          %dma_wait3A_529 = arith.constant 0 : i32
          %dma_wait3A_530 = tpu.memref_slice %arg9[%sub3A_89, %dma_wait3A_528, %dma_wait3A_529] : memref<2x8x128xi32, #tpu.memory_space<vmem>> -> memref<1x8x128xi32, #tpu.memory_space<vmem>>
          %dma_wait3A_531 = tpu.memref_squeeze %dma_wait3A_530 : memref<1x8x128xi32, #tpu.memory_space<vmem>> -> memref<8x128xi32, #tpu.memory_space<vmem>>
          %dma_wait3A_532 = arith.constant 0 : i32
          %dma_wait3A_533 = tpu.memref_slice %arg3[%run_scoped3A_512, %add3A_511, %dma_wait3A_532] : memref<2x6400x128xi32, #tpu.memory_space<hbm>> -> memref<1x8x128xi32, #tpu.memory_space<hbm>>
          %dma_wait3A_534 = tpu.memref_squeeze %dma_wait3A_533 : memref<1x8x128xi32, #tpu.memory_space<hbm>> -> memref<8x128xi32, #tpu.memory_space<hbm>>
          %dma_wait3A_535 = arith.constant 0 : i32
          %dma_wait3A_536 = arith.constant 0 : i32
          %dma_wait3A_537 = tpu.memref_slice %arg9[%sub3A_89, %dma_wait3A_535, %dma_wait3A_536] : memref<2x8x128xi32, #tpu.memory_space<vmem>> -> memref<1x8x128xi32, #tpu.memory_space<vmem>>
          %dma_wait3A_538 = tpu.memref_squeeze %dma_wait3A_537 : memref<1x8x128xi32, #tpu.memory_space<vmem>> -> memref<8x128xi32, #tpu.memory_space<vmem>>
          %dma_wait3A_539 = arith.constant 0 : i32
          %dma_wait3A_540 = tpu.memref_slice %arg3[%run_scoped3A_512, %add3A_511, %dma_wait3A_539] : memref<2x6400x128xi32, #tpu.memory_space<hbm>> -> memref<1x8x128xi32, #tpu.memory_space<hbm>>
          %dma_wait3A_541 = tpu.memref_squeeze %dma_wait3A_540 : memref<1x8x128xi32, #tpu.memory_space<hbm>> -> memref<8x128xi32, #tpu.memory_space<hbm>>
          tpu.wait_dma2 semaphore(%run_scoped3A_513 : memref<!tpu.dma_semaphore, #tpu.memory_space<semaphore_mem>>) src(%dma_wait3A_541 : memref<8x128xi32, #tpu.memory_space<hbm>>) dst(%dma_wait3A_538 : memref<8x128xi32, #tpu.memory_space<vmem>>)
          tpu.yield
        }) : () -> ()
      } else {
      }
      %dma_wait3A_301 = arith.constant 2 : i32
      %dma_wait3A_302 = arith.constant 2 : i32
      %dma_wait3A_303 = arith.constant 0 : i32
      %dma_wait3A_304 = arith.constant 0 : i32
      %dma_wait3A_305 = tpu.memref_slice %arg7[%dma_wait3A_301, %dma_wait3A_303, %dma_wait3A_304] : memref<4x128x32xf32, #tpu.memory_space<vmem>> -> memref<1x128x32xf32, #tpu.memory_space<vmem>>
      %dma_wait3A_306 = tpu.memref_squeeze %dma_wait3A_305 : memref<1x128x32xf32, #tpu.memory_space<vmem>> -> memref<128x32xf32, #tpu.memory_space<vmem>>
      %dma_wait3A_307 = arith.constant 0 : i32
      %dma_wait3A_308 = tpu.memref_slice %arg9[%rem3A_88, %dma_wait3A_302, %dma_wait3A_307] : memref<2x8x128xi32, #tpu.memory_space<vmem>> -> memref<1x1x128xi32, #tpu.memory_space<vmem>>
      %dma_wait3A_309 = tpu.memref_squeeze %dma_wait3A_308 : memref<1x1x128xi32, #tpu.memory_space<vmem>> -> memref<128xi32, #tpu.memory_space<vmem>>
      %dma_wait3A_310 = arith.constant 0 : i32
      %dma_wait3A_311 = arith.constant 0 : i32
      %dma_wait3A_312 = tpu.memref_slice %arg5[%dma_wait3A_310, %dma_wait3A_311] : memref<51200x32xf32, #tpu.memory_space<vmem_shared>> -> memref<51200x32xf32, #tpu.memory_space<vmem_shared>>
      tpu.wait_indirect_dma semaphore(%arg16 : memref<!tpu.dma_semaphore, #tpu.memory_space<semaphore_mem>>) src(%dma_wait3A_306 : memref<128x32xf32, #tpu.memory_space<vmem>>) dst(%dma_wait3A_312 : memref<51200x32xf32, #tpu.memory_space<vmem_shared>>)
      %dma_start3A_313 = arith.constant 6 : i32
      %dma_start3A_314 = arith.constant 2 : i32
      %dma_start3A_315 = arith.constant 0 : i32
      %dma_start3A_316 = arith.constant 0 : i32
      %dma_start3A_317 = tpu.memref_slice %arg7[%dma_start3A_314, %dma_start3A_315, %dma_start3A_316] : memref<4x128x32xf32, #tpu.memory_space<vmem>> -> memref<1x128x32xf32, #tpu.memory_space<vmem>>
      %dma_start3A_318 = tpu.memref_squeeze %dma_start3A_317 : memref<1x128x32xf32, #tpu.memory_space<vmem>> -> memref<128x32xf32, #tpu.memory_space<vmem>>
      %dma_start3A_319 = arith.constant 0 : i32
      %dma_start3A_320 = tpu.memref_slice %arg8[%rem3A_88, %dma_start3A_313, %dma_start3A_319] : memref<2x8x128xi32, #tpu.memory_space<vmem>> -> memref<1x1x128xi32, #tpu.memory_space<vmem>>
      %dma_start3A_321 = tpu.memref_squeeze %dma_start3A_320 : memref<1x1x128xi32, #tpu.memory_space<vmem>> -> memref<128xi32, #tpu.memory_space<vmem>>
      %dma_start3A_322 = arith.constant 0 : i32
      %dma_start3A_323 = arith.constant 0 : i32
      %dma_start3A_324 = tpu.memref_slice %arg2[%arg0, %dma_start3A_322, %dma_start3A_323] : memref<2x51200x32xf32, #tpu.memory_space<hbm>> -> memref<1x51200x32xf32, #tpu.memory_space<hbm>>
      %dma_start3A_325 = tpu.memref_squeeze %dma_start3A_324 : memref<1x51200x32xf32, #tpu.memory_space<hbm>> -> memref<51200x32xf32, #tpu.memory_space<hbm>>
      %dma_start3A_326 = arith.constant 0 : i32
      %dma_start3A_327 = arith.constant 0 : i32
      %dma_start3A_328 = tpu.memref_slice %dma_start3A_325[%dma_start3A_326, %dma_start3A_327] : memref<51200x32xf32, #tpu.memory_space<hbm>> -> memref<51200x32xf32, #tpu.memory_space<hbm>>
      tpu.enqueue_indirect_dma source(%dma_start3A_328 : memref<51200x32xf32, #tpu.memory_space<hbm>>) target(%dma_start3A_318 : memref<128x32xf32, #tpu.memory_space<vmem>>) offsets(%dma_start3A_321 : memref<128xi32, #tpu.memory_space<vmem>>) semaphore(%arg12 : memref<!tpu.dma_semaphore, #tpu.memory_space<semaphore_mem>>)
      %dma_wait3A_329 = arith.constant 4 : i32
      %dma_wait3A_330 = arith.constant 0 : i32
      %dma_wait3A_331 = arith.constant 0 : i32
      %dma_wait3A_332 = arith.constant 0 : i32
      %dma_wait3A_333 = tpu.memref_slice %arg7[%dma_wait3A_330, %dma_wait3A_331, %dma_wait3A_332] : memref<4x128x32xf32, #tpu.memory_space<vmem>> -> memref<1x128x32xf32, #tpu.memory_space<vmem>>
      %dma_wait3A_334 = tpu.memref_squeeze %dma_wait3A_333 : memref<1x128x32xf32, #tpu.memory_space<vmem>> -> memref<128x32xf32, #tpu.memory_space<vmem>>
      %dma_wait3A_335 = arith.constant 0 : i32
      %dma_wait3A_336 = tpu.memref_slice %arg8[%rem3A_88, %dma_wait3A_329, %dma_wait3A_335] : memref<2x8x128xi32, #tpu.memory_space<vmem>> -> memref<1x1x128xi32, #tpu.memory_space<vmem>>
      %dma_wait3A_337 = tpu.memref_squeeze %dma_wait3A_336 : memref<1x1x128xi32, #tpu.memory_space<vmem>> -> memref<128xi32, #tpu.memory_space<vmem>>
      %dma_wait3A_338 = arith.constant 0 : i32
      %dma_wait3A_339 = arith.constant 0 : i32
      %dma_wait3A_340 = tpu.memref_slice %arg2[%arg0, %dma_wait3A_338, %dma_wait3A_339] : memref<2x51200x32xf32, #tpu.memory_space<hbm>> -> memref<1x51200x32xf32, #tpu.memory_space<hbm>>
      %dma_wait3A_341 = tpu.memref_squeeze %dma_wait3A_340 : memref<1x51200x32xf32, #tpu.memory_space<hbm>> -> memref<51200x32xf32, #tpu.memory_space<hbm>>
      %dma_wait3A_342 = arith.constant 0 : i32
      %dma_wait3A_343 = arith.constant 0 : i32
      %dma_wait3A_344 = tpu.memref_slice %dma_wait3A_341[%dma_wait3A_342, %dma_wait3A_343] : memref<51200x32xf32, #tpu.memory_space<hbm>> -> memref<51200x32xf32, #tpu.memory_space<hbm>>
      tpu.wait_indirect_dma semaphore(%arg10 : memref<!tpu.dma_semaphore, #tpu.memory_space<semaphore_mem>>) src(%dma_wait3A_344 : memref<51200x32xf32, #tpu.memory_space<hbm>>) dst(%dma_wait3A_334 : memref<128x32xf32, #tpu.memory_space<vmem>>)
      %dma_start3A_345 = arith.constant 0 : i32
      %dma_start3A_346 = arith.constant 4 : i32
      %dma_start3A_347 = arith.constant 0 : i32
      %dma_start3A_348 = arith.constant 0 : i32
      %dma_start3A_349 = tpu.memref_slice %arg7[%dma_start3A_345, %dma_start3A_347, %dma_start3A_348] : memref<4x128x32xf32, #tpu.memory_space<vmem>> -> memref<1x128x32xf32, #tpu.memory_space<vmem>>
      %dma_start3A_350 = tpu.memref_squeeze %dma_start3A_349 : memref<1x128x32xf32, #tpu.memory_space<vmem>> -> memref<128x32xf32, #tpu.memory_space<vmem>>
      %dma_start3A_351 = arith.constant 0 : i32
      %dma_start3A_352 = tpu.memref_slice %arg9[%rem3A_88, %dma_start3A_346, %dma_start3A_351] : memref<2x8x128xi32, #tpu.memory_space<vmem>> -> memref<1x1x128xi32, #tpu.memory_space<vmem>>
      %dma_start3A_353 = tpu.memref_squeeze %dma_start3A_352 : memref<1x1x128xi32, #tpu.memory_space<vmem>> -> memref<128xi32, #tpu.memory_space<vmem>>
      %dma_start3A_354 = arith.constant 0 : i32
      %dma_start3A_355 = arith.constant 0 : i32
      %dma_start3A_356 = tpu.memref_slice %arg5[%dma_start3A_354, %dma_start3A_355] : memref<51200x32xf32, #tpu.memory_space<vmem_shared>> -> memref<51200x32xf32, #tpu.memory_space<vmem_shared>>
      tpu.enqueue_indirect_dma source(%dma_start3A_350 : memref<128x32xf32, #tpu.memory_space<vmem>>) target(%dma_start3A_356 : memref<51200x32xf32, #tpu.memory_space<vmem_shared>>) offsets(%dma_start3A_353 : memref<128xi32, #tpu.memory_space<vmem>>) semaphore(%arg14 : memref<!tpu.dma_semaphore, #tpu.memory_space<semaphore_mem>>) {add = true}
      %dma_wait3A_357 = arith.constant 3 : i32
      %dma_wait3A_358 = arith.constant 3 : i32
      %dma_wait3A_359 = arith.constant 0 : i32
      %dma_wait3A_360 = arith.constant 0 : i32
      %dma_wait3A_361 = tpu.memref_slice %arg7[%dma_wait3A_357, %dma_wait3A_359, %dma_wait3A_360] : memref<4x128x32xf32, #tpu.memory_space<vmem>> -> memref<1x128x32xf32, #tpu.memory_space<vmem>>
      %dma_wait3A_362 = tpu.memref_squeeze %dma_wait3A_361 : memref<1x128x32xf32, #tpu.memory_space<vmem>> -> memref<128x32xf32, #tpu.memory_space<vmem>>
      %dma_wait3A_363 = arith.constant 0 : i32
      %dma_wait3A_364 = tpu.memref_slice %arg9[%rem3A_88, %dma_wait3A_358, %dma_wait3A_363] : memref<2x8x128xi32, #tpu.memory_space<vmem>> -> memref<1x1x128xi32, #tpu.memory_space<vmem>>
      %dma_wait3A_365 = tpu.memref_squeeze %dma_wait3A_364 : memref<1x1x128xi32, #tpu.memory_space<vmem>> -> memref<128xi32, #tpu.memory_space<vmem>>
      %dma_wait3A_366 = arith.constant 0 : i32
      %dma_wait3A_367 = arith.constant 0 : i32
      %dma_wait3A_368 = tpu.memref_slice %arg5[%dma_wait3A_366, %dma_wait3A_367] : memref<51200x32xf32, #tpu.memory_space<vmem_shared>> -> memref<51200x32xf32, #tpu.memory_space<vmem_shared>>
      tpu.wait_indirect_dma semaphore(%arg17 : memref<!tpu.dma_semaphore, #tpu.memory_space<semaphore_mem>>) src(%dma_wait3A_362 : memref<128x32xf32, #tpu.memory_space<vmem>>) dst(%dma_wait3A_368 : memref<51200x32xf32, #tpu.memory_space<vmem_shared>>)
      %dma_start3A_369 = arith.constant 7 : i32
      %dma_start3A_370 = arith.constant 3 : i32
      %dma_start3A_371 = arith.constant 0 : i32
      %dma_start3A_372 = arith.constant 0 : i32
      %dma_start3A_373 = tpu.memref_slice %arg7[%dma_start3A_370, %dma_start3A_371, %dma_start3A_372] : memref<4x128x32xf32, #tpu.memory_space<vmem>> -> memref<1x128x32xf32, #tpu.memory_space<vmem>>
      %dma_start3A_374 = tpu.memref_squeeze %dma_start3A_373 : memref<1x128x32xf32, #tpu.memory_space<vmem>> -> memref<128x32xf32, #tpu.memory_space<vmem>>
      %dma_start3A_375 = arith.constant 0 : i32
      %dma_start3A_376 = tpu.memref_slice %arg8[%rem3A_88, %dma_start3A_369, %dma_start3A_375] : memref<2x8x128xi32, #tpu.memory_space<vmem>> -> memref<1x1x128xi32, #tpu.memory_space<vmem>>
      %dma_start3A_377 = tpu.memref_squeeze %dma_start3A_376 : memref<1x1x128xi32, #tpu.memory_space<vmem>> -> memref<128xi32, #tpu.memory_space<vmem>>
      %dma_start3A_378 = arith.constant 0 : i32
      %dma_start3A_379 = arith.constant 0 : i32
      %dma_start3A_380 = tpu.memref_slice %arg2[%arg0, %dma_start3A_378, %dma_start3A_379] : memref<2x51200x32xf32, #tpu.memory_space<hbm>> -> memref<1x51200x32xf32, #tpu.memory_space<hbm>>
      %dma_start3A_381 = tpu.memref_squeeze %dma_start3A_380 : memref<1x51200x32xf32, #tpu.memory_space<hbm>> -> memref<51200x32xf32, #tpu.memory_space<hbm>>
      %dma_start3A_382 = arith.constant 0 : i32
      %dma_start3A_383 = arith.constant 0 : i32
      %dma_start3A_384 = tpu.memref_slice %dma_start3A_381[%dma_start3A_382, %dma_start3A_383] : memref<51200x32xf32, #tpu.memory_space<hbm>> -> memref<51200x32xf32, #tpu.memory_space<hbm>>
      tpu.enqueue_indirect_dma source(%dma_start3A_384 : memref<51200x32xf32, #tpu.memory_space<hbm>>) target(%dma_start3A_374 : memref<128x32xf32, #tpu.memory_space<vmem>>) offsets(%dma_start3A_377 : memref<128xi32, #tpu.memory_space<vmem>>) semaphore(%arg13 : memref<!tpu.dma_semaphore, #tpu.memory_space<semaphore_mem>>)
      %dma_wait3A_385 = arith.constant 5 : i32
      %dma_wait3A_386 = arith.constant 1 : i32
      %dma_wait3A_387 = arith.constant 0 : i32
      %dma_wait3A_388 = arith.constant 0 : i32
      %dma_wait3A_389 = tpu.memref_slice %arg7[%dma_wait3A_386, %dma_wait3A_387, %dma_wait3A_388] : memref<4x128x32xf32, #tpu.memory_space<vmem>> -> memref<1x128x32xf32, #tpu.memory_space<vmem>>
      %dma_wait3A_390 = tpu.memref_squeeze %dma_wait3A_389 : memref<1x128x32xf32, #tpu.memory_space<vmem>> -> memref<128x32xf32, #tpu.memory_space<vmem>>
      %dma_wait3A_391 = arith.constant 0 : i32
      %dma_wait3A_392 = tpu.memref_slice %arg8[%rem3A_88, %dma_wait3A_385, %dma_wait3A_391] : memref<2x8x128xi32, #tpu.memory_space<vmem>> -> memref<1x1x128xi32, #tpu.memory_space<vmem>>
      %dma_wait3A_393 = tpu.memref_squeeze %dma_wait3A_392 : memref<1x1x128xi32, #tpu.memory_space<vmem>> -> memref<128xi32, #tpu.memory_space<vmem>>
      %dma_wait3A_394 = arith.constant 0 : i32
      %dma_wait3A_395 = arith.constant 0 : i32
      %dma_wait3A_396 = tpu.memref_slice %arg2[%arg0, %dma_wait3A_394, %dma_wait3A_395] : memref<2x51200x32xf32, #tpu.memory_space<hbm>> -> memref<1x51200x32xf32, #tpu.memory_space<hbm>>
      %dma_wait3A_397 = tpu.memref_squeeze %dma_wait3A_396 : memref<1x51200x32xf32, #tpu.memory_space<hbm>> -> memref<51200x32xf32, #tpu.memory_space<hbm>>
      %dma_wait3A_398 = arith.constant 0 : i32
      %dma_wait3A_399 = arith.constant 0 : i32
      %dma_wait3A_400 = tpu.memref_slice %dma_wait3A_397[%dma_wait3A_398, %dma_wait3A_399] : memref<51200x32xf32, #tpu.memory_space<hbm>> -> memref<51200x32xf32, #tpu.memory_space<hbm>>
      tpu.wait_indirect_dma semaphore(%arg11 : memref<!tpu.dma_semaphore, #tpu.memory_space<semaphore_mem>>) src(%dma_wait3A_400 : memref<51200x32xf32, #tpu.memory_space<hbm>>) dst(%dma_wait3A_390 : memref<128x32xf32, #tpu.memory_space<vmem>>)
      %dma_start3A_401 = arith.constant 1 : i32
      %dma_start3A_402 = arith.constant 5 : i32
      %dma_start3A_403 = arith.constant 0 : i32
      %dma_start3A_404 = arith.constant 0 : i32
      %dma_start3A_405 = tpu.memref_slice %arg7[%dma_start3A_401, %dma_start3A_403, %dma_start3A_404] : memref<4x128x32xf32, #tpu.memory_space<vmem>> -> memref<1x128x32xf32, #tpu.memory_space<vmem>>
      %dma_start3A_406 = tpu.memref_squeeze %dma_start3A_405 : memref<1x128x32xf32, #tpu.memory_space<vmem>> -> memref<128x32xf32, #tpu.memory_space<vmem>>
      %dma_start3A_407 = arith.constant 0 : i32
      %dma_start3A_408 = tpu.memref_slice %arg9[%rem3A_88, %dma_start3A_402, %dma_start3A_407] : memref<2x8x128xi32, #tpu.memory_space<vmem>> -> memref<1x1x128xi32, #tpu.memory_space<vmem>>
      %dma_start3A_409 = tpu.memref_squeeze %dma_start3A_408 : memref<1x1x128xi32, #tpu.memory_space<vmem>> -> memref<128xi32, #tpu.memory_space<vmem>>
      %dma_start3A_410 = arith.constant 0 : i32
      %dma_start3A_411 = arith.constant 0 : i32
      %dma_start3A_412 = tpu.memref_slice %arg5[%dma_start3A_410, %dma_start3A_411] : memref<51200x32xf32, #tpu.memory_space<vmem_shared>> -> memref<51200x32xf32, #tpu.memory_space<vmem_shared>>
      tpu.enqueue_indirect_dma source(%dma_start3A_406 : memref<128x32xf32, #tpu.memory_space<vmem>>) target(%dma_start3A_412 : memref<51200x32xf32, #tpu.memory_space<vmem_shared>>) offsets(%dma_start3A_409 : memref<128xi32, #tpu.memory_space<vmem>>) semaphore(%arg15 : memref<!tpu.dma_semaphore, #tpu.memory_space<semaphore_mem>>) {add = true}
      %dma_wait3A_413 = arith.constant 0 : i32
      %dma_wait3A_414 = arith.constant 4 : i32
      %dma_wait3A_415 = arith.constant 0 : i32
      %dma_wait3A_416 = arith.constant 0 : i32
      %dma_wait3A_417 = tpu.memref_slice %arg7[%dma_wait3A_413, %dma_wait3A_415, %dma_wait3A_416] : memref<4x128x32xf32, #tpu.memory_space<vmem>> -> memref<1x128x32xf32, #tpu.memory_space<vmem>>
      %dma_wait3A_418 = tpu.memref_squeeze %dma_wait3A_417 : memref<1x128x32xf32, #tpu.memory_space<vmem>> -> memref<128x32xf32, #tpu.memory_space<vmem>>
      %dma_wait3A_419 = arith.constant 0 : i32
      %dma_wait3A_420 = tpu.memref_slice %arg9[%rem3A_88, %dma_wait3A_414, %dma_wait3A_419] : memref<2x8x128xi32, #tpu.memory_space<vmem>> -> memref<1x1x128xi32, #tpu.memory_space<vmem>>
      %dma_wait3A_421 = tpu.memref_squeeze %dma_wait3A_420 : memref<1x1x128xi32, #tpu.memory_space<vmem>> -> memref<128xi32, #tpu.memory_space<vmem>>
      %dma_wait3A_422 = arith.constant 0 : i32
      %dma_wait3A_423 = arith.constant 0 : i32
      %dma_wait3A_424 = tpu.memref_slice %arg5[%dma_wait3A_422, %dma_wait3A_423] : memref<51200x32xf32, #tpu.memory_space<vmem_shared>> -> memref<51200x32xf32, #tpu.memory_space<vmem_shared>>
      tpu.wait_indirect_dma semaphore(%arg14 : memref<!tpu.dma_semaphore, #tpu.memory_space<semaphore_mem>>) src(%dma_wait3A_418 : memref<128x32xf32, #tpu.memory_space<vmem>>) dst(%dma_wait3A_424 : memref<51200x32xf32, #tpu.memory_space<vmem_shared>>)
      %lt3A_425 = arith.constant 49 : i32
      %lt3A_426 = arith.cmpi slt, %scan3A_87, %lt3A_425 : i32
      %convert_element_type3A_427 = arith.extui %lt3A_426 : i1 to i32
      %cond3A_428 = arith.constant 0 : i32
      %cond3A_429 = arith.cmpi ne, %convert_element_type3A_427, %cond3A_428 : i32
      scf.if %cond3A_429 {
        %dma_start3A_503 = arith.constant 0 : i32
        %dma_start3A_504 = arith.constant 0 : i32
        %dma_start3A_505 = arith.constant 0 : i32
        %dma_start3A_506 = arith.constant 0 : i32
        %dma_start3A_507 = tpu.memref_slice %arg7[%dma_start3A_504, %dma_start3A_505, %dma_start3A_506] : memref<4x128x32xf32, #tpu.memory_space<vmem>> -> memref<1x128x32xf32, #tpu.memory_space<vmem>>
        %dma_start3A_508 = tpu.memref_squeeze %dma_start3A_507 : memref<1x128x32xf32, #tpu.memory_space<vmem>> -> memref<128x32xf32, #tpu.memory_space<vmem>>
        %dma_start3A_509 = arith.constant 0 : i32
        %dma_start3A_510 = tpu.memref_slice %arg8[%sub3A_89, %dma_start3A_503, %dma_start3A_509] : memref<2x8x128xi32, #tpu.memory_space<vmem>> -> memref<1x1x128xi32, #tpu.memory_space<vmem>>
        %dma_start3A_511 = tpu.memref_squeeze %dma_start3A_510 : memref<1x1x128xi32, #tpu.memory_space<vmem>> -> memref<128xi32, #tpu.memory_space<vmem>>
        %dma_start3A_512 = arith.constant 0 : i32
        %dma_start3A_513 = arith.constant 0 : i32
        %dma_start3A_514 = tpu.memref_slice %arg2[%arg0, %dma_start3A_512, %dma_start3A_513] : memref<2x51200x32xf32, #tpu.memory_space<hbm>> -> memref<1x51200x32xf32, #tpu.memory_space<hbm>>
        %dma_start3A_515 = tpu.memref_squeeze %dma_start3A_514 : memref<1x51200x32xf32, #tpu.memory_space<hbm>> -> memref<51200x32xf32, #tpu.memory_space<hbm>>
        %dma_start3A_516 = arith.constant 0 : i32
        %dma_start3A_517 = arith.constant 0 : i32
        %dma_start3A_518 = tpu.memref_slice %dma_start3A_515[%dma_start3A_516, %dma_start3A_517] : memref<51200x32xf32, #tpu.memory_space<hbm>> -> memref<51200x32xf32, #tpu.memory_space<hbm>>
        tpu.enqueue_indirect_dma source(%dma_start3A_518 : memref<51200x32xf32, #tpu.memory_space<hbm>>) target(%dma_start3A_508 : memref<128x32xf32, #tpu.memory_space<vmem>>) offsets(%dma_start3A_511 : memref<128xi32, #tpu.memory_space<vmem>>) semaphore(%arg10 : memref<!tpu.dma_semaphore, #tpu.memory_space<semaphore_mem>>)
      } else {
      }
      %dma_wait3A_430 = arith.constant 6 : i32
      %dma_wait3A_431 = arith.constant 2 : i32
      %dma_wait3A_432 = arith.constant 0 : i32
      %dma_wait3A_433 = arith.constant 0 : i32
      %dma_wait3A_434 = tpu.memref_slice %arg7[%dma_wait3A_431, %dma_wait3A_432, %dma_wait3A_433] : memref<4x128x32xf32, #tpu.memory_space<vmem>> -> memref<1x128x32xf32, #tpu.memory_space<vmem>>
      %dma_wait3A_435 = tpu.memref_squeeze %dma_wait3A_434 : memref<1x128x32xf32, #tpu.memory_space<vmem>> -> memref<128x32xf32, #tpu.memory_space<vmem>>
      %dma_wait3A_436 = arith.constant 0 : i32
      %dma_wait3A_437 = tpu.memref_slice %arg8[%rem3A_88, %dma_wait3A_430, %dma_wait3A_436] : memref<2x8x128xi32, #tpu.memory_space<vmem>> -> memref<1x1x128xi32, #tpu.memory_space<vmem>>
      %dma_wait3A_438 = tpu.memref_squeeze %dma_wait3A_437 : memref<1x1x128xi32, #tpu.memory_space<vmem>> -> memref<128xi32, #tpu.memory_space<vmem>>
      %dma_wait3A_439 = arith.constant 0 : i32
      %dma_wait3A_440 = arith.constant 0 : i32
      %dma_wait3A_441 = tpu.memref_slice %arg2[%arg0, %dma_wait3A_439, %dma_wait3A_440] : memref<2x51200x32xf32, #tpu.memory_space<hbm>> -> memref<1x51200x32xf32, #tpu.memory_space<hbm>>
      %dma_wait3A_442 = tpu.memref_squeeze %dma_wait3A_441 : memref<1x51200x32xf32, #tpu.memory_space<hbm>> -> memref<51200x32xf32, #tpu.memory_space<hbm>>
      %dma_wait3A_443 = arith.constant 0 : i32
      %dma_wait3A_444 = arith.constant 0 : i32
      %dma_wait3A_445 = tpu.memref_slice %dma_wait3A_442[%dma_wait3A_443, %dma_wait3A_444] : memref<51200x32xf32, #tpu.memory_space<hbm>> -> memref<51200x32xf32, #tpu.memory_space<hbm>>
      tpu.wait_indirect_dma semaphore(%arg12 : memref<!tpu.dma_semaphore, #tpu.memory_space<semaphore_mem>>) src(%dma_wait3A_445 : memref<51200x32xf32, #tpu.memory_space<hbm>>) dst(%dma_wait3A_435 : memref<128x32xf32, #tpu.memory_space<vmem>>)
      %dma_start3A_446 = arith.constant 2 : i32
      %dma_start3A_447 = arith.constant 6 : i32
      %dma_start3A_448 = arith.constant 0 : i32
      %dma_start3A_449 = arith.constant 0 : i32
      %dma_start3A_450 = tpu.memref_slice %arg7[%dma_start3A_446, %dma_start3A_448, %dma_start3A_449] : memref<4x128x32xf32, #tpu.memory_space<vmem>> -> memref<1x128x32xf32, #tpu.memory_space<vmem>>
      %dma_start3A_451 = tpu.memref_squeeze %dma_start3A_450 : memref<1x128x32xf32, #tpu.memory_space<vmem>> -> memref<128x32xf32, #tpu.memory_space<vmem>>
      %dma_start3A_452 = arith.constant 0 : i32
      %dma_start3A_453 = tpu.memref_slice %arg9[%rem3A_88, %dma_start3A_447, %dma_start3A_452] : memref<2x8x128xi32, #tpu.memory_space<vmem>> -> memref<1x1x128xi32, #tpu.memory_space<vmem>>
      %dma_start3A_454 = tpu.memref_squeeze %dma_start3A_453 : memref<1x1x128xi32, #tpu.memory_space<vmem>> -> memref<128xi32, #tpu.memory_space<vmem>>
      %dma_start3A_455 = arith.constant 0 : i32
      %dma_start3A_456 = arith.constant 0 : i32
      %dma_start3A_457 = tpu.memref_slice %arg5[%dma_start3A_455, %dma_start3A_456] : memref<51200x32xf32, #tpu.memory_space<vmem_shared>> -> memref<51200x32xf32, #tpu.memory_space<vmem_shared>>
      tpu.enqueue_indirect_dma source(%dma_start3A_451 : memref<128x32xf32, #tpu.memory_space<vmem>>) target(%dma_start3A_457 : memref<51200x32xf32, #tpu.memory_space<vmem_shared>>) offsets(%dma_start3A_454 : memref<128xi32, #tpu.memory_space<vmem>>) semaphore(%arg16 : memref<!tpu.dma_semaphore, #tpu.memory_space<semaphore_mem>>) {add = true}
      %dma_wait3A_458 = arith.constant 1 : i32
      %dma_wait3A_459 = arith.constant 5 : i32
      %dma_wait3A_460 = arith.constant 0 : i32
      %dma_wait3A_461 = arith.constant 0 : i32
      %dma_wait3A_462 = tpu.memref_slice %arg7[%dma_wait3A_458, %dma_wait3A_460, %dma_wait3A_461] : memref<4x128x32xf32, #tpu.memory_space<vmem>> -> memref<1x128x32xf32, #tpu.memory_space<vmem>>
      %dma_wait3A_463 = tpu.memref_squeeze %dma_wait3A_462 : memref<1x128x32xf32, #tpu.memory_space<vmem>> -> memref<128x32xf32, #tpu.memory_space<vmem>>
      %dma_wait3A_464 = arith.constant 0 : i32
      %dma_wait3A_465 = tpu.memref_slice %arg9[%rem3A_88, %dma_wait3A_459, %dma_wait3A_464] : memref<2x8x128xi32, #tpu.memory_space<vmem>> -> memref<1x1x128xi32, #tpu.memory_space<vmem>>
      %dma_wait3A_466 = tpu.memref_squeeze %dma_wait3A_465 : memref<1x1x128xi32, #tpu.memory_space<vmem>> -> memref<128xi32, #tpu.memory_space<vmem>>
      %dma_wait3A_467 = arith.constant 0 : i32
      %dma_wait3A_468 = arith.constant 0 : i32
      %dma_wait3A_469 = tpu.memref_slice %arg5[%dma_wait3A_467, %dma_wait3A_468] : memref<51200x32xf32, #tpu.memory_space<vmem_shared>> -> memref<51200x32xf32, #tpu.memory_space<vmem_shared>>
      tpu.wait_indirect_dma semaphore(%arg15 : memref<!tpu.dma_semaphore, #tpu.memory_space<semaphore_mem>>) src(%dma_wait3A_463 : memref<128x32xf32, #tpu.memory_space<vmem>>) dst(%dma_wait3A_469 : memref<51200x32xf32, #tpu.memory_space<vmem_shared>>)
      %lt3A_470 = arith.constant 49 : i32
      %lt3A_471 = arith.cmpi slt, %scan3A_87, %lt3A_470 : i32
      %convert_element_type3A_472 = arith.extui %lt3A_471 : i1 to i32
      %cond3A_473 = arith.constant 0 : i32
      %cond3A_474 = arith.cmpi ne, %convert_element_type3A_472, %cond3A_473 : i32
      scf.if %cond3A_474 {
        %dma_start3A_503 = arith.constant 1 : i32
        %dma_start3A_504 = arith.constant 1 : i32
        %dma_start3A_505 = arith.constant 0 : i32
        %dma_start3A_506 = arith.constant 0 : i32
        %dma_start3A_507 = tpu.memref_slice %arg7[%dma_start3A_504, %dma_start3A_505, %dma_start3A_506] : memref<4x128x32xf32, #tpu.memory_space<vmem>> -> memref<1x128x32xf32, #tpu.memory_space<vmem>>
        %dma_start3A_508 = tpu.memref_squeeze %dma_start3A_507 : memref<1x128x32xf32, #tpu.memory_space<vmem>> -> memref<128x32xf32, #tpu.memory_space<vmem>>
        %dma_start3A_509 = arith.constant 0 : i32
        %dma_start3A_510 = tpu.memref_slice %arg8[%sub3A_89, %dma_start3A_503, %dma_start3A_509] : memref<2x8x128xi32, #tpu.memory_space<vmem>> -> memref<1x1x128xi32, #tpu.memory_space<vmem>>
        %dma_start3A_511 = tpu.memref_squeeze %dma_start3A_510 : memref<1x1x128xi32, #tpu.memory_space<vmem>> -> memref<128xi32, #tpu.memory_space<vmem>>
        %dma_start3A_512 = arith.constant 0 : i32
        %dma_start3A_513 = arith.constant 0 : i32
        %dma_start3A_514 = tpu.memref_slice %arg2[%arg0, %dma_start3A_512, %dma_start3A_513] : memref<2x51200x32xf32, #tpu.memory_space<hbm>> -> memref<1x51200x32xf32, #tpu.memory_space<hbm>>
        %dma_start3A_515 = tpu.memref_squeeze %dma_start3A_514 : memref<1x51200x32xf32, #tpu.memory_space<hbm>> -> memref<51200x32xf32, #tpu.memory_space<hbm>>
        %dma_start3A_516 = arith.constant 0 : i32
        %dma_start3A_517 = arith.constant 0 : i32
        %dma_start3A_518 = tpu.memref_slice %dma_start3A_515[%dma_start3A_516, %dma_start3A_517] : memref<51200x32xf32, #tpu.memory_space<hbm>> -> memref<51200x32xf32, #tpu.memory_space<hbm>>
        tpu.enqueue_indirect_dma source(%dma_start3A_518 : memref<51200x32xf32, #tpu.memory_space<hbm>>) target(%dma_start3A_508 : memref<128x32xf32, #tpu.memory_space<vmem>>) offsets(%dma_start3A_511 : memref<128xi32, #tpu.memory_space<vmem>>) semaphore(%arg11 : memref<!tpu.dma_semaphore, #tpu.memory_space<semaphore_mem>>)
      } else {
      }
      %dma_wait3A_475 = arith.constant 7 : i32
      %dma_wait3A_476 = arith.constant 3 : i32
      %dma_wait3A_477 = arith.constant 0 : i32
      %dma_wait3A_478 = arith.constant 0 : i32
      %dma_wait3A_479 = tpu.memref_slice %arg7[%dma_wait3A_476, %dma_wait3A_477, %dma_wait3A_478] : memref<4x128x32xf32, #tpu.memory_space<vmem>> -> memref<1x128x32xf32, #tpu.memory_space<vmem>>
      %dma_wait3A_480 = tpu.memref_squeeze %dma_wait3A_479 : memref<1x128x32xf32, #tpu.memory_space<vmem>> -> memref<128x32xf32, #tpu.memory_space<vmem>>
      %dma_wait3A_481 = arith.constant 0 : i32
      %dma_wait3A_482 = tpu.memref_slice %arg8[%rem3A_88, %dma_wait3A_475, %dma_wait3A_481] : memref<2x8x128xi32, #tpu.memory_space<vmem>> -> memref<1x1x128xi32, #tpu.memory_space<vmem>>
      %dma_wait3A_483 = tpu.memref_squeeze %dma_wait3A_482 : memref<1x1x128xi32, #tpu.memory_space<vmem>> -> memref<128xi32, #tpu.memory_space<vmem>>
      %dma_wait3A_484 = arith.constant 0 : i32
      %dma_wait3A_485 = arith.constant 0 : i32
      %dma_wait3A_486 = tpu.memref_slice %arg2[%arg0, %dma_wait3A_484, %dma_wait3A_485] : memref<2x51200x32xf32, #tpu.memory_space<hbm>> -> memref<1x51200x32xf32, #tpu.memory_space<hbm>>
      %dma_wait3A_487 = tpu.memref_squeeze %dma_wait3A_486 : memref<1x51200x32xf32, #tpu.memory_space<hbm>> -> memref<51200x32xf32, #tpu.memory_space<hbm>>
      %dma_wait3A_488 = arith.constant 0 : i32
      %dma_wait3A_489 = arith.constant 0 : i32
      %dma_wait3A_490 = tpu.memref_slice %dma_wait3A_487[%dma_wait3A_488, %dma_wait3A_489] : memref<51200x32xf32, #tpu.memory_space<hbm>> -> memref<51200x32xf32, #tpu.memory_space<hbm>>
      tpu.wait_indirect_dma semaphore(%arg13 : memref<!tpu.dma_semaphore, #tpu.memory_space<semaphore_mem>>) src(%dma_wait3A_490 : memref<51200x32xf32, #tpu.memory_space<hbm>>) dst(%dma_wait3A_480 : memref<128x32xf32, #tpu.memory_space<vmem>>)
      %dma_start3A_491 = arith.constant 3 : i32
      %dma_start3A_492 = arith.constant 7 : i32
      %dma_start3A_493 = arith.constant 0 : i32
      %dma_start3A_494 = arith.constant 0 : i32
      %dma_start3A_495 = tpu.memref_slice %arg7[%dma_start3A_491, %dma_start3A_493, %dma_start3A_494] : memref<4x128x32xf32, #tpu.memory_space<vmem>> -> memref<1x128x32xf32, #tpu.memory_space<vmem>>
      %dma_start3A_496 = tpu.memref_squeeze %dma_start3A_495 : memref<1x128x32xf32, #tpu.memory_space<vmem>> -> memref<128x32xf32, #tpu.memory_space<vmem>>
      %dma_start3A_497 = arith.constant 0 : i32
      %dma_start3A_498 = tpu.memref_slice %arg9[%rem3A_88, %dma_start3A_492, %dma_start3A_497] : memref<2x8x128xi32, #tpu.memory_space<vmem>> -> memref<1x1x128xi32, #tpu.memory_space<vmem>>
      %dma_start3A_499 = tpu.memref_squeeze %dma_start3A_498 : memref<1x1x128xi32, #tpu.memory_space<vmem>> -> memref<128xi32, #tpu.memory_space<vmem>>
      %dma_start3A_500 = arith.constant 0 : i32
      %dma_start3A_501 = arith.constant 0 : i32
      %dma_start3A_502 = tpu.memref_slice %arg5[%dma_start3A_500, %dma_start3A_501] : memref<51200x32xf32, #tpu.memory_space<vmem_shared>> -> memref<51200x32xf32, #tpu.memory_space<vmem_shared>>
      tpu.enqueue_indirect_dma source(%dma_start3A_496 : memref<128x32xf32, #tpu.memory_space<vmem>>) target(%dma_start3A_502 : memref<51200x32xf32, #tpu.memory_space<vmem_shared>>) offsets(%dma_start3A_499 : memref<128xi32, #tpu.memory_space<vmem>>) semaphore(%arg17 : memref<!tpu.dma_semaphore, #tpu.memory_space<semaphore_mem>>) {add = true}
    }
    %scan3A_56 = arith.constant 50 : i32
    %dma_wait3A = arith.constant 2 : i32
    %dma_wait3A_57 = arith.constant 0 : i32
    %dma_wait3A_58 = arith.constant 2 : i32
    %dma_wait3A_59 = arith.constant 0 : i32
    %dma_wait3A_60 = arith.constant 0 : i32
    %dma_wait3A_61 = tpu.memref_slice %arg7[%dma_wait3A, %dma_wait3A_59, %dma_wait3A_60] : memref<4x128x32xf32, #tpu.memory_space<vmem>> -> memref<1x128x32xf32, #tpu.memory_space<vmem>>
    %dma_wait3A_62 = tpu.memref_squeeze %dma_wait3A_61 : memref<1x128x32xf32, #tpu.memory_space<vmem>> -> memref<128x32xf32, #tpu.memory_space<vmem>>
    %dma_wait3A_63 = arith.constant 0 : i32
    %dma_wait3A_64 = tpu.memref_slice %arg9[%dma_wait3A_57, %dma_wait3A_58, %dma_wait3A_63] : memref<2x8x128xi32, #tpu.memory_space<vmem>> -> memref<1x1x128xi32, #tpu.memory_space<vmem>>
    %dma_wait3A_65 = tpu.memref_squeeze %dma_wait3A_64 : memref<1x1x128xi32, #tpu.memory_space<vmem>> -> memref<128xi32, #tpu.memory_space<vmem>>
    %dma_wait3A_66 = arith.constant 0 : i32
    %dma_wait3A_67 = arith.constant 0 : i32
    %dma_wait3A_68 = tpu.memref_slice %arg5[%dma_wait3A_66, %dma_wait3A_67] : memref<51200x32xf32, #tpu.memory_space<vmem_shared>> -> memref<51200x32xf32, #tpu.memory_space<vmem_shared>>
    tpu.wait_indirect_dma semaphore(%arg16 : memref<!tpu.dma_semaphore, #tpu.memory_space<semaphore_mem>>) src(%dma_wait3A_62 : memref<128x32xf32, #tpu.memory_space<vmem>>) dst(%dma_wait3A_68 : memref<51200x32xf32, #tpu.memory_space<vmem_shared>>)
    %dma_wait3A_69 = arith.constant 3 : i32
    %dma_wait3A_70 = arith.constant 0 : i32
    %dma_wait3A_71 = arith.constant 3 : i32
    %dma_wait3A_72 = arith.constant 0 : i32
    %dma_wait3A_73 = arith.constant 0 : i32
    %dma_wait3A_74 = tpu.memref_slice %arg7[%dma_wait3A_69, %dma_wait3A_72, %dma_wait3A_73] : memref<4x128x32xf32, #tpu.memory_space<vmem>> -> memref<1x128x32xf32, #tpu.memory_space<vmem>>
    %dma_wait3A_75 = tpu.memref_squeeze %dma_wait3A_74 : memref<1x128x32xf32, #tpu.memory_space<vmem>> -> memref<128x32xf32, #tpu.memory_space<vmem>>
    %dma_wait3A_76 = arith.constant 0 : i32
    %dma_wait3A_77 = tpu.memref_slice %arg9[%dma_wait3A_70, %dma_wait3A_71, %dma_wait3A_76] : memref<2x8x128xi32, #tpu.memory_space<vmem>> -> memref<1x1x128xi32, #tpu.memory_space<vmem>>
    %dma_wait3A_78 = tpu.memref_squeeze %dma_wait3A_77 : memref<1x1x128xi32, #tpu.memory_space<vmem>> -> memref<128xi32, #tpu.memory_space<vmem>>
    %dma_wait3A_79 = arith.constant 0 : i32
    %dma_wait3A_80 = arith.constant 0 : i32
    %dma_wait3A_81 = tpu.memref_slice %arg5[%dma_wait3A_79, %dma_wait3A_80] : memref<51200x32xf32, #tpu.memory_space<vmem_shared>> -> memref<51200x32xf32, #tpu.memory_space<vmem_shared>>
    tpu.wait_indirect_dma semaphore(%arg17 : memref<!tpu.dma_semaphore, #tpu.memory_space<semaphore_mem>>) src(%dma_wait3A_75 : memref<128x32xf32, #tpu.memory_space<vmem>>) dst(%dma_wait3A_81 : memref<51200x32xf32, #tpu.memory_space<vmem_shared>>)
    %barrier3A_82 = arith.constant 0 : index
    tpu.barrier barrier_id(%barrier3A_82)
    %mul3A_83 = arith.constant 3200 : i32
    %mul3A_84 = arith.muli %arg1, %mul3A_83 : i32
    %mul3A_85 = arith.constant 32 : i32
    %mul3A_86 = arith.muli %arg0, %mul3A_85 : i32
    "tpu.region"() ({
      %run_scoped3A_87 = tpu.sem_alloc : memref<!tpu.dma_semaphore, #tpu.memory_space<semaphore_mem>>
      %dma_start3A_88 = tpu.memref_slice %arg4[%mul3A_84, %mul3A_86] : memref<51200x128xf32, #tpu.memory_space<hbm>> -> memref<3200x32xf32, #tpu.memory_space<hbm>>
      %dma_start3A_89 = arith.constant 0 : i32
      %dma_start3A_90 = tpu.memref_slice %arg5[%mul3A_84, %dma_start3A_89] : memref<51200x32xf32, #tpu.memory_space<vmem_shared>> -> memref<3200x32xf32, #tpu.memory_space<vmem_shared>>
      tpu.enqueue_dma source(%dma_start3A_90 : memref<3200x32xf32, #tpu.memory_space<vmem_shared>>) target(%dma_start3A_88 : memref<3200x32xf32, #tpu.memory_space<hbm>>) target_semaphore(%run_scoped3A_87 : memref<!tpu.dma_semaphore, #tpu.memory_space<semaphore_mem>>)
      %dma_wait3A_91 = tpu.memref_slice %arg4[%mul3A_84, %mul3A_86] : memref<51200x128xf32, #tpu.memory_space<hbm>> -> memref<3200x32xf32, #tpu.memory_space<hbm>>
      %dma_wait3A_92 = arith.constant 0 : i32
      %dma_wait3A_93 = tpu.memref_slice %arg5[%mul3A_84, %dma_wait3A_92] : memref<51200x32xf32, #tpu.memory_space<vmem_shared>> -> memref<3200x32xf32, #tpu.memory_space<vmem_shared>>
      tpu.wait_dma2 semaphore(%run_scoped3A_87 : memref<!tpu.dma_semaphore, #tpu.memory_space<semaphore_mem>>) src(%dma_wait3A_93 : memref<3200x32xf32, #tpu.memory_space<vmem_shared>>) dst(%dma_wait3A_91 : memref<3200x32xf32, #tpu.memory_space<hbm>>)
      tpu.yield
    }) : () -> ()
    return
  }
}

#map = affine_map<(d0, d1) -> (0, 0, 0)>
module attributes {stable_mosaic.version = 14 : i64} {
  func.func @_hist_body(%arg0: i32, %arg1: i32, %arg2: memref<2x6400x128xi32, #tpu.memory_space<hbm>>, %arg3: memref<2x2x51200xf32, #tpu.memory_space<hbm>>, %arg4: memref<2x6400x128xi32, #tpu.memory_space<hbm>>, %arg5: memref<51200xf32, #tpu.memory_space<vmem_shared>>, %arg6: memref<51200xf32, #tpu.memory_space<vmem_shared>>, %arg7: memref<3200xf32, #tpu.memory_space<vmem>>, %arg8: memref<128xf32, #tpu.memory_space<vmem>>, %arg9: memref<2x2x8x128xi32, #tpu.memory_space<vmem>>, %arg10: memref<!tpu.dma_semaphore, #tpu.memory_space<semaphore_mem>>, %arg11: memref<!tpu.dma_semaphore, #tpu.memory_space<semaphore_mem>>, %arg12: memref<!tpu.dma_semaphore, #tpu.memory_space<semaphore_mem>>, %arg13: memref<!tpu.dma_semaphore, #tpu.memory_space<semaphore_mem>>, %arg14: memref<!tpu.dma_semaphore, #tpu.memory_space<semaphore_mem>>, %arg15: memref<!tpu.dma_semaphore, #tpu.memory_space<semaphore_mem>>, %arg16: memref<!tpu.dma_semaphore, #tpu.memory_space<semaphore_mem>>, %arg17: memref<!tpu.dma_semaphore, #tpu.memory_space<semaphore_mem>>) attributes {dimension_semantics = [#tpu.dimension_semantics<core_parallel>, #tpu.dimension_semantics<subcore_parallel>], iteration_bounds = array<i64: 2, 16>, scalar_prefetch = 0 : i64, scratch_operands = 13 : i64, tpu.core_type = #tpu.core_type<sc_vector_subcore>, window_params = [{transform_indices = #map}, {transform_indices = #map}, {transform_indices = #map}]} {
    %mul3A = arith.constant 2 : i32
    %mul3A_0 = arith.muli %arg1, %mul3A : i32
    %add3A = arith.addi %mul3A_0, %arg0 : i32
    %scan3A = arith.constant 0 : i32
    %scan3A_1 = arith.constant 0 : i32
    %scan3A_2 = arith.constant 200 : i32
    %scan3A_3 = arith.addi %scan3A_1, %scan3A_2 : i32
    %scan3A_4 = arith.constant 1 : i32
    scf.for %scan3A_73 = %scan3A_1 to %scan3A_3 step %scan3A_4  : i32 {
      %broadcast_in_dim3A = arith.constant 0.000000e+00 : f32
      %broadcast_in_dim3A_74 = vector.broadcast %broadcast_in_dim3A : f32 to vector<16xf32>
      %mul3A_75 = arith.constant 16 : i32
      %mul3A_76 = arith.muli %scan3A_73, %mul3A_75 : i32
      %swap3A = arith.index_cast %mul3A_76 : i32 to index
      %swap3A_77 = tpu.vector_load %arg7[%swap3A] {strides = array<i32>} : memref<3200xf32, #tpu.memory_space<vmem>>, vector<16xf32>,
      %swap3A_78 = vector.shape_cast %swap3A_77 : vector<16xf32> to vector<16xf32>
      %swap3A_79 = vector.shape_cast %broadcast_in_dim3A_74 : vector<16xf32> to vector<16xf32>
      tpu.vector_store %arg7[%swap3A], %swap3A_79 {strides = array<i32>} : memref<3200xf32, #tpu.memory_space<vmem>>, vector<16xf32>,
    }
    %scan3A_5 = arith.constant 200 : i32
    %scan3A_6 = arith.constant 0 : i32
    %scan3A_7 = arith.constant 0 : i32
    %scan3A_8 = arith.constant 8 : i32
    %scan3A_9 = arith.addi %scan3A_7, %scan3A_8 : i32
    %scan3A_10 = arith.constant 1 : i32
    scf.for %scan3A_73 = %scan3A_7 to %scan3A_9 step %scan3A_10  : i32 {
      %broadcast_in_dim3A = arith.constant 1.000000e+00 : f32
      %broadcast_in_dim3A_74 = vector.broadcast %broadcast_in_dim3A : f32 to vector<16xf32>
      %mul3A_75 = arith.constant 16 : i32
      %mul3A_76 = arith.muli %scan3A_73, %mul3A_75 : i32
      %swap3A = arith.index_cast %mul3A_76 : i32 to index
      %swap3A_77 = tpu.vector_load %arg8[%swap3A] {strides = array<i32>} : memref<128xf32, #tpu.memory_space<vmem>>, vector<16xf32>,
      %swap3A_78 = vector.shape_cast %swap3A_77 : vector<16xf32> to vector<16xf32>
      %swap3A_79 = vector.shape_cast %broadcast_in_dim3A_74 : vector<16xf32> to vector<16xf32>
      tpu.vector_store %arg8[%swap3A], %swap3A_79 {strides = array<i32>} : memref<128xf32, #tpu.memory_space<vmem>>, vector<16xf32>,
    }
    %scan3A_11 = arith.constant 8 : i32
    %mul3A_12 = arith.constant 3200 : i32
    %mul3A_13 = arith.muli %arg1, %mul3A_12 : i32
    "tpu.region"() ({
      %run_scoped3A_73 = tpu.sem_alloc : memref<!tpu.dma_semaphore, #tpu.memory_space<semaphore_mem>>
      %dma_start3A = tpu.memref_slice %arg5[%mul3A_13] : memref<51200xf32, #tpu.memory_space<vmem_shared>> -> memref<3200xf32, #tpu.memory_space<vmem_shared>>
      %dma_start3A_74 = tpu.memref_slice %arg5[%mul3A_13] : memref<51200xf32, #tpu.memory_space<vmem_shared>> -> memref<3200xf32, #tpu.memory_space<vmem_shared>>
      tpu.enqueue_dma source(%arg7 : memref<3200xf32, #tpu.memory_space<vmem>>) target(%dma_start3A_74 : memref<3200xf32, #tpu.memory_space<vmem_shared>>) target_semaphore(%run_scoped3A_73 : memref<!tpu.dma_semaphore, #tpu.memory_space<semaphore_mem>>)
      %dma_wait3A_75 = tpu.memref_slice %arg5[%mul3A_13] : memref<51200xf32, #tpu.memory_space<vmem_shared>> -> memref<3200xf32, #tpu.memory_space<vmem_shared>>
      %dma_wait3A_76 = tpu.memref_slice %arg5[%mul3A_13] : memref<51200xf32, #tpu.memory_space<vmem_shared>> -> memref<3200xf32, #tpu.memory_space<vmem_shared>>
      tpu.wait_dma2 semaphore(%run_scoped3A_73 : memref<!tpu.dma_semaphore, #tpu.memory_space<semaphore_mem>>) src(%arg7 : memref<3200xf32, #tpu.memory_space<vmem>>) dst(%dma_wait3A_76 : memref<3200xf32, #tpu.memory_space<vmem_shared>>)
      tpu.yield
    }) : () -> ()
    %mul3A_14 = arith.constant 3200 : i32
    %mul3A_15 = arith.muli %arg1, %mul3A_14 : i32
    "tpu.region"() ({
      %run_scoped3A_73 = tpu.sem_alloc : memref<!tpu.dma_semaphore, #tpu.memory_space<semaphore_mem>>
      %dma_start3A = tpu.memref_slice %arg6[%mul3A_15] : memref<51200xf32, #tpu.memory_space<vmem_shared>> -> memref<3200xf32, #tpu.memory_space<vmem_shared>>
      %dma_start3A_74 = tpu.memref_slice %arg6[%mul3A_15] : memref<51200xf32, #tpu.memory_space<vmem_shared>> -> memref<3200xf32, #tpu.memory_space<vmem_shared>>
      tpu.enqueue_dma source(%arg7 : memref<3200xf32, #tpu.memory_space<vmem>>) target(%dma_start3A_74 : memref<3200xf32, #tpu.memory_space<vmem_shared>>) target_semaphore(%run_scoped3A_73 : memref<!tpu.dma_semaphore, #tpu.memory_space<semaphore_mem>>)
      %dma_wait3A_75 = tpu.memref_slice %arg6[%mul3A_15] : memref<51200xf32, #tpu.memory_space<vmem_shared>> -> memref<3200xf32, #tpu.memory_space<vmem_shared>>
      %dma_wait3A_76 = tpu.memref_slice %arg6[%mul3A_15] : memref<51200xf32, #tpu.memory_space<vmem_shared>> -> memref<3200xf32, #tpu.memory_space<vmem_shared>>
      tpu.wait_dma2 semaphore(%run_scoped3A_73 : memref<!tpu.dma_semaphore, #tpu.memory_space<semaphore_mem>>) src(%arg7 : memref<3200xf32, #tpu.memory_space<vmem>>) dst(%dma_wait3A_76 : memref<3200xf32, #tpu.memory_space<vmem_shared>>)
      tpu.yield
    }) : () -> ()
    %barrier3A = arith.constant 0 : index
    tpu.barrier barrier_id(%barrier3A)
    %mul3A_16 = arith.constant 200 : i32
    %mul3A_17 = arith.muli %add3A, %mul3A_16 : i32
    %add3A_18 = arith.constant 0 : i32
    %add3A_19 = arith.addi %mul3A_17, %add3A_18 : i32
    %run_scoped3A = arith.constant 0 : i32
    %run_scoped3A_20 = arith.constant 0 : i32
    %run_scoped3A_21 = arith.constant 0 : i32
    "tpu.region"() ({
      %run_scoped3A_73 = tpu.sem_alloc : memref<!tpu.dma_semaphore, #tpu.memory_space<semaphore_mem>>
      %dma_start3A = arith.constant 0 : i32
      %dma_start3A_74 = arith.constant 0 : i32
      %dma_start3A_75 = tpu.memref_slice %arg9[%run_scoped3A_20, %run_scoped3A_21, %dma_start3A, %dma_start3A_74] : memref<2x2x8x128xi32, #tpu.memory_space<vmem>> -> memref<1x1x8x128xi32, #tpu.memory_space<vmem>>
      %dma_start3A_76 = tpu.memref_squeeze %dma_start3A_75 : memref<1x1x8x128xi32, #tpu.memory_space<vmem>> -> memref<8x128xi32, #tpu.memory_space<vmem>>
      %dma_start3A_77 = arith.constant 0 : i32
      %dma_start3A_78 = tpu.memref_slice %arg2[%run_scoped3A, %add3A_19, %dma_start3A_77] : memref<2x6400x128xi32, #tpu.memory_space<hbm>> -> memref<1x8x128xi32, #tpu.memory_space<hbm>>
      %dma_start3A_79 = tpu.memref_squeeze %dma_start3A_78 : memref<1x8x128xi32, #tpu.memory_space<hbm>> -> memref<8x128xi32, #tpu.memory_space<hbm>>
      %dma_start3A_80 = arith.constant 0 : i32
      %dma_start3A_81 = arith.constant 0 : i32
      %dma_start3A_82 = tpu.memref_slice %arg9[%run_scoped3A_20, %run_scoped3A_21, %dma_start3A_80, %dma_start3A_81] : memref<2x2x8x128xi32, #tpu.memory_space<vmem>> -> memref<1x1x8x128xi32, #tpu.memory_space<vmem>>
      %dma_start3A_83 = tpu.memref_squeeze %dma_start3A_82 : memref<1x1x8x128xi32, #tpu.memory_space<vmem>> -> memref<8x128xi32, #tpu.memory_space<vmem>>
      %dma_start3A_84 = arith.constant 0 : i32
      %dma_start3A_85 = tpu.memref_slice %arg2[%run_scoped3A, %add3A_19, %dma_start3A_84] : memref<2x6400x128xi32, #tpu.memory_space<hbm>> -> memref<1x8x128xi32, #tpu.memory_space<hbm>>
      %dma_start3A_86 = tpu.memref_squeeze %dma_start3A_85 : memref<1x8x128xi32, #tpu.memory_space<hbm>> -> memref<8x128xi32, #tpu.memory_space<hbm>>
      tpu.enqueue_dma source(%dma_start3A_86 : memref<8x128xi32, #tpu.memory_space<hbm>>) target(%dma_start3A_83 : memref<8x128xi32, #tpu.memory_space<vmem>>) target_semaphore(%run_scoped3A_73 : memref<!tpu.dma_semaphore, #tpu.memory_space<semaphore_mem>>)
      %dma_wait3A_87 = arith.constant 0 : i32
      %dma_wait3A_88 = arith.constant 0 : i32
      %dma_wait3A_89 = tpu.memref_slice %arg9[%run_scoped3A_20, %run_scoped3A_21, %dma_wait3A_87, %dma_wait3A_88] : memref<2x2x8x128xi32, #tpu.memory_space<vmem>> -> memref<1x1x8x128xi32, #tpu.memory_space<vmem>>
      %dma_wait3A_90 = tpu.memref_squeeze %dma_wait3A_89 : memref<1x1x8x128xi32, #tpu.memory_space<vmem>> -> memref<8x128xi32, #tpu.memory_space<vmem>>
      %dma_wait3A_91 = arith.constant 0 : i32
      %dma_wait3A_92 = tpu.memref_slice %arg2[%run_scoped3A, %add3A_19, %dma_wait3A_91] : memref<2x6400x128xi32, #tpu.memory_space<hbm>> -> memref<1x8x128xi32, #tpu.memory_space<hbm>>
      %dma_wait3A_93 = tpu.memref_squeeze %dma_wait3A_92 : memref<1x8x128xi32, #tpu.memory_space<hbm>> -> memref<8x128xi32, #tpu.memory_space<hbm>>
      %dma_wait3A_94 = arith.constant 0 : i32
      %dma_wait3A_95 = arith.constant 0 : i32
      %dma_wait3A_96 = tpu.memref_slice %arg9[%run_scoped3A_20, %run_scoped3A_21, %dma_wait3A_94, %dma_wait3A_95] : memref<2x2x8x128xi32, #tpu.memory_space<vmem>> -> memref<1x1x8x128xi32, #tpu.memory_space<vmem>>
      %dma_wait3A_97 = tpu.memref_squeeze %dma_wait3A_96 : memref<1x1x8x128xi32, #tpu.memory_space<vmem>> -> memref<8x128xi32, #tpu.memory_space<vmem>>
      %dma_wait3A_98 = arith.constant 0 : i32
      %dma_wait3A_99 = tpu.memref_slice %arg2[%run_scoped3A, %add3A_19, %dma_wait3A_98] : memref<2x6400x128xi32, #tpu.memory_space<hbm>> -> memref<1x8x128xi32, #tpu.memory_space<hbm>>
      %dma_wait3A_100 = tpu.memref_squeeze %dma_wait3A_99 : memref<1x8x128xi32, #tpu.memory_space<hbm>> -> memref<8x128xi32, #tpu.memory_space<hbm>>
      tpu.wait_dma2 semaphore(%run_scoped3A_73 : memref<!tpu.dma_semaphore, #tpu.memory_space<semaphore_mem>>) src(%dma_wait3A_100 : memref<8x128xi32, #tpu.memory_space<hbm>>) dst(%dma_wait3A_97 : memref<8x128xi32, #tpu.memory_space<vmem>>)
      tpu.yield
    }) : () -> ()
    %run_scoped3A_22 = arith.constant 1 : i32
    %run_scoped3A_23 = arith.constant 1 : i32
    %run_scoped3A_24 = arith.constant 0 : i32
    "tpu.region"() ({
      %run_scoped3A_73 = tpu.sem_alloc : memref<!tpu.dma_semaphore, #tpu.memory_space<semaphore_mem>>
      %dma_start3A = arith.constant 0 : i32
      %dma_start3A_74 = arith.constant 0 : i32
      %dma_start3A_75 = tpu.memref_slice %arg9[%run_scoped3A_23, %run_scoped3A_24, %dma_start3A, %dma_start3A_74] : memref<2x2x8x128xi32, #tpu.memory_space<vmem>> -> memref<1x1x8x128xi32, #tpu.memory_space<vmem>>
      %dma_start3A_76 = tpu.memref_squeeze %dma_start3A_75 : memref<1x1x8x128xi32, #tpu.memory_space<vmem>> -> memref<8x128xi32, #tpu.memory_space<vmem>>
      %dma_start3A_77 = arith.constant 0 : i32
      %dma_start3A_78 = tpu.memref_slice %arg2[%run_scoped3A_22, %add3A_19, %dma_start3A_77] : memref<2x6400x128xi32, #tpu.memory_space<hbm>> -> memref<1x8x128xi32, #tpu.memory_space<hbm>>
      %dma_start3A_79 = tpu.memref_squeeze %dma_start3A_78 : memref<1x8x128xi32, #tpu.memory_space<hbm>> -> memref<8x128xi32, #tpu.memory_space<hbm>>
      %dma_start3A_80 = arith.constant 0 : i32
      %dma_start3A_81 = arith.constant 0 : i32
      %dma_start3A_82 = tpu.memref_slice %arg9[%run_scoped3A_23, %run_scoped3A_24, %dma_start3A_80, %dma_start3A_81] : memref<2x2x8x128xi32, #tpu.memory_space<vmem>> -> memref<1x1x8x128xi32, #tpu.memory_space<vmem>>
      %dma_start3A_83 = tpu.memref_squeeze %dma_start3A_82 : memref<1x1x8x128xi32, #tpu.memory_space<vmem>> -> memref<8x128xi32, #tpu.memory_space<vmem>>
      %dma_start3A_84 = arith.constant 0 : i32
      %dma_start3A_85 = tpu.memref_slice %arg2[%run_scoped3A_22, %add3A_19, %dma_start3A_84] : memref<2x6400x128xi32, #tpu.memory_space<hbm>> -> memref<1x8x128xi32, #tpu.memory_space<hbm>>
      %dma_start3A_86 = tpu.memref_squeeze %dma_start3A_85 : memref<1x8x128xi32, #tpu.memory_space<hbm>> -> memref<8x128xi32, #tpu.memory_space<hbm>>
      tpu.enqueue_dma source(%dma_start3A_86 : memref<8x128xi32, #tpu.memory_space<hbm>>) target(%dma_start3A_83 : memref<8x128xi32, #tpu.memory_space<vmem>>) target_semaphore(%run_scoped3A_73 : memref<!tpu.dma_semaphore, #tpu.memory_space<semaphore_mem>>)
      %dma_wait3A_87 = arith.constant 0 : i32
      %dma_wait3A_88 = arith.constant 0 : i32
      %dma_wait3A_89 = tpu.memref_slice %arg9[%run_scoped3A_23, %run_scoped3A_24, %dma_wait3A_87, %dma_wait3A_88] : memref<2x2x8x128xi32, #tpu.memory_space<vmem>> -> memref<1x1x8x128xi32, #tpu.memory_space<vmem>>
      %dma_wait3A_90 = tpu.memref_squeeze %dma_wait3A_89 : memref<1x1x8x128xi32, #tpu.memory_space<vmem>> -> memref<8x128xi32, #tpu.memory_space<vmem>>
      %dma_wait3A_91 = arith.constant 0 : i32
      %dma_wait3A_92 = tpu.memref_slice %arg2[%run_scoped3A_22, %add3A_19, %dma_wait3A_91] : memref<2x6400x128xi32, #tpu.memory_space<hbm>> -> memref<1x8x128xi32, #tpu.memory_space<hbm>>
      %dma_wait3A_93 = tpu.memref_squeeze %dma_wait3A_92 : memref<1x8x128xi32, #tpu.memory_space<hbm>> -> memref<8x128xi32, #tpu.memory_space<hbm>>
      %dma_wait3A_94 = arith.constant 0 : i32
      %dma_wait3A_95 = arith.constant 0 : i32
      %dma_wait3A_96 = tpu.memref_slice %arg9[%run_scoped3A_23, %run_scoped3A_24, %dma_wait3A_94, %dma_wait3A_95] : memref<2x2x8x128xi32, #tpu.memory_space<vmem>> -> memref<1x1x8x128xi32, #tpu.memory_space<vmem>>
      %dma_wait3A_97 = tpu.memref_squeeze %dma_wait3A_96 : memref<1x1x8x128xi32, #tpu.memory_space<vmem>> -> memref<8x128xi32, #tpu.memory_space<vmem>>
      %dma_wait3A_98 = arith.constant 0 : i32
      %dma_wait3A_99 = tpu.memref_slice %arg2[%run_scoped3A_22, %add3A_19, %dma_wait3A_98] : memref<2x6400x128xi32, #tpu.memory_space<hbm>> -> memref<1x8x128xi32, #tpu.memory_space<hbm>>
      %dma_wait3A_100 = tpu.memref_squeeze %dma_wait3A_99 : memref<1x8x128xi32, #tpu.memory_space<hbm>> -> memref<8x128xi32, #tpu.memory_space<hbm>>
      tpu.wait_dma2 semaphore(%run_scoped3A_73 : memref<!tpu.dma_semaphore, #tpu.memory_space<semaphore_mem>>) src(%dma_wait3A_100 : memref<8x128xi32, #tpu.memory_space<hbm>>) dst(%dma_wait3A_97 : memref<8x128xi32, #tpu.memory_space<vmem>>)
      tpu.yield
    }) : () -> ()
    %run_scoped3A_25 = arith.constant 0 : i32
    %run_scoped3A_26 = arith.constant 0 : i32
    %run_scoped3A_27 = arith.constant 0 : i32
    "tpu.region"() ({
      %run_scoped3A_73 = tpu.sem_alloc : memref<!tpu.dma_semaphore, #tpu.memory_space<semaphore_mem>>
      %dma_start3A = arith.constant 0 : i32
      %dma_start3A_74 = arith.constant 0 : i32
      %dma_start3A_75 = tpu.memref_slice %arg9[%run_scoped3A_25, %run_scoped3A_26, %dma_start3A, %dma_start3A_74] : memref<2x2x8x128xi32, #tpu.memory_space<vmem>> -> memref<1x1x8x128xi32, #tpu.memory_space<vmem>>
      %dma_start3A_76 = tpu.memref_squeeze %dma_start3A_75 : memref<1x1x8x128xi32, #tpu.memory_space<vmem>> -> memref<8x128xi32, #tpu.memory_space<vmem>>
      %dma_start3A_77 = arith.constant 0 : i32
      %dma_start3A_78 = tpu.memref_slice %arg4[%run_scoped3A_27, %add3A_19, %dma_start3A_77] : memref<2x6400x128xi32, #tpu.memory_space<hbm>> -> memref<1x8x128xi32, #tpu.memory_space<hbm>>
      %dma_start3A_79 = tpu.memref_squeeze %dma_start3A_78 : memref<1x8x128xi32, #tpu.memory_space<hbm>> -> memref<8x128xi32, #tpu.memory_space<hbm>>
      %dma_start3A_80 = arith.constant 0 : i32
      %dma_start3A_81 = tpu.memref_slice %arg4[%run_scoped3A_27, %add3A_19, %dma_start3A_80] : memref<2x6400x128xi32, #tpu.memory_space<hbm>> -> memref<1x8x128xi32, #tpu.memory_space<hbm>>
      %dma_start3A_82 = tpu.memref_squeeze %dma_start3A_81 : memref<1x8x128xi32, #tpu.memory_space<hbm>> -> memref<8x128xi32, #tpu.memory_space<hbm>>
      %dma_start3A_83 = arith.constant 0 : i32
      %dma_start3A_84 = arith.constant 0 : i32
      %dma_start3A_85 = tpu.memref_slice %arg9[%run_scoped3A_25, %run_scoped3A_26, %dma_start3A_83, %dma_start3A_84] : memref<2x2x8x128xi32, #tpu.memory_space<vmem>> -> memref<1x1x8x128xi32, #tpu.memory_space<vmem>>
      %dma_start3A_86 = tpu.memref_squeeze %dma_start3A_85 : memref<1x1x8x128xi32, #tpu.memory_space<vmem>> -> memref<8x128xi32, #tpu.memory_space<vmem>>
      tpu.enqueue_dma source(%dma_start3A_86 : memref<8x128xi32, #tpu.memory_space<vmem>>) target(%dma_start3A_82 : memref<8x128xi32, #tpu.memory_space<hbm>>) target_semaphore(%run_scoped3A_73 : memref<!tpu.dma_semaphore, #tpu.memory_space<semaphore_mem>>)
      %dma_wait3A_87 = arith.constant 0 : i32
      %dma_wait3A_88 = arith.constant 0 : i32
      %dma_wait3A_89 = tpu.memref_slice %arg9[%run_scoped3A_25, %run_scoped3A_26, %dma_wait3A_87, %dma_wait3A_88] : memref<2x2x8x128xi32, #tpu.memory_space<vmem>> -> memref<1x1x8x128xi32, #tpu.memory_space<vmem>>
      %dma_wait3A_90 = tpu.memref_squeeze %dma_wait3A_89 : memref<1x1x8x128xi32, #tpu.memory_space<vmem>> -> memref<8x128xi32, #tpu.memory_space<vmem>>
      %dma_wait3A_91 = arith.constant 0 : i32
      %dma_wait3A_92 = tpu.memref_slice %arg4[%run_scoped3A_27, %add3A_19, %dma_wait3A_91] : memref<2x6400x128xi32, #tpu.memory_space<hbm>> -> memref<1x8x128xi32, #tpu.memory_space<hbm>>
      %dma_wait3A_93 = tpu.memref_squeeze %dma_wait3A_92 : memref<1x8x128xi32, #tpu.memory_space<hbm>> -> memref<8x128xi32, #tpu.memory_space<hbm>>
      %dma_wait3A_94 = arith.constant 0 : i32
      %dma_wait3A_95 = tpu.memref_slice %arg4[%run_scoped3A_27, %add3A_19, %dma_wait3A_94] : memref<2x6400x128xi32, #tpu.memory_space<hbm>> -> memref<1x8x128xi32, #tpu.memory_space<hbm>>
      %dma_wait3A_96 = tpu.memref_squeeze %dma_wait3A_95 : memref<1x8x128xi32, #tpu.memory_space<hbm>> -> memref<8x128xi32, #tpu.memory_space<hbm>>
      %dma_wait3A_97 = arith.constant 0 : i32
      %dma_wait3A_98 = arith.constant 0 : i32
      %dma_wait3A_99 = tpu.memref_slice %arg9[%run_scoped3A_25, %run_scoped3A_26, %dma_wait3A_97, %dma_wait3A_98] : memref<2x2x8x128xi32, #tpu.memory_space<vmem>> -> memref<1x1x8x128xi32, #tpu.memory_space<vmem>>
      %dma_wait3A_100 = tpu.memref_squeeze %dma_wait3A_99 : memref<1x1x8x128xi32, #tpu.memory_space<vmem>> -> memref<8x128xi32, #tpu.memory_space<vmem>>
      tpu.wait_dma2 semaphore(%run_scoped3A_73 : memref<!tpu.dma_semaphore, #tpu.memory_space<semaphore_mem>>) src(%dma_wait3A_100 : memref<8x128xi32, #tpu.memory_space<vmem>>) dst(%dma_wait3A_96 : memref<8x128xi32, #tpu.memory_space<hbm>>)
      tpu.yield
    }) : () -> ()
    %run_scoped3A_28 = arith.constant 1 : i32
    %run_scoped3A_29 = arith.constant 0 : i32
    %run_scoped3A_30 = arith.constant 1 : i32
    "tpu.region"() ({
      %run_scoped3A_73 = tpu.sem_alloc : memref<!tpu.dma_semaphore, #tpu.memory_space<semaphore_mem>>
      %dma_start3A = arith.constant 0 : i32
      %dma_start3A_74 = arith.constant 0 : i32
      %dma_start3A_75 = tpu.memref_slice %arg9[%run_scoped3A_28, %run_scoped3A_29, %dma_start3A, %dma_start3A_74] : memref<2x2x8x128xi32, #tpu.memory_space<vmem>> -> memref<1x1x8x128xi32, #tpu.memory_space<vmem>>
      %dma_start3A_76 = tpu.memref_squeeze %dma_start3A_75 : memref<1x1x8x128xi32, #tpu.memory_space<vmem>> -> memref<8x128xi32, #tpu.memory_space<vmem>>
      %dma_start3A_77 = arith.constant 0 : i32
      %dma_start3A_78 = tpu.memref_slice %arg4[%run_scoped3A_30, %add3A_19, %dma_start3A_77] : memref<2x6400x128xi32, #tpu.memory_space<hbm>> -> memref<1x8x128xi32, #tpu.memory_space<hbm>>
      %dma_start3A_79 = tpu.memref_squeeze %dma_start3A_78 : memref<1x8x128xi32, #tpu.memory_space<hbm>> -> memref<8x128xi32, #tpu.memory_space<hbm>>
      %dma_start3A_80 = arith.constant 0 : i32
      %dma_start3A_81 = tpu.memref_slice %arg4[%run_scoped3A_30, %add3A_19, %dma_start3A_80] : memref<2x6400x128xi32, #tpu.memory_space<hbm>> -> memref<1x8x128xi32, #tpu.memory_space<hbm>>
      %dma_start3A_82 = tpu.memref_squeeze %dma_start3A_81 : memref<1x8x128xi32, #tpu.memory_space<hbm>> -> memref<8x128xi32, #tpu.memory_space<hbm>>
      %dma_start3A_83 = arith.constant 0 : i32
      %dma_start3A_84 = arith.constant 0 : i32
      %dma_start3A_85 = tpu.memref_slice %arg9[%run_scoped3A_28, %run_scoped3A_29, %dma_start3A_83, %dma_start3A_84] : memref<2x2x8x128xi32, #tpu.memory_space<vmem>> -> memref<1x1x8x128xi32, #tpu.memory_space<vmem>>
      %dma_start3A_86 = tpu.memref_squeeze %dma_start3A_85 : memref<1x1x8x128xi32, #tpu.memory_space<vmem>> -> memref<8x128xi32, #tpu.memory_space<vmem>>
      tpu.enqueue_dma source(%dma_start3A_86 : memref<8x128xi32, #tpu.memory_space<vmem>>) target(%dma_start3A_82 : memref<8x128xi32, #tpu.memory_space<hbm>>) target_semaphore(%run_scoped3A_73 : memref<!tpu.dma_semaphore, #tpu.memory_space<semaphore_mem>>)
      %dma_wait3A_87 = arith.constant 0 : i32
      %dma_wait3A_88 = arith.constant 0 : i32
      %dma_wait3A_89 = tpu.memref_slice %arg9[%run_scoped3A_28, %run_scoped3A_29, %dma_wait3A_87, %dma_wait3A_88] : memref<2x2x8x128xi32, #tpu.memory_space<vmem>> -> memref<1x1x8x128xi32, #tpu.memory_space<vmem>>
      %dma_wait3A_90 = tpu.memref_squeeze %dma_wait3A_89 : memref<1x1x8x128xi32, #tpu.memory_space<vmem>> -> memref<8x128xi32, #tpu.memory_space<vmem>>
      %dma_wait3A_91 = arith.constant 0 : i32
      %dma_wait3A_92 = tpu.memref_slice %arg4[%run_scoped3A_30, %add3A_19, %dma_wait3A_91] : memref<2x6400x128xi32, #tpu.memory_space<hbm>> -> memref<1x8x128xi32, #tpu.memory_space<hbm>>
      %dma_wait3A_93 = tpu.memref_squeeze %dma_wait3A_92 : memref<1x8x128xi32, #tpu.memory_space<hbm>> -> memref<8x128xi32, #tpu.memory_space<hbm>>
      %dma_wait3A_94 = arith.constant 0 : i32
      %dma_wait3A_95 = tpu.memref_slice %arg4[%run_scoped3A_30, %add3A_19, %dma_wait3A_94] : memref<2x6400x128xi32, #tpu.memory_space<hbm>> -> memref<1x8x128xi32, #tpu.memory_space<hbm>>
      %dma_wait3A_96 = tpu.memref_squeeze %dma_wait3A_95 : memref<1x8x128xi32, #tpu.memory_space<hbm>> -> memref<8x128xi32, #tpu.memory_space<hbm>>
      %dma_wait3A_97 = arith.constant 0 : i32
      %dma_wait3A_98 = arith.constant 0 : i32
      %dma_wait3A_99 = tpu.memref_slice %arg9[%run_scoped3A_28, %run_scoped3A_29, %dma_wait3A_97, %dma_wait3A_98] : memref<2x2x8x128xi32, #tpu.memory_space<vmem>> -> memref<1x1x8x128xi32, #tpu.memory_space<vmem>>
      %dma_wait3A_100 = tpu.memref_squeeze %dma_wait3A_99 : memref<1x1x8x128xi32, #tpu.memory_space<vmem>> -> memref<8x128xi32, #tpu.memory_space<vmem>>
      tpu.wait_dma2 semaphore(%run_scoped3A_73 : memref<!tpu.dma_semaphore, #tpu.memory_space<semaphore_mem>>) src(%dma_wait3A_100 : memref<8x128xi32, #tpu.memory_space<vmem>>) dst(%dma_wait3A_96 : memref<8x128xi32, #tpu.memory_space<hbm>>)
      tpu.yield
    }) : () -> ()
    %scan3A_31 = arith.constant 0 : i32
    %scan3A_32 = arith.constant 0 : i32
    %scan3A_33 = arith.constant 25 : i32
    %scan3A_34 = arith.addi %scan3A_32, %scan3A_33 : i32
    %scan3A_35 = arith.constant 1 : i32
    scf.for %scan3A_73 = %scan3A_32 to %scan3A_34 step %scan3A_35  : i32 {
      %rem3A = arith.constant 2 : i32
      %rem3A_74 = arith.remsi %scan3A_73, %rem3A : i32
      %sub3A = arith.constant 1 : i32
      %sub3A_75 = arith.subi %sub3A, %rem3A_74 : i32
      %gt3A = arith.constant 0 : i32
      %gt3A_76 = arith.cmpi sgt, %scan3A_73, %gt3A : i32
      %convert_element_type3A = arith.extui %gt3A_76 : i1 to i32
      %cond3A = arith.constant 0 : i32
      %cond3A_77 = arith.cmpi ne, %convert_element_type3A, %cond3A : i32
      scf.if %cond3A_77 {
        %dma_wait3A_294 = arith.constant 0 : i32
        %dma_wait3A_295 = arith.constant 0 : i32
        %dma_wait3A_296 = arith.constant 0 : i32
        %dma_wait3A_297 = arith.constant 0 : i32
        %dma_wait3A_298 = tpu.memref_slice %arg9[%dma_wait3A_294, %dma_wait3A_295, %dma_wait3A_296, %dma_wait3A_297] : memref<2x2x8x128xi32, #tpu.memory_space<vmem>> -> memref<1x1x1x128xi32, #tpu.memory_space<vmem>>
        %dma_wait3A_299 = tpu.memref_squeeze %dma_wait3A_298 : memref<1x1x1x128xi32, #tpu.memory_space<vmem>> -> memref<128xi32, #tpu.memory_space<vmem>>
        %dma_wait3A_300 = arith.constant 0 : i32
        %dma_wait3A_301 = tpu.memref_slice %arg5[%dma_wait3A_300] : memref<51200xf32, #tpu.memory_space<vmem_shared>> -> memref<51200xf32, #tpu.memory_space<vmem_shared>>
        tpu.wait_indirect_dma semaphore(%arg12 : memref<!tpu.dma_semaphore, #tpu.memory_space<semaphore_mem>>) src(%arg8 : memref<128xf32, #tpu.memory_space<vmem>>) dst(%dma_wait3A_301 : memref<51200xf32, #tpu.memory_space<vmem_shared>>)
        %dma_wait3A_302 = arith.constant 1 : i32
        %dma_wait3A_303 = arith.constant 0 : i32
        %dma_wait3A_304 = arith.constant 0 : i32
        %dma_wait3A_305 = arith.constant 0 : i32
        %dma_wait3A_306 = tpu.memref_slice %arg9[%dma_wait3A_302, %dma_wait3A_303, %dma_wait3A_304, %dma_wait3A_305] : memref<2x2x8x128xi32, #tpu.memory_space<vmem>> -> memref<1x1x1x128xi32, #tpu.memory_space<vmem>>
        %dma_wait3A_307 = tpu.memref_squeeze %dma_wait3A_306 : memref<1x1x1x128xi32, #tpu.memory_space<vmem>> -> memref<128xi32, #tpu.memory_space<vmem>>
        %dma_wait3A_308 = arith.constant 0 : i32
        %dma_wait3A_309 = tpu.memref_slice %arg6[%dma_wait3A_308] : memref<51200xf32, #tpu.memory_space<vmem_shared>> -> memref<51200xf32, #tpu.memory_space<vmem_shared>>
        tpu.wait_indirect_dma semaphore(%arg16 : memref<!tpu.dma_semaphore, #tpu.memory_space<semaphore_mem>>) src(%arg8 : memref<128xf32, #tpu.memory_space<vmem>>) dst(%dma_wait3A_309 : memref<51200xf32, #tpu.memory_space<vmem_shared>>)
      } else {
      }
      %dma_start3A = arith.constant 0 : i32
      %dma_start3A_78 = arith.constant 0 : i32
      %dma_start3A_79 = arith.constant 0 : i32
      %dma_start3A_80 = tpu.memref_slice %arg9[%dma_start3A, %rem3A_74, %dma_start3A_78, %dma_start3A_79] : memref<2x2x8x128xi32, #tpu.memory_space<vmem>> -> memref<1x1x1x128xi32, #tpu.memory_space<vmem>>
      %dma_start3A_81 = tpu.memref_squeeze %dma_start3A_80 : memref<1x1x1x128xi32, #tpu.memory_space<vmem>> -> memref<128xi32, #tpu.memory_space<vmem>>
      %dma_start3A_82 = arith.constant 0 : i32
      %dma_start3A_83 = tpu.memref_slice %arg5[%dma_start3A_82] : memref<51200xf32, #tpu.memory_space<vmem_shared>> -> memref<51200xf32, #tpu.memory_space<vmem_shared>>
      tpu.enqueue_indirect_dma source(%arg8 : memref<128xf32, #tpu.memory_space<vmem>>) target(%dma_start3A_83 : memref<51200xf32, #tpu.memory_space<vmem_shared>>) offsets(%dma_start3A_81 : memref<128xi32, #tpu.memory_space<vmem>>) semaphore(%arg10 : memref<!tpu.dma_semaphore, #tpu.memory_space<semaphore_mem>>) {add = true}
      %dma_start3A_84 = arith.constant 1 : i32
      %dma_start3A_85 = arith.constant 0 : i32
      %dma_start3A_86 = arith.constant 0 : i32
      %dma_start3A_87 = tpu.memref_slice %arg9[%dma_start3A_84, %rem3A_74, %dma_start3A_85, %dma_start3A_86] : memref<2x2x8x128xi32, #tpu.memory_space<vmem>> -> memref<1x1x1x128xi32, #tpu.memory_space<vmem>>
      %dma_start3A_88 = tpu.memref_squeeze %dma_start3A_87 : memref<1x1x1x128xi32, #tpu.memory_space<vmem>> -> memref<128xi32, #tpu.memory_space<vmem>>
      %dma_start3A_89 = arith.constant 0 : i32
      %dma_start3A_90 = tpu.memref_slice %arg6[%dma_start3A_89] : memref<51200xf32, #tpu.memory_space<vmem_shared>> -> memref<51200xf32, #tpu.memory_space<vmem_shared>>
      tpu.enqueue_indirect_dma source(%arg8 : memref<128xf32, #tpu.memory_space<vmem>>) target(%dma_start3A_90 : memref<51200xf32, #tpu.memory_space<vmem_shared>>) offsets(%dma_start3A_88 : memref<128xi32, #tpu.memory_space<vmem>>) semaphore(%arg14 : memref<!tpu.dma_semaphore, #tpu.memory_space<semaphore_mem>>) {add = true}
      %gt3A_91 = arith.constant 0 : i32
      %gt3A_92 = arith.cmpi sgt, %scan3A_73, %gt3A_91 : i32
      %convert_element_type3A_93 = arith.extui %gt3A_92 : i1 to i32
      %cond3A_94 = arith.constant 0 : i32
      %cond3A_95 = arith.cmpi ne, %convert_element_type3A_93, %cond3A_94 : i32
      scf.if %cond3A_95 {
        %dma_wait3A_294 = arith.constant 0 : i32
        %dma_wait3A_295 = arith.constant 0 : i32
        %dma_wait3A_296 = arith.constant 1 : i32
        %dma_wait3A_297 = arith.constant 0 : i32
        %dma_wait3A_298 = tpu.memref_slice %arg9[%dma_wait3A_294, %dma_wait3A_295, %dma_wait3A_296, %dma_wait3A_297] : memref<2x2x8x128xi32, #tpu.memory_space<vmem>> -> memref<1x1x1x128xi32, #tpu.memory_space<vmem>>
        %dma_wait3A_299 = tpu.memref_squeeze %dma_wait3A_298 : memref<1x1x1x128xi32, #tpu.memory_space<vmem>> -> memref<128xi32, #tpu.memory_space<vmem>>
        %dma_wait3A_300 = arith.constant 0 : i32
        %dma_wait3A_301 = tpu.memref_slice %arg5[%dma_wait3A_300] : memref<51200xf32, #tpu.memory_space<vmem_shared>> -> memref<51200xf32, #tpu.memory_space<vmem_shared>>
        tpu.wait_indirect_dma semaphore(%arg13 : memref<!tpu.dma_semaphore, #tpu.memory_space<semaphore_mem>>) src(%arg8 : memref<128xf32, #tpu.memory_space<vmem>>) dst(%dma_wait3A_301 : memref<51200xf32, #tpu.memory_space<vmem_shared>>)
        %dma_wait3A_302 = arith.constant 1 : i32
        %dma_wait3A_303 = arith.constant 0 : i32
        %dma_wait3A_304 = arith.constant 1 : i32
        %dma_wait3A_305 = arith.constant 0 : i32
        %dma_wait3A_306 = tpu.memref_slice %arg9[%dma_wait3A_302, %dma_wait3A_303, %dma_wait3A_304, %dma_wait3A_305] : memref<2x2x8x128xi32, #tpu.memory_space<vmem>> -> memref<1x1x1x128xi32, #tpu.memory_space<vmem>>
        %dma_wait3A_307 = tpu.memref_squeeze %dma_wait3A_306 : memref<1x1x1x128xi32, #tpu.memory_space<vmem>> -> memref<128xi32, #tpu.memory_space<vmem>>
        %dma_wait3A_308 = arith.constant 0 : i32
        %dma_wait3A_309 = tpu.memref_slice %arg6[%dma_wait3A_308] : memref<51200xf32, #tpu.memory_space<vmem_shared>> -> memref<51200xf32, #tpu.memory_space<vmem_shared>>
        tpu.wait_indirect_dma semaphore(%arg17 : memref<!tpu.dma_semaphore, #tpu.memory_space<semaphore_mem>>) src(%arg8 : memref<128xf32, #tpu.memory_space<vmem>>) dst(%dma_wait3A_309 : memref<51200xf32, #tpu.memory_space<vmem_shared>>)
      } else {
      }
      %dma_start3A_96 = arith.constant 0 : i32
      %dma_start3A_97 = arith.constant 1 : i32
      %dma_start3A_98 = arith.constant 0 : i32
      %dma_start3A_99 = tpu.memref_slice %arg9[%dma_start3A_96, %rem3A_74, %dma_start3A_97, %dma_start3A_98] : memref<2x2x8x128xi32, #tpu.memory_space<vmem>> -> memref<1x1x1x128xi32, #tpu.memory_space<vmem>>
      %dma_start3A_100 = tpu.memref_squeeze %dma_start3A_99 : memref<1x1x1x128xi32, #tpu.memory_space<vmem>> -> memref<128xi32, #tpu.memory_space<vmem>>
      %dma_start3A_101 = arith.constant 0 : i32
      %dma_start3A_102 = tpu.memref_slice %arg5[%dma_start3A_101] : memref<51200xf32, #tpu.memory_space<vmem_shared>> -> memref<51200xf32, #tpu.memory_space<vmem_shared>>
      tpu.enqueue_indirect_dma source(%arg8 : memref<128xf32, #tpu.memory_space<vmem>>) target(%dma_start3A_102 : memref<51200xf32, #tpu.memory_space<vmem_shared>>) offsets(%dma_start3A_100 : memref<128xi32, #tpu.memory_space<vmem>>) semaphore(%arg11 : memref<!tpu.dma_semaphore, #tpu.memory_space<semaphore_mem>>) {add = true}
      %dma_start3A_103 = arith.constant 1 : i32
      %dma_start3A_104 = arith.constant 1 : i32
      %dma_start3A_105 = arith.constant 0 : i32
      %dma_start3A_106 = tpu.memref_slice %arg9[%dma_start3A_103, %rem3A_74, %dma_start3A_104, %dma_start3A_105] : memref<2x2x8x128xi32, #tpu.memory_space<vmem>> -> memref<1x1x1x128xi32, #tpu.memory_space<vmem>>
      %dma_start3A_107 = tpu.memref_squeeze %dma_start3A_106 : memref<1x1x1x128xi32, #tpu.memory_space<vmem>> -> memref<128xi32, #tpu.memory_space<vmem>>
      %dma_start3A_108 = arith.constant 0 : i32
      %dma_start3A_109 = tpu.memref_slice %arg6[%dma_start3A_108] : memref<51200xf32, #tpu.memory_space<vmem_shared>> -> memref<51200xf32, #tpu.memory_space<vmem_shared>>
      tpu.enqueue_indirect_dma source(%arg8 : memref<128xf32, #tpu.memory_space<vmem>>) target(%dma_start3A_109 : memref<51200xf32, #tpu.memory_space<vmem_shared>>) offsets(%dma_start3A_107 : memref<128xi32, #tpu.memory_space<vmem>>) semaphore(%arg15 : memref<!tpu.dma_semaphore, #tpu.memory_space<semaphore_mem>>) {add = true}
      %dma_wait3A_110 = arith.constant 0 : i32
      %dma_wait3A_111 = arith.constant 0 : i32
      %dma_wait3A_112 = arith.constant 2 : i32
      %dma_wait3A_113 = arith.constant 0 : i32
      %dma_wait3A_114 = tpu.memref_slice %arg9[%dma_wait3A_110, %dma_wait3A_111, %dma_wait3A_112, %dma_wait3A_113] : memref<2x2x8x128xi32, #tpu.memory_space<vmem>> -> memref<1x1x1x128xi32, #tpu.memory_space<vmem>>
      %dma_wait3A_115 = tpu.memref_squeeze %dma_wait3A_114 : memref<1x1x1x128xi32, #tpu.memory_space<vmem>> -> memref<128xi32, #tpu.memory_space<vmem>>
      %dma_wait3A_116 = arith.constant 0 : i32
      %dma_wait3A_117 = tpu.memref_slice %arg5[%dma_wait3A_116] : memref<51200xf32, #tpu.memory_space<vmem_shared>> -> memref<51200xf32, #tpu.memory_space<vmem_shared>>
      tpu.wait_indirect_dma semaphore(%arg10 : memref<!tpu.dma_semaphore, #tpu.memory_space<semaphore_mem>>) src(%arg8 : memref<128xf32, #tpu.memory_space<vmem>>) dst(%dma_wait3A_117 : memref<51200xf32, #tpu.memory_space<vmem_shared>>)
      %dma_wait3A_118 = arith.constant 1 : i32
      %dma_wait3A_119 = arith.constant 0 : i32
      %dma_wait3A_120 = arith.constant 2 : i32
      %dma_wait3A_121 = arith.constant 0 : i32
      %dma_wait3A_122 = tpu.memref_slice %arg9[%dma_wait3A_118, %dma_wait3A_119, %dma_wait3A_120, %dma_wait3A_121] : memref<2x2x8x128xi32, #tpu.memory_space<vmem>> -> memref<1x1x1x128xi32, #tpu.memory_space<vmem>>
      %dma_wait3A_123 = tpu.memref_squeeze %dma_wait3A_122 : memref<1x1x1x128xi32, #tpu.memory_space<vmem>> -> memref<128xi32, #tpu.memory_space<vmem>>
      %dma_wait3A_124 = arith.constant 0 : i32
      %dma_wait3A_125 = tpu.memref_slice %arg6[%dma_wait3A_124] : memref<51200xf32, #tpu.memory_space<vmem_shared>> -> memref<51200xf32, #tpu.memory_space<vmem_shared>>
      tpu.wait_indirect_dma semaphore(%arg14 : memref<!tpu.dma_semaphore, #tpu.memory_space<semaphore_mem>>) src(%arg8 : memref<128xf32, #tpu.memory_space<vmem>>) dst(%dma_wait3A_125 : memref<51200xf32, #tpu.memory_space<vmem_shared>>)
      %dma_start3A_126 = arith.constant 0 : i32
      %dma_start3A_127 = arith.constant 2 : i32
      %dma_start3A_128 = arith.constant 0 : i32
      %dma_start3A_129 = tpu.memref_slice %arg9[%dma_start3A_126, %rem3A_74, %dma_start3A_127, %dma_start3A_128] : memref<2x2x8x128xi32, #tpu.memory_space<vmem>> -> memref<1x1x1x128xi32, #tpu.memory_space<vmem>>
      %dma_start3A_130 = tpu.memref_squeeze %dma_start3A_129 : memref<1x1x1x128xi32, #tpu.memory_space<vmem>> -> memref<128xi32, #tpu.memory_space<vmem>>
      %dma_start3A_131 = arith.constant 0 : i32
      %dma_start3A_132 = tpu.memref_slice %arg5[%dma_start3A_131] : memref<51200xf32, #tpu.memory_space<vmem_shared>> -> memref<51200xf32, #tpu.memory_space<vmem_shared>>
      tpu.enqueue_indirect_dma source(%arg8 : memref<128xf32, #tpu.memory_space<vmem>>) target(%dma_start3A_132 : memref<51200xf32, #tpu.memory_space<vmem_shared>>) offsets(%dma_start3A_130 : memref<128xi32, #tpu.memory_space<vmem>>) semaphore(%arg12 : memref<!tpu.dma_semaphore, #tpu.memory_space<semaphore_mem>>) {add = true}
      %dma_start3A_133 = arith.constant 1 : i32
      %dma_start3A_134 = arith.constant 2 : i32
      %dma_start3A_135 = arith.constant 0 : i32
      %dma_start3A_136 = tpu.memref_slice %arg9[%dma_start3A_133, %rem3A_74, %dma_start3A_134, %dma_start3A_135] : memref<2x2x8x128xi32, #tpu.memory_space<vmem>> -> memref<1x1x1x128xi32, #tpu.memory_space<vmem>>
      %dma_start3A_137 = tpu.memref_squeeze %dma_start3A_136 : memref<1x1x1x128xi32, #tpu.memory_space<vmem>> -> memref<128xi32, #tpu.memory_space<vmem>>
      %dma_start3A_138 = arith.constant 0 : i32
      %dma_start3A_139 = tpu.memref_slice %arg6[%dma_start3A_138] : memref<51200xf32, #tpu.memory_space<vmem_shared>> -> memref<51200xf32, #tpu.memory_space<vmem_shared>>
      tpu.enqueue_indirect_dma source(%arg8 : memref<128xf32, #tpu.memory_space<vmem>>) target(%dma_start3A_139 : memref<51200xf32, #tpu.memory_space<vmem_shared>>) offsets(%dma_start3A_137 : memref<128xi32, #tpu.memory_space<vmem>>) semaphore(%arg16 : memref<!tpu.dma_semaphore, #tpu.memory_space<semaphore_mem>>) {add = true}
      %dma_wait3A_140 = arith.constant 0 : i32
      %dma_wait3A_141 = arith.constant 0 : i32
      %dma_wait3A_142 = arith.constant 3 : i32
      %dma_wait3A_143 = arith.constant 0 : i32
      %dma_wait3A_144 = tpu.memref_slice %arg9[%dma_wait3A_140, %dma_wait3A_141, %dma_wait3A_142, %dma_wait3A_143] : memref<2x2x8x128xi32, #tpu.memory_space<vmem>> -> memref<1x1x1x128xi32, #tpu.memory_space<vmem>>
      %dma_wait3A_145 = tpu.memref_squeeze %dma_wait3A_144 : memref<1x1x1x128xi32, #tpu.memory_space<vmem>> -> memref<128xi32, #tpu.memory_space<vmem>>
      %dma_wait3A_146 = arith.constant 0 : i32
      %dma_wait3A_147 = tpu.memref_slice %arg5[%dma_wait3A_146] : memref<51200xf32, #tpu.memory_space<vmem_shared>> -> memref<51200xf32, #tpu.memory_space<vmem_shared>>
      tpu.wait_indirect_dma semaphore(%arg11 : memref<!tpu.dma_semaphore, #tpu.memory_space<semaphore_mem>>) src(%arg8 : memref<128xf32, #tpu.memory_space<vmem>>) dst(%dma_wait3A_147 : memref<51200xf32, #tpu.memory_space<vmem_shared>>)
      %dma_wait3A_148 = arith.constant 1 : i32
      %dma_wait3A_149 = arith.constant 0 : i32
      %dma_wait3A_150 = arith.constant 3 : i32
      %dma_wait3A_151 = arith.constant 0 : i32
      %dma_wait3A_152 = tpu.memref_slice %arg9[%dma_wait3A_148, %dma_wait3A_149, %dma_wait3A_150, %dma_wait3A_151] : memref<2x2x8x128xi32, #tpu.memory_space<vmem>> -> memref<1x1x1x128xi32, #tpu.memory_space<vmem>>
      %dma_wait3A_153 = tpu.memref_squeeze %dma_wait3A_152 : memref<1x1x1x128xi32, #tpu.memory_space<vmem>> -> memref<128xi32, #tpu.memory_space<vmem>>
      %dma_wait3A_154 = arith.constant 0 : i32
      %dma_wait3A_155 = tpu.memref_slice %arg6[%dma_wait3A_154] : memref<51200xf32, #tpu.memory_space<vmem_shared>> -> memref<51200xf32, #tpu.memory_space<vmem_shared>>
      tpu.wait_indirect_dma semaphore(%arg15 : memref<!tpu.dma_semaphore, #tpu.memory_space<semaphore_mem>>) src(%arg8 : memref<128xf32, #tpu.memory_space<vmem>>) dst(%dma_wait3A_155 : memref<51200xf32, #tpu.memory_space<vmem_shared>>)
      %dma_start3A_156 = arith.constant 0 : i32
      %dma_start3A_157 = arith.constant 3 : i32
      %dma_start3A_158 = arith.constant 0 : i32
      %dma_start3A_159 = tpu.memref_slice %arg9[%dma_start3A_156, %rem3A_74, %dma_start3A_157, %dma_start3A_158] : memref<2x2x8x128xi32, #tpu.memory_space<vmem>> -> memref<1x1x1x128xi32, #tpu.memory_space<vmem>>
      %dma_start3A_160 = tpu.memref_squeeze %dma_start3A_159 : memref<1x1x1x128xi32, #tpu.memory_space<vmem>> -> memref<128xi32, #tpu.memory_space<vmem>>
      %dma_start3A_161 = arith.constant 0 : i32
      %dma_start3A_162 = tpu.memref_slice %arg5[%dma_start3A_161] : memref<51200xf32, #tpu.memory_space<vmem_shared>> -> memref<51200xf32, #tpu.memory_space<vmem_shared>>
      tpu.enqueue_indirect_dma source(%arg8 : memref<128xf32, #tpu.memory_space<vmem>>) target(%dma_start3A_162 : memref<51200xf32, #tpu.memory_space<vmem_shared>>) offsets(%dma_start3A_160 : memref<128xi32, #tpu.memory_space<vmem>>) semaphore(%arg13 : memref<!tpu.dma_semaphore, #tpu.memory_space<semaphore_mem>>) {add = true}
      %dma_start3A_163 = arith.constant 1 : i32
      %dma_start3A_164 = arith.constant 3 : i32
      %dma_start3A_165 = arith.constant 0 : i32
      %dma_start3A_166 = tpu.memref_slice %arg9[%dma_start3A_163, %rem3A_74, %dma_start3A_164, %dma_start3A_165] : memref<2x2x8x128xi32, #tpu.memory_space<vmem>> -> memref<1x1x1x128xi32, #tpu.memory_space<vmem>>
      %dma_start3A_167 = tpu.memref_squeeze %dma_start3A_166 : memref<1x1x1x128xi32, #tpu.memory_space<vmem>> -> memref<128xi32, #tpu.memory_space<vmem>>
      %dma_start3A_168 = arith.constant 0 : i32
      %dma_start3A_169 = tpu.memref_slice %arg6[%dma_start3A_168] : memref<51200xf32, #tpu.memory_space<vmem_shared>> -> memref<51200xf32, #tpu.memory_space<vmem_shared>>
      tpu.enqueue_indirect_dma source(%arg8 : memref<128xf32, #tpu.memory_space<vmem>>) target(%dma_start3A_169 : memref<51200xf32, #tpu.memory_space<vmem_shared>>) offsets(%dma_start3A_167 : memref<128xi32, #tpu.memory_space<vmem>>) semaphore(%arg17 : memref<!tpu.dma_semaphore, #tpu.memory_space<semaphore_mem>>) {add = true}
      %lt3A = arith.constant 24 : i32
      %lt3A_170 = arith.cmpi slt, %scan3A_73, %lt3A : i32
      %convert_element_type3A_171 = arith.extui %lt3A_170 : i1 to i32
      %cond3A_172 = arith.constant 0 : i32
      %cond3A_173 = arith.cmpi ne, %convert_element_type3A_171, %cond3A_172 : i32
      scf.if %cond3A_173 {
        %add3A_294 = arith.constant 1 : i32
        %add3A_295 = arith.addi %scan3A_73, %add3A_294 : i32
        %mul3A_296 = arith.constant 8 : i32
        %mul3A_297 = arith.muli %add3A_295, %mul3A_296 : i32
        %add3A_298 = arith.addi %mul3A_17, %mul3A_297 : i32
        %run_scoped3A_299 = arith.constant 0 : i32
        %run_scoped3A_300 = arith.constant 0 : i32
        "tpu.region"() ({
          %run_scoped3A_307 = tpu.sem_alloc : memref<!tpu.dma_semaphore, #tpu.memory_space<semaphore_mem>>
          %dma_start3A_308 = arith.constant 0 : i32
          %dma_start3A_309 = arith.constant 0 : i32
          %dma_start3A_310 = tpu.memref_slice %arg9[%run_scoped3A_300, %sub3A_75, %dma_start3A_308, %dma_start3A_309] : memref<2x2x8x128xi32, #tpu.memory_space<vmem>> -> memref<1x1x8x128xi32, #tpu.memory_space<vmem>>
          %dma_start3A_311 = tpu.memref_squeeze %dma_start3A_310 : memref<1x1x8x128xi32, #tpu.memory_space<vmem>> -> memref<8x128xi32, #tpu.memory_space<vmem>>
          %dma_start3A_312 = arith.constant 0 : i32
          %dma_start3A_313 = tpu.memref_slice %arg2[%run_scoped3A_299, %add3A_298, %dma_start3A_312] : memref<2x6400x128xi32, #tpu.memory_space<hbm>> -> memref<1x8x128xi32, #tpu.memory_space<hbm>>
          %dma_start3A_314 = tpu.memref_squeeze %dma_start3A_313 : memref<1x8x128xi32, #tpu.memory_space<hbm>> -> memref<8x128xi32, #tpu.memory_space<hbm>>
          %dma_start3A_315 = arith.constant 0 : i32
          %dma_start3A_316 = arith.constant 0 : i32
          %dma_start3A_317 = tpu.memref_slice %arg9[%run_scoped3A_300, %sub3A_75, %dma_start3A_315, %dma_start3A_316] : memref<2x2x8x128xi32, #tpu.memory_space<vmem>> -> memref<1x1x8x128xi32, #tpu.memory_space<vmem>>
          %dma_start3A_318 = tpu.memref_squeeze %dma_start3A_317 : memref<1x1x8x128xi32, #tpu.memory_space<vmem>> -> memref<8x128xi32, #tpu.memory_space<vmem>>
          %dma_start3A_319 = arith.constant 0 : i32
          %dma_start3A_320 = tpu.memref_slice %arg2[%run_scoped3A_299, %add3A_298, %dma_start3A_319] : memref<2x6400x128xi32, #tpu.memory_space<hbm>> -> memref<1x8x128xi32, #tpu.memory_space<hbm>>
          %dma_start3A_321 = tpu.memref_squeeze %dma_start3A_320 : memref<1x8x128xi32, #tpu.memory_space<hbm>> -> memref<8x128xi32, #tpu.memory_space<hbm>>
          tpu.enqueue_dma source(%dma_start3A_321 : memref<8x128xi32, #tpu.memory_space<hbm>>) target(%dma_start3A_318 : memref<8x128xi32, #tpu.memory_space<vmem>>) target_semaphore(%run_scoped3A_307 : memref<!tpu.dma_semaphore, #tpu.memory_space<semaphore_mem>>)
          %dma_wait3A_322 = arith.constant 0 : i32
          %dma_wait3A_323 = arith.constant 0 : i32
          %dma_wait3A_324 = tpu.memref_slice %arg9[%run_scoped3A_300, %sub3A_75, %dma_wait3A_322, %dma_wait3A_323] : memref<2x2x8x128xi32, #tpu.memory_space<vmem>> -> memref<1x1x8x128xi32, #tpu.memory_space<vmem>>
          %dma_wait3A_325 = tpu.memref_squeeze %dma_wait3A_324 : memref<1x1x8x128xi32, #tpu.memory_space<vmem>> -> memref<8x128xi32, #tpu.memory_space<vmem>>
          %dma_wait3A_326 = arith.constant 0 : i32
          %dma_wait3A_327 = tpu.memref_slice %arg2[%run_scoped3A_299, %add3A_298, %dma_wait3A_326] : memref<2x6400x128xi32, #tpu.memory_space<hbm>> -> memref<1x8x128xi32, #tpu.memory_space<hbm>>
          %dma_wait3A_328 = tpu.memref_squeeze %dma_wait3A_327 : memref<1x8x128xi32, #tpu.memory_space<hbm>> -> memref<8x128xi32, #tpu.memory_space<hbm>>
          %dma_wait3A_329 = arith.constant 0 : i32
          %dma_wait3A_330 = arith.constant 0 : i32
          %dma_wait3A_331 = tpu.memref_slice %arg9[%run_scoped3A_300, %sub3A_75, %dma_wait3A_329, %dma_wait3A_330] : memref<2x2x8x128xi32, #tpu.memory_space<vmem>> -> memref<1x1x8x128xi32, #tpu.memory_space<vmem>>
          %dma_wait3A_332 = tpu.memref_squeeze %dma_wait3A_331 : memref<1x1x8x128xi32, #tpu.memory_space<vmem>> -> memref<8x128xi32, #tpu.memory_space<vmem>>
          %dma_wait3A_333 = arith.constant 0 : i32
          %dma_wait3A_334 = tpu.memref_slice %arg2[%run_scoped3A_299, %add3A_298, %dma_wait3A_333] : memref<2x6400x128xi32, #tpu.memory_space<hbm>> -> memref<1x8x128xi32, #tpu.memory_space<hbm>>
          %dma_wait3A_335 = tpu.memref_squeeze %dma_wait3A_334 : memref<1x8x128xi32, #tpu.memory_space<hbm>> -> memref<8x128xi32, #tpu.memory_space<hbm>>
          tpu.wait_dma2 semaphore(%run_scoped3A_307 : memref<!tpu.dma_semaphore, #tpu.memory_space<semaphore_mem>>) src(%dma_wait3A_335 : memref<8x128xi32, #tpu.memory_space<hbm>>) dst(%dma_wait3A_332 : memref<8x128xi32, #tpu.memory_space<vmem>>)
          tpu.yield
        }) : () -> ()
        %run_scoped3A_301 = arith.constant 1 : i32
        %run_scoped3A_302 = arith.constant 1 : i32
        "tpu.region"() ({
          %run_scoped3A_307 = tpu.sem_alloc : memref<!tpu.dma_semaphore, #tpu.memory_space<semaphore_mem>>
          %dma_start3A_308 = arith.constant 0 : i32
          %dma_start3A_309 = arith.constant 0 : i32
          %dma_start3A_310 = tpu.memref_slice %arg9[%run_scoped3A_302, %sub3A_75, %dma_start3A_308, %dma_start3A_309] : memref<2x2x8x128xi32, #tpu.memory_space<vmem>> -> memref<1x1x8x128xi32, #tpu.memory_space<vmem>>
          %dma_start3A_311 = tpu.memref_squeeze %dma_start3A_310 : memref<1x1x8x128xi32, #tpu.memory_space<vmem>> -> memref<8x128xi32, #tpu.memory_space<vmem>>
          %dma_start3A_312 = arith.constant 0 : i32
          %dma_start3A_313 = tpu.memref_slice %arg2[%run_scoped3A_301, %add3A_298, %dma_start3A_312] : memref<2x6400x128xi32, #tpu.memory_space<hbm>> -> memref<1x8x128xi32, #tpu.memory_space<hbm>>
          %dma_start3A_314 = tpu.memref_squeeze %dma_start3A_313 : memref<1x8x128xi32, #tpu.memory_space<hbm>> -> memref<8x128xi32, #tpu.memory_space<hbm>>
          %dma_start3A_315 = arith.constant 0 : i32
          %dma_start3A_316 = arith.constant 0 : i32
          %dma_start3A_317 = tpu.memref_slice %arg9[%run_scoped3A_302, %sub3A_75, %dma_start3A_315, %dma_start3A_316] : memref<2x2x8x128xi32, #tpu.memory_space<vmem>> -> memref<1x1x8x128xi32, #tpu.memory_space<vmem>>
          %dma_start3A_318 = tpu.memref_squeeze %dma_start3A_317 : memref<1x1x8x128xi32, #tpu.memory_space<vmem>> -> memref<8x128xi32, #tpu.memory_space<vmem>>
          %dma_start3A_319 = arith.constant 0 : i32
          %dma_start3A_320 = tpu.memref_slice %arg2[%run_scoped3A_301, %add3A_298, %dma_start3A_319] : memref<2x6400x128xi32, #tpu.memory_space<hbm>> -> memref<1x8x128xi32, #tpu.memory_space<hbm>>
          %dma_start3A_321 = tpu.memref_squeeze %dma_start3A_320 : memref<1x8x128xi32, #tpu.memory_space<hbm>> -> memref<8x128xi32, #tpu.memory_space<hbm>>
          tpu.enqueue_dma source(%dma_start3A_321 : memref<8x128xi32, #tpu.memory_space<hbm>>) target(%dma_start3A_318 : memref<8x128xi32, #tpu.memory_space<vmem>>) target_semaphore(%run_scoped3A_307 : memref<!tpu.dma_semaphore, #tpu.memory_space<semaphore_mem>>)
          %dma_wait3A_322 = arith.constant 0 : i32
          %dma_wait3A_323 = arith.constant 0 : i32
          %dma_wait3A_324 = tpu.memref_slice %arg9[%run_scoped3A_302, %sub3A_75, %dma_wait3A_322, %dma_wait3A_323] : memref<2x2x8x128xi32, #tpu.memory_space<vmem>> -> memref<1x1x8x128xi32, #tpu.memory_space<vmem>>
          %dma_wait3A_325 = tpu.memref_squeeze %dma_wait3A_324 : memref<1x1x8x128xi32, #tpu.memory_space<vmem>> -> memref<8x128xi32, #tpu.memory_space<vmem>>
          %dma_wait3A_326 = arith.constant 0 : i32
          %dma_wait3A_327 = tpu.memref_slice %arg2[%run_scoped3A_301, %add3A_298, %dma_wait3A_326] : memref<2x6400x128xi32, #tpu.memory_space<hbm>> -> memref<1x8x128xi32, #tpu.memory_space<hbm>>
          %dma_wait3A_328 = tpu.memref_squeeze %dma_wait3A_327 : memref<1x8x128xi32, #tpu.memory_space<hbm>> -> memref<8x128xi32, #tpu.memory_space<hbm>>
          %dma_wait3A_329 = arith.constant 0 : i32
          %dma_wait3A_330 = arith.constant 0 : i32
          %dma_wait3A_331 = tpu.memref_slice %arg9[%run_scoped3A_302, %sub3A_75, %dma_wait3A_329, %dma_wait3A_330] : memref<2x2x8x128xi32, #tpu.memory_space<vmem>> -> memref<1x1x8x128xi32, #tpu.memory_space<vmem>>
          %dma_wait3A_332 = tpu.memref_squeeze %dma_wait3A_331 : memref<1x1x8x128xi32, #tpu.memory_space<vmem>> -> memref<8x128xi32, #tpu.memory_space<vmem>>
          %dma_wait3A_333 = arith.constant 0 : i32
          %dma_wait3A_334 = tpu.memref_slice %arg2[%run_scoped3A_301, %add3A_298, %dma_wait3A_333] : memref<2x6400x128xi32, #tpu.memory_space<hbm>> -> memref<1x8x128xi32, #tpu.memory_space<hbm>>
          %dma_wait3A_335 = tpu.memref_squeeze %dma_wait3A_334 : memref<1x8x128xi32, #tpu.memory_space<hbm>> -> memref<8x128xi32, #tpu.memory_space<hbm>>
          tpu.wait_dma2 semaphore(%run_scoped3A_307 : memref<!tpu.dma_semaphore, #tpu.memory_space<semaphore_mem>>) src(%dma_wait3A_335 : memref<8x128xi32, #tpu.memory_space<hbm>>) dst(%dma_wait3A_332 : memref<8x128xi32, #tpu.memory_space<vmem>>)
          tpu.yield
        }) : () -> ()
        %run_scoped3A_303 = arith.constant 0 : i32
        %run_scoped3A_304 = arith.constant 0 : i32
        "tpu.region"() ({
          %run_scoped3A_307 = tpu.sem_alloc : memref<!tpu.dma_semaphore, #tpu.memory_space<semaphore_mem>>
          %dma_start3A_308 = arith.constant 0 : i32
          %dma_start3A_309 = arith.constant 0 : i32
          %dma_start3A_310 = tpu.memref_slice %arg9[%run_scoped3A_303, %sub3A_75, %dma_start3A_308, %dma_start3A_309] : memref<2x2x8x128xi32, #tpu.memory_space<vmem>> -> memref<1x1x8x128xi32, #tpu.memory_space<vmem>>
          %dma_start3A_311 = tpu.memref_squeeze %dma_start3A_310 : memref<1x1x8x128xi32, #tpu.memory_space<vmem>> -> memref<8x128xi32, #tpu.memory_space<vmem>>
          %dma_start3A_312 = arith.constant 0 : i32
          %dma_start3A_313 = tpu.memref_slice %arg4[%run_scoped3A_304, %add3A_298, %dma_start3A_312] : memref<2x6400x128xi32, #tpu.memory_space<hbm>> -> memref<1x8x128xi32, #tpu.memory_space<hbm>>
          %dma_start3A_314 = tpu.memref_squeeze %dma_start3A_313 : memref<1x8x128xi32, #tpu.memory_space<hbm>> -> memref<8x128xi32, #tpu.memory_space<hbm>>
          %dma_start3A_315 = arith.constant 0 : i32
          %dma_start3A_316 = tpu.memref_slice %arg4[%run_scoped3A_304, %add3A_298, %dma_start3A_315] : memref<2x6400x128xi32, #tpu.memory_space<hbm>> -> memref<1x8x128xi32, #tpu.memory_space<hbm>>
          %dma_start3A_317 = tpu.memref_squeeze %dma_start3A_316 : memref<1x8x128xi32, #tpu.memory_space<hbm>> -> memref<8x128xi32, #tpu.memory_space<hbm>>
          %dma_start3A_318 = arith.constant 0 : i32
          %dma_start3A_319 = arith.constant 0 : i32
          %dma_start3A_320 = tpu.memref_slice %arg9[%run_scoped3A_303, %sub3A_75, %dma_start3A_318, %dma_start3A_319] : memref<2x2x8x128xi32, #tpu.memory_space<vmem>> -> memref<1x1x8x128xi32, #tpu.memory_space<vmem>>
          %dma_start3A_321 = tpu.memref_squeeze %dma_start3A_320 : memref<1x1x8x128xi32, #tpu.memory_space<vmem>> -> memref<8x128xi32, #tpu.memory_space<vmem>>
          tpu.enqueue_dma source(%dma_start3A_321 : memref<8x128xi32, #tpu.memory_space<vmem>>) target(%dma_start3A_317 : memref<8x128xi32, #tpu.memory_space<hbm>>) target_semaphore(%run_scoped3A_307 : memref<!tpu.dma_semaphore, #tpu.memory_space<semaphore_mem>>)
          %dma_wait3A_322 = arith.constant 0 : i32
          %dma_wait3A_323 = arith.constant 0 : i32
          %dma_wait3A_324 = tpu.memref_slice %arg9[%run_scoped3A_303, %sub3A_75, %dma_wait3A_322, %dma_wait3A_323] : memref<2x2x8x128xi32, #tpu.memory_space<vmem>> -> memref<1x1x8x128xi32, #tpu.memory_space<vmem>>
          %dma_wait3A_325 = tpu.memref_squeeze %dma_wait3A_324 : memref<1x1x8x128xi32, #tpu.memory_space<vmem>> -> memref<8x128xi32, #tpu.memory_space<vmem>>
          %dma_wait3A_326 = arith.constant 0 : i32
          %dma_wait3A_327 = tpu.memref_slice %arg4[%run_scoped3A_304, %add3A_298, %dma_wait3A_326] : memref<2x6400x128xi32, #tpu.memory_space<hbm>> -> memref<1x8x128xi32, #tpu.memory_space<hbm>>
          %dma_wait3A_328 = tpu.memref_squeeze %dma_wait3A_327 : memref<1x8x128xi32, #tpu.memory_space<hbm>> -> memref<8x128xi32, #tpu.memory_space<hbm>>
          %dma_wait3A_329 = arith.constant 0 : i32
          %dma_wait3A_330 = tpu.memref_slice %arg4[%run_scoped3A_304, %add3A_298, %dma_wait3A_329] : memref<2x6400x128xi32, #tpu.memory_space<hbm>> -> memref<1x8x128xi32, #tpu.memory_space<hbm>>
          %dma_wait3A_331 = tpu.memref_squeeze %dma_wait3A_330 : memref<1x8x128xi32, #tpu.memory_space<hbm>> -> memref<8x128xi32, #tpu.memory_space<hbm>>
          %dma_wait3A_332 = arith.constant 0 : i32
          %dma_wait3A_333 = arith.constant 0 : i32
          %dma_wait3A_334 = tpu.memref_slice %arg9[%run_scoped3A_303, %sub3A_75, %dma_wait3A_332, %dma_wait3A_333] : memref<2x2x8x128xi32, #tpu.memory_space<vmem>> -> memref<1x1x8x128xi32, #tpu.memory_space<vmem>>
          %dma_wait3A_335 = tpu.memref_squeeze %dma_wait3A_334 : memref<1x1x8x128xi32, #tpu.memory_space<vmem>> -> memref<8x128xi32, #tpu.memory_space<vmem>>
          tpu.wait_dma2 semaphore(%run_scoped3A_307 : memref<!tpu.dma_semaphore, #tpu.memory_space<semaphore_mem>>) src(%dma_wait3A_335 : memref<8x128xi32, #tpu.memory_space<vmem>>) dst(%dma_wait3A_331 : memref<8x128xi32, #tpu.memory_space<hbm>>)
          tpu.yield
        }) : () -> ()
        %run_scoped3A_305 = arith.constant 1 : i32
        %run_scoped3A_306 = arith.constant 1 : i32
        "tpu.region"() ({
          %run_scoped3A_307 = tpu.sem_alloc : memref<!tpu.dma_semaphore, #tpu.memory_space<semaphore_mem>>
          %dma_start3A_308 = arith.constant 0 : i32
          %dma_start3A_309 = arith.constant 0 : i32
          %dma_start3A_310 = tpu.memref_slice %arg9[%run_scoped3A_305, %sub3A_75, %dma_start3A_308, %dma_start3A_309] : memref<2x2x8x128xi32, #tpu.memory_space<vmem>> -> memref<1x1x8x128xi32, #tpu.memory_space<vmem>>
          %dma_start3A_311 = tpu.memref_squeeze %dma_start3A_310 : memref<1x1x8x128xi32, #tpu.memory_space<vmem>> -> memref<8x128xi32, #tpu.memory_space<vmem>>
          %dma_start3A_312 = arith.constant 0 : i32
          %dma_start3A_313 = tpu.memref_slice %arg4[%run_scoped3A_306, %add3A_298, %dma_start3A_312] : memref<2x6400x128xi32, #tpu.memory_space<hbm>> -> memref<1x8x128xi32, #tpu.memory_space<hbm>>
          %dma_start3A_314 = tpu.memref_squeeze %dma_start3A_313 : memref<1x8x128xi32, #tpu.memory_space<hbm>> -> memref<8x128xi32, #tpu.memory_space<hbm>>
          %dma_start3A_315 = arith.constant 0 : i32
          %dma_start3A_316 = tpu.memref_slice %arg4[%run_scoped3A_306, %add3A_298, %dma_start3A_315] : memref<2x6400x128xi32, #tpu.memory_space<hbm>> -> memref<1x8x128xi32, #tpu.memory_space<hbm>>
          %dma_start3A_317 = tpu.memref_squeeze %dma_start3A_316 : memref<1x8x128xi32, #tpu.memory_space<hbm>> -> memref<8x128xi32, #tpu.memory_space<hbm>>
          %dma_start3A_318 = arith.constant 0 : i32
          %dma_start3A_319 = arith.constant 0 : i32
          %dma_start3A_320 = tpu.memref_slice %arg9[%run_scoped3A_305, %sub3A_75, %dma_start3A_318, %dma_start3A_319] : memref<2x2x8x128xi32, #tpu.memory_space<vmem>> -> memref<1x1x8x128xi32, #tpu.memory_space<vmem>>
          %dma_start3A_321 = tpu.memref_squeeze %dma_start3A_320 : memref<1x1x8x128xi32, #tpu.memory_space<vmem>> -> memref<8x128xi32, #tpu.memory_space<vmem>>
          tpu.enqueue_dma source(%dma_start3A_321 : memref<8x128xi32, #tpu.memory_space<vmem>>) target(%dma_start3A_317 : memref<8x128xi32, #tpu.memory_space<hbm>>) target_semaphore(%run_scoped3A_307 : memref<!tpu.dma_semaphore, #tpu.memory_space<semaphore_mem>>)
          %dma_wait3A_322 = arith.constant 0 : i32
          %dma_wait3A_323 = arith.constant 0 : i32
          %dma_wait3A_324 = tpu.memref_slice %arg9[%run_scoped3A_305, %sub3A_75, %dma_wait3A_322, %dma_wait3A_323] : memref<2x2x8x128xi32, #tpu.memory_space<vmem>> -> memref<1x1x8x128xi32, #tpu.memory_space<vmem>>
          %dma_wait3A_325 = tpu.memref_squeeze %dma_wait3A_324 : memref<1x1x8x128xi32, #tpu.memory_space<vmem>> -> memref<8x128xi32, #tpu.memory_space<vmem>>
          %dma_wait3A_326 = arith.constant 0 : i32
          %dma_wait3A_327 = tpu.memref_slice %arg4[%run_scoped3A_306, %add3A_298, %dma_wait3A_326] : memref<2x6400x128xi32, #tpu.memory_space<hbm>> -> memref<1x8x128xi32, #tpu.memory_space<hbm>>
          %dma_wait3A_328 = tpu.memref_squeeze %dma_wait3A_327 : memref<1x8x128xi32, #tpu.memory_space<hbm>> -> memref<8x128xi32, #tpu.memory_space<hbm>>
          %dma_wait3A_329 = arith.constant 0 : i32
          %dma_wait3A_330 = tpu.memref_slice %arg4[%run_scoped3A_306, %add3A_298, %dma_wait3A_329] : memref<2x6400x128xi32, #tpu.memory_space<hbm>> -> memref<1x8x128xi32, #tpu.memory_space<hbm>>
          %dma_wait3A_331 = tpu.memref_squeeze %dma_wait3A_330 : memref<1x8x128xi32, #tpu.memory_space<hbm>> -> memref<8x128xi32, #tpu.memory_space<hbm>>
          %dma_wait3A_332 = arith.constant 0 : i32
          %dma_wait3A_333 = arith.constant 0 : i32
          %dma_wait3A_334 = tpu.memref_slice %arg9[%run_scoped3A_305, %sub3A_75, %dma_wait3A_332, %dma_wait3A_333] : memref<2x2x8x128xi32, #tpu.memory_space<vmem>> -> memref<1x1x8x128xi32, #tpu.memory_space<vmem>>
          %dma_wait3A_335 = tpu.memref_squeeze %dma_wait3A_334 : memref<1x1x8x128xi32, #tpu.memory_space<vmem>> -> memref<8x128xi32, #tpu.memory_space<vmem>>
          tpu.wait_dma2 semaphore(%run_scoped3A_307 : memref<!tpu.dma_semaphore, #tpu.memory_space<semaphore_mem>>) src(%dma_wait3A_335 : memref<8x128xi32, #tpu.memory_space<vmem>>) dst(%dma_wait3A_331 : memref<8x128xi32, #tpu.memory_space<hbm>>)
          tpu.yield
        }) : () -> ()
      } else {
      }
      %dma_wait3A_174 = arith.constant 0 : i32
      %dma_wait3A_175 = arith.constant 0 : i32
      %dma_wait3A_176 = arith.constant 4 : i32
      %dma_wait3A_177 = arith.constant 0 : i32
      %dma_wait3A_178 = tpu.memref_slice %arg9[%dma_wait3A_174, %dma_wait3A_175, %dma_wait3A_176, %dma_wait3A_177] : memref<2x2x8x128xi32, #tpu.memory_space<vmem>> -> memref<1x1x1x128xi32, #tpu.memory_space<vmem>>
      %dma_wait3A_179 = tpu.memref_squeeze %dma_wait3A_178 : memref<1x1x1x128xi32, #tpu.memory_space<vmem>> -> memref<128xi32, #tpu.memory_space<vmem>>
      %dma_wait3A_180 = arith.constant 0 : i32
      %dma_wait3A_181 = tpu.memref_slice %arg5[%dma_wait3A_180] : memref<51200xf32, #tpu.memory_space<vmem_shared>> -> memref<51200xf32, #tpu.memory_space<vmem_shared>>
      tpu.wait_indirect_dma semaphore(%arg12 : memref<!tpu.dma_semaphore, #tpu.memory_space<semaphore_mem>>) src(%arg8 : memref<128xf32, #tpu.memory_space<vmem>>) dst(%dma_wait3A_181 : memref<51200xf32, #tpu.memory_space<vmem_shared>>)
      %dma_wait3A_182 = arith.constant 1 : i32
      %dma_wait3A_183 = arith.constant 0 : i32
      %dma_wait3A_184 = arith.constant 4 : i32
      %dma_wait3A_185 = arith.constant 0 : i32
      %dma_wait3A_186 = tpu.memref_slice %arg9[%dma_wait3A_182, %dma_wait3A_183, %dma_wait3A_184, %dma_wait3A_185] : memref<2x2x8x128xi32, #tpu.memory_space<vmem>> -> memref<1x1x1x128xi32, #tpu.memory_space<vmem>>
      %dma_wait3A_187 = tpu.memref_squeeze %dma_wait3A_186 : memref<1x1x1x128xi32, #tpu.memory_space<vmem>> -> memref<128xi32, #tpu.memory_space<vmem>>
      %dma_wait3A_188 = arith.constant 0 : i32
      %dma_wait3A_189 = tpu.memref_slice %arg6[%dma_wait3A_188] : memref<51200xf32, #tpu.memory_space<vmem_shared>> -> memref<51200xf32, #tpu.memory_space<vmem_shared>>
      tpu.wait_indirect_dma semaphore(%arg16 : memref<!tpu.dma_semaphore, #tpu.memory_space<semaphore_mem>>) src(%arg8 : memref<128xf32, #tpu.memory_space<vmem>>) dst(%dma_wait3A_189 : memref<51200xf32, #tpu.memory_space<vmem_shared>>)
      %dma_start3A_190 = arith.constant 0 : i32
      %dma_start3A_191 = arith.constant 4 : i32
      %dma_start3A_192 = arith.constant 0 : i32
      %dma_start3A_193 = tpu.memref_slice %arg9[%dma_start3A_190, %rem3A_74, %dma_start3A_191, %dma_start3A_192] : memref<2x2x8x128xi32, #tpu.memory_space<vmem>> -> memref<1x1x1x128xi32, #tpu.memory_space<vmem>>
      %dma_start3A_194 = tpu.memref_squeeze %dma_start3A_193 : memref<1x1x1x128xi32, #tpu.memory_space<vmem>> -> memref<128xi32, #tpu.memory_space<vmem>>
      %dma_start3A_195 = arith.constant 0 : i32
      %dma_start3A_196 = tpu.memref_slice %arg5[%dma_start3A_195] : memref<51200xf32, #tpu.memory_space<vmem_shared>> -> memref<51200xf32, #tpu.memory_space<vmem_shared>>
      tpu.enqueue_indirect_dma source(%arg8 : memref<128xf32, #tpu.memory_space<vmem>>) target(%dma_start3A_196 : memref<51200xf32, #tpu.memory_space<vmem_shared>>) offsets(%dma_start3A_194 : memref<128xi32, #tpu.memory_space<vmem>>) semaphore(%arg10 : memref<!tpu.dma_semaphore, #tpu.memory_space<semaphore_mem>>) {add = true}
      %dma_start3A_197 = arith.constant 1 : i32
      %dma_start3A_198 = arith.constant 4 : i32
      %dma_start3A_199 = arith.constant 0 : i32
      %dma_start3A_200 = tpu.memref_slice %arg9[%dma_start3A_197, %rem3A_74, %dma_start3A_198, %dma_start3A_199] : memref<2x2x8x128xi32, #tpu.memory_space<vmem>> -> memref<1x1x1x128xi32, #tpu.memory_space<vmem>>
      %dma_start3A_201 = tpu.memref_squeeze %dma_start3A_200 : memref<1x1x1x128xi32, #tpu.memory_space<vmem>> -> memref<128xi32, #tpu.memory_space<vmem>>
      %dma_start3A_202 = arith.constant 0 : i32
      %dma_start3A_203 = tpu.memref_slice %arg6[%dma_start3A_202] : memref<51200xf32, #tpu.memory_space<vmem_shared>> -> memref<51200xf32, #tpu.memory_space<vmem_shared>>
      tpu.enqueue_indirect_dma source(%arg8 : memref<128xf32, #tpu.memory_space<vmem>>) target(%dma_start3A_203 : memref<51200xf32, #tpu.memory_space<vmem_shared>>) offsets(%dma_start3A_201 : memref<128xi32, #tpu.memory_space<vmem>>) semaphore(%arg14 : memref<!tpu.dma_semaphore, #tpu.memory_space<semaphore_mem>>) {add = true}
      %dma_wait3A_204 = arith.constant 0 : i32
      %dma_wait3A_205 = arith.constant 0 : i32
      %dma_wait3A_206 = arith.constant 5 : i32
      %dma_wait3A_207 = arith.constant 0 : i32
      %dma_wait3A_208 = tpu.memref_slice %arg9[%dma_wait3A_204, %dma_wait3A_205, %dma_wait3A_206, %dma_wait3A_207] : memref<2x2x8x128xi32, #tpu.memory_space<vmem>> -> memref<1x1x1x128xi32, #tpu.memory_space<vmem>>
      %dma_wait3A_209 = tpu.memref_squeeze %dma_wait3A_208 : memref<1x1x1x128xi32, #tpu.memory_space<vmem>> -> memref<128xi32, #tpu.memory_space<vmem>>
      %dma_wait3A_210 = arith.constant 0 : i32
      %dma_wait3A_211 = tpu.memref_slice %arg5[%dma_wait3A_210] : memref<51200xf32, #tpu.memory_space<vmem_shared>> -> memref<51200xf32, #tpu.memory_space<vmem_shared>>
      tpu.wait_indirect_dma semaphore(%arg13 : memref<!tpu.dma_semaphore, #tpu.memory_space<semaphore_mem>>) src(%arg8 : memref<128xf32, #tpu.memory_space<vmem>>) dst(%dma_wait3A_211 : memref<51200xf32, #tpu.memory_space<vmem_shared>>)
      %dma_wait3A_212 = arith.constant 1 : i32
      %dma_wait3A_213 = arith.constant 0 : i32
      %dma_wait3A_214 = arith.constant 5 : i32
      %dma_wait3A_215 = arith.constant 0 : i32
      %dma_wait3A_216 = tpu.memref_slice %arg9[%dma_wait3A_212, %dma_wait3A_213, %dma_wait3A_214, %dma_wait3A_215] : memref<2x2x8x128xi32, #tpu.memory_space<vmem>> -> memref<1x1x1x128xi32, #tpu.memory_space<vmem>>
      %dma_wait3A_217 = tpu.memref_squeeze %dma_wait3A_216 : memref<1x1x1x128xi32, #tpu.memory_space<vmem>> -> memref<128xi32, #tpu.memory_space<vmem>>
      %dma_wait3A_218 = arith.constant 0 : i32
      %dma_wait3A_219 = tpu.memref_slice %arg6[%dma_wait3A_218] : memref<51200xf32, #tpu.memory_space<vmem_shared>> -> memref<51200xf32, #tpu.memory_space<vmem_shared>>
      tpu.wait_indirect_dma semaphore(%arg17 : memref<!tpu.dma_semaphore, #tpu.memory_space<semaphore_mem>>) src(%arg8 : memref<128xf32, #tpu.memory_space<vmem>>) dst(%dma_wait3A_219 : memref<51200xf32, #tpu.memory_space<vmem_shared>>)
      %dma_start3A_220 = arith.constant 0 : i32
      %dma_start3A_221 = arith.constant 5 : i32
      %dma_start3A_222 = arith.constant 0 : i32
      %dma_start3A_223 = tpu.memref_slice %arg9[%dma_start3A_220, %rem3A_74, %dma_start3A_221, %dma_start3A_222] : memref<2x2x8x128xi32, #tpu.memory_space<vmem>> -> memref<1x1x1x128xi32, #tpu.memory_space<vmem>>
      %dma_start3A_224 = tpu.memref_squeeze %dma_start3A_223 : memref<1x1x1x128xi32, #tpu.memory_space<vmem>> -> memref<128xi32, #tpu.memory_space<vmem>>
      %dma_start3A_225 = arith.constant 0 : i32
      %dma_start3A_226 = tpu.memref_slice %arg5[%dma_start3A_225] : memref<51200xf32, #tpu.memory_space<vmem_shared>> -> memref<51200xf32, #tpu.memory_space<vmem_shared>>
      tpu.enqueue_indirect_dma source(%arg8 : memref<128xf32, #tpu.memory_space<vmem>>) target(%dma_start3A_226 : memref<51200xf32, #tpu.memory_space<vmem_shared>>) offsets(%dma_start3A_224 : memref<128xi32, #tpu.memory_space<vmem>>) semaphore(%arg11 : memref<!tpu.dma_semaphore, #tpu.memory_space<semaphore_mem>>) {add = true}
      %dma_start3A_227 = arith.constant 1 : i32
      %dma_start3A_228 = arith.constant 5 : i32
      %dma_start3A_229 = arith.constant 0 : i32
      %dma_start3A_230 = tpu.memref_slice %arg9[%dma_start3A_227, %rem3A_74, %dma_start3A_228, %dma_start3A_229] : memref<2x2x8x128xi32, #tpu.memory_space<vmem>> -> memref<1x1x1x128xi32, #tpu.memory_space<vmem>>
      %dma_start3A_231 = tpu.memref_squeeze %dma_start3A_230 : memref<1x1x1x128xi32, #tpu.memory_space<vmem>> -> memref<128xi32, #tpu.memory_space<vmem>>
      %dma_start3A_232 = arith.constant 0 : i32
      %dma_start3A_233 = tpu.memref_slice %arg6[%dma_start3A_232] : memref<51200xf32, #tpu.memory_space<vmem_shared>> -> memref<51200xf32, #tpu.memory_space<vmem_shared>>
      tpu.enqueue_indirect_dma source(%arg8 : memref<128xf32, #tpu.memory_space<vmem>>) target(%dma_start3A_233 : memref<51200xf32, #tpu.memory_space<vmem_shared>>) offsets(%dma_start3A_231 : memref<128xi32, #tpu.memory_space<vmem>>) semaphore(%arg15 : memref<!tpu.dma_semaphore, #tpu.memory_space<semaphore_mem>>) {add = true}
      %dma_wait3A_234 = arith.constant 0 : i32
      %dma_wait3A_235 = arith.constant 0 : i32
      %dma_wait3A_236 = arith.constant 6 : i32
      %dma_wait3A_237 = arith.constant 0 : i32
      %dma_wait3A_238 = tpu.memref_slice %arg9[%dma_wait3A_234, %dma_wait3A_235, %dma_wait3A_236, %dma_wait3A_237] : memref<2x2x8x128xi32, #tpu.memory_space<vmem>> -> memref<1x1x1x128xi32, #tpu.memory_space<vmem>>
      %dma_wait3A_239 = tpu.memref_squeeze %dma_wait3A_238 : memref<1x1x1x128xi32, #tpu.memory_space<vmem>> -> memref<128xi32, #tpu.memory_space<vmem>>
      %dma_wait3A_240 = arith.constant 0 : i32
      %dma_wait3A_241 = tpu.memref_slice %arg5[%dma_wait3A_240] : memref<51200xf32, #tpu.memory_space<vmem_shared>> -> memref<51200xf32, #tpu.memory_space<vmem_shared>>
      tpu.wait_indirect_dma semaphore(%arg10 : memref<!tpu.dma_semaphore, #tpu.memory_space<semaphore_mem>>) src(%arg8 : memref<128xf32, #tpu.memory_space<vmem>>) dst(%dma_wait3A_241 : memref<51200xf32, #tpu.memory_space<vmem_shared>>)
      %dma_wait3A_242 = arith.constant 1 : i32
      %dma_wait3A_243 = arith.constant 0 : i32
      %dma_wait3A_244 = arith.constant 6 : i32
      %dma_wait3A_245 = arith.constant 0 : i32
      %dma_wait3A_246 = tpu.memref_slice %arg9[%dma_wait3A_242, %dma_wait3A_243, %dma_wait3A_244, %dma_wait3A_245] : memref<2x2x8x128xi32, #tpu.memory_space<vmem>> -> memref<1x1x1x128xi32, #tpu.memory_space<vmem>>
      %dma_wait3A_247 = tpu.memref_squeeze %dma_wait3A_246 : memref<1x1x1x128xi32, #tpu.memory_space<vmem>> -> memref<128xi32, #tpu.memory_space<vmem>>
      %dma_wait3A_248 = arith.constant 0 : i32
      %dma_wait3A_249 = tpu.memref_slice %arg6[%dma_wait3A_248] : memref<51200xf32, #tpu.memory_space<vmem_shared>> -> memref<51200xf32, #tpu.memory_space<vmem_shared>>
      tpu.wait_indirect_dma semaphore(%arg14 : memref<!tpu.dma_semaphore, #tpu.memory_space<semaphore_mem>>) src(%arg8 : memref<128xf32, #tpu.memory_space<vmem>>) dst(%dma_wait3A_249 : memref<51200xf32, #tpu.memory_space<vmem_shared>>)
      %dma_start3A_250 = arith.constant 0 : i32
      %dma_start3A_251 = arith.constant 6 : i32
      %dma_start3A_252 = arith.constant 0 : i32
      %dma_start3A_253 = tpu.memref_slice %arg9[%dma_start3A_250, %rem3A_74, %dma_start3A_251, %dma_start3A_252] : memref<2x2x8x128xi32, #tpu.memory_space<vmem>> -> memref<1x1x1x128xi32, #tpu.memory_space<vmem>>
      %dma_start3A_254 = tpu.memref_squeeze %dma_start3A_253 : memref<1x1x1x128xi32, #tpu.memory_space<vmem>> -> memref<128xi32, #tpu.memory_space<vmem>>
      %dma_start3A_255 = arith.constant 0 : i32
      %dma_start3A_256 = tpu.memref_slice %arg5[%dma_start3A_255] : memref<51200xf32, #tpu.memory_space<vmem_shared>> -> memref<51200xf32, #tpu.memory_space<vmem_shared>>
      tpu.enqueue_indirect_dma source(%arg8 : memref<128xf32, #tpu.memory_space<vmem>>) target(%dma_start3A_256 : memref<51200xf32, #tpu.memory_space<vmem_shared>>) offsets(%dma_start3A_254 : memref<128xi32, #tpu.memory_space<vmem>>) semaphore(%arg12 : memref<!tpu.dma_semaphore, #tpu.memory_space<semaphore_mem>>) {add = true}
      %dma_start3A_257 = arith.constant 1 : i32
      %dma_start3A_258 = arith.constant 6 : i32
      %dma_start3A_259 = arith.constant 0 : i32
      %dma_start3A_260 = tpu.memref_slice %arg9[%dma_start3A_257, %rem3A_74, %dma_start3A_258, %dma_start3A_259] : memref<2x2x8x128xi32, #tpu.memory_space<vmem>> -> memref<1x1x1x128xi32, #tpu.memory_space<vmem>>
      %dma_start3A_261 = tpu.memref_squeeze %dma_start3A_260 : memref<1x1x1x128xi32, #tpu.memory_space<vmem>> -> memref<128xi32, #tpu.memory_space<vmem>>
      %dma_start3A_262 = arith.constant 0 : i32
      %dma_start3A_263 = tpu.memref_slice %arg6[%dma_start3A_262] : memref<51200xf32, #tpu.memory_space<vmem_shared>> -> memref<51200xf32, #tpu.memory_space<vmem_shared>>
      tpu.enqueue_indirect_dma source(%arg8 : memref<128xf32, #tpu.memory_space<vmem>>) target(%dma_start3A_263 : memref<51200xf32, #tpu.memory_space<vmem_shared>>) offsets(%dma_start3A_261 : memref<128xi32, #tpu.memory_space<vmem>>) semaphore(%arg16 : memref<!tpu.dma_semaphore, #tpu.memory_space<semaphore_mem>>) {add = true}
      %dma_wait3A_264 = arith.constant 0 : i32
      %dma_wait3A_265 = arith.constant 0 : i32
      %dma_wait3A_266 = arith.constant 7 : i32
      %dma_wait3A_267 = arith.constant 0 : i32
      %dma_wait3A_268 = tpu.memref_slice %arg9[%dma_wait3A_264, %dma_wait3A_265, %dma_wait3A_266, %dma_wait3A_267] : memref<2x2x8x128xi32, #tpu.memory_space<vmem>> -> memref<1x1x1x128xi32, #tpu.memory_space<vmem>>
      %dma_wait3A_269 = tpu.memref_squeeze %dma_wait3A_268 : memref<1x1x1x128xi32, #tpu.memory_space<vmem>> -> memref<128xi32, #tpu.memory_space<vmem>>
      %dma_wait3A_270 = arith.constant 0 : i32
      %dma_wait3A_271 = tpu.memref_slice %arg5[%dma_wait3A_270] : memref<51200xf32, #tpu.memory_space<vmem_shared>> -> memref<51200xf32, #tpu.memory_space<vmem_shared>>
      tpu.wait_indirect_dma semaphore(%arg11 : memref<!tpu.dma_semaphore, #tpu.memory_space<semaphore_mem>>) src(%arg8 : memref<128xf32, #tpu.memory_space<vmem>>) dst(%dma_wait3A_271 : memref<51200xf32, #tpu.memory_space<vmem_shared>>)
      %dma_wait3A_272 = arith.constant 1 : i32
      %dma_wait3A_273 = arith.constant 0 : i32
      %dma_wait3A_274 = arith.constant 7 : i32
      %dma_wait3A_275 = arith.constant 0 : i32
      %dma_wait3A_276 = tpu.memref_slice %arg9[%dma_wait3A_272, %dma_wait3A_273, %dma_wait3A_274, %dma_wait3A_275] : memref<2x2x8x128xi32, #tpu.memory_space<vmem>> -> memref<1x1x1x128xi32, #tpu.memory_space<vmem>>
      %dma_wait3A_277 = tpu.memref_squeeze %dma_wait3A_276 : memref<1x1x1x128xi32, #tpu.memory_space<vmem>> -> memref<128xi32, #tpu.memory_space<vmem>>
      %dma_wait3A_278 = arith.constant 0 : i32
      %dma_wait3A_279 = tpu.memref_slice %arg6[%dma_wait3A_278] : memref<51200xf32, #tpu.memory_space<vmem_shared>> -> memref<51200xf32, #tpu.memory_space<vmem_shared>>
      tpu.wait_indirect_dma semaphore(%arg15 : memref<!tpu.dma_semaphore, #tpu.memory_space<semaphore_mem>>) src(%arg8 : memref<128xf32, #tpu.memory_space<vmem>>) dst(%dma_wait3A_279 : memref<51200xf32, #tpu.memory_space<vmem_shared>>)
      %dma_start3A_280 = arith.constant 0 : i32
      %dma_start3A_281 = arith.constant 7 : i32
      %dma_start3A_282 = arith.constant 0 : i32
      %dma_start3A_283 = tpu.memref_slice %arg9[%dma_start3A_280, %rem3A_74, %dma_start3A_281, %dma_start3A_282] : memref<2x2x8x128xi32, #tpu.memory_space<vmem>> -> memref<1x1x1x128xi32, #tpu.memory_space<vmem>>
      %dma_start3A_284 = tpu.memref_squeeze %dma_start3A_283 : memref<1x1x1x128xi32, #tpu.memory_space<vmem>> -> memref<128xi32, #tpu.memory_space<vmem>>
      %dma_start3A_285 = arith.constant 0 : i32
      %dma_start3A_286 = tpu.memref_slice %arg5[%dma_start3A_285] : memref<51200xf32, #tpu.memory_space<vmem_shared>> -> memref<51200xf32, #tpu.memory_space<vmem_shared>>
      tpu.enqueue_indirect_dma source(%arg8 : memref<128xf32, #tpu.memory_space<vmem>>) target(%dma_start3A_286 : memref<51200xf32, #tpu.memory_space<vmem_shared>>) offsets(%dma_start3A_284 : memref<128xi32, #tpu.memory_space<vmem>>) semaphore(%arg13 : memref<!tpu.dma_semaphore, #tpu.memory_space<semaphore_mem>>) {add = true}
      %dma_start3A_287 = arith.constant 1 : i32
      %dma_start3A_288 = arith.constant 7 : i32
      %dma_start3A_289 = arith.constant 0 : i32
      %dma_start3A_290 = tpu.memref_slice %arg9[%dma_start3A_287, %rem3A_74, %dma_start3A_288, %dma_start3A_289] : memref<2x2x8x128xi32, #tpu.memory_space<vmem>> -> memref<1x1x1x128xi32, #tpu.memory_space<vmem>>
      %dma_start3A_291 = tpu.memref_squeeze %dma_start3A_290 : memref<1x1x1x128xi32, #tpu.memory_space<vmem>> -> memref<128xi32, #tpu.memory_space<vmem>>
      %dma_start3A_292 = arith.constant 0 : i32
      %dma_start3A_293 = tpu.memref_slice %arg6[%dma_start3A_292] : memref<51200xf32, #tpu.memory_space<vmem_shared>> -> memref<51200xf32, #tpu.memory_space<vmem_shared>>
      tpu.enqueue_indirect_dma source(%arg8 : memref<128xf32, #tpu.memory_space<vmem>>) target(%dma_start3A_293 : memref<51200xf32, #tpu.memory_space<vmem_shared>>) offsets(%dma_start3A_291 : memref<128xi32, #tpu.memory_space<vmem>>) semaphore(%arg17 : memref<!tpu.dma_semaphore, #tpu.memory_space<semaphore_mem>>) {add = true}
    }
    %scan3A_36 = arith.constant 25 : i32
    %dma_wait3A = arith.constant 0 : i32
    %dma_wait3A_37 = arith.constant 0 : i32
    %dma_wait3A_38 = arith.constant 2 : i32
    %dma_wait3A_39 = arith.constant 0 : i32
    %dma_wait3A_40 = tpu.memref_slice %arg9[%dma_wait3A, %dma_wait3A_37, %dma_wait3A_38, %dma_wait3A_39] : memref<2x2x8x128xi32, #tpu.memory_space<vmem>> -> memref<1x1x1x128xi32, #tpu.memory_space<vmem>>
    %dma_wait3A_41 = tpu.memref_squeeze %dma_wait3A_40 : memref<1x1x1x128xi32, #tpu.memory_space<vmem>> -> memref<128xi32, #tpu.memory_space<vmem>>
    %dma_wait3A_42 = arith.constant 0 : i32
    %dma_wait3A_43 = tpu.memref_slice %arg5[%dma_wait3A_42] : memref<51200xf32, #tpu.memory_space<vmem_shared>> -> memref<51200xf32, #tpu.memory_space<vmem_shared>>
    tpu.wait_indirect_dma semaphore(%arg12 : memref<!tpu.dma_semaphore, #tpu.memory_space<semaphore_mem>>) src(%arg8 : memref<128xf32, #tpu.memory_space<vmem>>) dst(%dma_wait3A_43 : memref<51200xf32, #tpu.memory_space<vmem_shared>>)
    %dma_wait3A_44 = arith.constant 1 : i32
    %dma_wait3A_45 = arith.constant 0 : i32
    %dma_wait3A_46 = arith.constant 2 : i32
    %dma_wait3A_47 = arith.constant 0 : i32
    %dma_wait3A_48 = tpu.memref_slice %arg9[%dma_wait3A_44, %dma_wait3A_45, %dma_wait3A_46, %dma_wait3A_47] : memref<2x2x8x128xi32, #tpu.memory_space<vmem>> -> memref<1x1x1x128xi32, #tpu.memory_space<vmem>>
    %dma_wait3A_49 = tpu.memref_squeeze %dma_wait3A_48 : memref<1x1x1x128xi32, #tpu.memory_space<vmem>> -> memref<128xi32, #tpu.memory_space<vmem>>
    %dma_wait3A_50 = arith.constant 0 : i32
    %dma_wait3A_51 = tpu.memref_slice %arg6[%dma_wait3A_50] : memref<51200xf32, #tpu.memory_space<vmem_shared>> -> memref<51200xf32, #tpu.memory_space<vmem_shared>>
    tpu.wait_indirect_dma semaphore(%arg16 : memref<!tpu.dma_semaphore, #tpu.memory_space<semaphore_mem>>) src(%arg8 : memref<128xf32, #tpu.memory_space<vmem>>) dst(%dma_wait3A_51 : memref<51200xf32, #tpu.memory_space<vmem_shared>>)
    %dma_wait3A_52 = arith.constant 0 : i32
    %dma_wait3A_53 = arith.constant 0 : i32
    %dma_wait3A_54 = arith.constant 3 : i32
    %dma_wait3A_55 = arith.constant 0 : i32
    %dma_wait3A_56 = tpu.memref_slice %arg9[%dma_wait3A_52, %dma_wait3A_53, %dma_wait3A_54, %dma_wait3A_55] : memref<2x2x8x128xi32, #tpu.memory_space<vmem>> -> memref<1x1x1x128xi32, #tpu.memory_space<vmem>>
    %dma_wait3A_57 = tpu.memref_squeeze %dma_wait3A_56 : memref<1x1x1x128xi32, #tpu.memory_space<vmem>> -> memref<128xi32, #tpu.memory_space<vmem>>
    %dma_wait3A_58 = arith.constant 0 : i32
    %dma_wait3A_59 = tpu.memref_slice %arg5[%dma_wait3A_58] : memref<51200xf32, #tpu.memory_space<vmem_shared>> -> memref<51200xf32, #tpu.memory_space<vmem_shared>>
    tpu.wait_indirect_dma semaphore(%arg13 : memref<!tpu.dma_semaphore, #tpu.memory_space<semaphore_mem>>) src(%arg8 : memref<128xf32, #tpu.memory_space<vmem>>) dst(%dma_wait3A_59 : memref<51200xf32, #tpu.memory_space<vmem_shared>>)
    %dma_wait3A_60 = arith.constant 1 : i32
    %dma_wait3A_61 = arith.constant 0 : i32
    %dma_wait3A_62 = arith.constant 3 : i32
    %dma_wait3A_63 = arith.constant 0 : i32
    %dma_wait3A_64 = tpu.memref_slice %arg9[%dma_wait3A_60, %dma_wait3A_61, %dma_wait3A_62, %dma_wait3A_63] : memref<2x2x8x128xi32, #tpu.memory_space<vmem>> -> memref<1x1x1x128xi32, #tpu.memory_space<vmem>>
    %dma_wait3A_65 = tpu.memref_squeeze %dma_wait3A_64 : memref<1x1x1x128xi32, #tpu.memory_space<vmem>> -> memref<128xi32, #tpu.memory_space<vmem>>
    %dma_wait3A_66 = arith.constant 0 : i32
    %dma_wait3A_67 = tpu.memref_slice %arg6[%dma_wait3A_66] : memref<51200xf32, #tpu.memory_space<vmem_shared>> -> memref<51200xf32, #tpu.memory_space<vmem_shared>>
    tpu.wait_indirect_dma semaphore(%arg17 : memref<!tpu.dma_semaphore, #tpu.memory_space<semaphore_mem>>) src(%arg8 : memref<128xf32, #tpu.memory_space<vmem>>) dst(%dma_wait3A_67 : memref<51200xf32, #tpu.memory_space<vmem_shared>>)
    %barrier3A_68 = arith.constant 0 : index
    tpu.barrier barrier_id(%barrier3A_68)
    %mul3A_69 = arith.constant 3200 : i32
    %mul3A_70 = arith.muli %arg1, %mul3A_69 : i32
    %run_scoped3A_71 = arith.constant 0 : i32
    "tpu.region"() ({
      %run_scoped3A_73 = tpu.sem_alloc : memref<!tpu.dma_semaphore, #tpu.memory_space<semaphore_mem>>
      %dma_start3A = tpu.memref_slice %arg3[%arg0, %run_scoped3A_71, %mul3A_70] : memref<2x2x51200xf32, #tpu.memory_space<hbm>> -> memref<1x1x3200xf32, #tpu.memory_space<hbm>>
      %dma_start3A_74 = tpu.memref_squeeze %dma_start3A : memref<1x1x3200xf32, #tpu.memory_space<hbm>> -> memref<3200xf32, #tpu.memory_space<hbm>>
      %dma_start3A_75 = tpu.memref_slice %arg5[%mul3A_70] : memref<51200xf32, #tpu.memory_space<vmem_shared>> -> memref<3200xf32, #tpu.memory_space<vmem_shared>>
      tpu.enqueue_dma source(%dma_start3A_75 : memref<3200xf32, #tpu.memory_space<vmem_shared>>) target(%dma_start3A_74 : memref<3200xf32, #tpu.memory_space<hbm>>) target_semaphore(%run_scoped3A_73 : memref<!tpu.dma_semaphore, #tpu.memory_space<semaphore_mem>>)
      %dma_wait3A_76 = tpu.memref_slice %arg3[%arg0, %run_scoped3A_71, %mul3A_70] : memref<2x2x51200xf32, #tpu.memory_space<hbm>> -> memref<1x1x3200xf32, #tpu.memory_space<hbm>>
      %dma_wait3A_77 = tpu.memref_squeeze %dma_wait3A_76 : memref<1x1x3200xf32, #tpu.memory_space<hbm>> -> memref<3200xf32, #tpu.memory_space<hbm>>
      %dma_wait3A_78 = tpu.memref_slice %arg5[%mul3A_70] : memref<51200xf32, #tpu.memory_space<vmem_shared>> -> memref<3200xf32, #tpu.memory_space<vmem_shared>>
      tpu.wait_dma2 semaphore(%run_scoped3A_73 : memref<!tpu.dma_semaphore, #tpu.memory_space<semaphore_mem>>) src(%dma_wait3A_78 : memref<3200xf32, #tpu.memory_space<vmem_shared>>) dst(%dma_wait3A_77 : memref<3200xf32, #tpu.memory_space<hbm>>)
      tpu.yield
    }) : () -> ()
    %run_scoped3A_72 = arith.constant 1 : i32
    "tpu.region"() ({
      %run_scoped3A_73 = tpu.sem_alloc : memref<!tpu.dma_semaphore, #tpu.memory_space<semaphore_mem>>
      %dma_start3A = tpu.memref_slice %arg3[%arg0, %run_scoped3A_72, %mul3A_70] : memref<2x2x51200xf32, #tpu.memory_space<hbm>> -> memref<1x1x3200xf32, #tpu.memory_space<hbm>>
      %dma_start3A_74 = tpu.memref_squeeze %dma_start3A : memref<1x1x3200xf32, #tpu.memory_space<hbm>> -> memref<3200xf32, #tpu.memory_space<hbm>>
      %dma_start3A_75 = tpu.memref_slice %arg6[%mul3A_70] : memref<51200xf32, #tpu.memory_space<vmem_shared>> -> memref<3200xf32, #tpu.memory_space<vmem_shared>>
      tpu.enqueue_dma source(%dma_start3A_75 : memref<3200xf32, #tpu.memory_space<vmem_shared>>) target(%dma_start3A_74 : memref<3200xf32, #tpu.memory_space<hbm>>) target_semaphore(%run_scoped3A_73 : memref<!tpu.dma_semaphore, #tpu.memory_space<semaphore_mem>>)
      %dma_wait3A_76 = tpu.memref_slice %arg3[%arg0, %run_scoped3A_72, %mul3A_70] : memref<2x2x51200xf32, #tpu.memory_space<hbm>> -> memref<1x1x3200xf32, #tpu.memory_space<hbm>>
      %dma_wait3A_77 = tpu.memref_squeeze %dma_wait3A_76 : memref<1x1x3200xf32, #tpu.memory_space<hbm>> -> memref<3200xf32, #tpu.memory_space<hbm>>
      %dma_wait3A_78 = tpu.memref_slice %arg6[%mul3A_70] : memref<51200xf32, #tpu.memory_space<vmem_shared>> -> memref<3200xf32, #tpu.memory_space<vmem_shared>>
      tpu.wait_dma2 semaphore(%run_scoped3A_73 : memref<!tpu.dma_semaphore, #tpu.memory_space<semaphore_mem>>) src(%dma_wait3A_78 : memref<3200xf32, #tpu.memory_space<vmem_shared>>) dst(%dma_wait3A_77 : memref<3200xf32, #tpu.memory_space<hbm>>)
      tpu.yield
    }) : () -> ()
    return
  }
}

#map = affine_map<(d0, d1) -> (0, 0, 0)>
#map1 = affine_map<(d0, d1) -> (0, 0)>
module attributes {stable_mosaic.version = 14 : i64} {
  func.func @_agg_body(%arg0: i32, %arg1: i32, %arg2: memref<2x51200x32xf32, #tpu.memory_space<hbm>>, %arg3: memref<2x6400x128xi32, #tpu.memory_space<hbm>>, %arg4: memref<51200x128xf32, #tpu.memory_space<hbm>>, %arg5: memref<51200x32xf32, #tpu.memory_space<vmem_shared>>, %arg6: memref<128x32xf32, #tpu.memory_space<vmem>>, %arg7: memref<4x128x32xf32, #tpu.memory_space<vmem>>, %arg8: memref<2x8x128xi32, #tpu.memory_space<vmem>>, %arg9: memref<2x8x128xi32, #tpu.memory_space<vmem>>, %arg10: memref<!tpu.dma_semaphore, #tpu.memory_space<semaphore_mem>>, %arg11: memref<!tpu.dma_semaphore, #tpu.memory_space<semaphore_mem>>, %arg12: memref<!tpu.dma_semaphore, #tpu.memory_space<semaphore_mem>>, %arg13: memref<!tpu.dma_semaphore, #tpu.memory_space<semaphore_mem>>, %arg14: memref<!tpu.dma_semaphore, #tpu.memory_space<semaphore_mem>>, %arg15: memref<!tpu.dma_semaphore, #tpu.memory_space<semaphore_mem>>, %arg16: memref<!tpu.dma_semaphore, #tpu.memory_space<semaphore_mem>>, %arg17: memref<!tpu.dma_semaphore, #tpu.memory_space<semaphore_mem>>) attributes {dimension_semantics = [#tpu.dimension_semantics<core_parallel>, #tpu.dimension_semantics<subcore_parallel>], iteration_bounds = array<i64: 2, 16>, scalar_prefetch = 0 : i64, scratch_operands = 13 : i64, tpu.core_type = #tpu.core_type<sc_vector_subcore>, window_params = [{transform_indices = #map}, {transform_indices = #map}, {transform_indices = #map1}]} {
    %scan3A = arith.constant 0 : i32
    %scan3A_0 = arith.constant 0 : i32
    %scan3A_1 = arith.constant 256 : i32
    %scan3A_2 = arith.addi %scan3A_0, %scan3A_1 : i32
    %scan3A_3 = arith.constant 1 : i32
    scf.for %scan3A_87 = %scan3A_0 to %scan3A_2 step %scan3A_3  : i32 {
      %broadcast_in_dim3A = arith.constant 0.000000e+00 : f32
      %broadcast_in_dim3A_88 = vector.broadcast %broadcast_in_dim3A : f32 to vector<16xf32>
      %jit3A = arith.constant 2 : i32
      %div3A = arith.divsi %scan3A_87, %jit3A : i32
      %sign3A = arith.constant 0 : i32
      %sign3A_89 = arith.cmpi sgt, %scan3A_87, %sign3A : i32
      %sign3A_90 = arith.extui %sign3A_89 : i1 to i32
      %sign3A_91 = arith.constant 0 : i32
      %sign3A_92 = arith.cmpi slt, %scan3A_87, %sign3A_91 : i32
      %sign3A_93 = arith.extui %sign3A_92 : i1 to i32
      %sign3A_94 = arith.subi %sign3A_90, %sign3A_93 : i32
      %sign3A_95 = arith.constant 0 : i32
      %sign3A_96 = arith.cmpi sgt, %jit3A, %sign3A_95 : i32
      %sign3A_97 = arith.extui %sign3A_96 : i1 to i32
      %sign3A_98 = arith.constant 0 : i32
      %sign3A_99 = arith.cmpi slt, %jit3A, %sign3A_98 : i32
      %sign3A_100 = arith.extui %sign3A_99 : i1 to i32
      %sign3A_101 = arith.subi %sign3A_97, %sign3A_100 : i32
      %ne3A = arith.cmpi ne, %sign3A_94, %sign3A_101 : i32
      %rem3A = arith.remsi %scan3A_87, %jit3A : i32
      %ne3A_102 = arith.constant 0 : i32
      %ne3A_103 = arith.cmpi ne, %rem3A, %ne3A_102 : i32
      %and3A = arith.andi %ne3A, %ne3A_103 : i1
      %sub3A = arith.constant 1 : i32
      %sub3A_104 = arith.subi %div3A, %sub3A : i32
      %select_n3A = arith.select %and3A, %sub3A_104, %div3A : i32
      %jit3A_105 = arith.constant 2 : i32
      %eq3A = arith.constant 0 : i32
      %eq3A_106 = arith.cmpi eq, %jit3A_105, %eq3A : i32
      %jit3A_107 = arith.constant 1 : i32
      %select_n3A_108 = arith.select %eq3A_106, %jit3A_107, %jit3A_105 : i32
      %rem3A_109 = arith.remsi %scan3A_87, %select_n3A_108 : i32
      %ne3A_110 = arith.constant 0 : i32
      %ne3A_111 = arith.cmpi ne, %rem3A_109, %ne3A_110 : i32
      %lt3A = arith.constant 0 : i32
      %lt3A_112 = arith.cmpi slt, %rem3A_109, %lt3A : i32
      %lt3A_113 = arith.constant 0 : i32
      %lt3A_114 = arith.cmpi slt, %select_n3A_108, %lt3A_113 : i32
      %ne3A_115 = arith.xori %lt3A_112, %lt3A_114 : i1
      %and3A_116 = arith.andi %ne3A_115, %ne3A_111 : i1
      %add3A_117 = arith.addi %rem3A_109, %select_n3A_108 : i32
      %select_n3A_118 = arith.select %and3A_116, %add3A_117, %rem3A_109 : i32
      %mul3A_119 = arith.constant 16 : i32
      %mul3A_120 = arith.muli %select_n3A_118, %mul3A_119 : i32
      %swap3A = arith.index_cast %select_n3A : i32 to index
      %swap3A_121 = arith.index_cast %mul3A_120 : i32 to index
      %swap3A_122 = tpu.vector_load %arg6[%swap3A, %swap3A_121] {strides = array<i32>} : memref<128x32xf32, #tpu.memory_space<vmem>>, vector<1x16xf32>,
      %swap3A_123 = vector.shape_cast %swap3A_122 : vector<1x16xf32> to vector<16xf32>
      %swap3A_124 = vector.shape_cast %broadcast_in_dim3A_88 : vector<16xf32> to vector<1x16xf32>
      tpu.vector_store %arg6[%swap3A, %swap3A_121], %swap3A_124 {strides = array<i32>} : memref<128x32xf32, #tpu.memory_space<vmem>>, vector<1x16xf32>,
    }
    %scan3A_4 = arith.constant 256 : i32
    %scan3A_5 = arith.constant 0 : i32
    %scan3A_6 = arith.constant 0 : i32
    %scan3A_7 = arith.constant 25 : i32
    %scan3A_8 = arith.addi %scan3A_6, %scan3A_7 : i32
    %scan3A_9 = arith.constant 1 : i32
    scf.for %scan3A_87 = %scan3A_6 to %scan3A_8 step %scan3A_9  : i32 {
      %mul3A_88 = arith.constant 3200 : i32
      %mul3A_89 = arith.muli %arg1, %mul3A_88 : i32
      %mul3A_90 = arith.constant 128 : i32
      %mul3A_91 = arith.muli %scan3A_87, %mul3A_90 : i32
      %add3A_92 = arith.addi %mul3A_89, %mul3A_91 : i32
      "tpu.region"() ({
        %run_scoped3A_93 = tpu.sem_alloc : memref<!tpu.dma_semaphore, #tpu.memory_space<semaphore_mem>>
        %dma_start3A_94 = arith.constant 0 : i32
        %dma_start3A_95 = tpu.memref_slice %arg5[%add3A_92, %dma_start3A_94] : memref<51200x32xf32, #tpu.memory_space<vmem_shared>> -> memref<128x32xf32, #tpu.memory_space<vmem_shared>>
        %dma_start3A_96 = arith.constant 0 : i32
        %dma_start3A_97 = tpu.memref_slice %arg5[%add3A_92, %dma_start3A_96] : memref<51200x32xf32, #tpu.memory_space<vmem_shared>> -> memref<128x32xf32, #tpu.memory_space<vmem_shared>>
        tpu.enqueue_dma source(%arg6 : memref<128x32xf32, #tpu.memory_space<vmem>>) target(%dma_start3A_97 : memref<128x32xf32, #tpu.memory_space<vmem_shared>>) target_semaphore(%run_scoped3A_93 : memref<!tpu.dma_semaphore, #tpu.memory_space<semaphore_mem>>)
        %dma_wait3A_98 = arith.constant 0 : i32
        %dma_wait3A_99 = tpu.memref_slice %arg5[%add3A_92, %dma_wait3A_98] : memref<51200x32xf32, #tpu.memory_space<vmem_shared>> -> memref<128x32xf32, #tpu.memory_space<vmem_shared>>
        %dma_wait3A_100 = arith.constant 0 : i32
        %dma_wait3A_101 = tpu.memref_slice %arg5[%add3A_92, %dma_wait3A_100] : memref<51200x32xf32, #tpu.memory_space<vmem_shared>> -> memref<128x32xf32, #tpu.memory_space<vmem_shared>>
        tpu.wait_dma2 semaphore(%run_scoped3A_93 : memref<!tpu.dma_semaphore, #tpu.memory_space<semaphore_mem>>) src(%arg6 : memref<128x32xf32, #tpu.memory_space<vmem>>) dst(%dma_wait3A_101 : memref<128x32xf32, #tpu.memory_space<vmem_shared>>)
        tpu.yield
      }) : () -> ()
    }
    %scan3A_10 = arith.constant 25 : i32
    %barrier3A = arith.constant 0 : index
    tpu.barrier barrier_id(%barrier3A)
    %mul3A = arith.constant 400 : i32
    %mul3A_11 = arith.muli %arg1, %mul3A : i32
    %add3A = arith.constant 0 : i32
    %add3A_12 = arith.addi %mul3A_11, %add3A : i32
    %run_scoped3A = arith.constant 0 : i32
    %run_scoped3A_13 = arith.constant 0 : i32
    "tpu.region"() ({
      %run_scoped3A_87 = tpu.sem_alloc : memref<!tpu.dma_semaphore, #tpu.memory_space<semaphore_mem>>
      %dma_start3A_88 = arith.constant 0 : i32
      %dma_start3A_89 = arith.constant 0 : i32
      %dma_start3A_90 = tpu.memref_slice %arg8[%run_scoped3A_13, %dma_start3A_88, %dma_start3A_89] : memref<2x8x128xi32, #tpu.memory_space<vmem>> -> memref<1x8x128xi32, #tpu.memory_space<vmem>>
      %dma_start3A_91 = tpu.memref_squeeze %dma_start3A_90 : memref<1x8x128xi32, #tpu.memory_space<vmem>> -> memref<8x128xi32, #tpu.memory_space<vmem>>
      %dma_start3A_92 = arith.constant 0 : i32
      %dma_start3A_93 = tpu.memref_slice %arg3[%run_scoped3A, %add3A_12, %dma_start3A_92] : memref<2x6400x128xi32, #tpu.memory_space<hbm>> -> memref<1x8x128xi32, #tpu.memory_space<hbm>>
      %dma_start3A_94 = tpu.memref_squeeze %dma_start3A_93 : memref<1x8x128xi32, #tpu.memory_space<hbm>> -> memref<8x128xi32, #tpu.memory_space<hbm>>
      %dma_start3A_95 = arith.constant 0 : i32
      %dma_start3A_96 = arith.constant 0 : i32
      %dma_start3A_97 = tpu.memref_slice %arg8[%run_scoped3A_13, %dma_start3A_95, %dma_start3A_96] : memref<2x8x128xi32, #tpu.memory_space<vmem>> -> memref<1x8x128xi32, #tpu.memory_space<vmem>>
      %dma_start3A_98 = tpu.memref_squeeze %dma_start3A_97 : memref<1x8x128xi32, #tpu.memory_space<vmem>> -> memref<8x128xi32, #tpu.memory_space<vmem>>
      %dma_start3A_99 = arith.constant 0 : i32
      %dma_start3A_100 = tpu.memref_slice %arg3[%run_scoped3A, %add3A_12, %dma_start3A_99] : memref<2x6400x128xi32, #tpu.memory_space<hbm>> -> memref<1x8x128xi32, #tpu.memory_space<hbm>>
      %dma_start3A_101 = tpu.memref_squeeze %dma_start3A_100 : memref<1x8x128xi32, #tpu.memory_space<hbm>> -> memref<8x128xi32, #tpu.memory_space<hbm>>
      tpu.enqueue_dma source(%dma_start3A_101 : memref<8x128xi32, #tpu.memory_space<hbm>>) target(%dma_start3A_98 : memref<8x128xi32, #tpu.memory_space<vmem>>) target_semaphore(%run_scoped3A_87 : memref<!tpu.dma_semaphore, #tpu.memory_space<semaphore_mem>>)
      %dma_wait3A_102 = arith.constant 0 : i32
      %dma_wait3A_103 = arith.constant 0 : i32
      %dma_wait3A_104 = tpu.memref_slice %arg8[%run_scoped3A_13, %dma_wait3A_102, %dma_wait3A_103] : memref<2x8x128xi32, #tpu.memory_space<vmem>> -> memref<1x8x128xi32, #tpu.memory_space<vmem>>
      %dma_wait3A_105 = tpu.memref_squeeze %dma_wait3A_104 : memref<1x8x128xi32, #tpu.memory_space<vmem>> -> memref<8x128xi32, #tpu.memory_space<vmem>>
      %dma_wait3A_106 = arith.constant 0 : i32
      %dma_wait3A_107 = tpu.memref_slice %arg3[%run_scoped3A, %add3A_12, %dma_wait3A_106] : memref<2x6400x128xi32, #tpu.memory_space<hbm>> -> memref<1x8x128xi32, #tpu.memory_space<hbm>>
      %dma_wait3A_108 = tpu.memref_squeeze %dma_wait3A_107 : memref<1x8x128xi32, #tpu.memory_space<hbm>> -> memref<8x128xi32, #tpu.memory_space<hbm>>
      %dma_wait3A_109 = arith.constant 0 : i32
      %dma_wait3A_110 = arith.constant 0 : i32
      %dma_wait3A_111 = tpu.memref_slice %arg8[%run_scoped3A_13, %dma_wait3A_109, %dma_wait3A_110] : memref<2x8x128xi32, #tpu.memory_space<vmem>> -> memref<1x8x128xi32, #tpu.memory_space<vmem>>
      %dma_wait3A_112 = tpu.memref_squeeze %dma_wait3A_111 : memref<1x8x128xi32, #tpu.memory_space<vmem>> -> memref<8x128xi32, #tpu.memory_space<vmem>>
      %dma_wait3A_113 = arith.constant 0 : i32
      %dma_wait3A_114 = tpu.memref_slice %arg3[%run_scoped3A, %add3A_12, %dma_wait3A_113] : memref<2x6400x128xi32, #tpu.memory_space<hbm>> -> memref<1x8x128xi32, #tpu.memory_space<hbm>>
      %dma_wait3A_115 = tpu.memref_squeeze %dma_wait3A_114 : memref<1x8x128xi32, #tpu.memory_space<hbm>> -> memref<8x128xi32, #tpu.memory_space<hbm>>
      tpu.wait_dma2 semaphore(%run_scoped3A_87 : memref<!tpu.dma_semaphore, #tpu.memory_space<semaphore_mem>>) src(%dma_wait3A_115 : memref<8x128xi32, #tpu.memory_space<hbm>>) dst(%dma_wait3A_112 : memref<8x128xi32, #tpu.memory_space<vmem>>)
      tpu.yield
    }) : () -> ()
    %add3A_14 = arith.constant 0 : i32
    %add3A_15 = arith.addi %mul3A_11, %add3A_14 : i32
    %run_scoped3A_16 = arith.constant 1 : i32
    %run_scoped3A_17 = arith.constant 0 : i32
    "tpu.region"() ({
      %run_scoped3A_87 = tpu.sem_alloc : memref<!tpu.dma_semaphore, #tpu.memory_space<semaphore_mem>>
      %dma_start3A_88 = arith.constant 0 : i32
      %dma_start3A_89 = arith.constant 0 : i32
      %dma_start3A_90 = tpu.memref_slice %arg9[%run_scoped3A_17, %dma_start3A_88, %dma_start3A_89] : memref<2x8x128xi32, #tpu.memory_space<vmem>> -> memref<1x8x128xi32, #tpu.memory_space<vmem>>
      %dma_start3A_91 = tpu.memref_squeeze %dma_start3A_90 : memref<1x8x128xi32, #tpu.memory_space<vmem>> -> memref<8x128xi32, #tpu.memory_space<vmem>>
      %dma_start3A_92 = arith.constant 0 : i32
      %dma_start3A_93 = tpu.memref_slice %arg3[%run_scoped3A_16, %add3A_15, %dma_start3A_92] : memref<2x6400x128xi32, #tpu.memory_space<hbm>> -> memref<1x8x128xi32, #tpu.memory_space<hbm>>
      %dma_start3A_94 = tpu.memref_squeeze %dma_start3A_93 : memref<1x8x128xi32, #tpu.memory_space<hbm>> -> memref<8x128xi32, #tpu.memory_space<hbm>>
      %dma_start3A_95 = arith.constant 0 : i32
      %dma_start3A_96 = arith.constant 0 : i32
      %dma_start3A_97 = tpu.memref_slice %arg9[%run_scoped3A_17, %dma_start3A_95, %dma_start3A_96] : memref<2x8x128xi32, #tpu.memory_space<vmem>> -> memref<1x8x128xi32, #tpu.memory_space<vmem>>
      %dma_start3A_98 = tpu.memref_squeeze %dma_start3A_97 : memref<1x8x128xi32, #tpu.memory_space<vmem>> -> memref<8x128xi32, #tpu.memory_space<vmem>>
      %dma_start3A_99 = arith.constant 0 : i32
      %dma_start3A_100 = tpu.memref_slice %arg3[%run_scoped3A_16, %add3A_15, %dma_start3A_99] : memref<2x6400x128xi32, #tpu.memory_space<hbm>> -> memref<1x8x128xi32, #tpu.memory_space<hbm>>
      %dma_start3A_101 = tpu.memref_squeeze %dma_start3A_100 : memref<1x8x128xi32, #tpu.memory_space<hbm>> -> memref<8x128xi32, #tpu.memory_space<hbm>>
      tpu.enqueue_dma source(%dma_start3A_101 : memref<8x128xi32, #tpu.memory_space<hbm>>) target(%dma_start3A_98 : memref<8x128xi32, #tpu.memory_space<vmem>>) target_semaphore(%run_scoped3A_87 : memref<!tpu.dma_semaphore, #tpu.memory_space<semaphore_mem>>)
      %dma_wait3A_102 = arith.constant 0 : i32
      %dma_wait3A_103 = arith.constant 0 : i32
      %dma_wait3A_104 = tpu.memref_slice %arg9[%run_scoped3A_17, %dma_wait3A_102, %dma_wait3A_103] : memref<2x8x128xi32, #tpu.memory_space<vmem>> -> memref<1x8x128xi32, #tpu.memory_space<vmem>>
      %dma_wait3A_105 = tpu.memref_squeeze %dma_wait3A_104 : memref<1x8x128xi32, #tpu.memory_space<vmem>> -> memref<8x128xi32, #tpu.memory_space<vmem>>
      %dma_wait3A_106 = arith.constant 0 : i32
      %dma_wait3A_107 = tpu.memref_slice %arg3[%run_scoped3A_16, %add3A_15, %dma_wait3A_106] : memref<2x6400x128xi32, #tpu.memory_space<hbm>> -> memref<1x8x128xi32, #tpu.memory_space<hbm>>
      %dma_wait3A_108 = tpu.memref_squeeze %dma_wait3A_107 : memref<1x8x128xi32, #tpu.memory_space<hbm>> -> memref<8x128xi32, #tpu.memory_space<hbm>>
      %dma_wait3A_109 = arith.constant 0 : i32
      %dma_wait3A_110 = arith.constant 0 : i32
      %dma_wait3A_111 = tpu.memref_slice %arg9[%run_scoped3A_17, %dma_wait3A_109, %dma_wait3A_110] : memref<2x8x128xi32, #tpu.memory_space<vmem>> -> memref<1x8x128xi32, #tpu.memory_space<vmem>>
      %dma_wait3A_112 = tpu.memref_squeeze %dma_wait3A_111 : memref<1x8x128xi32, #tpu.memory_space<vmem>> -> memref<8x128xi32, #tpu.memory_space<vmem>>
      %dma_wait3A_113 = arith.constant 0 : i32
      %dma_wait3A_114 = tpu.memref_slice %arg3[%run_scoped3A_16, %add3A_15, %dma_wait3A_113] : memref<2x6400x128xi32, #tpu.memory_space<hbm>> -> memref<1x8x128xi32, #tpu.memory_space<hbm>>
      %dma_wait3A_115 = tpu.memref_squeeze %dma_wait3A_114 : memref<1x8x128xi32, #tpu.memory_space<hbm>> -> memref<8x128xi32, #tpu.memory_space<hbm>>
      tpu.wait_dma2 semaphore(%run_scoped3A_87 : memref<!tpu.dma_semaphore, #tpu.memory_space<semaphore_mem>>) src(%dma_wait3A_115 : memref<8x128xi32, #tpu.memory_space<hbm>>) dst(%dma_wait3A_112 : memref<8x128xi32, #tpu.memory_space<vmem>>)
      tpu.yield
    }) : () -> ()
    %dma_start3A = arith.constant 0 : i32
    %dma_start3A_18 = arith.constant 0 : i32
    %dma_start3A_19 = arith.constant 0 : i32
    %dma_start3A_20 = arith.constant 0 : i32
    %dma_start3A_21 = arith.constant 0 : i32
    %dma_start3A_22 = tpu.memref_slice %arg7[%dma_start3A_19, %dma_start3A_20, %dma_start3A_21] : memref<4x128x32xf32, #tpu.memory_space<vmem>> -> memref<1x128x32xf32, #tpu.memory_space<vmem>>
    %dma_start3A_23 = tpu.memref_squeeze %dma_start3A_22 : memref<1x128x32xf32, #tpu.memory_space<vmem>> -> memref<128x32xf32, #tpu.memory_space<vmem>>
    %dma_start3A_24 = arith.constant 0 : i32
    %dma_start3A_25 = tpu.memref_slice %arg8[%dma_start3A, %dma_start3A_18, %dma_start3A_24] : memref<2x8x128xi32, #tpu.memory_space<vmem>> -> memref<1x1x128xi32, #tpu.memory_space<vmem>>
    %dma_start3A_26 = tpu.memref_squeeze %dma_start3A_25 : memref<1x1x128xi32, #tpu.memory_space<vmem>> -> memref<128xi32, #tpu.memory_space<vmem>>
    %dma_start3A_27 = arith.constant 0 : i32
    %dma_start3A_28 = arith.constant 0 : i32
    %dma_start3A_29 = tpu.memref_slice %arg2[%arg0, %dma_start3A_27, %dma_start3A_28] : memref<2x51200x32xf32, #tpu.memory_space<hbm>> -> memref<1x51200x32xf32, #tpu.memory_space<hbm>>
    %dma_start3A_30 = tpu.memref_squeeze %dma_start3A_29 : memref<1x51200x32xf32, #tpu.memory_space<hbm>> -> memref<51200x32xf32, #tpu.memory_space<hbm>>
    %dma_start3A_31 = arith.constant 0 : i32
    %dma_start3A_32 = arith.constant 0 : i32
    %dma_start3A_33 = tpu.memref_slice %dma_start3A_30[%dma_start3A_31, %dma_start3A_32] : memref<51200x32xf32, #tpu.memory_space<hbm>> -> memref<51200x32xf32, #tpu.memory_space<hbm>>
    tpu.enqueue_indirect_dma source(%dma_start3A_33 : memref<51200x32xf32, #tpu.memory_space<hbm>>) target(%dma_start3A_23 : memref<128x32xf32, #tpu.memory_space<vmem>>) offsets(%dma_start3A_26 : memref<128xi32, #tpu.memory_space<vmem>>) semaphore(%arg10 : memref<!tpu.dma_semaphore, #tpu.memory_space<semaphore_mem>>)
    %dma_start3A_34 = arith.constant 0 : i32
    %dma_start3A_35 = arith.constant 1 : i32
    %dma_start3A_36 = arith.constant 1 : i32
    %dma_start3A_37 = arith.constant 0 : i32
    %dma_start3A_38 = arith.constant 0 : i32
    %dma_start3A_39 = tpu.memref_slice %arg7[%dma_start3A_36, %dma_start3A_37, %dma_start3A_38] : memref<4x128x32xf32, #tpu.memory_space<vmem>> -> memref<1x128x32xf32, #tpu.memory_space<vmem>>
    %dma_start3A_40 = tpu.memref_squeeze %dma_start3A_39 : memref<1x128x32xf32, #tpu.memory_space<vmem>> -> memref<128x32xf32, #tpu.memory_space<vmem>>
    %dma_start3A_41 = arith.constant 0 : i32
    %dma_start3A_42 = tpu.memref_slice %arg8[%dma_start3A_34, %dma_start3A_35, %dma_start3A_41] : memref<2x8x128xi32, #tpu.memory_space<vmem>> -> memref<1x1x128xi32, #tpu.memory_space<vmem>>
    %dma_start3A_43 = tpu.memref_squeeze %dma_start3A_42 : memref<1x1x128xi32, #tpu.memory_space<vmem>> -> memref<128xi32, #tpu.memory_space<vmem>>
    %dma_start3A_44 = arith.constant 0 : i32
    %dma_start3A_45 = arith.constant 0 : i32
    %dma_start3A_46 = tpu.memref_slice %arg2[%arg0, %dma_start3A_44, %dma_start3A_45] : memref<2x51200x32xf32, #tpu.memory_space<hbm>> -> memref<1x51200x32xf32, #tpu.memory_space<hbm>>
    %dma_start3A_47 = tpu.memref_squeeze %dma_start3A_46 : memref<1x51200x32xf32, #tpu.memory_space<hbm>> -> memref<51200x32xf32, #tpu.memory_space<hbm>>
    %dma_start3A_48 = arith.constant 0 : i32
    %dma_start3A_49 = arith.constant 0 : i32
    %dma_start3A_50 = tpu.memref_slice %dma_start3A_47[%dma_start3A_48, %dma_start3A_49] : memref<51200x32xf32, #tpu.memory_space<hbm>> -> memref<51200x32xf32, #tpu.memory_space<hbm>>
    tpu.enqueue_indirect_dma source(%dma_start3A_50 : memref<51200x32xf32, #tpu.memory_space<hbm>>) target(%dma_start3A_40 : memref<128x32xf32, #tpu.memory_space<vmem>>) offsets(%dma_start3A_43 : memref<128xi32, #tpu.memory_space<vmem>>) semaphore(%arg11 : memref<!tpu.dma_semaphore, #tpu.memory_space<semaphore_mem>>)
    %scan3A_51 = arith.constant 0 : i32
    %scan3A_52 = arith.constant 0 : i32
    %scan3A_53 = arith.constant 50 : i32
    %scan3A_54 = arith.addi %scan3A_52, %scan3A_53 : i32
    %scan3A_55 = arith.constant 1 : i32
    scf.for %scan3A_87 = %scan3A_52 to %scan3A_54 step %scan3A_55  : i32 {
      %rem3A = arith.constant 2 : i32
      %rem3A_88 = arith.remsi %scan3A_87, %rem3A : i32
      %sub3A = arith.constant 1 : i32
      %sub3A_89 = arith.subi %sub3A, %rem3A_88 : i32
      %gt3A = arith.constant 0 : i32
      %gt3A_90 = arith.cmpi sgt, %scan3A_87, %gt3A : i32
      %convert_element_type3A = arith.extui %gt3A_90 : i1 to i32
      %cond3A = arith.constant 0 : i32
      %cond3A_91 = arith.cmpi ne, %convert_element_type3A, %cond3A : i32
      scf.if %cond3A_91 {
        %dma_wait3A_503 = arith.constant 2 : i32
        %dma_wait3A_504 = arith.constant 6 : i32
        %dma_wait3A_505 = arith.constant 0 : i32
        %dma_wait3A_506 = arith.constant 0 : i32
        %dma_wait3A_507 = tpu.memref_slice %arg7[%dma_wait3A_503, %dma_wait3A_505, %dma_wait3A_506] : memref<4x128x32xf32, #tpu.memory_space<vmem>> -> memref<1x128x32xf32, #tpu.memory_space<vmem>>
        %dma_wait3A_508 = tpu.memref_squeeze %dma_wait3A_507 : memref<1x128x32xf32, #tpu.memory_space<vmem>> -> memref<128x32xf32, #tpu.memory_space<vmem>>
        %dma_wait3A_509 = arith.constant 0 : i32
        %dma_wait3A_510 = tpu.memref_slice %arg9[%sub3A_89, %dma_wait3A_504, %dma_wait3A_509] : memref<2x8x128xi32, #tpu.memory_space<vmem>> -> memref<1x1x128xi32, #tpu.memory_space<vmem>>
        %dma_wait3A_511 = tpu.memref_squeeze %dma_wait3A_510 : memref<1x1x128xi32, #tpu.memory_space<vmem>> -> memref<128xi32, #tpu.memory_space<vmem>>
        %dma_wait3A_512 = arith.constant 0 : i32
        %dma_wait3A_513 = arith.constant 0 : i32
        %dma_wait3A_514 = tpu.memref_slice %arg5[%dma_wait3A_512, %dma_wait3A_513] : memref<51200x32xf32, #tpu.memory_space<vmem_shared>> -> memref<51200x32xf32, #tpu.memory_space<vmem_shared>>
        tpu.wait_indirect_dma semaphore(%arg16 : memref<!tpu.dma_semaphore, #tpu.memory_space<semaphore_mem>>) src(%dma_wait3A_508 : memref<128x32xf32, #tpu.memory_space<vmem>>) dst(%dma_wait3A_514 : memref<51200x32xf32, #tpu.memory_space<vmem_shared>>)
      } else {
      }
      %dma_start3A_92 = arith.constant 2 : i32
      %dma_start3A_93 = arith.constant 2 : i32
      %dma_start3A_94 = arith.constant 0 : i32
      %dma_start3A_95 = arith.constant 0 : i32
      %dma_start3A_96 = tpu.memref_slice %arg7[%dma_start3A_93, %dma_start3A_94, %dma_start3A_95] : memref<4x128x32xf32, #tpu.memory_space<vmem>> -> memref<1x128x32xf32, #tpu.memory_space<vmem>>
      %dma_start3A_97 = tpu.memref_squeeze %dma_start3A_96 : memref<1x128x32xf32, #tpu.memory_space<vmem>> -> memref<128x32xf32, #tpu.memory_space<vmem>>
      %dma_start3A_98 = arith.constant 0 : i32
      %dma_start3A_99 = tpu.memref_slice %arg8[%rem3A_88, %dma_start3A_92, %dma_start3A_98] : memref<2x8x128xi32, #tpu.memory_space<vmem>> -> memref<1x1x128xi32, #tpu.memory_space<vmem>>
      %dma_start3A_100 = tpu.memref_squeeze %dma_start3A_99 : memref<1x1x128xi32, #tpu.memory_space<vmem>> -> memref<128xi32, #tpu.memory_space<vmem>>
      %dma_start3A_101 = arith.constant 0 : i32
      %dma_start3A_102 = arith.constant 0 : i32
      %dma_start3A_103 = tpu.memref_slice %arg2[%arg0, %dma_start3A_101, %dma_start3A_102] : memref<2x51200x32xf32, #tpu.memory_space<hbm>> -> memref<1x51200x32xf32, #tpu.memory_space<hbm>>
      %dma_start3A_104 = tpu.memref_squeeze %dma_start3A_103 : memref<1x51200x32xf32, #tpu.memory_space<hbm>> -> memref<51200x32xf32, #tpu.memory_space<hbm>>
      %dma_start3A_105 = arith.constant 0 : i32
      %dma_start3A_106 = arith.constant 0 : i32
      %dma_start3A_107 = tpu.memref_slice %dma_start3A_104[%dma_start3A_105, %dma_start3A_106] : memref<51200x32xf32, #tpu.memory_space<hbm>> -> memref<51200x32xf32, #tpu.memory_space<hbm>>
      tpu.enqueue_indirect_dma source(%dma_start3A_107 : memref<51200x32xf32, #tpu.memory_space<hbm>>) target(%dma_start3A_97 : memref<128x32xf32, #tpu.memory_space<vmem>>) offsets(%dma_start3A_100 : memref<128xi32, #tpu.memory_space<vmem>>) semaphore(%arg12 : memref<!tpu.dma_semaphore, #tpu.memory_space<semaphore_mem>>)
      %dma_wait3A_108 = arith.constant 0 : i32
      %dma_wait3A_109 = arith.constant 0 : i32
      %dma_wait3A_110 = arith.constant 0 : i32
      %dma_wait3A_111 = arith.constant 0 : i32
      %dma_wait3A_112 = tpu.memref_slice %arg7[%dma_wait3A_109, %dma_wait3A_110, %dma_wait3A_111] : memref<4x128x32xf32, #tpu.memory_space<vmem>> -> memref<1x128x32xf32, #tpu.memory_space<vmem>>
      %dma_wait3A_113 = tpu.memref_squeeze %dma_wait3A_112 : memref<1x128x32xf32, #tpu.memory_space<vmem>> -> memref<128x32xf32, #tpu.memory_space<vmem>>
      %dma_wait3A_114 = arith.constant 0 : i32
      %dma_wait3A_115 = tpu.memref_slice %arg8[%rem3A_88, %dma_wait3A_108, %dma_wait3A_114] : memref<2x8x128xi32, #tpu.memory_space<vmem>> -> memref<1x1x128xi32, #tpu.memory_space<vmem>>
      %dma_wait3A_116 = tpu.memref_squeeze %dma_wait3A_115 : memref<1x1x128xi32, #tpu.memory_space<vmem>> -> memref<128xi32, #tpu.memory_space<vmem>>
      %dma_wait3A_117 = arith.constant 0 : i32
      %dma_wait3A_118 = arith.constant 0 : i32
      %dma_wait3A_119 = tpu.memref_slice %arg2[%arg0, %dma_wait3A_117, %dma_wait3A_118] : memref<2x51200x32xf32, #tpu.memory_space<hbm>> -> memref<1x51200x32xf32, #tpu.memory_space<hbm>>
      %dma_wait3A_120 = tpu.memref_squeeze %dma_wait3A_119 : memref<1x51200x32xf32, #tpu.memory_space<hbm>> -> memref<51200x32xf32, #tpu.memory_space<hbm>>
      %dma_wait3A_121 = arith.constant 0 : i32
      %dma_wait3A_122 = arith.constant 0 : i32
      %dma_wait3A_123 = tpu.memref_slice %dma_wait3A_120[%dma_wait3A_121, %dma_wait3A_122] : memref<51200x32xf32, #tpu.memory_space<hbm>> -> memref<51200x32xf32, #tpu.memory_space<hbm>>
      tpu.wait_indirect_dma semaphore(%arg10 : memref<!tpu.dma_semaphore, #tpu.memory_space<semaphore_mem>>) src(%dma_wait3A_123 : memref<51200x32xf32, #tpu.memory_space<hbm>>) dst(%dma_wait3A_113 : memref<128x32xf32, #tpu.memory_space<vmem>>)
      %dma_start3A_124 = arith.constant 0 : i32
      %dma_start3A_125 = arith.constant 0 : i32
      %dma_start3A_126 = arith.constant 0 : i32
      %dma_start3A_127 = arith.constant 0 : i32
      %dma_start3A_128 = tpu.memref_slice %arg7[%dma_start3A_124, %dma_start3A_126, %dma_start3A_127] : memref<4x128x32xf32, #tpu.memory_space<vmem>> -> memref<1x128x32xf32, #tpu.memory_space<vmem>>
      %dma_start3A_129 = tpu.memref_squeeze %dma_start3A_128 : memref<1x128x32xf32, #tpu.memory_space<vmem>> -> memref<128x32xf32, #tpu.memory_space<vmem>>
      %dma_start3A_130 = arith.constant 0 : i32
      %dma_start3A_131 = tpu.memref_slice %arg9[%rem3A_88, %dma_start3A_125, %dma_start3A_130] : memref<2x8x128xi32, #tpu.memory_space<vmem>> -> memref<1x1x128xi32, #tpu.memory_space<vmem>>
      %dma_start3A_132 = tpu.memref_squeeze %dma_start3A_131 : memref<1x1x128xi32, #tpu.memory_space<vmem>> -> memref<128xi32, #tpu.memory_space<vmem>>
      %dma_start3A_133 = arith.constant 0 : i32
      %dma_start3A_134 = arith.constant 0 : i32
      %dma_start3A_135 = tpu.memref_slice %arg5[%dma_start3A_133, %dma_start3A_134] : memref<51200x32xf32, #tpu.memory_space<vmem_shared>> -> memref<51200x32xf32, #tpu.memory_space<vmem_shared>>
      tpu.enqueue_indirect_dma source(%dma_start3A_129 : memref<128x32xf32, #tpu.memory_space<vmem>>) target(%dma_start3A_135 : memref<51200x32xf32, #tpu.memory_space<vmem_shared>>) offsets(%dma_start3A_132 : memref<128xi32, #tpu.memory_space<vmem>>) semaphore(%arg14 : memref<!tpu.dma_semaphore, #tpu.memory_space<semaphore_mem>>) {add = true}
      %gt3A_136 = arith.constant 0 : i32
      %gt3A_137 = arith.cmpi sgt, %scan3A_87, %gt3A_136 : i32
      %convert_element_type3A_138 = arith.extui %gt3A_137 : i1 to i32
      %cond3A_139 = arith.constant 0 : i32
      %cond3A_140 = arith.cmpi ne, %convert_element_type3A_138, %cond3A_139 : i32
      scf.if %cond3A_140 {
        %dma_wait3A_503 = arith.constant 3 : i32
        %dma_wait3A_504 = arith.constant 7 : i32
        %dma_wait3A_505 = arith.constant 0 : i32
        %dma_wait3A_506 = arith.constant 0 : i32
        %dma_wait3A_507 = tpu.memref_slice %arg7[%dma_wait3A_503, %dma_wait3A_505, %dma_wait3A_506] : memref<4x128x32xf32, #tpu.memory_space<vmem>> -> memref<1x128x32xf32, #tpu.memory_space<vmem>>
        %dma_wait3A_508 = tpu.memref_squeeze %dma_wait3A_507 : memref<1x128x32xf32, #tpu.memory_space<vmem>> -> memref<128x32xf32, #tpu.memory_space<vmem>>
        %dma_wait3A_509 = arith.constant 0 : i32
        %dma_wait3A_510 = tpu.memref_slice %arg9[%sub3A_89, %dma_wait3A_504, %dma_wait3A_509] : memref<2x8x128xi32, #tpu.memory_space<vmem>> -> memref<1x1x128xi32, #tpu.memory_space<vmem>>
        %dma_wait3A_511 = tpu.memref_squeeze %dma_wait3A_510 : memref<1x1x128xi32, #tpu.memory_space<vmem>> -> memref<128xi32, #tpu.memory_space<vmem>>
        %dma_wait3A_512 = arith.constant 0 : i32
        %dma_wait3A_513 = arith.constant 0 : i32
        %dma_wait3A_514 = tpu.memref_slice %arg5[%dma_wait3A_512, %dma_wait3A_513] : memref<51200x32xf32, #tpu.memory_space<vmem_shared>> -> memref<51200x32xf32, #tpu.memory_space<vmem_shared>>
        tpu.wait_indirect_dma semaphore(%arg17 : memref<!tpu.dma_semaphore, #tpu.memory_space<semaphore_mem>>) src(%dma_wait3A_508 : memref<128x32xf32, #tpu.memory_space<vmem>>) dst(%dma_wait3A_514 : memref<51200x32xf32, #tpu.memory_space<vmem_shared>>)
      } else {
      }
      %dma_start3A_141 = arith.constant 3 : i32
      %dma_start3A_142 = arith.constant 3 : i32
      %dma_start3A_143 = arith.constant 0 : i32
      %dma_start3A_144 = arith.constant 0 : i32
      %dma_start3A_145 = tpu.memref_slice %arg7[%dma_start3A_142, %dma_start3A_143, %dma_start3A_144] : memref<4x128x32xf32, #tpu.memory_space<vmem>> -> memref<1x128x32xf32, #tpu.memory_space<vmem>>
      %dma_start3A_146 = tpu.memref_squeeze %dma_start3A_145 : memref<1x128x32xf32, #tpu.memory_space<vmem>> -> memref<128x32xf32, #tpu.memory_space<vmem>>
      %dma_start3A_147 = arith.constant 0 : i32
      %dma_start3A_148 = tpu.memref_slice %arg8[%rem3A_88, %dma_start3A_141, %dma_start3A_147] : memref<2x8x128xi32, #tpu.memory_space<vmem>> -> memref<1x1x128xi32, #tpu.memory_space<vmem>>
      %dma_start3A_149 = tpu.memref_squeeze %dma_start3A_148 : memref<1x1x128xi32, #tpu.memory_space<vmem>> -> memref<128xi32, #tpu.memory_space<vmem>>
      %dma_start3A_150 = arith.constant 0 : i32
      %dma_start3A_151 = arith.constant 0 : i32
      %dma_start3A_152 = tpu.memref_slice %arg2[%arg0, %dma_start3A_150, %dma_start3A_151] : memref<2x51200x32xf32, #tpu.memory_space<hbm>> -> memref<1x51200x32xf32, #tpu.memory_space<hbm>>
      %dma_start3A_153 = tpu.memref_squeeze %dma_start3A_152 : memref<1x51200x32xf32, #tpu.memory_space<hbm>> -> memref<51200x32xf32, #tpu.memory_space<hbm>>
      %dma_start3A_154 = arith.constant 0 : i32
      %dma_start3A_155 = arith.constant 0 : i32
      %dma_start3A_156 = tpu.memref_slice %dma_start3A_153[%dma_start3A_154, %dma_start3A_155] : memref<51200x32xf32, #tpu.memory_space<hbm>> -> memref<51200x32xf32, #tpu.memory_space<hbm>>
      tpu.enqueue_indirect_dma source(%dma_start3A_156 : memref<51200x32xf32, #tpu.memory_space<hbm>>) target(%dma_start3A_146 : memref<128x32xf32, #tpu.memory_space<vmem>>) offsets(%dma_start3A_149 : memref<128xi32, #tpu.memory_space<vmem>>) semaphore(%arg13 : memref<!tpu.dma_semaphore, #tpu.memory_space<semaphore_mem>>)
      %dma_wait3A_157 = arith.constant 1 : i32
      %dma_wait3A_158 = arith.constant 1 : i32
      %dma_wait3A_159 = arith.constant 0 : i32
      %dma_wait3A_160 = arith.constant 0 : i32
      %dma_wait3A_161 = tpu.memref_slice %arg7[%dma_wait3A_158, %dma_wait3A_159, %dma_wait3A_160] : memref<4x128x32xf32, #tpu.memory_space<vmem>> -> memref<1x128x32xf32, #tpu.memory_space<vmem>>
      %dma_wait3A_162 = tpu.memref_squeeze %dma_wait3A_161 : memref<1x128x32xf32, #tpu.memory_space<vmem>> -> memref<128x32xf32, #tpu.memory_space<vmem>>
      %dma_wait3A_163 = arith.constant 0 : i32
      %dma_wait3A_164 = tpu.memref_slice %arg8[%rem3A_88, %dma_wait3A_157, %dma_wait3A_163] : memref<2x8x128xi32, #tpu.memory_space<vmem>> -> memref<1x1x128xi32, #tpu.memory_space<vmem>>
      %dma_wait3A_165 = tpu.memref_squeeze %dma_wait3A_164 : memref<1x1x128xi32, #tpu.memory_space<vmem>> -> memref<128xi32, #tpu.memory_space<vmem>>
      %dma_wait3A_166 = arith.constant 0 : i32
      %dma_wait3A_167 = arith.constant 0 : i32
      %dma_wait3A_168 = tpu.memref_slice %arg2[%arg0, %dma_wait3A_166, %dma_wait3A_167] : memref<2x51200x32xf32, #tpu.memory_space<hbm>> -> memref<1x51200x32xf32, #tpu.memory_space<hbm>>
      %dma_wait3A_169 = tpu.memref_squeeze %dma_wait3A_168 : memref<1x51200x32xf32, #tpu.memory_space<hbm>> -> memref<51200x32xf32, #tpu.memory_space<hbm>>
      %dma_wait3A_170 = arith.constant 0 : i32
      %dma_wait3A_171 = arith.constant 0 : i32
      %dma_wait3A_172 = tpu.memref_slice %dma_wait3A_169[%dma_wait3A_170, %dma_wait3A_171] : memref<51200x32xf32, #tpu.memory_space<hbm>> -> memref<51200x32xf32, #tpu.memory_space<hbm>>
      tpu.wait_indirect_dma semaphore(%arg11 : memref<!tpu.dma_semaphore, #tpu.memory_space<semaphore_mem>>) src(%dma_wait3A_172 : memref<51200x32xf32, #tpu.memory_space<hbm>>) dst(%dma_wait3A_162 : memref<128x32xf32, #tpu.memory_space<vmem>>)
      %dma_start3A_173 = arith.constant 1 : i32
      %dma_start3A_174 = arith.constant 1 : i32
      %dma_start3A_175 = arith.constant 0 : i32
      %dma_start3A_176 = arith.constant 0 : i32
      %dma_start3A_177 = tpu.memref_slice %arg7[%dma_start3A_173, %dma_start3A_175, %dma_start3A_176] : memref<4x128x32xf32, #tpu.memory_space<vmem>> -> memref<1x128x32xf32, #tpu.memory_space<vmem>>
      %dma_start3A_178 = tpu.memref_squeeze %dma_start3A_177 : memref<1x128x32xf32, #tpu.memory_space<vmem>> -> memref<128x32xf32, #tpu.memory_space<vmem>>
      %dma_start3A_179 = arith.constant 0 : i32
      %dma_start3A_180 = tpu.memref_slice %arg9[%rem3A_88, %dma_start3A_174, %dma_start3A_179] : memref<2x8x128xi32, #tpu.memory_space<vmem>> -> memref<1x1x128xi32, #tpu.memory_space<vmem>>
      %dma_start3A_181 = tpu.memref_squeeze %dma_start3A_180 : memref<1x1x128xi32, #tpu.memory_space<vmem>> -> memref<128xi32, #tpu.memory_space<vmem>>
      %dma_start3A_182 = arith.constant 0 : i32
      %dma_start3A_183 = arith.constant 0 : i32
      %dma_start3A_184 = tpu.memref_slice %arg5[%dma_start3A_182, %dma_start3A_183] : memref<51200x32xf32, #tpu.memory_space<vmem_shared>> -> memref<51200x32xf32, #tpu.memory_space<vmem_shared>>
      tpu.enqueue_indirect_dma source(%dma_start3A_178 : memref<128x32xf32, #tpu.memory_space<vmem>>) target(%dma_start3A_184 : memref<51200x32xf32, #tpu.memory_space<vmem_shared>>) offsets(%dma_start3A_181 : memref<128xi32, #tpu.memory_space<vmem>>) semaphore(%arg15 : memref<!tpu.dma_semaphore, #tpu.memory_space<semaphore_mem>>) {add = true}
      %dma_wait3A_185 = arith.constant 0 : i32
      %dma_wait3A_186 = arith.constant 0 : i32
      %dma_wait3A_187 = arith.constant 0 : i32
      %dma_wait3A_188 = arith.constant 0 : i32
      %dma_wait3A_189 = tpu.memref_slice %arg7[%dma_wait3A_185, %dma_wait3A_187, %dma_wait3A_188] : memref<4x128x32xf32, #tpu.memory_space<vmem>> -> memref<1x128x32xf32, #tpu.memory_space<vmem>>
      %dma_wait3A_190 = tpu.memref_squeeze %dma_wait3A_189 : memref<1x128x32xf32, #tpu.memory_space<vmem>> -> memref<128x32xf32, #tpu.memory_space<vmem>>
      %dma_wait3A_191 = arith.constant 0 : i32
      %dma_wait3A_192 = tpu.memref_slice %arg9[%rem3A_88, %dma_wait3A_186, %dma_wait3A_191] : memref<2x8x128xi32, #tpu.memory_space<vmem>> -> memref<1x1x128xi32, #tpu.memory_space<vmem>>
      %dma_wait3A_193 = tpu.memref_squeeze %dma_wait3A_192 : memref<1x1x128xi32, #tpu.memory_space<vmem>> -> memref<128xi32, #tpu.memory_space<vmem>>
      %dma_wait3A_194 = arith.constant 0 : i32
      %dma_wait3A_195 = arith.constant 0 : i32
      %dma_wait3A_196 = tpu.memref_slice %arg5[%dma_wait3A_194, %dma_wait3A_195] : memref<51200x32xf32, #tpu.memory_space<vmem_shared>> -> memref<51200x32xf32, #tpu.memory_space<vmem_shared>>
      tpu.wait_indirect_dma semaphore(%arg14 : memref<!tpu.dma_semaphore, #tpu.memory_space<semaphore_mem>>) src(%dma_wait3A_190 : memref<128x32xf32, #tpu.memory_space<vmem>>) dst(%dma_wait3A_196 : memref<51200x32xf32, #tpu.memory_space<vmem_shared>>)
      %dma_start3A_197 = arith.constant 4 : i32
      %dma_start3A_198 = arith.constant 0 : i32
      %dma_start3A_199 = arith.constant 0 : i32
      %dma_start3A_200 = arith.constant 0 : i32
      %dma_start3A_201 = tpu.memref_slice %arg7[%dma_start3A_198, %dma_start3A_199, %dma_start3A_200] : memref<4x128x32xf32, #tpu.memory_space<vmem>> -> memref<1x128x32xf32, #tpu.memory_space<vmem>>
      %dma_start3A_202 = tpu.memref_squeeze %dma_start3A_201 : memref<1x128x32xf32, #tpu.memory_space<vmem>> -> memref<128x32xf32, #tpu.memory_space<vmem>>
      %dma_start3A_203 = arith.constant 0 : i32
      %dma_start3A_204 = tpu.memref_slice %arg8[%rem3A_88, %dma_start3A_197, %dma_start3A_203] : memref<2x8x128xi32, #tpu.memory_space<vmem>> -> memref<1x1x128xi32, #tpu.memory_space<vmem>>
      %dma_start3A_205 = tpu.memref_squeeze %dma_start3A_204 : memref<1x1x128xi32, #tpu.memory_space<vmem>> -> memref<128xi32, #tpu.memory_space<vmem>>
      %dma_start3A_206 = arith.constant 0 : i32
      %dma_start3A_207 = arith.constant 0 : i32
      %dma_start3A_208 = tpu.memref_slice %arg2[%arg0, %dma_start3A_206, %dma_start3A_207] : memref<2x51200x32xf32, #tpu.memory_space<hbm>> -> memref<1x51200x32xf32, #tpu.memory_space<hbm>>
      %dma_start3A_209 = tpu.memref_squeeze %dma_start3A_208 : memref<1x51200x32xf32, #tpu.memory_space<hbm>> -> memref<51200x32xf32, #tpu.memory_space<hbm>>
      %dma_start3A_210 = arith.constant 0 : i32
      %dma_start3A_211 = arith.constant 0 : i32
      %dma_start3A_212 = tpu.memref_slice %dma_start3A_209[%dma_start3A_210, %dma_start3A_211] : memref<51200x32xf32, #tpu.memory_space<hbm>> -> memref<51200x32xf32, #tpu.memory_space<hbm>>
      tpu.enqueue_indirect_dma source(%dma_start3A_212 : memref<51200x32xf32, #tpu.memory_space<hbm>>) target(%dma_start3A_202 : memref<128x32xf32, #tpu.memory_space<vmem>>) offsets(%dma_start3A_205 : memref<128xi32, #tpu.memory_space<vmem>>) semaphore(%arg10 : memref<!tpu.dma_semaphore, #tpu.memory_space<semaphore_mem>>)
      %dma_wait3A_213 = arith.constant 2 : i32
      %dma_wait3A_214 = arith.constant 2 : i32
      %dma_wait3A_215 = arith.constant 0 : i32
      %dma_wait3A_216 = arith.constant 0 : i32
      %dma_wait3A_217 = tpu.memref_slice %arg7[%dma_wait3A_214, %dma_wait3A_215, %dma_wait3A_216] : memref<4x128x32xf32, #tpu.memory_space<vmem>> -> memref<1x128x32xf32, #tpu.memory_space<vmem>>
      %dma_wait3A_218 = tpu.memref_squeeze %dma_wait3A_217 : memref<1x128x32xf32, #tpu.memory_space<vmem>> -> memref<128x32xf32, #tpu.memory_space<vmem>>
      %dma_wait3A_219 = arith.constant 0 : i32
      %dma_wait3A_220 = tpu.memref_slice %arg8[%rem3A_88, %dma_wait3A_213, %dma_wait3A_219] : memref<2x8x128xi32, #tpu.memory_space<vmem>> -> memref<1x1x128xi32, #tpu.memory_space<vmem>>
      %dma_wait3A_221 = tpu.memref_squeeze %dma_wait3A_220 : memref<1x1x128xi32, #tpu.memory_space<vmem>> -> memref<128xi32, #tpu.memory_space<vmem>>
      %dma_wait3A_222 = arith.constant 0 : i32
      %dma_wait3A_223 = arith.constant 0 : i32
      %dma_wait3A_224 = tpu.memref_slice %arg2[%arg0, %dma_wait3A_222, %dma_wait3A_223] : memref<2x51200x32xf32, #tpu.memory_space<hbm>> -> memref<1x51200x32xf32, #tpu.memory_space<hbm>>
      %dma_wait3A_225 = tpu.memref_squeeze %dma_wait3A_224 : memref<1x51200x32xf32, #tpu.memory_space<hbm>> -> memref<51200x32xf32, #tpu.memory_space<hbm>>
      %dma_wait3A_226 = arith.constant 0 : i32
      %dma_wait3A_227 = arith.constant 0 : i32
      %dma_wait3A_228 = tpu.memref_slice %dma_wait3A_225[%dma_wait3A_226, %dma_wait3A_227] : memref<51200x32xf32, #tpu.memory_space<hbm>> -> memref<51200x32xf32, #tpu.memory_space<hbm>>
      tpu.wait_indirect_dma semaphore(%arg12 : memref<!tpu.dma_semaphore, #tpu.memory_space<semaphore_mem>>) src(%dma_wait3A_228 : memref<51200x32xf32, #tpu.memory_space<hbm>>) dst(%dma_wait3A_218 : memref<128x32xf32, #tpu.memory_space<vmem>>)
      %dma_start3A_229 = arith.constant 2 : i32
      %dma_start3A_230 = arith.constant 2 : i32
      %dma_start3A_231 = arith.constant 0 : i32
      %dma_start3A_232 = arith.constant 0 : i32
      %dma_start3A_233 = tpu.memref_slice %arg7[%dma_start3A_229, %dma_start3A_231, %dma_start3A_232] : memref<4x128x32xf32, #tpu.memory_space<vmem>> -> memref<1x128x32xf32, #tpu.memory_space<vmem>>
      %dma_start3A_234 = tpu.memref_squeeze %dma_start3A_233 : memref<1x128x32xf32, #tpu.memory_space<vmem>> -> memref<128x32xf32, #tpu.memory_space<vmem>>
      %dma_start3A_235 = arith.constant 0 : i32
      %dma_start3A_236 = tpu.memref_slice %arg9[%rem3A_88, %dma_start3A_230, %dma_start3A_235] : memref<2x8x128xi32, #tpu.memory_space<vmem>> -> memref<1x1x128xi32, #tpu.memory_space<vmem>>
      %dma_start3A_237 = tpu.memref_squeeze %dma_start3A_236 : memref<1x1x128xi32, #tpu.memory_space<vmem>> -> memref<128xi32, #tpu.memory_space<vmem>>
      %dma_start3A_238 = arith.constant 0 : i32
      %dma_start3A_239 = arith.constant 0 : i32
      %dma_start3A_240 = tpu.memref_slice %arg5[%dma_start3A_238, %dma_start3A_239] : memref<51200x32xf32, #tpu.memory_space<vmem_shared>> -> memref<51200x32xf32, #tpu.memory_space<vmem_shared>>
      tpu.enqueue_indirect_dma source(%dma_start3A_234 : memref<128x32xf32, #tpu.memory_space<vmem>>) target(%dma_start3A_240 : memref<51200x32xf32, #tpu.memory_space<vmem_shared>>) offsets(%dma_start3A_237 : memref<128xi32, #tpu.memory_space<vmem>>) semaphore(%arg16 : memref<!tpu.dma_semaphore, #tpu.memory_space<semaphore_mem>>) {add = true}
      %dma_wait3A_241 = arith.constant 1 : i32
      %dma_wait3A_242 = arith.constant 1 : i32
      %dma_wait3A_243 = arith.constant 0 : i32
      %dma_wait3A_244 = arith.constant 0 : i32
      %dma_wait3A_245 = tpu.memref_slice %arg7[%dma_wait3A_241, %dma_wait3A_243, %dma_wait3A_244] : memref<4x128x32xf32, #tpu.memory_space<vmem>> -> memref<1x128x32xf32, #tpu.memory_space<vmem>>
      %dma_wait3A_246 = tpu.memref_squeeze %dma_wait3A_245 : memref<1x128x32xf32, #tpu.memory_space<vmem>> -> memref<128x32xf32, #tpu.memory_space<vmem>>
      %dma_wait3A_247 = arith.constant 0 : i32
      %dma_wait3A_248 = tpu.memref_slice %arg9[%rem3A_88, %dma_wait3A_242, %dma_wait3A_247] : memref<2x8x128xi32, #tpu.memory_space<vmem>> -> memref<1x1x128xi32, #tpu.memory_space<vmem>>
      %dma_wait3A_249 = tpu.memref_squeeze %dma_wait3A_248 : memref<1x1x128xi32, #tpu.memory_space<vmem>> -> memref<128xi32, #tpu.memory_space<vmem>>
      %dma_wait3A_250 = arith.constant 0 : i32
      %dma_wait3A_251 = arith.constant 0 : i32
      %dma_wait3A_252 = tpu.memref_slice %arg5[%dma_wait3A_250, %dma_wait3A_251] : memref<51200x32xf32, #tpu.memory_space<vmem_shared>> -> memref<51200x32xf32, #tpu.memory_space<vmem_shared>>
      tpu.wait_indirect_dma semaphore(%arg15 : memref<!tpu.dma_semaphore, #tpu.memory_space<semaphore_mem>>) src(%dma_wait3A_246 : memref<128x32xf32, #tpu.memory_space<vmem>>) dst(%dma_wait3A_252 : memref<51200x32xf32, #tpu.memory_space<vmem_shared>>)
      %dma_start3A_253 = arith.constant 5 : i32
      %dma_start3A_254 = arith.constant 1 : i32
      %dma_start3A_255 = arith.constant 0 : i32
      %dma_start3A_256 = arith.constant 0 : i32
      %dma_start3A_257 = tpu.memref_slice %arg7[%dma_start3A_254, %dma_start3A_255, %dma_start3A_256] : memref<4x128x32xf32, #tpu.memory_space<vmem>> -> memref<1x128x32xf32, #tpu.memory_space<vmem>>
      %dma_start3A_258 = tpu.memref_squeeze %dma_start3A_257 : memref<1x128x32xf32, #tpu.memory_space<vmem>> -> memref<128x32xf32, #tpu.memory_space<vmem>>
      %dma_start3A_259 = arith.constant 0 : i32
      %dma_start3A_260 = tpu.memref_slice %arg8[%rem3A_88, %dma_start3A_253, %dma_start3A_259] : memref<2x8x128xi32, #tpu.memory_space<vmem>> -> memref<1x1x128xi32, #tpu.memory_space<vmem>>
      %dma_start3A_261 = tpu.memref_squeeze %dma_start3A_260 : memref<1x1x128xi32, #tpu.memory_space<vmem>> -> memref<128xi32, #tpu.memory_space<vmem>>
      %dma_start3A_262 = arith.constant 0 : i32
      %dma_start3A_263 = arith.constant 0 : i32
      %dma_start3A_264 = tpu.memref_slice %arg2[%arg0, %dma_start3A_262, %dma_start3A_263] : memref<2x51200x32xf32, #tpu.memory_space<hbm>> -> memref<1x51200x32xf32, #tpu.memory_space<hbm>>
      %dma_start3A_265 = tpu.memref_squeeze %dma_start3A_264 : memref<1x51200x32xf32, #tpu.memory_space<hbm>> -> memref<51200x32xf32, #tpu.memory_space<hbm>>
      %dma_start3A_266 = arith.constant 0 : i32
      %dma_start3A_267 = arith.constant 0 : i32
      %dma_start3A_268 = tpu.memref_slice %dma_start3A_265[%dma_start3A_266, %dma_start3A_267] : memref<51200x32xf32, #tpu.memory_space<hbm>> -> memref<51200x32xf32, #tpu.memory_space<hbm>>
      tpu.enqueue_indirect_dma source(%dma_start3A_268 : memref<51200x32xf32, #tpu.memory_space<hbm>>) target(%dma_start3A_258 : memref<128x32xf32, #tpu.memory_space<vmem>>) offsets(%dma_start3A_261 : memref<128xi32, #tpu.memory_space<vmem>>) semaphore(%arg11 : memref<!tpu.dma_semaphore, #tpu.memory_space<semaphore_mem>>)
      %dma_wait3A_269 = arith.constant 3 : i32
      %dma_wait3A_270 = arith.constant 3 : i32
      %dma_wait3A_271 = arith.constant 0 : i32
      %dma_wait3A_272 = arith.constant 0 : i32
      %dma_wait3A_273 = tpu.memref_slice %arg7[%dma_wait3A_270, %dma_wait3A_271, %dma_wait3A_272] : memref<4x128x32xf32, #tpu.memory_space<vmem>> -> memref<1x128x32xf32, #tpu.memory_space<vmem>>
      %dma_wait3A_274 = tpu.memref_squeeze %dma_wait3A_273 : memref<1x128x32xf32, #tpu.memory_space<vmem>> -> memref<128x32xf32, #tpu.memory_space<vmem>>
      %dma_wait3A_275 = arith.constant 0 : i32
      %dma_wait3A_276 = tpu.memref_slice %arg8[%rem3A_88, %dma_wait3A_269, %dma_wait3A_275] : memref<2x8x128xi32, #tpu.memory_space<vmem>> -> memref<1x1x128xi32, #tpu.memory_space<vmem>>
      %dma_wait3A_277 = tpu.memref_squeeze %dma_wait3A_276 : memref<1x1x128xi32, #tpu.memory_space<vmem>> -> memref<128xi32, #tpu.memory_space<vmem>>
      %dma_wait3A_278 = arith.constant 0 : i32
      %dma_wait3A_279 = arith.constant 0 : i32
      %dma_wait3A_280 = tpu.memref_slice %arg2[%arg0, %dma_wait3A_278, %dma_wait3A_279] : memref<2x51200x32xf32, #tpu.memory_space<hbm>> -> memref<1x51200x32xf32, #tpu.memory_space<hbm>>
      %dma_wait3A_281 = tpu.memref_squeeze %dma_wait3A_280 : memref<1x51200x32xf32, #tpu.memory_space<hbm>> -> memref<51200x32xf32, #tpu.memory_space<hbm>>
      %dma_wait3A_282 = arith.constant 0 : i32
      %dma_wait3A_283 = arith.constant 0 : i32
      %dma_wait3A_284 = tpu.memref_slice %dma_wait3A_281[%dma_wait3A_282, %dma_wait3A_283] : memref<51200x32xf32, #tpu.memory_space<hbm>> -> memref<51200x32xf32, #tpu.memory_space<hbm>>
      tpu.wait_indirect_dma semaphore(%arg13 : memref<!tpu.dma_semaphore, #tpu.memory_space<semaphore_mem>>) src(%dma_wait3A_284 : memref<51200x32xf32, #tpu.memory_space<hbm>>) dst(%dma_wait3A_274 : memref<128x32xf32, #tpu.memory_space<vmem>>)
      %dma_start3A_285 = arith.constant 3 : i32
      %dma_start3A_286 = arith.constant 3 : i32
      %dma_start3A_287 = arith.constant 0 : i32
      %dma_start3A_288 = arith.constant 0 : i32
      %dma_start3A_289 = tpu.memref_slice %arg7[%dma_start3A_285, %dma_start3A_287, %dma_start3A_288] : memref<4x128x32xf32, #tpu.memory_space<vmem>> -> memref<1x128x32xf32, #tpu.memory_space<vmem>>
      %dma_start3A_290 = tpu.memref_squeeze %dma_start3A_289 : memref<1x128x32xf32, #tpu.memory_space<vmem>> -> memref<128x32xf32, #tpu.memory_space<vmem>>
      %dma_start3A_291 = arith.constant 0 : i32
      %dma_start3A_292 = tpu.memref_slice %arg9[%rem3A_88, %dma_start3A_286, %dma_start3A_291] : memref<2x8x128xi32, #tpu.memory_space<vmem>> -> memref<1x1x128xi32, #tpu.memory_space<vmem>>
      %dma_start3A_293 = tpu.memref_squeeze %dma_start3A_292 : memref<1x1x128xi32, #tpu.memory_space<vmem>> -> memref<128xi32, #tpu.memory_space<vmem>>
      %dma_start3A_294 = arith.constant 0 : i32
      %dma_start3A_295 = arith.constant 0 : i32
      %dma_start3A_296 = tpu.memref_slice %arg5[%dma_start3A_294, %dma_start3A_295] : memref<51200x32xf32, #tpu.memory_space<vmem_shared>> -> memref<51200x32xf32, #tpu.memory_space<vmem_shared>>
      tpu.enqueue_indirect_dma source(%dma_start3A_290 : memref<128x32xf32, #tpu.memory_space<vmem>>) target(%dma_start3A_296 : memref<51200x32xf32, #tpu.memory_space<vmem_shared>>) offsets(%dma_start3A_293 : memref<128xi32, #tpu.memory_space<vmem>>) semaphore(%arg17 : memref<!tpu.dma_semaphore, #tpu.memory_space<semaphore_mem>>) {add = true}
      %lt3A = arith.constant 49 : i32
      %lt3A_297 = arith.cmpi slt, %scan3A_87, %lt3A : i32
      %convert_element_type3A_298 = arith.extui %lt3A_297 : i1 to i32
      %cond3A_299 = arith.constant 0 : i32
      %cond3A_300 = arith.cmpi ne, %convert_element_type3A_298, %cond3A_299 : i32
      scf.if %cond3A_300 {
        %add3A_503 = arith.constant 1 : i32
        %add3A_504 = arith.addi %scan3A_87, %add3A_503 : i32
        %mul3A_505 = arith.constant 8 : i32
        %mul3A_506 = arith.muli %add3A_504, %mul3A_505 : i32
        %add3A_507 = arith.addi %mul3A_11, %mul3A_506 : i32
        %run_scoped3A_508 = arith.constant 0 : i32
        "tpu.region"() ({
          %run_scoped3A_513 = tpu.sem_alloc : memref<!tpu.dma_semaphore, #tpu.memory_space<semaphore_mem>>
          %dma_start3A_514 = arith.constant 0 : i32
          %dma_start3A_515 = arith.constant 0 : i32
          %dma_start3A_516 = tpu.memref_slice %arg8[%sub3A_89, %dma_start3A_514, %dma_start3A_515] : memref<2x8x128xi32, #tpu.memory_space<vmem>> -> memref<1x8x128xi32, #tpu.memory_space<vmem>>
          %dma_start3A_517 = tpu.memref_squeeze %dma_start3A_516 : memref<1x8x128xi32, #tpu.memory_space<vmem>> -> memref<8x128xi32, #tpu.memory_space<vmem>>
          %dma_start3A_518 = arith.constant 0 : i32
          %dma_start3A_519 = tpu.memref_slice %arg3[%run_scoped3A_508, %add3A_507, %dma_start3A_518] : memref<2x6400x128xi32, #tpu.memory_space<hbm>> -> memref<1x8x128xi32, #tpu.memory_space<hbm>>
          %dma_start3A_520 = tpu.memref_squeeze %dma_start3A_519 : memref<1x8x128xi32, #tpu.memory_space<hbm>> -> memref<8x128xi32, #tpu.memory_space<hbm>>
          %dma_start3A_521 = arith.constant 0 : i32
          %dma_start3A_522 = arith.constant 0 : i32
          %dma_start3A_523 = tpu.memref_slice %arg8[%sub3A_89, %dma_start3A_521, %dma_start3A_522] : memref<2x8x128xi32, #tpu.memory_space<vmem>> -> memref<1x8x128xi32, #tpu.memory_space<vmem>>
          %dma_start3A_524 = tpu.memref_squeeze %dma_start3A_523 : memref<1x8x128xi32, #tpu.memory_space<vmem>> -> memref<8x128xi32, #tpu.memory_space<vmem>>
          %dma_start3A_525 = arith.constant 0 : i32
          %dma_start3A_526 = tpu.memref_slice %arg3[%run_scoped3A_508, %add3A_507, %dma_start3A_525] : memref<2x6400x128xi32, #tpu.memory_space<hbm>> -> memref<1x8x128xi32, #tpu.memory_space<hbm>>
          %dma_start3A_527 = tpu.memref_squeeze %dma_start3A_526 : memref<1x8x128xi32, #tpu.memory_space<hbm>> -> memref<8x128xi32, #tpu.memory_space<hbm>>
          tpu.enqueue_dma source(%dma_start3A_527 : memref<8x128xi32, #tpu.memory_space<hbm>>) target(%dma_start3A_524 : memref<8x128xi32, #tpu.memory_space<vmem>>) target_semaphore(%run_scoped3A_513 : memref<!tpu.dma_semaphore, #tpu.memory_space<semaphore_mem>>)
          %dma_wait3A_528 = arith.constant 0 : i32
          %dma_wait3A_529 = arith.constant 0 : i32
          %dma_wait3A_530 = tpu.memref_slice %arg8[%sub3A_89, %dma_wait3A_528, %dma_wait3A_529] : memref<2x8x128xi32, #tpu.memory_space<vmem>> -> memref<1x8x128xi32, #tpu.memory_space<vmem>>
          %dma_wait3A_531 = tpu.memref_squeeze %dma_wait3A_530 : memref<1x8x128xi32, #tpu.memory_space<vmem>> -> memref<8x128xi32, #tpu.memory_space<vmem>>
          %dma_wait3A_532 = arith.constant 0 : i32
          %dma_wait3A_533 = tpu.memref_slice %arg3[%run_scoped3A_508, %add3A_507, %dma_wait3A_532] : memref<2x6400x128xi32, #tpu.memory_space<hbm>> -> memref<1x8x128xi32, #tpu.memory_space<hbm>>
          %dma_wait3A_534 = tpu.memref_squeeze %dma_wait3A_533 : memref<1x8x128xi32, #tpu.memory_space<hbm>> -> memref<8x128xi32, #tpu.memory_space<hbm>>
          %dma_wait3A_535 = arith.constant 0 : i32
          %dma_wait3A_536 = arith.constant 0 : i32
          %dma_wait3A_537 = tpu.memref_slice %arg8[%sub3A_89, %dma_wait3A_535, %dma_wait3A_536] : memref<2x8x128xi32, #tpu.memory_space<vmem>> -> memref<1x8x128xi32, #tpu.memory_space<vmem>>
          %dma_wait3A_538 = tpu.memref_squeeze %dma_wait3A_537 : memref<1x8x128xi32, #tpu.memory_space<vmem>> -> memref<8x128xi32, #tpu.memory_space<vmem>>
          %dma_wait3A_539 = arith.constant 0 : i32
          %dma_wait3A_540 = tpu.memref_slice %arg3[%run_scoped3A_508, %add3A_507, %dma_wait3A_539] : memref<2x6400x128xi32, #tpu.memory_space<hbm>> -> memref<1x8x128xi32, #tpu.memory_space<hbm>>
          %dma_wait3A_541 = tpu.memref_squeeze %dma_wait3A_540 : memref<1x8x128xi32, #tpu.memory_space<hbm>> -> memref<8x128xi32, #tpu.memory_space<hbm>>
          tpu.wait_dma2 semaphore(%run_scoped3A_513 : memref<!tpu.dma_semaphore, #tpu.memory_space<semaphore_mem>>) src(%dma_wait3A_541 : memref<8x128xi32, #tpu.memory_space<hbm>>) dst(%dma_wait3A_538 : memref<8x128xi32, #tpu.memory_space<vmem>>)
          tpu.yield
        }) : () -> ()
        %mul3A_509 = arith.constant 8 : i32
        %mul3A_510 = arith.muli %add3A_504, %mul3A_509 : i32
        %add3A_511 = arith.addi %mul3A_11, %mul3A_510 : i32
        %run_scoped3A_512 = arith.constant 1 : i32
        "tpu.region"() ({
          %run_scoped3A_513 = tpu.sem_alloc : memref<!tpu.dma_semaphore, #tpu.memory_space<semaphore_mem>>
          %dma_start3A_514 = arith.constant 0 : i32
          %dma_start3A_515 = arith.constant 0 : i32
          %dma_start3A_516 = tpu.memref_slice %arg9[%sub3A_89, %dma_start3A_514, %dma_start3A_515] : memref<2x8x128xi32, #tpu.memory_space<vmem>> -> memref<1x8x128xi32, #tpu.memory_space<vmem>>
          %dma_start3A_517 = tpu.memref_squeeze %dma_start3A_516 : memref<1x8x128xi32, #tpu.memory_space<vmem>> -> memref<8x128xi32, #tpu.memory_space<vmem>>
          %dma_start3A_518 = arith.constant 0 : i32
          %dma_start3A_519 = tpu.memref_slice %arg3[%run_scoped3A_512, %add3A_511, %dma_start3A_518] : memref<2x6400x128xi32, #tpu.memory_space<hbm>> -> memref<1x8x128xi32, #tpu.memory_space<hbm>>
          %dma_start3A_520 = tpu.memref_squeeze %dma_start3A_519 : memref<1x8x128xi32, #tpu.memory_space<hbm>> -> memref<8x128xi32, #tpu.memory_space<hbm>>
          %dma_start3A_521 = arith.constant 0 : i32
          %dma_start3A_522 = arith.constant 0 : i32
          %dma_start3A_523 = tpu.memref_slice %arg9[%sub3A_89, %dma_start3A_521, %dma_start3A_522] : memref<2x8x128xi32, #tpu.memory_space<vmem>> -> memref<1x8x128xi32, #tpu.memory_space<vmem>>
          %dma_start3A_524 = tpu.memref_squeeze %dma_start3A_523 : memref<1x8x128xi32, #tpu.memory_space<vmem>> -> memref<8x128xi32, #tpu.memory_space<vmem>>
          %dma_start3A_525 = arith.constant 0 : i32
          %dma_start3A_526 = tpu.memref_slice %arg3[%run_scoped3A_512, %add3A_511, %dma_start3A_525] : memref<2x6400x128xi32, #tpu.memory_space<hbm>> -> memref<1x8x128xi32, #tpu.memory_space<hbm>>
          %dma_start3A_527 = tpu.memref_squeeze %dma_start3A_526 : memref<1x8x128xi32, #tpu.memory_space<hbm>> -> memref<8x128xi32, #tpu.memory_space<hbm>>
          tpu.enqueue_dma source(%dma_start3A_527 : memref<8x128xi32, #tpu.memory_space<hbm>>) target(%dma_start3A_524 : memref<8x128xi32, #tpu.memory_space<vmem>>) target_semaphore(%run_scoped3A_513 : memref<!tpu.dma_semaphore, #tpu.memory_space<semaphore_mem>>)
          %dma_wait3A_528 = arith.constant 0 : i32
          %dma_wait3A_529 = arith.constant 0 : i32
          %dma_wait3A_530 = tpu.memref_slice %arg9[%sub3A_89, %dma_wait3A_528, %dma_wait3A_529] : memref<2x8x128xi32, #tpu.memory_space<vmem>> -> memref<1x8x128xi32, #tpu.memory_space<vmem>>
          %dma_wait3A_531 = tpu.memref_squeeze %dma_wait3A_530 : memref<1x8x128xi32, #tpu.memory_space<vmem>> -> memref<8x128xi32, #tpu.memory_space<vmem>>
          %dma_wait3A_532 = arith.constant 0 : i32
          %dma_wait3A_533 = tpu.memref_slice %arg3[%run_scoped3A_512, %add3A_511, %dma_wait3A_532] : memref<2x6400x128xi32, #tpu.memory_space<hbm>> -> memref<1x8x128xi32, #tpu.memory_space<hbm>>
          %dma_wait3A_534 = tpu.memref_squeeze %dma_wait3A_533 : memref<1x8x128xi32, #tpu.memory_space<hbm>> -> memref<8x128xi32, #tpu.memory_space<hbm>>
          %dma_wait3A_535 = arith.constant 0 : i32
          %dma_wait3A_536 = arith.constant 0 : i32
          %dma_wait3A_537 = tpu.memref_slice %arg9[%sub3A_89, %dma_wait3A_535, %dma_wait3A_536] : memref<2x8x128xi32, #tpu.memory_space<vmem>> -> memref<1x8x128xi32, #tpu.memory_space<vmem>>
          %dma_wait3A_538 = tpu.memref_squeeze %dma_wait3A_537 : memref<1x8x128xi32, #tpu.memory_space<vmem>> -> memref<8x128xi32, #tpu.memory_space<vmem>>
          %dma_wait3A_539 = arith.constant 0 : i32
          %dma_wait3A_540 = tpu.memref_slice %arg3[%run_scoped3A_512, %add3A_511, %dma_wait3A_539] : memref<2x6400x128xi32, #tpu.memory_space<hbm>> -> memref<1x8x128xi32, #tpu.memory_space<hbm>>
          %dma_wait3A_541 = tpu.memref_squeeze %dma_wait3A_540 : memref<1x8x128xi32, #tpu.memory_space<hbm>> -> memref<8x128xi32, #tpu.memory_space<hbm>>
          tpu.wait_dma2 semaphore(%run_scoped3A_513 : memref<!tpu.dma_semaphore, #tpu.memory_space<semaphore_mem>>) src(%dma_wait3A_541 : memref<8x128xi32, #tpu.memory_space<hbm>>) dst(%dma_wait3A_538 : memref<8x128xi32, #tpu.memory_space<vmem>>)
          tpu.yield
        }) : () -> ()
      } else {
      }
      %dma_wait3A_301 = arith.constant 2 : i32
      %dma_wait3A_302 = arith.constant 2 : i32
      %dma_wait3A_303 = arith.constant 0 : i32
      %dma_wait3A_304 = arith.constant 0 : i32
      %dma_wait3A_305 = tpu.memref_slice %arg7[%dma_wait3A_301, %dma_wait3A_303, %dma_wait3A_304] : memref<4x128x32xf32, #tpu.memory_space<vmem>> -> memref<1x128x32xf32, #tpu.memory_space<vmem>>
      %dma_wait3A_306 = tpu.memref_squeeze %dma_wait3A_305 : memref<1x128x32xf32, #tpu.memory_space<vmem>> -> memref<128x32xf32, #tpu.memory_space<vmem>>
      %dma_wait3A_307 = arith.constant 0 : i32
      %dma_wait3A_308 = tpu.memref_slice %arg9[%rem3A_88, %dma_wait3A_302, %dma_wait3A_307] : memref<2x8x128xi32, #tpu.memory_space<vmem>> -> memref<1x1x128xi32, #tpu.memory_space<vmem>>
      %dma_wait3A_309 = tpu.memref_squeeze %dma_wait3A_308 : memref<1x1x128xi32, #tpu.memory_space<vmem>> -> memref<128xi32, #tpu.memory_space<vmem>>
      %dma_wait3A_310 = arith.constant 0 : i32
      %dma_wait3A_311 = arith.constant 0 : i32
      %dma_wait3A_312 = tpu.memref_slice %arg5[%dma_wait3A_310, %dma_wait3A_311] : memref<51200x32xf32, #tpu.memory_space<vmem_shared>> -> memref<51200x32xf32, #tpu.memory_space<vmem_shared>>
      tpu.wait_indirect_dma semaphore(%arg16 : memref<!tpu.dma_semaphore, #tpu.memory_space<semaphore_mem>>) src(%dma_wait3A_306 : memref<128x32xf32, #tpu.memory_space<vmem>>) dst(%dma_wait3A_312 : memref<51200x32xf32, #tpu.memory_space<vmem_shared>>)
      %dma_start3A_313 = arith.constant 6 : i32
      %dma_start3A_314 = arith.constant 2 : i32
      %dma_start3A_315 = arith.constant 0 : i32
      %dma_start3A_316 = arith.constant 0 : i32
      %dma_start3A_317 = tpu.memref_slice %arg7[%dma_start3A_314, %dma_start3A_315, %dma_start3A_316] : memref<4x128x32xf32, #tpu.memory_space<vmem>> -> memref<1x128x32xf32, #tpu.memory_space<vmem>>
      %dma_start3A_318 = tpu.memref_squeeze %dma_start3A_317 : memref<1x128x32xf32, #tpu.memory_space<vmem>> -> memref<128x32xf32, #tpu.memory_space<vmem>>
      %dma_start3A_319 = arith.constant 0 : i32
      %dma_start3A_320 = tpu.memref_slice %arg8[%rem3A_88, %dma_start3A_313, %dma_start3A_319] : memref<2x8x128xi32, #tpu.memory_space<vmem>> -> memref<1x1x128xi32, #tpu.memory_space<vmem>>
      %dma_start3A_321 = tpu.memref_squeeze %dma_start3A_320 : memref<1x1x128xi32, #tpu.memory_space<vmem>> -> memref<128xi32, #tpu.memory_space<vmem>>
      %dma_start3A_322 = arith.constant 0 : i32
      %dma_start3A_323 = arith.constant 0 : i32
      %dma_start3A_324 = tpu.memref_slice %arg2[%arg0, %dma_start3A_322, %dma_start3A_323] : memref<2x51200x32xf32, #tpu.memory_space<hbm>> -> memref<1x51200x32xf32, #tpu.memory_space<hbm>>
      %dma_start3A_325 = tpu.memref_squeeze %dma_start3A_324 : memref<1x51200x32xf32, #tpu.memory_space<hbm>> -> memref<51200x32xf32, #tpu.memory_space<hbm>>
      %dma_start3A_326 = arith.constant 0 : i32
      %dma_start3A_327 = arith.constant 0 : i32
      %dma_start3A_328 = tpu.memref_slice %dma_start3A_325[%dma_start3A_326, %dma_start3A_327] : memref<51200x32xf32, #tpu.memory_space<hbm>> -> memref<51200x32xf32, #tpu.memory_space<hbm>>
      tpu.enqueue_indirect_dma source(%dma_start3A_328 : memref<51200x32xf32, #tpu.memory_space<hbm>>) target(%dma_start3A_318 : memref<128x32xf32, #tpu.memory_space<vmem>>) offsets(%dma_start3A_321 : memref<128xi32, #tpu.memory_space<vmem>>) semaphore(%arg12 : memref<!tpu.dma_semaphore, #tpu.memory_space<semaphore_mem>>)
      %dma_wait3A_329 = arith.constant 4 : i32
      %dma_wait3A_330 = arith.constant 0 : i32
      %dma_wait3A_331 = arith.constant 0 : i32
      %dma_wait3A_332 = arith.constant 0 : i32
      %dma_wait3A_333 = tpu.memref_slice %arg7[%dma_wait3A_330, %dma_wait3A_331, %dma_wait3A_332] : memref<4x128x32xf32, #tpu.memory_space<vmem>> -> memref<1x128x32xf32, #tpu.memory_space<vmem>>
      %dma_wait3A_334 = tpu.memref_squeeze %dma_wait3A_333 : memref<1x128x32xf32, #tpu.memory_space<vmem>> -> memref<128x32xf32, #tpu.memory_space<vmem>>
      %dma_wait3A_335 = arith.constant 0 : i32
      %dma_wait3A_336 = tpu.memref_slice %arg8[%rem3A_88, %dma_wait3A_329, %dma_wait3A_335] : memref<2x8x128xi32, #tpu.memory_space<vmem>> -> memref<1x1x128xi32, #tpu.memory_space<vmem>>
      %dma_wait3A_337 = tpu.memref_squeeze %dma_wait3A_336 : memref<1x1x128xi32, #tpu.memory_space<vmem>> -> memref<128xi32, #tpu.memory_space<vmem>>
      %dma_wait3A_338 = arith.constant 0 : i32
      %dma_wait3A_339 = arith.constant 0 : i32
      %dma_wait3A_340 = tpu.memref_slice %arg2[%arg0, %dma_wait3A_338, %dma_wait3A_339] : memref<2x51200x32xf32, #tpu.memory_space<hbm>> -> memref<1x51200x32xf32, #tpu.memory_space<hbm>>
      %dma_wait3A_341 = tpu.memref_squeeze %dma_wait3A_340 : memref<1x51200x32xf32, #tpu.memory_space<hbm>> -> memref<51200x32xf32, #tpu.memory_space<hbm>>
      %dma_wait3A_342 = arith.constant 0 : i32
      %dma_wait3A_343 = arith.constant 0 : i32
      %dma_wait3A_344 = tpu.memref_slice %dma_wait3A_341[%dma_wait3A_342, %dma_wait3A_343] : memref<51200x32xf32, #tpu.memory_space<hbm>> -> memref<51200x32xf32, #tpu.memory_space<hbm>>
      tpu.wait_indirect_dma semaphore(%arg10 : memref<!tpu.dma_semaphore, #tpu.memory_space<semaphore_mem>>) src(%dma_wait3A_344 : memref<51200x32xf32, #tpu.memory_space<hbm>>) dst(%dma_wait3A_334 : memref<128x32xf32, #tpu.memory_space<vmem>>)
      %dma_start3A_345 = arith.constant 0 : i32
      %dma_start3A_346 = arith.constant 4 : i32
      %dma_start3A_347 = arith.constant 0 : i32
      %dma_start3A_348 = arith.constant 0 : i32
      %dma_start3A_349 = tpu.memref_slice %arg7[%dma_start3A_345, %dma_start3A_347, %dma_start3A_348] : memref<4x128x32xf32, #tpu.memory_space<vmem>> -> memref<1x128x32xf32, #tpu.memory_space<vmem>>
      %dma_start3A_350 = tpu.memref_squeeze %dma_start3A_349 : memref<1x128x32xf32, #tpu.memory_space<vmem>> -> memref<128x32xf32, #tpu.memory_space<vmem>>
      %dma_start3A_351 = arith.constant 0 : i32
      %dma_start3A_352 = tpu.memref_slice %arg9[%rem3A_88, %dma_start3A_346, %dma_start3A_351] : memref<2x8x128xi32, #tpu.memory_space<vmem>> -> memref<1x1x128xi32, #tpu.memory_space<vmem>>
      %dma_start3A_353 = tpu.memref_squeeze %dma_start3A_352 : memref<1x1x128xi32, #tpu.memory_space<vmem>> -> memref<128xi32, #tpu.memory_space<vmem>>
      %dma_start3A_354 = arith.constant 0 : i32
      %dma_start3A_355 = arith.constant 0 : i32
      %dma_start3A_356 = tpu.memref_slice %arg5[%dma_start3A_354, %dma_start3A_355] : memref<51200x32xf32, #tpu.memory_space<vmem_shared>> -> memref<51200x32xf32, #tpu.memory_space<vmem_shared>>
      tpu.enqueue_indirect_dma source(%dma_start3A_350 : memref<128x32xf32, #tpu.memory_space<vmem>>) target(%dma_start3A_356 : memref<51200x32xf32, #tpu.memory_space<vmem_shared>>) offsets(%dma_start3A_353 : memref<128xi32, #tpu.memory_space<vmem>>) semaphore(%arg14 : memref<!tpu.dma_semaphore, #tpu.memory_space<semaphore_mem>>) {add = true}
      %dma_wait3A_357 = arith.constant 3 : i32
      %dma_wait3A_358 = arith.constant 3 : i32
      %dma_wait3A_359 = arith.constant 0 : i32
      %dma_wait3A_360 = arith.constant 0 : i32
      %dma_wait3A_361 = tpu.memref_slice %arg7[%dma_wait3A_357, %dma_wait3A_359, %dma_wait3A_360] : memref<4x128x32xf32, #tpu.memory_space<vmem>> -> memref<1x128x32xf32, #tpu.memory_space<vmem>>
      %dma_wait3A_362 = tpu.memref_squeeze %dma_wait3A_361 : memref<1x128x32xf32, #tpu.memory_space<vmem>> -> memref<128x32xf32, #tpu.memory_space<vmem>>
      %dma_wait3A_363 = arith.constant 0 : i32
      %dma_wait3A_364 = tpu.memref_slice %arg9[%rem3A_88, %dma_wait3A_358, %dma_wait3A_363] : memref<2x8x128xi32, #tpu.memory_space<vmem>> -> memref<1x1x128xi32, #tpu.memory_space<vmem>>
      %dma_wait3A_365 = tpu.memref_squeeze %dma_wait3A_364 : memref<1x1x128xi32, #tpu.memory_space<vmem>> -> memref<128xi32, #tpu.memory_space<vmem>>
      %dma_wait3A_366 = arith.constant 0 : i32
      %dma_wait3A_367 = arith.constant 0 : i32
      %dma_wait3A_368 = tpu.memref_slice %arg5[%dma_wait3A_366, %dma_wait3A_367] : memref<51200x32xf32, #tpu.memory_space<vmem_shared>> -> memref<51200x32xf32, #tpu.memory_space<vmem_shared>>
      tpu.wait_indirect_dma semaphore(%arg17 : memref<!tpu.dma_semaphore, #tpu.memory_space<semaphore_mem>>) src(%dma_wait3A_362 : memref<128x32xf32, #tpu.memory_space<vmem>>) dst(%dma_wait3A_368 : memref<51200x32xf32, #tpu.memory_space<vmem_shared>>)
      %dma_start3A_369 = arith.constant 7 : i32
      %dma_start3A_370 = arith.constant 3 : i32
      %dma_start3A_371 = arith.constant 0 : i32
      %dma_start3A_372 = arith.constant 0 : i32
      %dma_start3A_373 = tpu.memref_slice %arg7[%dma_start3A_370, %dma_start3A_371, %dma_start3A_372] : memref<4x128x32xf32, #tpu.memory_space<vmem>> -> memref<1x128x32xf32, #tpu.memory_space<vmem>>
      %dma_start3A_374 = tpu.memref_squeeze %dma_start3A_373 : memref<1x128x32xf32, #tpu.memory_space<vmem>> -> memref<128x32xf32, #tpu.memory_space<vmem>>
      %dma_start3A_375 = arith.constant 0 : i32
      %dma_start3A_376 = tpu.memref_slice %arg8[%rem3A_88, %dma_start3A_369, %dma_start3A_375] : memref<2x8x128xi32, #tpu.memory_space<vmem>> -> memref<1x1x128xi32, #tpu.memory_space<vmem>>
      %dma_start3A_377 = tpu.memref_squeeze %dma_start3A_376 : memref<1x1x128xi32, #tpu.memory_space<vmem>> -> memref<128xi32, #tpu.memory_space<vmem>>
      %dma_start3A_378 = arith.constant 0 : i32
      %dma_start3A_379 = arith.constant 0 : i32
      %dma_start3A_380 = tpu.memref_slice %arg2[%arg0, %dma_start3A_378, %dma_start3A_379] : memref<2x51200x32xf32, #tpu.memory_space<hbm>> -> memref<1x51200x32xf32, #tpu.memory_space<hbm>>
      %dma_start3A_381 = tpu.memref_squeeze %dma_start3A_380 : memref<1x51200x32xf32, #tpu.memory_space<hbm>> -> memref<51200x32xf32, #tpu.memory_space<hbm>>
      %dma_start3A_382 = arith.constant 0 : i32
      %dma_start3A_383 = arith.constant 0 : i32
      %dma_start3A_384 = tpu.memref_slice %dma_start3A_381[%dma_start3A_382, %dma_start3A_383] : memref<51200x32xf32, #tpu.memory_space<hbm>> -> memref<51200x32xf32, #tpu.memory_space<hbm>>
      tpu.enqueue_indirect_dma source(%dma_start3A_384 : memref<51200x32xf32, #tpu.memory_space<hbm>>) target(%dma_start3A_374 : memref<128x32xf32, #tpu.memory_space<vmem>>) offsets(%dma_start3A_377 : memref<128xi32, #tpu.memory_space<vmem>>) semaphore(%arg13 : memref<!tpu.dma_semaphore, #tpu.memory_space<semaphore_mem>>)
      %dma_wait3A_385 = arith.constant 5 : i32
      %dma_wait3A_386 = arith.constant 1 : i32
      %dma_wait3A_387 = arith.constant 0 : i32
      %dma_wait3A_388 = arith.constant 0 : i32
      %dma_wait3A_389 = tpu.memref_slice %arg7[%dma_wait3A_386, %dma_wait3A_387, %dma_wait3A_388] : memref<4x128x32xf32, #tpu.memory_space<vmem>> -> memref<1x128x32xf32, #tpu.memory_space<vmem>>
      %dma_wait3A_390 = tpu.memref_squeeze %dma_wait3A_389 : memref<1x128x32xf32, #tpu.memory_space<vmem>> -> memref<128x32xf32, #tpu.memory_space<vmem>>
      %dma_wait3A_391 = arith.constant 0 : i32
      %dma_wait3A_392 = tpu.memref_slice %arg8[%rem3A_88, %dma_wait3A_385, %dma_wait3A_391] : memref<2x8x128xi32, #tpu.memory_space<vmem>> -> memref<1x1x128xi32, #tpu.memory_space<vmem>>
      %dma_wait3A_393 = tpu.memref_squeeze %dma_wait3A_392 : memref<1x1x128xi32, #tpu.memory_space<vmem>> -> memref<128xi32, #tpu.memory_space<vmem>>
      %dma_wait3A_394 = arith.constant 0 : i32
      %dma_wait3A_395 = arith.constant 0 : i32
      %dma_wait3A_396 = tpu.memref_slice %arg2[%arg0, %dma_wait3A_394, %dma_wait3A_395] : memref<2x51200x32xf32, #tpu.memory_space<hbm>> -> memref<1x51200x32xf32, #tpu.memory_space<hbm>>
      %dma_wait3A_397 = tpu.memref_squeeze %dma_wait3A_396 : memref<1x51200x32xf32, #tpu.memory_space<hbm>> -> memref<51200x32xf32, #tpu.memory_space<hbm>>
      %dma_wait3A_398 = arith.constant 0 : i32
      %dma_wait3A_399 = arith.constant 0 : i32
      %dma_wait3A_400 = tpu.memref_slice %dma_wait3A_397[%dma_wait3A_398, %dma_wait3A_399] : memref<51200x32xf32, #tpu.memory_space<hbm>> -> memref<51200x32xf32, #tpu.memory_space<hbm>>
      tpu.wait_indirect_dma semaphore(%arg11 : memref<!tpu.dma_semaphore, #tpu.memory_space<semaphore_mem>>) src(%dma_wait3A_400 : memref<51200x32xf32, #tpu.memory_space<hbm>>) dst(%dma_wait3A_390 : memref<128x32xf32, #tpu.memory_space<vmem>>)
      %dma_start3A_401 = arith.constant 1 : i32
      %dma_start3A_402 = arith.constant 5 : i32
      %dma_start3A_403 = arith.constant 0 : i32
      %dma_start3A_404 = arith.constant 0 : i32
      %dma_start3A_405 = tpu.memref_slice %arg7[%dma_start3A_401, %dma_start3A_403, %dma_start3A_404] : memref<4x128x32xf32, #tpu.memory_space<vmem>> -> memref<1x128x32xf32, #tpu.memory_space<vmem>>
      %dma_start3A_406 = tpu.memref_squeeze %dma_start3A_405 : memref<1x128x32xf32, #tpu.memory_space<vmem>> -> memref<128x32xf32, #tpu.memory_space<vmem>>
      %dma_start3A_407 = arith.constant 0 : i32
      %dma_start3A_408 = tpu.memref_slice %arg9[%rem3A_88, %dma_start3A_402, %dma_start3A_407] : memref<2x8x128xi32, #tpu.memory_space<vmem>> -> memref<1x1x128xi32, #tpu.memory_space<vmem>>
      %dma_start3A_409 = tpu.memref_squeeze %dma_start3A_408 : memref<1x1x128xi32, #tpu.memory_space<vmem>> -> memref<128xi32, #tpu.memory_space<vmem>>
      %dma_start3A_410 = arith.constant 0 : i32
      %dma_start3A_411 = arith.constant 0 : i32
      %dma_start3A_412 = tpu.memref_slice %arg5[%dma_start3A_410, %dma_start3A_411] : memref<51200x32xf32, #tpu.memory_space<vmem_shared>> -> memref<51200x32xf32, #tpu.memory_space<vmem_shared>>
      tpu.enqueue_indirect_dma source(%dma_start3A_406 : memref<128x32xf32, #tpu.memory_space<vmem>>) target(%dma_start3A_412 : memref<51200x32xf32, #tpu.memory_space<vmem_shared>>) offsets(%dma_start3A_409 : memref<128xi32, #tpu.memory_space<vmem>>) semaphore(%arg15 : memref<!tpu.dma_semaphore, #tpu.memory_space<semaphore_mem>>) {add = true}
      %dma_wait3A_413 = arith.constant 0 : i32
      %dma_wait3A_414 = arith.constant 4 : i32
      %dma_wait3A_415 = arith.constant 0 : i32
      %dma_wait3A_416 = arith.constant 0 : i32
      %dma_wait3A_417 = tpu.memref_slice %arg7[%dma_wait3A_413, %dma_wait3A_415, %dma_wait3A_416] : memref<4x128x32xf32, #tpu.memory_space<vmem>> -> memref<1x128x32xf32, #tpu.memory_space<vmem>>
      %dma_wait3A_418 = tpu.memref_squeeze %dma_wait3A_417 : memref<1x128x32xf32, #tpu.memory_space<vmem>> -> memref<128x32xf32, #tpu.memory_space<vmem>>
      %dma_wait3A_419 = arith.constant 0 : i32
      %dma_wait3A_420 = tpu.memref_slice %arg9[%rem3A_88, %dma_wait3A_414, %dma_wait3A_419] : memref<2x8x128xi32, #tpu.memory_space<vmem>> -> memref<1x1x128xi32, #tpu.memory_space<vmem>>
      %dma_wait3A_421 = tpu.memref_squeeze %dma_wait3A_420 : memref<1x1x128xi32, #tpu.memory_space<vmem>> -> memref<128xi32, #tpu.memory_space<vmem>>
      %dma_wait3A_422 = arith.constant 0 : i32
      %dma_wait3A_423 = arith.constant 0 : i32
      %dma_wait3A_424 = tpu.memref_slice %arg5[%dma_wait3A_422, %dma_wait3A_423] : memref<51200x32xf32, #tpu.memory_space<vmem_shared>> -> memref<51200x32xf32, #tpu.memory_space<vmem_shared>>
      tpu.wait_indirect_dma semaphore(%arg14 : memref<!tpu.dma_semaphore, #tpu.memory_space<semaphore_mem>>) src(%dma_wait3A_418 : memref<128x32xf32, #tpu.memory_space<vmem>>) dst(%dma_wait3A_424 : memref<51200x32xf32, #tpu.memory_space<vmem_shared>>)
      %lt3A_425 = arith.constant 49 : i32
      %lt3A_426 = arith.cmpi slt, %scan3A_87, %lt3A_425 : i32
      %convert_element_type3A_427 = arith.extui %lt3A_426 : i1 to i32
      %cond3A_428 = arith.constant 0 : i32
      %cond3A_429 = arith.cmpi ne, %convert_element_type3A_427, %cond3A_428 : i32
      scf.if %cond3A_429 {
        %dma_start3A_503 = arith.constant 0 : i32
        %dma_start3A_504 = arith.constant 0 : i32
        %dma_start3A_505 = arith.constant 0 : i32
        %dma_start3A_506 = arith.constant 0 : i32
        %dma_start3A_507 = tpu.memref_slice %arg7[%dma_start3A_504, %dma_start3A_505, %dma_start3A_506] : memref<4x128x32xf32, #tpu.memory_space<vmem>> -> memref<1x128x32xf32, #tpu.memory_space<vmem>>
        %dma_start3A_508 = tpu.memref_squeeze %dma_start3A_507 : memref<1x128x32xf32, #tpu.memory_space<vmem>> -> memref<128x32xf32, #tpu.memory_space<vmem>>
        %dma_start3A_509 = arith.constant 0 : i32
        %dma_start3A_510 = tpu.memref_slice %arg8[%sub3A_89, %dma_start3A_503, %dma_start3A_509] : memref<2x8x128xi32, #tpu.memory_space<vmem>> -> memref<1x1x128xi32, #tpu.memory_space<vmem>>
        %dma_start3A_511 = tpu.memref_squeeze %dma_start3A_510 : memref<1x1x128xi32, #tpu.memory_space<vmem>> -> memref<128xi32, #tpu.memory_space<vmem>>
        %dma_start3A_512 = arith.constant 0 : i32
        %dma_start3A_513 = arith.constant 0 : i32
        %dma_start3A_514 = tpu.memref_slice %arg2[%arg0, %dma_start3A_512, %dma_start3A_513] : memref<2x51200x32xf32, #tpu.memory_space<hbm>> -> memref<1x51200x32xf32, #tpu.memory_space<hbm>>
        %dma_start3A_515 = tpu.memref_squeeze %dma_start3A_514 : memref<1x51200x32xf32, #tpu.memory_space<hbm>> -> memref<51200x32xf32, #tpu.memory_space<hbm>>
        %dma_start3A_516 = arith.constant 0 : i32
        %dma_start3A_517 = arith.constant 0 : i32
        %dma_start3A_518 = tpu.memref_slice %dma_start3A_515[%dma_start3A_516, %dma_start3A_517] : memref<51200x32xf32, #tpu.memory_space<hbm>> -> memref<51200x32xf32, #tpu.memory_space<hbm>>
        tpu.enqueue_indirect_dma source(%dma_start3A_518 : memref<51200x32xf32, #tpu.memory_space<hbm>>) target(%dma_start3A_508 : memref<128x32xf32, #tpu.memory_space<vmem>>) offsets(%dma_start3A_511 : memref<128xi32, #tpu.memory_space<vmem>>) semaphore(%arg10 : memref<!tpu.dma_semaphore, #tpu.memory_space<semaphore_mem>>)
      } else {
      }
      %dma_wait3A_430 = arith.constant 6 : i32
      %dma_wait3A_431 = arith.constant 2 : i32
      %dma_wait3A_432 = arith.constant 0 : i32
      %dma_wait3A_433 = arith.constant 0 : i32
      %dma_wait3A_434 = tpu.memref_slice %arg7[%dma_wait3A_431, %dma_wait3A_432, %dma_wait3A_433] : memref<4x128x32xf32, #tpu.memory_space<vmem>> -> memref<1x128x32xf32, #tpu.memory_space<vmem>>
      %dma_wait3A_435 = tpu.memref_squeeze %dma_wait3A_434 : memref<1x128x32xf32, #tpu.memory_space<vmem>> -> memref<128x32xf32, #tpu.memory_space<vmem>>
      %dma_wait3A_436 = arith.constant 0 : i32
      %dma_wait3A_437 = tpu.memref_slice %arg8[%rem3A_88, %dma_wait3A_430, %dma_wait3A_436] : memref<2x8x128xi32, #tpu.memory_space<vmem>> -> memref<1x1x128xi32, #tpu.memory_space<vmem>>
      %dma_wait3A_438 = tpu.memref_squeeze %dma_wait3A_437 : memref<1x1x128xi32, #tpu.memory_space<vmem>> -> memref<128xi32, #tpu.memory_space<vmem>>
      %dma_wait3A_439 = arith.constant 0 : i32
      %dma_wait3A_440 = arith.constant 0 : i32
      %dma_wait3A_441 = tpu.memref_slice %arg2[%arg0, %dma_wait3A_439, %dma_wait3A_440] : memref<2x51200x32xf32, #tpu.memory_space<hbm>> -> memref<1x51200x32xf32, #tpu.memory_space<hbm>>
      %dma_wait3A_442 = tpu.memref_squeeze %dma_wait3A_441 : memref<1x51200x32xf32, #tpu.memory_space<hbm>> -> memref<51200x32xf32, #tpu.memory_space<hbm>>
      %dma_wait3A_443 = arith.constant 0 : i32
      %dma_wait3A_444 = arith.constant 0 : i32
      %dma_wait3A_445 = tpu.memref_slice %dma_wait3A_442[%dma_wait3A_443, %dma_wait3A_444] : memref<51200x32xf32, #tpu.memory_space<hbm>> -> memref<51200x32xf32, #tpu.memory_space<hbm>>
      tpu.wait_indirect_dma semaphore(%arg12 : memref<!tpu.dma_semaphore, #tpu.memory_space<semaphore_mem>>) src(%dma_wait3A_445 : memref<51200x32xf32, #tpu.memory_space<hbm>>) dst(%dma_wait3A_435 : memref<128x32xf32, #tpu.memory_space<vmem>>)
      %dma_start3A_446 = arith.constant 2 : i32
      %dma_start3A_447 = arith.constant 6 : i32
      %dma_start3A_448 = arith.constant 0 : i32
      %dma_start3A_449 = arith.constant 0 : i32
      %dma_start3A_450 = tpu.memref_slice %arg7[%dma_start3A_446, %dma_start3A_448, %dma_start3A_449] : memref<4x128x32xf32, #tpu.memory_space<vmem>> -> memref<1x128x32xf32, #tpu.memory_space<vmem>>
      %dma_start3A_451 = tpu.memref_squeeze %dma_start3A_450 : memref<1x128x32xf32, #tpu.memory_space<vmem>> -> memref<128x32xf32, #tpu.memory_space<vmem>>
      %dma_start3A_452 = arith.constant 0 : i32
      %dma_start3A_453 = tpu.memref_slice %arg9[%rem3A_88, %dma_start3A_447, %dma_start3A_452] : memref<2x8x128xi32, #tpu.memory_space<vmem>> -> memref<1x1x128xi32, #tpu.memory_space<vmem>>
      %dma_start3A_454 = tpu.memref_squeeze %dma_start3A_453 : memref<1x1x128xi32, #tpu.memory_space<vmem>> -> memref<128xi32, #tpu.memory_space<vmem>>
      %dma_start3A_455 = arith.constant 0 : i32
      %dma_start3A_456 = arith.constant 0 : i32
      %dma_start3A_457 = tpu.memref_slice %arg5[%dma_start3A_455, %dma_start3A_456] : memref<51200x32xf32, #tpu.memory_space<vmem_shared>> -> memref<51200x32xf32, #tpu.memory_space<vmem_shared>>
      tpu.enqueue_indirect_dma source(%dma_start3A_451 : memref<128x32xf32, #tpu.memory_space<vmem>>) target(%dma_start3A_457 : memref<51200x32xf32, #tpu.memory_space<vmem_shared>>) offsets(%dma_start3A_454 : memref<128xi32, #tpu.memory_space<vmem>>) semaphore(%arg16 : memref<!tpu.dma_semaphore, #tpu.memory_space<semaphore_mem>>) {add = true}
      %dma_wait3A_458 = arith.constant 1 : i32
      %dma_wait3A_459 = arith.constant 5 : i32
      %dma_wait3A_460 = arith.constant 0 : i32
      %dma_wait3A_461 = arith.constant 0 : i32
      %dma_wait3A_462 = tpu.memref_slice %arg7[%dma_wait3A_458, %dma_wait3A_460, %dma_wait3A_461] : memref<4x128x32xf32, #tpu.memory_space<vmem>> -> memref<1x128x32xf32, #tpu.memory_space<vmem>>
      %dma_wait3A_463 = tpu.memref_squeeze %dma_wait3A_462 : memref<1x128x32xf32, #tpu.memory_space<vmem>> -> memref<128x32xf32, #tpu.memory_space<vmem>>
      %dma_wait3A_464 = arith.constant 0 : i32
      %dma_wait3A_465 = tpu.memref_slice %arg9[%rem3A_88, %dma_wait3A_459, %dma_wait3A_464] : memref<2x8x128xi32, #tpu.memory_space<vmem>> -> memref<1x1x128xi32, #tpu.memory_space<vmem>>
      %dma_wait3A_466 = tpu.memref_squeeze %dma_wait3A_465 : memref<1x1x128xi32, #tpu.memory_space<vmem>> -> memref<128xi32, #tpu.memory_space<vmem>>
      %dma_wait3A_467 = arith.constant 0 : i32
      %dma_wait3A_468 = arith.constant 0 : i32
      %dma_wait3A_469 = tpu.memref_slice %arg5[%dma_wait3A_467, %dma_wait3A_468] : memref<51200x32xf32, #tpu.memory_space<vmem_shared>> -> memref<51200x32xf32, #tpu.memory_space<vmem_shared>>
      tpu.wait_indirect_dma semaphore(%arg15 : memref<!tpu.dma_semaphore, #tpu.memory_space<semaphore_mem>>) src(%dma_wait3A_463 : memref<128x32xf32, #tpu.memory_space<vmem>>) dst(%dma_wait3A_469 : memref<51200x32xf32, #tpu.memory_space<vmem_shared>>)
      %lt3A_470 = arith.constant 49 : i32
      %lt3A_471 = arith.cmpi slt, %scan3A_87, %lt3A_470 : i32
      %convert_element_type3A_472 = arith.extui %lt3A_471 : i1 to i32
      %cond3A_473 = arith.constant 0 : i32
      %cond3A_474 = arith.cmpi ne, %convert_element_type3A_472, %cond3A_473 : i32
      scf.if %cond3A_474 {
        %dma_start3A_503 = arith.constant 1 : i32
        %dma_start3A_504 = arith.constant 1 : i32
        %dma_start3A_505 = arith.constant 0 : i32
        %dma_start3A_506 = arith.constant 0 : i32
        %dma_start3A_507 = tpu.memref_slice %arg7[%dma_start3A_504, %dma_start3A_505, %dma_start3A_506] : memref<4x128x32xf32, #tpu.memory_space<vmem>> -> memref<1x128x32xf32, #tpu.memory_space<vmem>>
        %dma_start3A_508 = tpu.memref_squeeze %dma_start3A_507 : memref<1x128x32xf32, #tpu.memory_space<vmem>> -> memref<128x32xf32, #tpu.memory_space<vmem>>
        %dma_start3A_509 = arith.constant 0 : i32
        %dma_start3A_510 = tpu.memref_slice %arg8[%sub3A_89, %dma_start3A_503, %dma_start3A_509] : memref<2x8x128xi32, #tpu.memory_space<vmem>> -> memref<1x1x128xi32, #tpu.memory_space<vmem>>
        %dma_start3A_511 = tpu.memref_squeeze %dma_start3A_510 : memref<1x1x128xi32, #tpu.memory_space<vmem>> -> memref<128xi32, #tpu.memory_space<vmem>>
        %dma_start3A_512 = arith.constant 0 : i32
        %dma_start3A_513 = arith.constant 0 : i32
        %dma_start3A_514 = tpu.memref_slice %arg2[%arg0, %dma_start3A_512, %dma_start3A_513] : memref<2x51200x32xf32, #tpu.memory_space<hbm>> -> memref<1x51200x32xf32, #tpu.memory_space<hbm>>
        %dma_start3A_515 = tpu.memref_squeeze %dma_start3A_514 : memref<1x51200x32xf32, #tpu.memory_space<hbm>> -> memref<51200x32xf32, #tpu.memory_space<hbm>>
        %dma_start3A_516 = arith.constant 0 : i32
        %dma_start3A_517 = arith.constant 0 : i32
        %dma_start3A_518 = tpu.memref_slice %dma_start3A_515[%dma_start3A_516, %dma_start3A_517] : memref<51200x32xf32, #tpu.memory_space<hbm>> -> memref<51200x32xf32, #tpu.memory_space<hbm>>
        tpu.enqueue_indirect_dma source(%dma_start3A_518 : memref<51200x32xf32, #tpu.memory_space<hbm>>) target(%dma_start3A_508 : memref<128x32xf32, #tpu.memory_space<vmem>>) offsets(%dma_start3A_511 : memref<128xi32, #tpu.memory_space<vmem>>) semaphore(%arg11 : memref<!tpu.dma_semaphore, #tpu.memory_space<semaphore_mem>>)
      } else {
      }
      %dma_wait3A_475 = arith.constant 7 : i32
      %dma_wait3A_476 = arith.constant 3 : i32
      %dma_wait3A_477 = arith.constant 0 : i32
      %dma_wait3A_478 = arith.constant 0 : i32
      %dma_wait3A_479 = tpu.memref_slice %arg7[%dma_wait3A_476, %dma_wait3A_477, %dma_wait3A_478] : memref<4x128x32xf32, #tpu.memory_space<vmem>> -> memref<1x128x32xf32, #tpu.memory_space<vmem>>
      %dma_wait3A_480 = tpu.memref_squeeze %dma_wait3A_479 : memref<1x128x32xf32, #tpu.memory_space<vmem>> -> memref<128x32xf32, #tpu.memory_space<vmem>>
      %dma_wait3A_481 = arith.constant 0 : i32
      %dma_wait3A_482 = tpu.memref_slice %arg8[%rem3A_88, %dma_wait3A_475, %dma_wait3A_481] : memref<2x8x128xi32, #tpu.memory_space<vmem>> -> memref<1x1x128xi32, #tpu.memory_space<vmem>>
      %dma_wait3A_483 = tpu.memref_squeeze %dma_wait3A_482 : memref<1x1x128xi32, #tpu.memory_space<vmem>> -> memref<128xi32, #tpu.memory_space<vmem>>
      %dma_wait3A_484 = arith.constant 0 : i32
      %dma_wait3A_485 = arith.constant 0 : i32
      %dma_wait3A_486 = tpu.memref_slice %arg2[%arg0, %dma_wait3A_484, %dma_wait3A_485] : memref<2x51200x32xf32, #tpu.memory_space<hbm>> -> memref<1x51200x32xf32, #tpu.memory_space<hbm>>
      %dma_wait3A_487 = tpu.memref_squeeze %dma_wait3A_486 : memref<1x51200x32xf32, #tpu.memory_space<hbm>> -> memref<51200x32xf32, #tpu.memory_space<hbm>>
      %dma_wait3A_488 = arith.constant 0 : i32
      %dma_wait3A_489 = arith.constant 0 : i32
      %dma_wait3A_490 = tpu.memref_slice %dma_wait3A_487[%dma_wait3A_488, %dma_wait3A_489] : memref<51200x32xf32, #tpu.memory_space<hbm>> -> memref<51200x32xf32, #tpu.memory_space<hbm>>
      tpu.wait_indirect_dma semaphore(%arg13 : memref<!tpu.dma_semaphore, #tpu.memory_space<semaphore_mem>>) src(%dma_wait3A_490 : memref<51200x32xf32, #tpu.memory_space<hbm>>) dst(%dma_wait3A_480 : memref<128x32xf32, #tpu.memory_space<vmem>>)
      %dma_start3A_491 = arith.constant 3 : i32
      %dma_start3A_492 = arith.constant 7 : i32
      %dma_start3A_493 = arith.constant 0 : i32
      %dma_start3A_494 = arith.constant 0 : i32
      %dma_start3A_495 = tpu.memref_slice %arg7[%dma_start3A_491, %dma_start3A_493, %dma_start3A_494] : memref<4x128x32xf32, #tpu.memory_space<vmem>> -> memref<1x128x32xf32, #tpu.memory_space<vmem>>
      %dma_start3A_496 = tpu.memref_squeeze %dma_start3A_495 : memref<1x128x32xf32, #tpu.memory_space<vmem>> -> memref<128x32xf32, #tpu.memory_space<vmem>>
      %dma_start3A_497 = arith.constant 0 : i32
      %dma_start3A_498 = tpu.memref_slice %arg9[%rem3A_88, %dma_start3A_492, %dma_start3A_497] : memref<2x8x128xi32, #tpu.memory_space<vmem>> -> memref<1x1x128xi32, #tpu.memory_space<vmem>>
      %dma_start3A_499 = tpu.memref_squeeze %dma_start3A_498 : memref<1x1x128xi32, #tpu.memory_space<vmem>> -> memref<128xi32, #tpu.memory_space<vmem>>
      %dma_start3A_500 = arith.constant 0 : i32
      %dma_start3A_501 = arith.constant 0 : i32
      %dma_start3A_502 = tpu.memref_slice %arg5[%dma_start3A_500, %dma_start3A_501] : memref<51200x32xf32, #tpu.memory_space<vmem_shared>> -> memref<51200x32xf32, #tpu.memory_space<vmem_shared>>
      tpu.enqueue_indirect_dma source(%dma_start3A_496 : memref<128x32xf32, #tpu.memory_space<vmem>>) target(%dma_start3A_502 : memref<51200x32xf32, #tpu.memory_space<vmem_shared>>) offsets(%dma_start3A_499 : memref<128xi32, #tpu.memory_space<vmem>>) semaphore(%arg17 : memref<!tpu.dma_semaphore, #tpu.memory_space<semaphore_mem>>) {add = true}
    }
    %scan3A_56 = arith.constant 50 : i32
    %dma_wait3A = arith.constant 2 : i32
    %dma_wait3A_57 = arith.constant 0 : i32
    %dma_wait3A_58 = arith.constant 2 : i32
    %dma_wait3A_59 = arith.constant 0 : i32
    %dma_wait3A_60 = arith.constant 0 : i32
    %dma_wait3A_61 = tpu.memref_slice %arg7[%dma_wait3A, %dma_wait3A_59, %dma_wait3A_60] : memref<4x128x32xf32, #tpu.memory_space<vmem>> -> memref<1x128x32xf32, #tpu.memory_space<vmem>>
    %dma_wait3A_62 = tpu.memref_squeeze %dma_wait3A_61 : memref<1x128x32xf32, #tpu.memory_space<vmem>> -> memref<128x32xf32, #tpu.memory_space<vmem>>
    %dma_wait3A_63 = arith.constant 0 : i32
    %dma_wait3A_64 = tpu.memref_slice %arg9[%dma_wait3A_57, %dma_wait3A_58, %dma_wait3A_63] : memref<2x8x128xi32, #tpu.memory_space<vmem>> -> memref<1x1x128xi32, #tpu.memory_space<vmem>>
    %dma_wait3A_65 = tpu.memref_squeeze %dma_wait3A_64 : memref<1x1x128xi32, #tpu.memory_space<vmem>> -> memref<128xi32, #tpu.memory_space<vmem>>
    %dma_wait3A_66 = arith.constant 0 : i32
    %dma_wait3A_67 = arith.constant 0 : i32
    %dma_wait3A_68 = tpu.memref_slice %arg5[%dma_wait3A_66, %dma_wait3A_67] : memref<51200x32xf32, #tpu.memory_space<vmem_shared>> -> memref<51200x32xf32, #tpu.memory_space<vmem_shared>>
    tpu.wait_indirect_dma semaphore(%arg16 : memref<!tpu.dma_semaphore, #tpu.memory_space<semaphore_mem>>) src(%dma_wait3A_62 : memref<128x32xf32, #tpu.memory_space<vmem>>) dst(%dma_wait3A_68 : memref<51200x32xf32, #tpu.memory_space<vmem_shared>>)
    %dma_wait3A_69 = arith.constant 3 : i32
    %dma_wait3A_70 = arith.constant 0 : i32
    %dma_wait3A_71 = arith.constant 3 : i32
    %dma_wait3A_72 = arith.constant 0 : i32
    %dma_wait3A_73 = arith.constant 0 : i32
    %dma_wait3A_74 = tpu.memref_slice %arg7[%dma_wait3A_69, %dma_wait3A_72, %dma_wait3A_73] : memref<4x128x32xf32, #tpu.memory_space<vmem>> -> memref<1x128x32xf32, #tpu.memory_space<vmem>>
    %dma_wait3A_75 = tpu.memref_squeeze %dma_wait3A_74 : memref<1x128x32xf32, #tpu.memory_space<vmem>> -> memref<128x32xf32, #tpu.memory_space<vmem>>
    %dma_wait3A_76 = arith.constant 0 : i32
    %dma_wait3A_77 = tpu.memref_slice %arg9[%dma_wait3A_70, %dma_wait3A_71, %dma_wait3A_76] : memref<2x8x128xi32, #tpu.memory_space<vmem>> -> memref<1x1x128xi32, #tpu.memory_space<vmem>>
    %dma_wait3A_78 = tpu.memref_squeeze %dma_wait3A_77 : memref<1x1x128xi32, #tpu.memory_space<vmem>> -> memref<128xi32, #tpu.memory_space<vmem>>
    %dma_wait3A_79 = arith.constant 0 : i32
    %dma_wait3A_80 = arith.constant 0 : i32
    %dma_wait3A_81 = tpu.memref_slice %arg5[%dma_wait3A_79, %dma_wait3A_80] : memref<51200x32xf32, #tpu.memory_space<vmem_shared>> -> memref<51200x32xf32, #tpu.memory_space<vmem_shared>>
    tpu.wait_indirect_dma semaphore(%arg17 : memref<!tpu.dma_semaphore, #tpu.memory_space<semaphore_mem>>) src(%dma_wait3A_75 : memref<128x32xf32, #tpu.memory_space<vmem>>) dst(%dma_wait3A_81 : memref<51200x32xf32, #tpu.memory_space<vmem_shared>>)
    %barrier3A_82 = arith.constant 0 : index
    tpu.barrier barrier_id(%barrier3A_82)
    %mul3A_83 = arith.constant 3200 : i32
    %mul3A_84 = arith.muli %arg1, %mul3A_83 : i32
    %mul3A_85 = arith.constant 32 : i32
    %mul3A_86 = arith.muli %arg0, %mul3A_85 : i32
    "tpu.region"() ({
      %run_scoped3A_87 = tpu.sem_alloc : memref<!tpu.dma_semaphore, #tpu.memory_space<semaphore_mem>>
      %dma_start3A_88 = tpu.memref_slice %arg4[%mul3A_84, %mul3A_86] : memref<51200x128xf32, #tpu.memory_space<hbm>> -> memref<3200x32xf32, #tpu.memory_space<hbm>>
      %dma_start3A_89 = arith.constant 0 : i32
      %dma_start3A_90 = tpu.memref_slice %arg5[%mul3A_84, %dma_start3A_89] : memref<51200x32xf32, #tpu.memory_space<vmem_shared>> -> memref<3200x32xf32, #tpu.memory_space<vmem_shared>>
      tpu.enqueue_dma source(%dma_start3A_90 : memref<3200x32xf32, #tpu.memory_space<vmem_shared>>) target(%dma_start3A_88 : memref<3200x32xf32, #tpu.memory_space<hbm>>) target_semaphore(%run_scoped3A_87 : memref<!tpu.dma_semaphore, #tpu.memory_space<semaphore_mem>>)
      %dma_wait3A_91 = tpu.memref_slice %arg4[%mul3A_84, %mul3A_86] : memref<51200x128xf32, #tpu.memory_space<hbm>> -> memref<3200x32xf32, #tpu.memory_space<hbm>>
      %dma_wait3A_92 = arith.constant 0 : i32
      %dma_wait3A_93 = tpu.memref_slice %arg5[%mul3A_84, %dma_wait3A_92] : memref<51200x32xf32, #tpu.memory_space<vmem_shared>> -> memref<3200x32xf32, #tpu.memory_space<vmem_shared>>
      tpu.wait_dma2 semaphore(%run_scoped3A_87 : memref<!tpu.dma_semaphore, #tpu.memory_space<semaphore_mem>>) src(%dma_wait3A_93 : memref<3200x32xf32, #tpu.memory_space<vmem_shared>>) dst(%dma_wait3A_91 : memref<3200x32xf32, #tpu.memory_space<hbm>>)
      tpu.yield
    }) : () -> ()
    return
  }
}

module attributes {stable_mosaic.version = 14 : i64} {
  func.func @_b1_body(%arg0: memref<4x51200xf32, #tpu.memory_space<vmem>>, %arg1: memref<1x51200xf32, #tpu.memory_space<vmem>>, %arg2: memref<1x51200xf32, #tpu.memory_space<vmem>>, %arg3: memref<1x1xf32, #tpu.memory_space<vmem>>) attributes {dimension_semantics = [], scalar_prefetch = 0 : i64, scratch_operands = 0 : i64, tpu.core_type = #tpu.core_type<tc>} {
    %get3A = arith.constant 0 : index
    %get3A_0 = arith.constant 0 : index
    %get3A_1 = vector.load %arg0[%get3A, %get3A_0] : memref<4x51200xf32, #tpu.memory_space<vmem>>, vector<4x51200xf32>
    %slice3A = vector.extract_strided_slice %get3A_1 {offsets = [0, 0], sizes = [1, 51200], strides = [1, 1]} : vector<4x51200xf32> to vector<1x51200xf32>
    %slice3A_2 = vector.extract_strided_slice %get3A_1 {offsets = [2, 0], sizes = [1, 51200], strides = [1, 1]} : vector<4x51200xf32> to vector<1x51200xf32>
    %add3A = arith.addf %slice3A, %slice3A_2 : vector<1x51200xf32>
    %slice3A_3 = vector.extract_strided_slice %get3A_1 {offsets = [1, 0], sizes = [1, 51200], strides = [1, 1]} : vector<4x51200xf32> to vector<1x51200xf32>
    %slice3A_4 = vector.extract_strided_slice %get3A_1 {offsets = [3, 0], sizes = [1, 51200], strides = [1, 1]} : vector<4x51200xf32> to vector<1x51200xf32>
    %add3A_5 = arith.addf %slice3A_3, %slice3A_4 : vector<1x51200xf32>
    %swap3A = arith.constant 0 : index
    %swap3A_6 = arith.constant 0 : index
    %swap3A_7 = vector.load %arg1[%swap3A, %swap3A_6] : memref<1x51200xf32, #tpu.memory_space<vmem>>, vector<1x51200xf32>
    tpu.vector_store %arg1[%swap3A, %swap3A_6], %add3A {strides = array<i32>} : memref<1x51200xf32, #tpu.memory_space<vmem>>, vector<1x51200xf32>,
    %swap3A_8 = arith.constant 0 : index
    %swap3A_9 = arith.constant 0 : index
    %swap3A_10 = vector.load %arg2[%swap3A_8, %swap3A_9] : memref<1x51200xf32, #tpu.memory_space<vmem>>, vector<1x51200xf32>
    tpu.vector_store %arg2[%swap3A_8, %swap3A_9], %add3A_5 {strides = array<i32>} : memref<1x51200xf32, #tpu.memory_space<vmem>>, vector<1x51200xf32>,
    %iota3A = tpu.iota {dimensions = array<i32: 1>} : vector<1x51200xi32>
    %lt3A = arith.constant 50000 : i32
    %lt3A_11 = vector.broadcast %lt3A : i32 to vector<1x51200xi32>
    %lt3A_12 = arith.cmpi slt, %iota3A, %lt3A_11 : vector<1x51200xi32>
    %jit3A = arith.constant -1.000000e+00 : f32
    %broadcast_in_dim3A = vector.broadcast %jit3A : f32 to vector<1x51200xf32>
    %select_n3A = arith.select %lt3A_12, %add3A, %broadcast_in_dim3A : vector<1x51200xi1>, vector<1x51200xf32>
    %reduce_max3A = vector.shape_cast %select_n3A : vector<1x51200xf32> to vector<1x1x51200xf32>
    %reduce_max3A_13 = arith.constant dense<0xFF800000> : vector<1xf32>
    %reduce_max3A_14 = vector.multi_reduction <maximumf>, %reduce_max3A, %reduce_max3A_13 [1, 2] : vector<1x1x51200xf32> to vector<1xf32>
    %reduce_max3A_15 = vector.shape_cast %reduce_max3A_14 : vector<1xf32> to vector<1x1x1xf32>
    %reduce_max3A_16 = vector.extract %reduce_max3A_15[0, 0, 0] : f32 from vector<1x1x1xf32>
    %reshape3A = vector.broadcast %reduce_max3A_16 : f32 to vector<1x1xf32>
    %swap3A_17 = arith.constant 0 : index
    %swap3A_18 = arith.constant 0 : index
    %swap3A_19 = vector.load %arg3[%swap3A_17, %swap3A_18] : memref<1x1xf32, #tpu.memory_space<vmem>>, vector<1x1xf32>
    tpu.vector_store %arg3[%swap3A_17, %swap3A_18], %reshape3A {strides = array<i32>} : memref<1x1xf32, #tpu.memory_space<vmem>>, vector<1x1xf32>,
    return
  }
}

module attributes {stable_mosaic.version = 14 : i64} {
  func.func @_b2_body2(%arg0: i32, %arg1: memref<3200x4xf32, #tpu.memory_space<vmem>>, %arg2: memref<3x64xf32, #tpu.memory_space<vmem>>, %arg3: memref<1x1xf32, #tpu.memory_space<vmem>>, %arg4: memref<3200x128xf32, #tpu.memory_space<vmem>>, %arg5: memref<2x3200x32xf32, #tpu.memory_space<vmem>>) attributes {dimension_semantics = [#tpu.dimension_semantics<arbitrary>], iteration_bounds = array<i64: 16>, scalar_prefetch = 0 : i64, scratch_operands = 0 : i64, tpu.core_type = #tpu.core_type<tc>, window_params = [{transform_indices = @transform_0, window_bounds = array<i64: 3200, 4>}, {pipeline_mode = #tpu.pipeline_mode<synchronous>, transform_indices = @transform_1, window_bounds = array<i64: 3, 64>}, {pipeline_mode = #tpu.pipeline_mode<synchronous>, transform_indices = @transform_2, window_bounds = array<i64: 1, 1>}, {transform_indices = @transform_3, window_bounds = array<i64: 3200, 128>}, {transform_indices = @transform_4, window_bounds = array<i64: 2, 3200, 32>}]} {
    %get3A = arith.constant 0 : index
    %get3A_0 = arith.constant 0 : index
    %get3A_1 = vector.load %arg3[%get3A, %get3A_0] : memref<1x1xf32, #tpu.memory_space<vmem>>, vector<1x1xf32>
    %get3A_2 = vector.extract %get3A_1[0, 0] : f32 from vector<1x1xf32>
    %max3A = arith.constant 1.000000e+00 : f32
    %max3A_3 = arith.maximumf %get3A_2, %max3A : f32
    %get3A_4 = arith.constant 0 : index
    %get3A_5 = arith.constant 0 : index
    %get3A_6 = vector.load %arg1[%get3A_4, %get3A_5] : memref<3200x4xf32, #tpu.memory_space<vmem>>, vector<3200x1xf32>
    %div3A = vector.broadcast %max3A_3 : f32 to vector<3200x1xf32>
    %div3A_7 = arith.divf %get3A_6, %div3A : vector<3200x1xf32>
    %get3A_8 = arith.constant 0 : index
    %get3A_9 = arith.constant 2 : index
    %get3A_10 = vector.load %arg1[%get3A_8, %get3A_9] : memref<3200x4xf32, #tpu.memory_space<vmem>>, vector<3200x2xf32>
    %concatenate3A = tpu.concatenate %get3A_10, %div3A_7 in 1 : vector<3200x2xf32>, vector<3200x1xf32> -> vector<3200x3xf32>
    %get3A_11 = arith.constant 0 : index
    %get3A_12 = arith.constant 0 : index
    %get3A_13 = vector.load %arg2[%get3A_11, %get3A_12] : memref<3x64xf32, #tpu.memory_space<vmem>>, vector<3x64xf32>
    %dot_general3A = arith.constant dense<0.000000e+00> : vector<3200x64xf32>
    %dot_general3A_14 = tpu.matmul %concatenate3A, %get3A_13, %dot_general3A {dimension_numbers = #tpu.dot_dimension_numbers<[1], [0], [0], [1], [0, 0, 1, 1], [], []>, transpose_lhs_hint = false} : vector<3200x3xf32>, vector<3x64xf32>, vector<3200x64xf32> -> vector<3200x64xf32>
    %get3A_15 = arith.constant 0 : index
    %get3A_16 = arith.constant 1 : index
    %get3A_17 = vector.load %arg1[%get3A_15, %get3A_16] : memref<3200x4xf32, #tpu.memory_space<vmem>>, vector<3200x1xf32>
    %add3A = arith.constant 1.000000e+00 : f32
    %add3A_18 = vector.broadcast %add3A : f32 to vector<3200x1xf32>
    %add3A_19 = arith.addf %get3A_17, %add3A_18 : vector<3200x1xf32>
    %rsqrt3A = math.rsqrt %add3A_19 : vector<3200x1xf32>
    %mul3A = vector.broadcast %rsqrt3A : vector<3200x1xf32> to vector<3200x64xf32>
    %mul3A_20 = arith.mulf %dot_general3A_14, %mul3A : vector<3200x64xf32>
    %broadcast_in_dim3A = arith.constant 0.000000e+00 : f32
    %broadcast_in_dim3A_21 = vector.broadcast %broadcast_in_dim3A : f32 to vector<3200x63xf32>
    %concatenate3A_22 = tpu.concatenate %mul3A_20, %rsqrt3A, %broadcast_in_dim3A_21 in 1 : vector<3200x64xf32>, vector<3200x1xf32>, vector<3200x63xf32> -> vector<3200x128xf32>
    %swap3A = arith.constant 0 : index
    %swap3A_23 = arith.constant 0 : index
    %swap3A_24 = vector.load %arg4[%swap3A, %swap3A_23] : memref<3200x128xf32, #tpu.memory_space<vmem>>, vector<3200x128xf32>
    tpu.vector_store %arg4[%swap3A, %swap3A_23], %concatenate3A_22 {strides = array<i32>} : memref<3200x128xf32, #tpu.memory_space<vmem>>, vector<3200x128xf32>,
    %get3A_25 = arith.constant 0 : index
    %get3A_26 = arith.constant 0 : index
    %get3A_27 = vector.load %arg4[%get3A_25, %get3A_26] : memref<3200x128xf32, #tpu.memory_space<vmem>>, vector<3200x64xf32>
    %slice3A = vector.extract_strided_slice %get3A_27 {offsets = [0, 0], sizes = [3200, 32], strides = [1, 1]} : vector<3200x64xf32> to vector<3200x32xf32>
    %slice3A_28 = vector.extract_strided_slice %get3A_27 {offsets = [0, 32], sizes = [3200, 32], strides = [1, 1]} : vector<3200x64xf32> to vector<3200x32xf32>
    %stack3A = vector.shape_cast %slice3A : vector<3200x32xf32> to vector<1x3200x32xf32>
    %stack3A_29 = vector.shape_cast %slice3A_28 : vector<3200x32xf32> to vector<1x3200x32xf32>
    %stack3A_30 = tpu.concatenate %stack3A, %stack3A_29 in 0 : vector<1x3200x32xf32>, vector<1x3200x32xf32> -> vector<2x3200x32xf32>
    %swap3A_31 = arith.constant 0 : index
    %swap3A_32 = arith.constant 0 : index
    %swap3A_33 = arith.constant 0 : index
    %swap3A_34 = vector.load %arg5[%swap3A_31, %swap3A_32, %swap3A_33] : memref<2x3200x32xf32, #tpu.memory_space<vmem>>, vector<2x3200x32xf32>
    tpu.vector_store %arg5[%swap3A_31, %swap3A_32, %swap3A_33], %stack3A_30 {strides = array<i32>} : memref<2x3200x32xf32, #tpu.memory_space<vmem>>, vector<2x3200x32xf32>,
    return
  }
  func.func @transform_0(%arg0: i32) -> (i32, i32) {
    %c0_i32 = arith.constant 0 : i32
    %c0_i32_0 = arith.constant 0 : i32
    return %arg0, %c0_i32 : i32, i32
  }
  func.func @transform_1(%arg0: i32) -> (i32, i32) {
    %c0_i32 = arith.constant 0 : i32
    %c0_i32_0 = arith.constant 0 : i32
    %c0_i32_1 = arith.constant 0 : i32
    return %c0_i32, %c0_i32_0 : i32, i32
  }
  func.func @transform_2(%arg0: i32) -> (i32, i32) {
    %c0_i32 = arith.constant 0 : i32
    %c0_i32_0 = arith.constant 0 : i32
    %c0_i32_1 = arith.constant 0 : i32
    return %c0_i32, %c0_i32_0 : i32, i32
  }
  func.func @transform_3(%arg0: i32) -> (i32, i32) {
    %c0_i32 = arith.constant 0 : i32
    %c0_i32_0 = arith.constant 0 : i32
    return %arg0, %c0_i32 : i32, i32
  }
  func.func @transform_4(%arg0: i32) -> (i32, i32, i32) {
    %c0_i32 = arith.constant 0 : i32
    %c0_i32_0 = arith.constant 0 : i32
    %c0_i32_1 = arith.constant 0 : i32
    return %c0_i32, %arg0, %c0_i32_0 : i32, i32, i32
  }
}

module attributes {stable_mosaic.version = 14 : i64} {
  func.func @_d_body2(%arg0: i32, %arg1: memref<3200x128xf32, #tpu.memory_space<vmem>>, %arg2: memref<3200x128xf32, #tpu.memory_space<vmem>>, %arg3: memref<1x64xf32, #tpu.memory_space<vmem>>, %arg4: memref<64x64xf32, #tpu.memory_space<vmem>>, %arg5: memref<3200x128xf32, #tpu.memory_space<vmem>>, %arg6: memref<2x3200x32xf32, #tpu.memory_space<vmem>>) attributes {dimension_semantics = [#tpu.dimension_semantics<arbitrary>], iteration_bounds = array<i64: 16>, scalar_prefetch = 0 : i64, scratch_operands = 0 : i64, tpu.core_type = #tpu.core_type<tc>, window_params = [{transform_indices = @transform_0, window_bounds = array<i64: 3200, 128>}, {transform_indices = @transform_1, window_bounds = array<i64: 3200, 128>}, {pipeline_mode = #tpu.pipeline_mode<synchronous>, transform_indices = @transform_2, window_bounds = array<i64: 1, 64>}, {pipeline_mode = #tpu.pipeline_mode<synchronous>, transform_indices = @transform_3, window_bounds = array<i64: 64, 64>}, {transform_indices = @transform_4, window_bounds = array<i64: 3200, 128>}, {transform_indices = @transform_5, window_bounds = array<i64: 2, 3200, 32>}]} {
    %get3A = arith.constant 0 : index
    %get3A_0 = arith.constant 0 : index
    %get3A_1 = vector.load %arg1[%get3A, %get3A_0] : memref<3200x128xf32, #tpu.memory_space<vmem>>, vector<3200x64xf32>
    %get3A_2 = arith.constant 0 : index
    %get3A_3 = arith.constant 0 : index
    %get3A_4 = vector.load %arg2[%get3A_2, %get3A_3] : memref<3200x128xf32, #tpu.memory_space<vmem>>, vector<3200x64xf32>
    %get3A_5 = arith.constant 0 : index
    %get3A_6 = arith.constant 64 : index
    %get3A_7 = vector.load %arg2[%get3A_5, %get3A_6] : memref<3200x128xf32, #tpu.memory_space<vmem>>, vector<3200x1xf32>
    %add3A = arith.addf %get3A_1, %get3A_4 : vector<3200x64xf32>
    %mul3A = vector.broadcast %get3A_7 : vector<3200x1xf32> to vector<3200x64xf32>
    %mul3A_8 = arith.mulf %mul3A, %add3A : vector<3200x64xf32>
    %get3A_9 = arith.constant 0 : index
    %get3A_10 = arith.constant 0 : index
    %get3A_11 = vector.load %arg3[%get3A_9, %get3A_10] : memref<1x64xf32, #tpu.memory_space<vmem>>, vector<1x64xf32>
    %add3A_12 = vector.broadcast %get3A_11 : vector<1x64xf32> to vector<3200x64xf32>
    %add3A_13 = arith.addf %mul3A_8, %add3A_12 : vector<3200x64xf32>
    %max3A = arith.constant 0.000000e+00 : f32
    %max3A_14 = vector.broadcast %max3A : f32 to vector<3200x64xf32>
    %max3A_15 = arith.maximumf %add3A_13, %max3A_14 : vector<3200x64xf32>
    %get3A_16 = arith.constant 0 : index
    %get3A_17 = arith.constant 0 : index
    %get3A_18 = vector.load %arg4[%get3A_16, %get3A_17] : memref<64x64xf32, #tpu.memory_space<vmem>>, vector<64x64xf32>
    %dot_general3A = arith.constant dense<0.000000e+00> : vector<3200x64xf32>
    %dot_general3A_19 = tpu.matmul %max3A_15, %get3A_18, %dot_general3A {dimension_numbers = #tpu.dot_dimension_numbers<[1], [0], [0], [1], [0, 0, 1, 1], [], []>, transpose_lhs_hint = false} : vector<3200x64xf32>, vector<64x64xf32>, vector<3200x64xf32> -> vector<3200x64xf32>
    %mul3A_20 = vector.broadcast %get3A_7 : vector<3200x1xf32> to vector<3200x64xf32>
    %mul3A_21 = arith.mulf %dot_general3A_19, %mul3A_20 : vector<3200x64xf32>
    %broadcast_in_dim3A = arith.constant 0.000000e+00 : f32
    %broadcast_in_dim3A_22 = vector.broadcast %broadcast_in_dim3A : f32 to vector<3200x63xf32>
    %concatenate3A = tpu.concatenate %mul3A_21, %get3A_7, %broadcast_in_dim3A_22 in 1 : vector<3200x64xf32>, vector<3200x1xf32>, vector<3200x63xf32> -> vector<3200x128xf32>
    %swap3A = arith.constant 0 : index
    %swap3A_23 = arith.constant 0 : index
    %swap3A_24 = vector.load %arg5[%swap3A, %swap3A_23] : memref<3200x128xf32, #tpu.memory_space<vmem>>, vector<3200x128xf32>
    tpu.vector_store %arg5[%swap3A, %swap3A_23], %concatenate3A {strides = array<i32>} : memref<3200x128xf32, #tpu.memory_space<vmem>>, vector<3200x128xf32>,
    %get3A_25 = arith.constant 0 : index
    %get3A_26 = arith.constant 0 : index
    %get3A_27 = vector.load %arg5[%get3A_25, %get3A_26] : memref<3200x128xf32, #tpu.memory_space<vmem>>, vector<3200x64xf32>
    %slice3A = vector.extract_strided_slice %get3A_27 {offsets = [0, 0], sizes = [3200, 32], strides = [1, 1]} : vector<3200x64xf32> to vector<3200x32xf32>
    %slice3A_28 = vector.extract_strided_slice %get3A_27 {offsets = [0, 32], sizes = [3200, 32], strides = [1, 1]} : vector<3200x64xf32> to vector<3200x32xf32>
    %stack3A = vector.shape_cast %slice3A : vector<3200x32xf32> to vector<1x3200x32xf32>
    %stack3A_29 = vector.shape_cast %slice3A_28 : vector<3200x32xf32> to vector<1x3200x32xf32>
    %stack3A_30 = tpu.concatenate %stack3A, %stack3A_29 in 0 : vector<1x3200x32xf32>, vector<1x3200x32xf32> -> vector<2x3200x32xf32>
    %swap3A_31 = arith.constant 0 : index
    %swap3A_32 = arith.constant 0 : index
    %swap3A_33 = arith.constant 0 : index
    %swap3A_34 = vector.load %arg6[%swap3A_31, %swap3A_32, %swap3A_33] : memref<2x3200x32xf32, #tpu.memory_space<vmem>>, vector<2x3200x32xf32>
    tpu.vector_store %arg6[%swap3A_31, %swap3A_32, %swap3A_33], %stack3A_30 {strides = array<i32>} : memref<2x3200x32xf32, #tpu.memory_space<vmem>>, vector<2x3200x32xf32>,
    return
  }
  func.func @transform_0(%arg0: i32) -> (i32, i32) {
    %c0_i32 = arith.constant 0 : i32
    %c0_i32_0 = arith.constant 0 : i32
    return %arg0, %c0_i32 : i32, i32
  }
  func.func @transform_1(%arg0: i32) -> (i32, i32) {
    %c0_i32 = arith.constant 0 : i32
    %c0_i32_0 = arith.constant 0 : i32
    return %arg0, %c0_i32 : i32, i32
  }
  func.func @transform_2(%arg0: i32) -> (i32, i32) {
    %c0_i32 = arith.constant 0 : i32
    %c0_i32_0 = arith.constant 0 : i32
    %c0_i32_1 = arith.constant 0 : i32
    return %c0_i32, %c0_i32_0 : i32, i32
  }
  func.func @transform_3(%arg0: i32) -> (i32, i32) {
    %c0_i32 = arith.constant 0 : i32
    %c0_i32_0 = arith.constant 0 : i32
    %c0_i32_1 = arith.constant 0 : i32
    return %c0_i32, %c0_i32_0 : i32, i32
  }
  func.func @transform_4(%arg0: i32) -> (i32, i32) {
    %c0_i32 = arith.constant 0 : i32
    %c0_i32_0 = arith.constant 0 : i32
    return %arg0, %c0_i32 : i32, i32
  }
  func.func @transform_5(%arg0: i32) -> (i32, i32, i32) {
    %c0_i32 = arith.constant 0 : i32
    %c0_i32_0 = arith.constant 0 : i32
    %c0_i32_1 = arith.constant 0 : i32
    return %c0_i32, %arg0, %c0_i32_0 : i32, i32, i32
  }
}

module attributes {stable_mosaic.version = 14 : i64} {
  func.func @_e1_body(%arg0: i32, %arg1: memref<3200x128xf32, #tpu.memory_space<vmem>>, %arg2: memref<3200x128xf32, #tpu.memory_space<vmem>>, %arg3: memref<1x64xf32, #tpu.memory_space<vmem>>, %arg4: memref<1x64xf32, #tpu.memory_space<vmem>>, %arg5: memref<1x1xf32, #tpu.memory_space<vmem>>, %arg6: memref<2x64xf32, #tpu.memory_space<vmem>>, %arg7: memref<2x1xf32, #tpu.memory_space<vmem>>, %arg8: memref<2x64xf32, #tpu.memory_space<vmem>>, %arg9: memref<2x1xf32, #tpu.memory_space<vmem>>, %arg10: memref<64x64xf32, #tpu.memory_space<vmem>>, %arg11: memref<1x64xf32, #tpu.memory_space<vmem>>, %arg12: memref<64x1xf32, #tpu.memory_space<vmem>>, %arg13: memref<1x1xf32, #tpu.memory_space<vmem>>, %arg14: memref<1x3200xf32, #tpu.memory_space<vmem>>, %arg15: memref<2x3200xf32, #tpu.memory_space<vmem>>, %arg16: memref<2x3200xf32, #tpu.memory_space<vmem>>, %arg17: memref<1x1xf32, #tpu.memory_space<vmem>>, %arg18: memref<1x1xf32, #tpu.memory_space<vmem>>, %arg19: memref<1x64xf32, #tpu.memory_space<vmem>>, %arg20: memref<1x1xf32, #tpu.memory_space<vmem>>, %arg21: memref<1x1xf32, #tpu.memory_space<vmem>>) attributes {dimension_semantics = [#tpu.dimension_semantics<arbitrary>], iteration_bounds = array<i64: 16>, scalar_prefetch = 0 : i64, scratch_operands = 0 : i64, tpu.core_type = #tpu.core_type<tc>, window_params = [{transform_indices = @transform_0, window_bounds = array<i64: 3200, 128>}, {transform_indices = @transform_1, window_bounds = array<i64: 3200, 128>}, {pipeline_mode = #tpu.pipeline_mode<synchronous>, transform_indices = @transform_2, window_bounds = array<i64: 1, 64>}, {pipeline_mode = #tpu.pipeline_mode<synchronous>, transform_indices = @transform_3, window_bounds = array<i64: 1, 64>}, {pipeline_mode = #tpu.pipeline_mode<synchronous>, transform_indices = @transform_4, window_bounds = array<i64: 1, 1>}, {pipeline_mode = #tpu.pipeline_mode<synchronous>, transform_indices = @transform_5, window_bounds = array<i64: 2, 64>}, {pipeline_mode = #tpu.pipeline_mode<synchronous>, transform_indices = @transform_6, window_bounds = array<i64: 2, 1>}, {pipeline_mode = #tpu.pipeline_mode<synchronous>, transform_indices = @transform_7, window_bounds = array<i64: 2, 64>}, {pipeline_mode = #tpu.pipeline_mode<synchronous>, transform_indices = @transform_8, window_bounds = array<i64: 2, 1>}, {pipeline_mode = #tpu.pipeline_mode<synchronous>, transform_indices = @transform_9, window_bounds = array<i64: 64, 64>}, {pipeline_mode = #tpu.pipeline_mode<synchronous>, transform_indices = @transform_10, window_bounds = array<i64: 1, 64>}, {pipeline_mode = #tpu.pipeline_mode<synchronous>, transform_indices = @transform_11, window_bounds = array<i64: 64, 1>}, {pipeline_mode = #tpu.pipeline_mode<synchronous>, transform_indices = @transform_12, window_bounds = array<i64: 1, 1>}, {transform_indices = @transform_13, window_bounds = array<i64: 1, 3200>}, {transform_indices = @transform_14, window_bounds = array<i64: 2, 3200>}, {transform_indices = @transform_15, window_bounds = array<i64: 2, 3200>}, {pipeline_mode = #tpu.pipeline_mode<synchronous>, transform_indices = @transform_16, window_bounds = array<i64: 1, 1>}, {pipeline_mode = #tpu.pipeline_mode<synchronous>, transform_indices = @transform_17, window_bounds = array<i64: 1, 1>}, {pipeline_mode = #tpu.pipeline_mode<synchronous>, transform_indices = @transform_18, window_bounds = array<i64: 1, 64>}, {pipeline_mode = #tpu.pipeline_mode<synchronous>, transform_indices = @transform_19, window_bounds = array<i64: 1, 1>}, {pipeline_mode = #tpu.pipeline_mode<synchronous>, transform_indices = @transform_20, window_bounds = array<i64: 1, 1>}]} {
    %get3A = arith.constant 0 : index
    %get3A_0 = arith.constant 0 : index
    %get3A_1 = vector.load %arg1[%get3A, %get3A_0] : memref<3200x128xf32, #tpu.memory_space<vmem>>, vector<3200x64xf32>
    %get3A_2 = arith.constant 0 : index
    %get3A_3 = arith.constant 0 : index
    %get3A_4 = vector.load %arg2[%get3A_2, %get3A_3] : memref<3200x128xf32, #tpu.memory_space<vmem>>, vector<3200x64xf32>
    %get3A_5 = arith.constant 0 : index
    %get3A_6 = arith.constant 64 : index
    %get3A_7 = vector.load %arg2[%get3A_5, %get3A_6] : memref<3200x128xf32, #tpu.memory_space<vmem>>, vector<3200x1xf32>
    %add3A = arith.addf %get3A_1, %get3A_4 : vector<3200x64xf32>
    %mul3A = vector.broadcast %get3A_7 : vector<3200x1xf32> to vector<3200x64xf32>
    %mul3A_8 = arith.mulf %mul3A, %add3A : vector<3200x64xf32>
    %get3A_9 = arith.constant 0 : index
    %get3A_10 = arith.constant 0 : index
    %get3A_11 = vector.load %arg3[%get3A_9, %get3A_10] : memref<1x64xf32, #tpu.memory_space<vmem>>, vector<1x64xf32>
    %add3A_12 = vector.broadcast %get3A_11 : vector<1x64xf32> to vector<3200x64xf32>
    %add3A_13 = arith.addf %mul3A_8, %add3A_12 : vector<3200x64xf32>
    %max3A = arith.constant 0.000000e+00 : f32
    %max3A_14 = vector.broadcast %max3A : f32 to vector<3200x64xf32>
    %max3A_15 = arith.maximumf %add3A_13, %max3A_14 : vector<3200x64xf32>
    %get3A_16 = arith.constant 0 : index
    %get3A_17 = arith.constant 0 : index
    %get3A_18 = vector.load %arg4[%get3A_16, %get3A_17] : memref<1x64xf32, #tpu.memory_space<vmem>>, vector<1x64xf32>
    %dot_general3A = arith.constant dense<0.000000e+00> : vector<1x3200xf32>
    %dot_general3A_19 = tpu.matmul %get3A_18, %max3A_15, %dot_general3A {dimension_numbers = #tpu.dot_dimension_numbers<[1], [1], [0], [0], [0, 0, 1, 0], [], []>, transpose_lhs_hint = false} : vector<1x64xf32>, vector<3200x64xf32>, vector<1x3200xf32> -> vector<1x3200xf32>
    %get3A_20 = arith.constant 0 : index
    %get3A_21 = arith.constant 0 : index
    %get3A_22 = vector.load %arg5[%get3A_20, %get3A_21] : memref<1x1xf32, #tpu.memory_space<vmem>>, vector<1x1xf32>
    %add3A_23 = vector.broadcast %get3A_22 : vector<1x1xf32> to vector<1x3200xf32>
    %add3A_24 = arith.addf %dot_general3A_19, %add3A_23 : vector<1x3200xf32>
    %get3A_25 = arith.constant 0 : index
    %get3A_26 = arith.constant 0 : index
    %get3A_27 = vector.load %arg6[%get3A_25, %get3A_26] : memref<2x64xf32, #tpu.memory_space<vmem>>, vector<2x64xf32>
    %dot_general3A_28 = arith.constant dense<0.000000e+00> : vector<2x3200xf32>
    %dot_general3A_29 = tpu.matmul %get3A_27, %max3A_15, %dot_general3A_28 {dimension_numbers = #tpu.dot_dimension_numbers<[1], [1], [0], [0], [0, 0, 1, 0], [], []>, transpose_lhs_hint = false} : vector<2x64xf32>, vector<3200x64xf32>, vector<2x3200xf32> -> vector<2x3200xf32>
    %get3A_30 = arith.constant 0 : index
    %get3A_31 = arith.constant 0 : index
    %get3A_32 = vector.load %arg7[%get3A_30, %get3A_31] : memref<2x1xf32, #tpu.memory_space<vmem>>, vector<2x1xf32>
    %add3A_33 = vector.broadcast %get3A_32 : vector<2x1xf32> to vector<2x3200xf32>
    %add3A_34 = arith.addf %dot_general3A_29, %add3A_33 : vector<2x3200xf32>
    %swap3A = arith.constant 0 : index
    %swap3A_35 = arith.constant 0 : index
    %swap3A_36 = vector.load %arg15[%swap3A, %swap3A_35] : memref<2x3200xf32, #tpu.memory_space<vmem>>, vector<2x3200xf32>
    tpu.vector_store %arg15[%swap3A, %swap3A_35], %add3A_34 {strides = array<i32>} : memref<2x3200xf32, #tpu.memory_space<vmem>>, vector<2x3200xf32>,
    %get3A_37 = arith.constant 0 : index
    %get3A_38 = arith.constant 0 : index
    %get3A_39 = vector.load %arg8[%get3A_37, %get3A_38] : memref<2x64xf32, #tpu.memory_space<vmem>>, vector<2x64xf32>
    %dot_general3A_40 = arith.constant dense<0.000000e+00> : vector<2x3200xf32>
    %dot_general3A_41 = tpu.matmul %get3A_39, %max3A_15, %dot_general3A_40 {dimension_numbers = #tpu.dot_dimension_numbers<[1], [1], [0], [0], [0, 0, 1, 0], [], []>, transpose_lhs_hint = false} : vector<2x64xf32>, vector<3200x64xf32>, vector<2x3200xf32> -> vector<2x3200xf32>
    %get3A_42 = arith.constant 0 : index
    %get3A_43 = arith.constant 0 : index
    %get3A_44 = vector.load %arg9[%get3A_42, %get3A_43] : memref<2x1xf32, #tpu.memory_space<vmem>>, vector<2x1xf32>
    %add3A_45 = vector.broadcast %get3A_44 : vector<2x1xf32> to vector<2x3200xf32>
    %add3A_46 = arith.addf %dot_general3A_41, %add3A_45 : vector<2x3200xf32>
    %jit3A = arith.constant -4.000000e+00 : f32
    %jit3A_47 = arith.constant 2.000000e+00 : f32
    %max3A_48 = vector.broadcast %jit3A : f32 to vector<2x3200xf32>
    %max3A_49 = arith.maximumf %max3A_48, %add3A_46 : vector<2x3200xf32>
    %min3A = vector.broadcast %jit3A_47 : f32 to vector<2x3200xf32>
    %min3A_50 = arith.minimumf %min3A, %max3A_49 : vector<2x3200xf32>
    %swap3A_51 = arith.constant 0 : index
    %swap3A_52 = arith.constant 0 : index
    %swap3A_53 = vector.load %arg16[%swap3A_51, %swap3A_52] : memref<2x3200xf32, #tpu.memory_space<vmem>>, vector<2x3200xf32>
    tpu.vector_store %arg16[%swap3A_51, %swap3A_52], %min3A_50 {strides = array<i32>} : memref<2x3200xf32, #tpu.memory_space<vmem>>, vector<2x3200xf32>,
    %swap3A_54 = arith.constant 0 : index
    %swap3A_55 = arith.constant 0 : index
    %swap3A_56 = vector.load %arg14[%swap3A_54, %swap3A_55] : memref<1x3200xf32, #tpu.memory_space<vmem>>, vector<1x3200xf32>
    tpu.vector_store %arg14[%swap3A_54, %swap3A_55], %add3A_24 {strides = array<i32>} : memref<1x3200xf32, #tpu.memory_space<vmem>>, vector<1x3200xf32>,
    %mul3A_57 = arith.constant 3200 : i32
    %mul3A_58 = arith.muli %arg0, %mul3A_57 : i32
    %iota3A = tpu.iota {dimensions = array<i32: 1>} : vector<1x3200xi32>
    %add3A_59 = vector.broadcast %mul3A_58 : i32 to vector<1x3200xi32>
    %add3A_60 = arith.addi %add3A_59, %iota3A : vector<1x3200xi32>
    %lt3A = arith.constant 50000 : i32
    %lt3A_61 = vector.broadcast %lt3A : i32 to vector<1x3200xi32>
    %lt3A_62 = arith.cmpi slt, %add3A_60, %lt3A_61 : vector<1x3200xi32>
    %jit3A_63 = arith.constant -1.000000e+30 : f32
    %broadcast_in_dim3A = vector.broadcast %jit3A_63 : f32 to vector<1x3200xf32>
    %select_n3A = arith.select %lt3A_62, %add3A_24, %broadcast_in_dim3A : vector<1x3200xi1>, vector<1x3200xf32>
    %reduce_max3A = vector.shape_cast %select_n3A : vector<1x3200xf32> to vector<1x1x3200xf32>
    %reduce_max3A_64 = arith.constant dense<0xFF800000> : vector<1xf32>
    %reduce_max3A_65 = vector.multi_reduction <maximumf>, %reduce_max3A, %reduce_max3A_64 [1, 2] : vector<1x1x3200xf32> to vector<1xf32>
    %reduce_max3A_66 = vector.shape_cast %reduce_max3A_65 : vector<1xf32> to vector<1x1x1xf32>
    %reduce_max3A_67 = vector.extract %reduce_max3A_66[0, 0, 0] : f32 from vector<1x1x1xf32>
    %mul3A_68 = arith.constant 3200 : i32
    %mul3A_69 = arith.muli %arg0, %mul3A_68 : i32
    %iota3A_70 = tpu.iota {dimensions = array<i32: 0>} : vector<3200x1xi32>
    %add3A_71 = vector.broadcast %mul3A_69 : i32 to vector<3200x1xi32>
    %add3A_72 = arith.addi %add3A_71, %iota3A_70 : vector<3200x1xi32>
    %lt3A_73 = arith.constant 50000 : i32
    %lt3A_74 = vector.broadcast %lt3A_73 : i32 to vector<3200x1xi32>
    %lt3A_75 = arith.cmpi slt, %add3A_72, %lt3A_74 : vector<3200x1xi32>
    %jit3A_76 = arith.constant 0.000000e+00 : f32
    %broadcast_in_dim3A_77 = vector.shape_cast %lt3A_75 : vector<3200x1xi1> to vector<3200x1xi1>
    %broadcast_in_dim3A_78 = vector.broadcast %broadcast_in_dim3A_77 : vector<3200x1xi1> to vector<3200x64xi1>
    %broadcast_in_dim3A_79 = vector.broadcast %jit3A_76 : f32 to vector<3200x64xf32>
    %select_n3A_80 = arith.select %broadcast_in_dim3A_78, %max3A_15, %broadcast_in_dim3A_79 : vector<3200x64xi1>, vector<3200x64xf32>
    %reduce_sum3A = arith.constant dense<0.000000e+00> : vector<64xf32>
    %reduce_sum3A_81 = vector.multi_reduction <add>, %select_n3A_80, %reduce_sum3A [0] : vector<3200x64xf32> to vector<64xf32>
    %broadcast_in_dim3A_82 = vector.shape_cast %reduce_sum3A_81 : vector<64xf32> to vector<1x64xf32>
    %reshape3A = vector.broadcast %reduce_max3A_67 : f32 to vector<1x1xf32>
    %eq3A = arith.constant 0 : i32
    %eq3A_83 = arith.cmpi eq, %arg0, %eq3A : i32
    %convert_element_type3A = arith.extui %eq3A_83 : i1 to i32
    %cond3A = arith.constant 0 : i32
    %cond3A_84 = arith.cmpi ne, %convert_element_type3A, %cond3A : i32
    scf.if %cond3A_84 {
      %swap3A_94 = arith.constant 0 : index
      %swap3A_95 = arith.constant 0 : index
      %swap3A_96 = vector.load %arg17[%swap3A_94, %swap3A_95] : memref<1x1xf32, #tpu.memory_space<vmem>>, vector<1x1xf32>
      tpu.vector_store %arg17[%swap3A_94, %swap3A_95], %reshape3A {strides = array<i32>} : memref<1x1xf32, #tpu.memory_space<vmem>>, vector<1x1xf32>,
      %sub3A = vector.broadcast %reduce_max3A_67 : f32 to vector<1x3200xf32>
      %sub3A_97 = arith.subf %select_n3A, %sub3A : vector<1x3200xf32>
      %exp3A = math.exp %sub3A_97 : vector<1x3200xf32>
      %reduce_sum3A_98 = vector.shape_cast %exp3A : vector<1x3200xf32> to vector<1x1x3200xf32>
      %reduce_sum3A_99 = arith.constant dense<0.000000e+00> : vector<1xf32>
      %reduce_sum3A_100 = vector.multi_reduction <add>, %reduce_sum3A_98, %reduce_sum3A_99 [1, 2] : vector<1x1x3200xf32> to vector<1xf32>
      %reduce_sum3A_101 = vector.shape_cast %reduce_sum3A_100 : vector<1xf32> to vector<1x1x1xf32>
      %reduce_sum3A_102 = vector.extract %reduce_sum3A_101[0, 0, 0] : f32 from vector<1x1x1xf32>
      %reshape3A_103 = vector.broadcast %reduce_sum3A_102 : f32 to vector<1x1xf32>
      %swap3A_104 = arith.constant 0 : index
      %swap3A_105 = arith.constant 0 : index
      %swap3A_106 = vector.load %arg18[%swap3A_104, %swap3A_105] : memref<1x1xf32, #tpu.memory_space<vmem>>, vector<1x1xf32>
      tpu.vector_store %arg18[%swap3A_104, %swap3A_105], %reshape3A_103 {strides = array<i32>} : memref<1x1xf32, #tpu.memory_space<vmem>>, vector<1x1xf32>,
      %swap3A_107 = arith.constant 0 : index
      %swap3A_108 = arith.constant 0 : index
      %swap3A_109 = vector.load %arg19[%swap3A_107, %swap3A_108] : memref<1x64xf32, #tpu.memory_space<vmem>>, vector<1x64xf32>
      tpu.vector_store %arg19[%swap3A_107, %swap3A_108], %broadcast_in_dim3A_82 {strides = array<i32>} : memref<1x64xf32, #tpu.memory_space<vmem>>, vector<1x64xf32>,
    } else {
    }
    %gt3A = arith.constant 0 : i32
    %gt3A_85 = arith.cmpi sgt, %arg0, %gt3A : i32
    %convert_element_type3A_86 = arith.extui %gt3A_85 : i1 to i32
    %cond3A_87 = arith.constant 0 : i32
    %cond3A_88 = arith.cmpi ne, %convert_element_type3A_86, %cond3A_87 : i32
    scf.if %cond3A_88 {
      %get3A_94 = arith.constant 0 : index
      %get3A_95 = arith.constant 0 : index
      %get3A_96 = vector.load %arg17[%get3A_94, %get3A_95] : memref<1x1xf32, #tpu.memory_space<vmem>>, vector<1x1xf32>
      %max3A_97 = arith.maximumf %get3A_96, %reshape3A : vector<1x1xf32>
      %get3A_98 = arith.constant 0 : index
      %get3A_99 = arith.constant 0 : index
      %get3A_100 = vector.load %arg18[%get3A_98, %get3A_99] : memref<1x1xf32, #tpu.memory_space<vmem>>, vector<1x1xf32>
      %sub3A = arith.subf %get3A_96, %max3A_97 : vector<1x1xf32>
      %exp3A = math.exp %sub3A : vector<1x1xf32>
      %mul3A_101 = arith.mulf %get3A_100, %exp3A : vector<1x1xf32>
      %sub3A_102 = vector.broadcast %max3A_97 : vector<1x1xf32> to vector<1x3200xf32>
      %sub3A_103 = arith.subf %select_n3A, %sub3A_102 : vector<1x3200xf32>
      %exp3A_104 = math.exp %sub3A_103 : vector<1x3200xf32>
      %reduce_sum3A_105 = vector.shape_cast %exp3A_104 : vector<1x3200xf32> to vector<1x1x3200xf32>
      %reduce_sum3A_106 = arith.constant dense<0.000000e+00> : vector<1xf32>
      %reduce_sum3A_107 = vector.multi_reduction <add>, %reduce_sum3A_105, %reduce_sum3A_106 [1, 2] : vector<1x1x3200xf32> to vector<1xf32>
      %reduce_sum3A_108 = vector.shape_cast %reduce_sum3A_107 : vector<1xf32> to vector<1x1x1xf32>
      %reduce_sum3A_109 = vector.extract %reduce_sum3A_108[0, 0, 0] : f32 from vector<1x1x1xf32>
      %reshape3A_110 = vector.broadcast %reduce_sum3A_109 : f32 to vector<1x1xf32>
      %add3A_111 = arith.addf %mul3A_101, %reshape3A_110 : vector<1x1xf32>
      %swap3A_112 = arith.constant 0 : index
      %swap3A_113 = arith.constant 0 : index
      %swap3A_114 = vector.load %arg18[%swap3A_112, %swap3A_113] : memref<1x1xf32, #tpu.memory_space<vmem>>, vector<1x1xf32>
      tpu.vector_store %arg18[%swap3A_112, %swap3A_113], %add3A_111 {strides = array<i32>} : memref<1x1xf32, #tpu.memory_space<vmem>>, vector<1x1xf32>,
      %swap3A_115 = arith.constant 0 : index
      %swap3A_116 = arith.constant 0 : index
      %swap3A_117 = vector.load %arg17[%swap3A_115, %swap3A_116] : memref<1x1xf32, #tpu.memory_space<vmem>>, vector<1x1xf32>
      tpu.vector_store %arg17[%swap3A_115, %swap3A_116], %max3A_97 {strides = array<i32>} : memref<1x1xf32, #tpu.memory_space<vmem>>, vector<1x1xf32>,
      %get3A_118 = arith.constant 0 : index
      %get3A_119 = arith.constant 0 : index
      %get3A_120 = vector.load %arg19[%get3A_118, %get3A_119] : memref<1x64xf32, #tpu.memory_space<vmem>>, vector<1x64xf32>
      %add3A_121 = arith.addf %get3A_120, %broadcast_in_dim3A_82 : vector<1x64xf32>
      %swap3A_122 = arith.constant 0 : index
      %swap3A_123 = arith.constant 0 : index
      %swap3A_124 = vector.load %arg19[%swap3A_122, %swap3A_123] : memref<1x64xf32, #tpu.memory_space<vmem>>, vector<1x64xf32>
      tpu.vector_store %arg19[%swap3A_122, %swap3A_123], %add3A_121 {strides = array<i32>} : memref<1x64xf32, #tpu.memory_space<vmem>>, vector<1x64xf32>,
    } else {
    }
    %eq3A_89 = arith.constant 15 : i32
    %eq3A_90 = arith.cmpi eq, %arg0, %eq3A_89 : i32
    %convert_element_type3A_91 = arith.extui %eq3A_90 : i1 to i32
    %cond3A_92 = arith.constant 0 : i32
    %cond3A_93 = arith.cmpi ne, %convert_element_type3A_91, %cond3A_92 : i32
    scf.if %cond3A_93 {
      %get3A_94 = arith.constant 0 : index
      %get3A_95 = arith.constant 0 : index
      %get3A_96 = vector.load %arg17[%get3A_94, %get3A_95] : memref<1x1xf32, #tpu.memory_space<vmem>>, vector<1x1xf32>
      %get3A_97 = arith.constant 0 : index
      %get3A_98 = arith.constant 0 : index
      %get3A_99 = vector.load %arg18[%get3A_97, %get3A_98] : memref<1x1xf32, #tpu.memory_space<vmem>>, vector<1x1xf32>
      %log3A = math.log %get3A_99 : vector<1x1xf32>
      %add3A_100 = arith.addf %get3A_96, %log3A : vector<1x1xf32>
      %swap3A_101 = arith.constant 0 : index
      %swap3A_102 = arith.constant 0 : index
      %swap3A_103 = vector.load %arg20[%swap3A_101, %swap3A_102] : memref<1x1xf32, #tpu.memory_space<vmem>>, vector<1x1xf32>
      tpu.vector_store %arg20[%swap3A_101, %swap3A_102], %add3A_100 {strides = array<i32>} : memref<1x1xf32, #tpu.memory_space<vmem>>, vector<1x1xf32>,
      %get3A_104 = arith.constant 0 : index
      %get3A_105 = arith.constant 0 : index
      %get3A_106 = vector.load %arg19[%get3A_104, %get3A_105] : memref<1x64xf32, #tpu.memory_space<vmem>>, vector<1x64xf32>
      %mul3A_107 = arith.constant 2.000000e-05 : f32
      %mul3A_108 = vector.broadcast %mul3A_107 : f32 to vector<1x64xf32>
      %mul3A_109 = arith.mulf %get3A_106, %mul3A_108 : vector<1x64xf32>
      %get3A_110 = arith.constant 0 : index
      %get3A_111 = arith.constant 0 : index
      %get3A_112 = vector.load %arg10[%get3A_110, %get3A_111] : memref<64x64xf32, #tpu.memory_space<vmem>>, vector<64x64xf32>
      %dot_general3A_113 = arith.constant dense<0.000000e+00> : vector<1x64xf32>
      %dot_general3A_114 = tpu.matmul %mul3A_109, %get3A_112, %dot_general3A_113 {dimension_numbers = #tpu.dot_dimension_numbers<[1], [0], [0], [1], [0, 0, 1, 1], [], []>, precision = #tpu.contract_precision<fp32>, transpose_lhs_hint = false} : vector<1x64xf32>, vector<64x64xf32>, vector<1x64xf32> -> vector<1x64xf32>
      %get3A_115 = arith.constant 0 : index
      %get3A_116 = arith.constant 0 : index
      %get3A_117 = vector.load %arg11[%get3A_115, %get3A_116] : memref<1x64xf32, #tpu.memory_space<vmem>>, vector<1x64xf32>
      %add3A_118 = arith.addf %dot_general3A_114, %get3A_117 : vector<1x64xf32>
      %max3A_119 = arith.constant 0.000000e+00 : f32
      %max3A_120 = vector.broadcast %max3A_119 : f32 to vector<1x64xf32>
      %max3A_121 = arith.maximumf %add3A_118, %max3A_120 : vector<1x64xf32>
      %get3A_122 = arith.constant 0 : index
      %get3A_123 = arith.constant 0 : index
      %get3A_124 = vector.load %arg12[%get3A_122, %get3A_123] : memref<64x1xf32, #tpu.memory_space<vmem>>, vector<64x1xf32>
      %dot_general3A_125 = arith.constant dense<0.000000e+00> : vector<1x1xf32>
      %dot_general3A_126 = tpu.matmul %max3A_121, %get3A_124, %dot_general3A_125 {dimension_numbers = #tpu.dot_dimension_numbers<[1], [0], [0], [1], [0, 0, 1, 1], [], []>, precision = #tpu.contract_precision<fp32>, transpose_lhs_hint = false} : vector<1x64xf32>, vector<64x1xf32>, vector<1x1xf32> -> vector<1x1xf32>
      %get3A_127 = arith.constant 0 : index
      %get3A_128 = arith.constant 0 : index
      %get3A_129 = vector.load %arg13[%get3A_127, %get3A_128] : memref<1x1xf32, #tpu.memory_space<vmem>>, vector<1x1xf32>
      %add3A_130 = arith.addf %dot_general3A_126, %get3A_129 : vector<1x1xf32>
      %swap3A_131 = arith.constant 0 : index
      %swap3A_132 = arith.constant 0 : index
      %swap3A_133 = vector.load %arg21[%swap3A_131, %swap3A_132] : memref<1x1xf32, #tpu.memory_space<vmem>>, vector<1x1xf32>
      tpu.vector_store %arg21[%swap3A_131, %swap3A_132], %add3A_130 {strides = array<i32>} : memref<1x1xf32, #tpu.memory_space<vmem>>, vector<1x1xf32>,
    } else {
    }
    return
  }
  func.func @transform_0(%arg0: i32) -> (i32, i32) {
    %c0_i32 = arith.constant 0 : i32
    %c0_i32_0 = arith.constant 0 : i32
    return %arg0, %c0_i32 : i32, i32
  }
  func.func @transform_1(%arg0: i32) -> (i32, i32) {
    %c0_i32 = arith.constant 0 : i32
    %c0_i32_0 = arith.constant 0 : i32
    return %arg0, %c0_i32 : i32, i32
  }
  func.func @transform_2(%arg0: i32) -> (i32, i32) {
    %c0_i32 = arith.constant 0 : i32
    %c0_i32_0 = arith.constant 0 : i32
    %c0_i32_1 = arith.constant 0 : i32
    return %c0_i32, %c0_i32_0 : i32, i32
  }
  func.func @transform_3(%arg0: i32) -> (i32, i32) {
    %c0_i32 = arith.constant 0 : i32
    %c0_i32_0 = arith.constant 0 : i32
    %c0_i32_1 = arith.constant 0 : i32
    return %c0_i32, %c0_i32_0 : i32, i32
  }
  func.func @transform_4(%arg0: i32) -> (i32, i32) {
    %c0_i32 = arith.constant 0 : i32
    %c0_i32_0 = arith.constant 0 : i32
    %c0_i32_1 = arith.constant 0 : i32
    return %c0_i32, %c0_i32_0 : i32, i32
  }
  func.func @transform_5(%arg0: i32) -> (i32, i32) {
    %c0_i32 = arith.constant 0 : i32
    %c0_i32_0 = arith.constant 0 : i32
    %c0_i32_1 = arith.constant 0 : i32
    return %c0_i32, %c0_i32_0 : i32, i32
  }
  func.func @transform_6(%arg0: i32) -> (i32, i32) {
    %c0_i32 = arith.constant 0 : i32
    %c0_i32_0 = arith.constant 0 : i32
    %c0_i32_1 = arith.constant 0 : i32
    return %c0_i32, %c0_i32_0 : i32, i32
  }
  func.func @transform_7(%arg0: i32) -> (i32, i32) {
    %c0_i32 = arith.constant 0 : i32
    %c0_i32_0 = arith.constant 0 : i32
    %c0_i32_1 = arith.constant 0 : i32
    return %c0_i32, %c0_i32_0 : i32, i32
  }
  func.func @transform_8(%arg0: i32) -> (i32, i32) {
    %c0_i32 = arith.constant 0 : i32
    %c0_i32_0 = arith.constant 0 : i32
    %c0_i32_1 = arith.constant 0 : i32
    return %c0_i32, %c0_i32_0 : i32, i32
  }
  func.func @transform_9(%arg0: i32) -> (i32, i32) {
    %c0_i32 = arith.constant 0 : i32
    %c0_i32_0 = arith.constant 0 : i32
    %c0_i32_1 = arith.constant 0 : i32
    return %c0_i32, %c0_i32_0 : i32, i32
  }
  func.func @transform_10(%arg0: i32) -> (i32, i32) {
    %c0_i32 = arith.constant 0 : i32
    %c0_i32_0 = arith.constant 0 : i32
    %c0_i32_1 = arith.constant 0 : i32
    return %c0_i32, %c0_i32_0 : i32, i32
  }
  func.func @transform_11(%arg0: i32) -> (i32, i32) {
    %c0_i32 = arith.constant 0 : i32
    %c0_i32_0 = arith.constant 0 : i32
    %c0_i32_1 = arith.constant 0 : i32
    return %c0_i32, %c0_i32_0 : i32, i32
  }
  func.func @transform_12(%arg0: i32) -> (i32, i32) {
    %c0_i32 = arith.constant 0 : i32
    %c0_i32_0 = arith.constant 0 : i32
    %c0_i32_1 = arith.constant 0 : i32
    return %c0_i32, %c0_i32_0 : i32, i32
  }
  func.func @transform_13(%arg0: i32) -> (i32, i32) {
    %c0_i32 = arith.constant 0 : i32
    %c0_i32_0 = arith.constant 0 : i32
    return %c0_i32, %arg0 : i32, i32
  }
  func.func @transform_14(%arg0: i32) -> (i32, i32) {
    %c0_i32 = arith.constant 0 : i32
    %c0_i32_0 = arith.constant 0 : i32
    return %c0_i32, %arg0 : i32, i32
  }
  func.func @transform_15(%arg0: i32) -> (i32, i32) {
    %c0_i32 = arith.constant 0 : i32
    %c0_i32_0 = arith.constant 0 : i32
    return %c0_i32, %arg0 : i32, i32
  }
  func.func @transform_16(%arg0: i32) -> (i32, i32) {
    %c0_i32 = arith.constant 0 : i32
    %c0_i32_0 = arith.constant 0 : i32
    %c0_i32_1 = arith.constant 0 : i32
    return %c0_i32, %c0_i32_0 : i32, i32
  }
  func.func @transform_17(%arg0: i32) -> (i32, i32) {
    %c0_i32 = arith.constant 0 : i32
    %c0_i32_0 = arith.constant 0 : i32
    %c0_i32_1 = arith.constant 0 : i32
    return %c0_i32, %c0_i32_0 : i32, i32
  }
  func.func @transform_18(%arg0: i32) -> (i32, i32) {
    %c0_i32 = arith.constant 0 : i32
    %c0_i32_0 = arith.constant 0 : i32
    %c0_i32_1 = arith.constant 0 : i32
    return %c0_i32, %c0_i32_0 : i32, i32
  }
  func.func @transform_19(%arg0: i32) -> (i32, i32) {
    %c0_i32 = arith.constant 0 : i32
    %c0_i32_0 = arith.constant 0 : i32
    %c0_i32_1 = arith.constant 0 : i32
    return %c0_i32, %c0_i32_0 : i32, i32
  }
  func.func @transform_20(%arg0: i32) -> (i32, i32) {
    %c0_i32 = arith.constant 0 : i32
    %c0_i32_0 = arith.constant 0 : i32
    %c0_i32_1 = arith.constant 0 : i32
    return %c0_i32, %c0_i32_0 : i32, i32
  }
}

module attributes {stable_mosaic.version = 14 : i64} {
  func.func @_e2_body(%arg0: memref<1x51200xf32, #tpu.memory_space<vmem>>, %arg1: memref<1x1xf32, #tpu.memory_space<vmem>>, %arg2: memref<1x51200xf32, #tpu.memory_space<vmem>>) attributes {dimension_semantics = [], scalar_prefetch = 0 : i64, scratch_operands = 0 : i64, tpu.core_type = #tpu.core_type<tc>} {
    %get3A = arith.constant 0 : index
    %get3A_0 = arith.constant 0 : index
    %get3A_1 = vector.load %arg0[%get3A, %get3A_0] : memref<1x51200xf32, #tpu.memory_space<vmem>>, vector<1x51200xf32>
    %get3A_2 = arith.constant 0 : index
    %get3A_3 = arith.constant 0 : index
    %get3A_4 = vector.load %arg1[%get3A_2, %get3A_3] : memref<1x1xf32, #tpu.memory_space<vmem>>, vector<1x1xf32>
    %sub3A = vector.broadcast %get3A_4 : vector<1x1xf32> to vector<1x51200xf32>
    %sub3A_5 = arith.subf %get3A_1, %sub3A : vector<1x51200xf32>
    %swap3A = arith.constant 0 : index
    %swap3A_6 = arith.constant 0 : index
    %swap3A_7 = vector.load %arg2[%swap3A, %swap3A_6] : memref<1x51200xf32, #tpu.memory_space<vmem>>, vector<1x51200xf32>
    tpu.vector_store %arg2[%swap3A, %swap3A_6], %sub3A_5 {strides = array<i32>} : memref<1x51200xf32, #tpu.memory_space<vmem>>, vector<1x51200xf32>,
    return
  }
}

</mosaic_0001>

<sc_bundles>
// kernel: kernel.10.cloned.1.call-start
scs
__scs_entry_jumppad:
0x0: {  	(pc) =	sbr.rel $0x88, $3  }
0x1: {  	(tag) =	ssettag $0x0;
	lr =	simm.s32 $0x1  }
0x2: {  	[smem:$0x3F91] =	sst lr;
	_ =	strace $0xD0000000  }
0x3: {  	_ = 	snop  }
0x4: {  	_ = 	snop  }
0x5: {  	_ = 	snop  }
0x6: {  	_ = 	snop  }
0x7: {  	_ = 	snop  }
__scs_overlays_trampoline_lowered:
0x8: {  	[smem:$0x3FA0] =	sst s0  }
0x9: {  	[smem:$0x3FA1] =	sst s1  }
0xa: {  	[smem:$0x3FA2] =	sst s2  }
0xb: {  	[smem:$0x3FA3] =	sst s3  }
0xc: {  	[smem:$0x3FA4] =	sst s4  }
0xd: {  	[smem:$0x3FA5] =	sst s5  }
0xe: {  	[smem:$0x3FA6] =	sst s6  }
0xf: {  	[smem:$0x3FA7] =	sst s7  }
0x10: {  	[smem:$0x3FA8] =	sst s8  }
0x11: {  	[smem:$0x3FA9] =	sst s9;
	s0 =	simm.s32 @!p0 $0x0  }
0x12: {  	s1 =	sld [smem:$0x3F8F];
	s0 =	simm.s32 @p0 $0x1  }
0x13: {  	[smem:$0x3FAA] =	sst s0;
	s0 =	simm.s32 @!p1 $0x0  }
0x14: {  	s2 =	sld [smem:$0x3F8E];
	s0 =	simm.s32 @p1 $0x1  }
0x15: {  	[smem:$0x3FAB] =	sst s0;
	s0 =	simm.s32 @!p2 $0x0  }
0x16: {  	s3 =	sld [smem:$0x3FDB];
	s0 =	simm.s32 @p2 $0x1  }
0x17: {  	s4 =	simm.s32 $0x1BF5;
	[smem:$0x3FAD] =	sst s0  }
0x18: {  	s0 =	sld [smem:$0x3F90];
	_ =	swait.ge [sflag:s4], $0x0  }
0x19: {  	s7 =	sld [smem:$0x3F91]  }
0x1a: {  	s8 =	sadd.s32 $0xFFFFE003, lr  }
0x1b: {  	s9 =	sadd.s32 $0xFFFFFEF7, lr;
	s5 =	simm.s32 $0xFFFFFFFF;
	p2 =	slt.u32 s8, $0xFFFFF086  }
0x1c: {  	p1 =	slt.u32 s9, $0xF7A;
	s5 =	simm.s32 @!p2 $0x0  }
0x1d: {  	s5 =	simm.s32 @p1 $0x1;
	p0 =	seq.s32 s7, s2  }
0x1e: {  	s7 =	smul.u32 @!p0 $0xF7A, s2;
	p2 =	seq.s32 @!p0 s5, $0x0  }
0x1f: {  	s9 =	smul.u32 $0xF7A, s1;
	s8 =	simm.s32 @!p0 $0x1BF5;
	p2 =	por !p2, p0  }
0x20: {  	[sflag:s8] =	ssyncset.s32 @!p0 $0xFFFFF086;
	s6 =	sadd.s32 @!p0 s3, s7;
	s7 =	simm.s32 @!p0 $0x108  }
0x21: {  	s3 =	sadd.s32 s3, s9;
	s6 =	sadd.s32 @!p0 $0x88, s6;
	s7 =	simm.s32 @p2 $0x1082  }
0x22: {  	[simem:s7], [sflag:s8] =	dma.local @!p0 [hbm:s6], $0xF7A  }
0x23: {  	s9 =	sor.u32 $0xD0000000, s2;
	s6 =	simm.s32 $0x108;
	_ =	swait.ge @!p0 [sflag:s8], $0x0  }
0x24: {  	s3 =	sadd.s32 $0x88, s3;
	s6 =	simm.s32 @!p1 $0x1082;
	[sflag:s4] =	ssyncset.s32 $0xFFFFF086  }
0x25: {  	[simem:s6], [sflag:s4] =	dma.local [hbm:s3], $0xF7A  }
0x26: {  	[smem:$0x3F91] =	sst s1;
	(tag) =	ssettag s2;
	_ =	strace s9  }
0x27: {  	s1 =	sld [smem:$0x3FA1]  }
0x28: {  	s2 =	sld [smem:$0x3FA2]  }
0x29: {  	s4 =	sld [smem:$0x3FA4]  }
0x2a: {  	p0 =	seq.s32 s5, $0x0;
	s5 =	sld [smem:$0x3FA5]  }
0x2b: {  	s6 =	sld [smem:$0x3FA6]  }
0x2c: {  	s7 =	sld [smem:$0x3FA7]  }
0x2d: {  	s3 =	simm.s32 $0x108;
	s8 =	sld [smem:$0x3FA8]  }
0x2e: {  	s3 =	simm.s32 @!p0 $0x1082;
	s9 =	sld [smem:$0x3FA9]  }
0x2f: {  	lr =	sadd.s32 s0, s3;
	s0 =	sld [smem:$0x3FA0]  }
0x30: {  	s3 =	sld [smem:$0x3FA3]  }
0x31: {  	[smem:$0x3FAC] =	sst s10  }
0x32: {  	s10 =	sld [smem:$0x3FAA];
	_ =	sdelay $0x3  }
0x33: {  	p0 =	seq.s32 s10, $0x1;
	s10 =	sld [smem:$0x3FAC];
	_ =	sdelay $0x3  }
0x34: {  	[smem:$0x3FAC] =	sst s10  }
0x35: {  	s10 =	sld [smem:$0x3FAB];
	_ =	sdelay $0x3  }
0x36: {  	p1 =	seq.s32 s10, $0x1;
	s10 =	sld [smem:$0x3FAC];
	_ =	sdelay $0x3  }
0x37: {  	[smem:$0x3FAC] =	sst s10  }
0x38: {  	s10 =	sld [smem:$0x3FAD]  }
0x39: {  	_ = 	snop;
	(pc) =	sbr.ind lr, $3  }
0x3a: {  	_ = 	snop  }
0x3b: {  	_ = 	snop  }
0x3c: {  	p2 =	seq.s32 s10, $0x1;
	s10 =	sld [smem:$0x3FAC]  }
0x3d: {  	_ =	shalt  }
0x3e: {  	_ =	shalt  }
0x3f: {  	_ =	shalt  }
0x40: {  	_ =	shalt  }
0x41: {  	_ =	shalt  }
0x42: {  	_ =	shalt  }
0x43: {  	_ =	shalt  }
0x44: {  	_ =	shalt  }
0x45: {  	_ =	shalt  }
0x46: {  	_ =	shalt  }
0x47: {  	_ =	shalt  }
0x48: {  	_ =	shalt  }
0x49: {  	_ =	shalt  }
0x4a: {  	_ =	shalt  }
0x4b: {  	_ =	shalt  }
0x4c: {  	_ =	shalt  }
0x4d: {  	_ =	shalt  }
0x4e: {  	_ =	shalt  }
0x4f: {  	_ =	shalt  }
0x50: {  	_ =	shalt  }
0x51: {  	_ =	shalt  }
0x52: {  	_ =	shalt  }
0x53: {  	_ =	shalt  }
0x54: {  	_ =	shalt  }
0x55: {  	_ =	shalt  }
0x56: {  	_ =	shalt  }
0x57: {  	_ =	shalt  }
0x58: {  	_ =	shalt  }
0x59: {  	_ =	shalt  }
0x5a: {  	_ =	shalt  }
0x5b: {  	_ =	shalt  }
0x5c: {  	_ =	shalt  }
0x5d: {  	_ =	shalt  }
0x5e: {  	_ =	shalt  }
0x5f: {  	_ =	shalt  }
0x60: {  	_ =	shalt  }
0x61: {  	_ =	shalt  }
0x62: {  	_ =	shalt  }
0x63: {  	_ =	shalt  }
0x64: {  	_ =	shalt  }
0x65: {  	_ =	shalt  }
0x66: {  	_ =	shalt  }
0x67: {  	_ =	shalt  }
0x68: {  	_ =	shalt  }
0x69: {  	_ =	shalt  }
0x6a: {  	_ =	shalt  }
0x6b: {  	_ =	shalt  }
0x6c: {  	_ =	shalt  }
0x6d: {  	_ =	shalt  }
0x6e: {  	_ =	shalt  }
0x6f: {  	_ =	shalt  }
0x70: {  	_ =	shalt  }
0x71: {  	_ =	shalt  }
0x72: {  	_ =	shalt  }
0x73: {  	_ =	shalt  }
0x74: {  	_ =	shalt  }
0x75: {  	_ =	shalt  }
0x76: {  	_ =	shalt  }
0x77: {  	_ =	shalt  }
0x78: {  	_ =	shalt  }
0x79: {  	_ =	shalt  }
0x7a: {  	_ =	shalt  }
0x7b: {  	_ =	shalt  }
0x7c: {  	_ =	shalt  }
0x7d: {  	_ =	shalt  }
0x7e: {  	_ =	shalt  }
0x7f: {  	_ =	shalt  }
0x80: {  	_ =	shalt  }
0x81: {  	_ =	shalt  }
0x82: {  	_ =	shalt  }
0x83: {  	_ =	shalt  }
0x84: {  	_ =	shalt  }
0x85: {  	_ =	shalt  }
0x86: {  	_ =	shalt  }
0x87: {  	_ =	shalt  }
.Lfunc_end0:
.L_simem_size_0:
called_computation_lowered:
.L_overlay_start_0:
0x88: {  	s2 =	sld [smem:$0x3FD9]  }
0x89: {  	s3 =	sld [smem:$0x3FFE];
	_ =	sdelay $0x1  }
0x8a: {  	s1 =	srdreg.scid  }
0x8b: {  	s0 =	sand.u32 $0x1, s1  }
0x8c: {  	s16 =	sshll.u32 s0, $0xA;
	s2 =	sadd.s32 s3, s2  }
0x8d: {  	s2 =	sadd.s32 s2, s16  }
0x8e: {  	[smem:$0x3FB8] =	sst s2  }
0x8f: {  	_ = 	snop  }
0x90: {  	(tm) =	ssettm $0x1  }
0x91: {  	s17 =	sld [smem:$0x3FFB];
	_ =	sdelay $0x3  }
0x92: {  	_ =	strace s17  }
0x93: {  	s2 =	sld [smem:$0x3FFC];
	_ =	sdelay $0x3  }
0x94: {  	_ =	strace s2  }
0x95: {  	s2 =	sld [smem:$0x3FFD];
	_ =	sdelay $0x3  }
0x96: {  	_ =	strace s2  }
0x97: {  	_ =	strace $0x8FFFFFFF  }
0x98: {  	s18 =	sld [smem:$0x3FDB];
	_ =	sdelay $0x1  }
0x99: {  	s19 =	simm.s32 $_scs_section_size  }
0x9a: {  	s4 =	simm.s32 $_size__tile_overlayer_lowered;
	s5 =	simm.s32 $_tile_overlayer_lowered  }
0x9b: {  	s22 =	simm.s32 $0x1BFF;
	s21 =	sshll.u32 s5, $0x1;
	s2 =	sadd.s32 s19, s18  }
0x9c: {  	s6 =	simm.s32 $0x0;
	s20 =	sshll.u32 s4, $0x1;
	s4 =	sadd.s32 s21, s2  }
0x9d: {  	[timem:s6], [sflag:s22] =	dma.local [hbm:s4], s20  }
0x9e: {  	_ =	swait.ge [sflag:s22], s20  }
0x9f: {  	s3 =	ssub.s32 $0x0, s20;
	[sflag:s22] =	ssyncset.done $0x0  }
0xa0: {  	[sflag:s22] =	ssyncadd.s32 s3;
	_ =	sdelay $0x1  }
0xa1: {  	s23 =	simm.s32 $0x1B8B  }
0xa2: {  	_ =	swait.ge [sflag:s23], $0x1  }
0xa3: {  	[sflag:s23] =	ssyncset.done $0x0  }
0xa4: {  	s25 =	simm.s32 $0x1B8E;
	s24 =	sld [smem:$0x3FFE];
	[sflag:s23] =	ssyncadd.s32 $0xFFFFFFFF  }
0xa5: {  	s26 =	simm.s32 $execute0_lowered;
	[smem:$0x3FD2] =	sst s25  }
0xa6: {  	s4 =	sshll.u32 s26, $0x1;
	_ =	strace $0x80000046;
	[dreg:$0x1] =	wrdreg $0xFFFFFFFF  }
0xa7: {  	s28 =	simm.s32 $_size_execute0_lowered;
	s2 =	sadd.s32 s2, s4;
	[dreg:$0x0] =	wrdreg $0x0  }
0xa8: {  	s4 =	sshll.u32 s28, $0x1;
	[dreg:$0x2] =	wrdreg s2  }
0xa9: {  	[dreg:$0x3] =	wrdreg s4  }
0xaa: {  	[dreg:$0x4] =	wrdreg $0xC0  }
0xab: {  	_ =	task [dreg:s6], $0x5FFFF  }
0xac: {  	[dreg:$0x1] =	wrdreg $0xFFFFFFFF  }
0xad: {  	[dreg:$0x0] =	wrdreg $0x60  }
0xae: {  	[dreg:$0x2] =	wrdreg s24  }
0xaf: {  	[dreg:$0x3] =	wrdreg $0x0  }
0xb0: {  	[dreg:$0x4] =	wrdreg $0xC800  }
0xb1: {  	[dreg:$0x5] =	wrdreg $0x9  }
0xb2: {  	_ =	task.clear_ibuf [dreg:s6], $0x6FFFF;
	_ =	strace $0x90000046  }
0xb3: {  	s29 =	simm.s32 $0x9;
	_ =	strace $0x80000048  }
0xb4: {  	_ =	swait.ge [sflag:s29], $0x1  }
0xb5: {  	[sflag:s29] =	ssyncadd.s32 $0xFFFFFFFF  }
0xb6: {  	_ =	strace $0x90000048  }
0xb7: {  	_ =	sfence  }
0xb8: {  	s30 =	sld [smem:$0x0];
	_ =	sdelay $0x2  }
0xb9: {  	s31 =	sshll.u32 s1, $0xD;
	s1 =	sshrl.u32 s1, $0x2  }
0xba: {  	s3 =	sand.u32 $0x4000, s31;
	s1 =	sadd.s32 s1, s30  }
0xbb: {  	s0 =	sor.u32 s3, s0;
	s1 =	sshll.u32 s1, $0x11  }
0xbc: {  	s0 =	sor.u32 s1, s0  }
0xbd: {  	s0 =	sadd.s32 $0x8F2B, s0  }
0xbe: {  	[sflag:s0] =	ssyncadd.remote.s32 $0x1  }
0xbf: {  	_ =	sfence.sel $0xFFFF  }
0xc0: {  	[dreg:$0x0] =	wrdreg $0xFFFFFFFF;
	(pc) =	sbr.abs _section_cstart, $3  }
0xc1: {  	[dreg:$0x1] =	wrdreg $0xFFFFFFFF  }
0xc2: {  	_ =	task.clear_ibuf [dreg:s6], $0x2FFFF;
	_ =	strace $0x9FFFFFFF  }
0xc3: {  	(tm) =	ssettm $0x7FFFFFFF  }
tec
execute0_lowered:
.L_overlay_start_1:
0x0: {  	(tag) =	ssettag $0x1  }
0x1: {  	s0 =	rddreg [dreg:$0x0]  }
0x2: {  	s2 =	rddreg [dreg:$0x1]  }
0x3: {  	s3 =	rddreg [dreg:$0x2]  }
0x4: {  	s1 =	srdreg.scid;
	s11 =	stileid.u32  }
0x5: {  	s4 =	simm.s32 $0x0;
	s15 =	simm.s32 $0x9;
	s18 =	simm.s32 $0x80  }
0x6: {  	s19 =	simm.s32 $0x2580;
	s20 =	simm.s32 $0x1;
	s21 =	simm.s32 $0x5  }
0x7: {  	s28 =	simm.s32 $0x8;
	s1 =	sand.u32 $0x1, s1;
	s6 =	smul.u32 $0xC80, s11  }
0x8: {  	[smem:$0x7FF] =	sst s4;
	s8 =	sshll.u32 s11, $0x1;
	s13 =	smul.u32 $0x1900, s11  }
0x9: {  	s7 =	sadd.s32 $0x2A00, s0;
	s5 =	smul.u32 $0x19000, s1;
	s8 =	sor.u32 s1, s8  }
0xa: {  	_ =	strace $0x80000047;
	s9 =	ssub.s32 $0x2, s1;
	s8 =	smul.u32 $0x6400, s8  }
0xb: {  	s1 =	smul.u32 $0xC80, s1;
	s10 =	sshrl.u32 s9, $0x1;
	s5 =	sadd.s32 s6, s5  }
0xc: {  	s9 =	ssub.s32 s9, s10;
	s5 =	sshrl.u32 s5, $0x3;
	s8 =	sshrl.u32 s8, $0x3  }
0xd: {  	s30 =	smax.u32 s9, $0x1;
	s12 =	sadd.s32 s5, s0;
	s0 =	sadd.s32 $0x3AE00, s0  }
0xe: {  	s22 =	sadd.s32 s7, s8;
	s23 =	sadd.s32 $0x19000, s8;
	[dreg:$0xc] =	wrdreg s30  }
0xf: {  	s5 =	sadd.s32 s6, s2;
	[dreg:$0x6] =	wrdreg s22;
	s24 =	sadd.s32 s7, s23  }
0x10: {  	s6 =	sadd.s32 s6, s3;
	s8 =	sadd.s32 s0, s8;
	[dreg:$0x7] =	wrdreg s24  }
0x11: {  	s25 =	sadd.s32 s0, s23;
	s26 =	sadd.s32 $0x34A00, s12;
	[dreg:$0x8] =	wrdreg s8  }
0x12: {  	s0 =	sadd.s32 s13, s0;
	s29 =	sadd.s32 $0x36300, s12;
	[dreg:$0x9] =	wrdreg s25  }
0x13: {  	s7 =	sadd.s32 s13, s7;
	s22 =	simm.s32 $0x2;
	[dreg:$0xa] =	wrdreg s26  }
0x14: {  	s23 =	simm.s32 $0x6;
	[dreg:$0xb] =	wrdreg s29;
	s0 =	sadd.s32 s1, s0  }
0x15: {  	s31 =	sadd.s32 s1, s7;
	s24 =	simm.s32 $0x3;
	[dreg:$0x5] =	wrdreg s0  }
0x16: {  	v0 =	vimm.f32 $0.0e+00;
	v1 =	vimm.f32 $1.000000000e+00;
	s25 =	simm.s32 $0x7;
	s26 =	simm.s32 $0x4;
	[dreg:$0x4] =	wrdreg s31  }
.LBB2_1:
0x17: {  	s0 =	simm.s32 $0x40;
	s1 =	simm.s32 $0x0  }
.LBB2_2:
0x18: {  	p0 =	sne.s32 s0, $0x31C0;
	[tilespmem:s1+$0x1900] =	vst v0;
	s1 =	smov.u32 s0;
	s0 =	sadd.s32 $0x40, s0  }
.Ltmp0:
0x19: {  	(pc) =	sbr.rel @p0 .LBB2_2-.Ltmp0, $2  }
0x1a: {  	_ =	sdelay $0x2  }
0x1b: {  	s1 =	sshra.s32 s1, $0x2  }
0x1c: {  	[tilespmem:s1+$0x1900] =	vst v0  }
0x1d: {  	[tilespmem:$0x2580] =	vst v1  }
0x1e: {  	[tilespmem:$0x2590] =	vst v1  }
0x1f: {  	[tilespmem:$0x25A0] =	vst v1  }
0x20: {  	[tilespmem:$0x25B0] =	vst v1  }
0x21: {  	[tilespmem:$0x25C0] =	vst v1  }
0x22: {  	[tilespmem:$0x25D0] =	vst v1  }
0x23: {  	[tilespmem:$0x25E0] =	vst v1  }
0x24: {  	s0 =	simm.s32 $0x1900;
	[tilespmem:$0x25F0] =	vst v1  }
0x25: {  	[spmem:s5] =	stream.linear.scatter [tilespmem:s0], [sflag:$0x9], $0xC80, $0x38;
	[tilespmem:$0x3600] =	vst v63  }
0x26: {  	_ =	swait.ge [sflag:s15], $0xC80  }
0x27: {  	[sflag:s15] =	ssyncset.done $0x0  }
0x28: {  	[sflag:s15] =	ssyncadd.s32 $0xFFFFF380  }
0x29: {  	[spmem:s6] =	stream.linear.scatter [tilespmem:s0], [sflag:$0x9], $0xC80, $0x38;
	[tilespmem:$0x3600] =	vst v63  }
0x2a: {  	_ =	swait.ge [sflag:s15], $0xC80  }
0x2b: {  	[sflag:s15] =	ssyncset.done $0x0  }
0x2c: {  	[sflag:s15] =	ssyncadd.s32 $0xFFFFF380  }
0x2d: {  	[bflag:$0x0] =	sbarrier.arrive $0xFFFF  }
0x2e: {  	s7 =	simm.s32 $0x2600;
	s0 =	simm.s32 $0x0;
	s11 =	rddreg [dreg:$0x6]  }
0x2f: {  	[tilespmem:s7], [sflag:$0x9] =	stream.linear.gather [hbm4b:s11+s0], $0x400, $0x38;
	[tilespmem:$0x3600] =	vst v63  }
0x30: {  	_ =	swait.ge [sflag:s15], $0x400  }
0x31: {  	[sflag:s15] =	ssyncset.done $0x0  }
0x32: {  	s8 =	simm.s32 $0x2E00;
	s12 =	rddreg [dreg:$0x7];
	[sflag:s15] =	ssyncadd.s32 $0xFFFFFC00  }
0x33: {  	[tilespmem:s8], [sflag:$0x9] =	stream.linear.gather [hbm4b:s12+s0], $0x400, $0x38;
	[tilespmem:$0x3600] =	vst v63  }
0x34: {  	_ =	swait.ge [sflag:s15], $0x400  }
0x35: {  	[sflag:s15] =	ssyncset.done $0x0  }
0x36: {  	s13 =	rddreg [dreg:$0x8];
	[sflag:s15] =	ssyncadd.s32 $0xFFFFFC00  }
0x37: {  	[hbm4b:s13+s0] =	stream.linear.scatter [tilespmem:s7], [sflag:$0x9], $0x400, $0x38;
	[tilespmem:$0x3600] =	vst v63  }
0x38: {  	_ =	swait.ge [sflag:s15], $0x400  }
0x39: {  	[sflag:s15] =	ssyncset.done $0x0  }
0x3a: {  	s14 =	rddreg [dreg:$0x9];
	[sflag:s15] =	ssyncadd.s32 $0xFFFFFC00  }
0x3b: {  	[hbm4b:s14+s0] =	stream.linear.scatter [tilespmem:s8], [sflag:$0x9], $0x400, $0x38;
	[tilespmem:$0x3600] =	vst v63  }
0x3c: {  	p0 =	por $0x0, $0x0;
	_ =	swait.ge [sflag:s15], $0x400  }
0x3d: {  	p1 =	por p0, p0;
	[sflag:s15] =	ssyncset.done $0x0  }
0x3e: {  	s1 =	simm.s32 @p1 $0x3;
	[sflag:s15] =	ssyncadd.s32 $0xFFFFFC00  }
0x3f: {  	_ =	swait.ge @p1 [sflag:s1], $0x80  }
0x40: {  	[sflag:s1] =	ssyncset.done @p1 $0x0  }
0x41: {  	[sflag:s1] =	ssyncadd.s32 @p1 $0xFFFFFF80;
	s1 =	simm.s32 @p1 $0x7  }
0x42: {  	_ =	swait.ge @p1 [sflag:s1], $0x80  }
0x43: {  	s7 =	simm.s32 @p1 $0x2580;
	s0 =	sand.u32 @p0 $0x400, s0;
	[sflag:s1] =	ssyncset.done @p1 $0x0  }
0x44: {  	s9 =	sadd.s32 @p0 $0x2600, s0;
	[sflag:s1] =	ssyncadd.s32 @p1 $0xFFFFFF80;
	s1 =	simm.s32 @p1 $0x80  }
0x45: {  	[spmem:s2] =	stream.indirect.scatter.add.f32 @p1 [tilespmem:s7], [sflag:$0x1], $0x1, s9, s1, $0xb8;
	[tilespmem:$0x3600] =	vst v63  }
0x46: {  	s10 =	simm.s32 @p1 $0x4;
	s8 =	sadd.s32 @p0 $0x2E00, s0  }
0x47: {  	[spmem:s3] =	stream.indirect.scatter.add.f32 @p1 [tilespmem:s7], [sflag:$0x5], $0x1, s8, s1, $0xb8;
	[tilespmem:$0x3600] =	vst v63  }
0x48: {  	_ =	swait.ge @p1 [sflag:s10], $0x80  }
0x49: {  	[sflag:s10] =	ssyncset.done @p1 $0x0  }
0x4a: {  	s1 =	simm.s32 @p1 $0x8;
	[sflag:s10] =	ssyncadd.s32 @p1 $0xFFFFFF80  }
0x4b: {  	_ =	swait.ge @p1 [sflag:s1], $0x80  }
0x4c: {  	s7 =	simm.s32 @!p1 $0x2580;
	[sflag:s1] =	ssyncset.done @p1 $0x0  }
0x4d: {  	s8 =	simm.s32 @!p1 $0x2600;
	[sflag:s1] =	ssyncadd.s32 @p1 $0xFFFFFF80;
	s1 =	simm.s32 @!p1 $0x80  }
0x4e: {  	[spmem:s2] =	stream.indirect.scatter.add.f32 @!p1 [tilespmem:s7], [sflag:$0x1], $0x1, s8, s1, $0xb8;
	[tilespmem:$0x3600] =	vst v63  }
0x4f: {  	s9 =	simm.s32 @!p0 $0x2600;
	s8 =	simm.s32 @!p1 $0x2E00  }
0x50: {  	[spmem:s3] =	stream.indirect.scatter.add.f32 @!p1 [tilespmem:s7], [sflag:$0x5], $0x1, s8, s1, $0xb8;
	[tilespmem:$0x3600] =	vst v63  }
0x51: {  	s16 =	sadd.s32 $0x80, s9  }
0x52: {  	[spmem:s2] =	stream.indirect.scatter.add.f32 [tilespmem:s19], [sflag:$0x2], $0x1, s16, s18, $0xb8;
	[tilespmem:$0x3600] =	vst v63  }
0x53: {  	s17 =	sadd.s32 $0x880, s9  }
0x54: {  	[spmem:s3] =	stream.indirect.scatter.add.f32 [tilespmem:s19], [sflag:$0x6], $0x1, s17, s18, $0xb8;
	[tilespmem:$0x3600] =	vst v63  }
0x55: {  	_ =	swait.ge [sflag:s20], $0x80  }
0x56: {  	[sflag:s20] =	ssyncset.done $0x0  }
0x57: {  	[sflag:s20] =	ssyncadd.s32 $0xFFFFFF80  }
0x58: {  	_ =	swait.ge [sflag:s21], $0x80  }
0x59: {  	[sflag:s21] =	ssyncset.done $0x0  }
0x5a: {  	s29 =	sadd.s32 $0x100, s9;
	[sflag:s21] =	ssyncadd.s32 $0xFFFFFF80  }
0x5b: {  	[spmem:s2] =	stream.indirect.scatter.add.f32 [tilespmem:s19], [sflag:$0x3], $0x1, s29, s18, $0xb8;
	[tilespmem:$0x3600] =	vst v63  }
0x5c: {  	s7 =	sadd.s32 $0x900, s9  }
0x5d: {  	[spmem:s3] =	stream.indirect.scatter.add.f32 [tilespmem:s19], [sflag:$0x7], $0x1, s7, s18, $0xb8;
	[tilespmem:$0x3600] =	vst v63  }
0x5e: {  	_ =	swait.ge [sflag:s22], $0x80  }
0x5f: {  	[sflag:s22] =	ssyncset.done $0x0  }
0x60: {  	[sflag:s22] =	ssyncadd.s32 $0xFFFFFF80  }
0x61: {  	_ =	swait.ge [sflag:s23], $0x80  }
0x62: {  	s0 =	simm.s32 @!p0 $0x0;
	p0 =	por $0x0, $0x0;
	[sflag:s23] =	ssyncset.done $0x0  }
0x63: {  	s8 =	sadd.s32 $0x180, s9;
	s7 =	rddreg [dreg:$0x4];
	[sflag:s23] =	ssyncadd.s32 $0xFFFFFF80  }
0x64: {  	[spmem:s2] =	stream.indirect.scatter.add.f32 [tilespmem:s19], [sflag:$0x4], $0x1, s8, s18, $0xb8;
	[tilespmem:$0x3600] =	vst v63  }
0x65: {  	s14 =	simm.s32 @!p0 $0x9;
	s10 =	sadd.s32 $0x980, s9;
	s7 =	sadd.s32 @!p0 $0x0, s7  }
0x66: {  	[spmem:s3] =	stream.indirect.scatter.add.f32 [tilespmem:s19], [sflag:$0x8], $0x1, s10, s18, $0xb8;
	[tilespmem:$0x3600] =	vst v63  }
0x67: {  	s1 =	ssub.s32 @!p0 $0x2A00, s0;
	s8 =	simm.s32 @!p0 $0x0;
	s10 =	sadd.s32 @!p0 $0x80, s7  }
0x68: {  	[tilespmem:s1], [sflag:$0x9] =	stream.linear.gather @!p0 [hbm4b:s10+s8], $0x400, $0x38;
	[tilespmem:$0x3600] =	vst v63  }
0x69: {  	_ =	swait.ge @!p0 [sflag:s14], $0x400  }
0x6a: {  	[sflag:s14] =	ssyncset.done @!p0 $0x0  }
0x6b: {  	s0 =	ssub.s32 @!p0 $0x3200, s0;
	s7 =	sadd.s32 @!p0 $0x19080, s7;
	[sflag:s14] =	ssyncadd.s32 @!p0 $0xFFFFFC00  }
0x6c: {  	[tilespmem:s0], [sflag:$0x9] =	stream.linear.gather @!p0 [hbm4b:s7+s8], $0x400, $0x38;
	[tilespmem:$0x3600] =	vst v63  }
0x6d: {  	_ =	swait.ge @!p0 [sflag:s14], $0x400  }
0x6e: {  	s7 =	rddreg [dreg:$0x5]  }
0x6f: {  	[sflag:s14] =	ssyncset.done @!p0 $0x0;
	s7 =	sadd.s32 @!p0 $0x0, s7  }
0x70: {  	[sflag:s14] =	ssyncadd.s32 @!p0 $0xFFFFFC00;
	s10 =	sadd.s32 @!p0 $0x80, s7  }
0x71: {  	[hbm4b:s10+s8] =	stream.linear.scatter @!p0 [tilespmem:s1], [sflag:$0x9], $0x400, $0x38;
	[tilespmem:$0x3600] =	vst v63  }
0x72: {  	_ =	swait.ge @!p0 [sflag:s14], $0x400  }
0x73: {  	[sflag:s14] =	ssyncset.done @!p0 $0x0  }
0x74: {  	s1 =	sadd.s32 @!p0 $0x19080, s7;
	[sflag:s14] =	ssyncadd.s32 @!p0 $0xFFFFFC00  }
0x75: {  	[hbm4b:s1+s8] =	stream.linear.scatter @!p0 [tilespmem:s0], [sflag:$0x9], $0x400, $0x38;
	[tilespmem:$0x3600] =	vst v63  }
0x76: {  	_ =	swait.ge @!p0 [sflag:s14], $0x400  }
0x77: {  	[sflag:s14] =	ssyncset.done @!p0 $0x0  }
0x78: {  	[sflag:s14] =	ssyncadd.s32 @!p0 $0xFFFFFC00  }
0x79: {  	_ =	swait.ge [sflag:s24], $0x80  }
0x7a: {  	[sflag:s24] =	ssyncset.done $0x0  }
0x7b: {  	[sflag:s24] =	ssyncadd.s32 $0xFFFFFF80  }
0x7c: {  	_ =	swait.ge [sflag:s25], $0x80  }
0x7d: {  	[sflag:s25] =	ssyncset.done $0x0  }
0x7e: {  	s11 =	sadd.s32 $0x200, s9;
	[sflag:s25] =	ssyncadd.s32 $0xFFFFFF80  }
0x7f: {  	[spmem:s2] =	stream.indirect.scatter.add.f32 [tilespmem:s19], [sflag:$0x1], $0x1, s11, s18, $0xb8;
	[tilespmem:$0x3600] =	vst v63  }
0x80: {  	s12 =	sadd.s32 $0xA00, s9  }
0x81: {  	[spmem:s3] =	stream.indirect.scatter.add.f32 [tilespmem:s19], [sflag:$0x5], $0x1, s12, s18, $0xb8;
	[tilespmem:$0x3600] =	vst v63  }
0x82: {  	_ =	swait.ge [sflag:s26], $0x80  }
0x83: {  	[sflag:s26] =	ssyncset.done $0x0  }
0x84: {  	[sflag:s26] =	ssyncadd.s32 $0xFFFFFF80  }
0x85: {  	_ =	swait.ge [sflag:s28], $0x80  }
0x86: {  	[sflag:s28] =	ssyncset.done $0x0  }
0x87: {  	s13 =	sadd.s32 $0x280, s9;
	[sflag:s28] =	ssyncadd.s32 $0xFFFFFF80  }
0x88: {  	[spmem:s2] =	stream.indirect.scatter.add.f32 [tilespmem:s19], [sflag:$0x2], $0x1, s13, s18, $0xb8;
	[tilespmem:$0x3600] =	vst v63  }
0x89: {  	s14 =	sadd.s32 $0xA80, s9  }
0x8a: {  	[spmem:s3] =	stream.indirect.scatter.add.f32 [tilespmem:s19], [sflag:$0x6], $0x1, s14, s18, $0xb8;
	[tilespmem:$0x3600] =	vst v63  }
0x8b: {  	_ =	swait.ge [sflag:s20], $0x80  }
0x8c: {  	[sflag:s20] =	ssyncset.done $0x0  }
0x8d: {  	[sflag:s20] =	ssyncadd.s32 $0xFFFFFF80  }
0x8e: {  	_ =	swait.ge [sflag:s21], $0x80  }
0x8f: {  	[sflag:s21] =	ssyncset.done $0x0  }
0x90: {  	s16 =	sadd.s32 $0x300, s9;
	[sflag:s21] =	ssyncadd.s32 $0xFFFFFF80  }
0x91: {  	[spmem:s2] =	stream.indirect.scatter.add.f32 [tilespmem:s19], [sflag:$0x3], $0x1, s16, s18, $0xb8;
	[tilespmem:$0x3600] =	vst v63  }
0x92: {  	s30 =	simm.s32 $0x80;
	s17 =	sadd.s32 $0xB00, s9;
	s29 =	sadd.s32 $0x380, s9  }
0x93: {  	[spmem:s3] =	stream.indirect.scatter.add.f32 [tilespmem:s19], [sflag:$0x7], $0x1, s17, s18, $0xb8;
	[tilespmem:$0x3600] =	vst v63  }
0x94: {  	s0 =	simm.s32 $0x400;
	p0 =	por $0x1, $0x1;
	_ =	swait.ge [sflag:s22], $0x80  }
0x95: {  	s7 =	simm.s32 $0x100;
	s31 =	sand.u32 @p0 $0x400, s0;
	[sflag:s22] =	ssyncset.done $0x0  }
0x96: {  	s8 =	simm.s32 $0x800;
	s1 =	sadd.s32 @p0 $0x2E00, s31;
	[sflag:s22] =	ssyncadd.s32 $0xFFFFFF80  }
0x97: {  	s14 =	sadd.s32 $0xB80, s9;
	s16 =	sadd.s32 @p0 $0x2600, s31;
	_ =	swait.ge [sflag:s23], $0x80  }
0x98: {  	s31 =	simm.s32 @!p0 $0x0;
	s0 =	smov.u32 s16;
	[sflag:s23] =	ssyncset.done $0x0  }
0x99: {  	s0 =	simm.s32 @!p0 $0x2600;
	p0 =	por p0, p0;
	[sflag:s23] =	ssyncadd.s32 $0xFFFFFF80  }
0x9a: {  	[spmem:s2] =	stream.indirect.scatter.add.f32 [tilespmem:s19], [sflag:$0x4], $0x1, s29, s18, $0xb8;
	[tilespmem:$0x3600] =	vst v63  }
.LBB2_4:
0x9b: {  	s11 =	simm.s32 @p0 $0x3  }
0x9c: {  	[spmem:s3] =	stream.indirect.scatter.add.f32 [tilespmem:s19], [sflag:$0x8], $0x1, s14, s18, $0xb8;
	[tilespmem:$0x3600] =	vst v63  }
0x9d: {  	_ =	swait.ge @p0 [sflag:s11], $0x80  }
0x9e: {  	[sflag:s11] =	ssyncset.done @p0 $0x0  }
0x9f: {  	[sflag:s11] =	ssyncadd.s32 @p0 $0xFFFFFF80;
	s11 =	simm.s32 @p0 $0x7  }
0xa0: {  	_ =	swait.ge @p0 [sflag:s11], $0x80  }
0xa1: {  	[sflag:s11] =	ssyncset.done @p0 $0x0  }
0xa2: {  	s17 =	simm.s32 @p0 $0x2580;
	[sflag:s11] =	ssyncadd.s32 @p0 $0xFFFFFF80;
	s11 =	simm.s32 @p0 $0x80  }
0xa3: {  	[spmem:s2] =	stream.indirect.scatter.add.f32 @p0 [tilespmem:s17], [sflag:$0x1], $0x1, s16, s11, $0xb8;
	[tilespmem:$0x3600] =	vst v63  }
0xa4: {  	s13 =	simm.s32 @p0 $0x4  }
0xa5: {  	[spmem:s3] =	stream.indirect.scatter.add.f32 @p0 [tilespmem:s17], [sflag:$0x5], $0x1, s1, s11, $0xb8;
	[tilespmem:$0x3600] =	vst v63  }
0xa6: {  	_ =	swait.ge @p0 [sflag:s13], $0x80  }
0xa7: {  	p2 =	sne.s32 s7, $0x0;
	[sflag:s13] =	ssyncset.done @p0 $0x0  }
0xa8: {  	s14 =	sand.u32 @p2 $0x400, s8;
	s11 =	simm.s32 @p0 $0x8;
	[sflag:s13] =	ssyncadd.s32 @p0 $0xFFFFFF80  }
0xa9: {  	s12 =	sadd.s32 @p2 $0x2E00, s14;
	_ =	swait.ge @p0 [sflag:s11], $0x80  }
0xaa: {  	s1 =	smov.u32 s12;
	s12 =	simm.s32 @!p0 $0x2580;
	[sflag:s11] =	ssyncset.done @p0 $0x0  }
0xab: {  	s13 =	simm.s32 @!p0 $0x2600;
	[sflag:s11] =	ssyncadd.s32 @p0 $0xFFFFFF80;
	s11 =	simm.s32 @!p0 $0x80  }
0xac: {  	[spmem:s2] =	stream.indirect.scatter.add.f32 @!p0 [tilespmem:s12], [sflag:$0x1], $0x1, s13, s11, $0xb8;
	[tilespmem:$0x3600] =	vst v63  }
0xad: {  	s9 =	smov.u32 s0;
	s29 =	sadd.s32 @p2 $0x2600, s14;
	s13 =	simm.s32 @!p0 $0x2E00  }
0xae: {  	[spmem:s3] =	stream.indirect.scatter.add.f32 @!p0 [tilespmem:s12], [sflag:$0x5], $0x1, s13, s11, $0xb8;
	[tilespmem:$0x3600] =	vst v63  }
0xaf: {  	s0 =	smov.u32 s29;
	s16 =	smov.u32 s29;
	s29 =	sadd.s32 $0x80, s9  }
0xb0: {  	[spmem:s2] =	stream.indirect.scatter.add.f32 [tilespmem:s19], [sflag:$0x2], $0x1, s29, s18, $0xb8;
	[tilespmem:$0x3600] =	vst v63  }
0xb1: {  	s12 =	sadd.s32 $0x880, s9  }
0xb2: {  	[spmem:s3] =	stream.indirect.scatter.add.f32 [tilespmem:s19], [sflag:$0x6], $0x1, s12, s18, $0xb8;
	[tilespmem:$0x3600] =	vst v63  }
0xb3: {  	_ =	swait.ge [sflag:s20], $0x80  }
0xb4: {  	[sflag:s20] =	ssyncset.done $0x0  }
0xb5: {  	[sflag:s20] =	ssyncadd.s32 $0xFFFFFF80  }
0xb6: {  	_ =	swait.ge [sflag:s21], $0x80  }
0xb7: {  	[sflag:s21] =	ssyncset.done $0x0  }
0xb8: {  	s13 =	sadd.s32 $0x100, s9;
	[sflag:s21] =	ssyncadd.s32 $0xFFFFFF80  }
0xb9: {  	[spmem:s2] =	stream.indirect.scatter.add.f32 [tilespmem:s19], [sflag:$0x3], $0x1, s13, s18, $0xb8;
	[tilespmem:$0x3600] =	vst v63  }
0xba: {  	s17 =	sadd.s32 $0x900, s9  }
0xbb: {  	[spmem:s3] =	stream.indirect.scatter.add.f32 [tilespmem:s19], [sflag:$0x7], $0x1, s17, s18, $0xb8;
	[tilespmem:$0x3600] =	vst v63  }
0xbc: {  	_ =	swait.ge [sflag:s22], $0x80  }
0xbd: {  	[sflag:s22] =	ssyncset.done $0x0  }
0xbe: {  	[sflag:s22] =	ssyncadd.s32 $0xFFFFFF80  }
0xbf: {  	s14 =	simm.s32 @!p2 $0x0;
	s0 =	simm.s32 @!p2 $0x2600;
	_ =	swait.ge [sflag:s23], $0x80  }
0xc0: {  	p0 =	por p2, p2;
	p2 =	seq.s32 s30, $0xC00;
	[sflag:s23] =	ssyncset.done $0x0  }
0xc1: {  	s29 =	sadd.s32 $0x180, s9;
	s12 =	rddreg [dreg:$0x4];
	[sflag:s23] =	ssyncadd.s32 $0xFFFFFF80  }
0xc2: {  	[spmem:s2] =	stream.indirect.scatter.add.f32 [tilespmem:s19], [sflag:$0x4], $0x1, s29, s18, $0xb8;
	[tilespmem:$0x3600] =	vst v63  }
0xc3: {  	s11 =	ssub.s32 @!p2 $0x2A00, s31;
	s13 =	sadd.s32 $0x980, s9;
	s12 =	sadd.s32 @!p2 s30, s12  }
0xc4: {  	[spmem:s3] =	stream.indirect.scatter.add.f32 [tilespmem:s19], [sflag:$0x8], $0x1, s13, s18, $0xb8;
	[tilespmem:$0x3600] =	vst v63  }
0xc5: {  	s17 =	sadd.s32 @!p2 $0x80, s12;
	s29 =	simm.s32 @!p2 $0x9;
	s13 =	simm.s32 @!p2 $0x0  }
0xc6: {  	[tilespmem:s11], [sflag:$0x9] =	stream.linear.gather @!p2 [hbm4b:s17+s13], $0x400, $0x38;
	[tilespmem:$0x3600] =	vst v63  }
0xc7: {  	_ =	swait.ge @!p2 [sflag:s29], $0x400  }
0xc8: {  	[sflag:s29] =	ssyncset.done @!p2 $0x0  }
0xc9: {  	s12 =	sadd.s32 @!p2 $0x19080, s12;
	s17 =	ssub.s32 @!p2 $0x3200, s31;
	[sflag:s29] =	ssyncadd.s32 @!p2 $0xFFFFFC00  }
0xca: {  	[tilespmem:s17], [sflag:$0x9] =	stream.linear.gather @!p2 [hbm4b:s12+s13], $0x400, $0x38;
	[tilespmem:$0x3600] =	vst v63  }
0xcb: {  	_ =	swait.ge @!p2 [sflag:s29], $0x400  }
0xcc: {  	s12 =	rddreg [dreg:$0x5]  }
0xcd: {  	s10 =	smov.u32 s7;
	[sflag:s29] =	ssyncset.done @!p2 $0x0;
	s12 =	sadd.s32 @!p2 s30, s12  }
0xce: {  	[sflag:s29] =	ssyncadd.s32 @!p2 $0xFFFFFC00;
	s30 =	smov.u32 s10;
	s10 =	sadd.s32 @!p2 $0x80, s12  }
0xcf: {  	[hbm4b:s10+s13] =	stream.linear.scatter @!p2 [tilespmem:s11], [sflag:$0x9], $0x400, $0x38;
	[tilespmem:$0x3600] =	vst v63  }
0xd0: {  	_ =	swait.ge @!p2 [sflag:s29], $0x400  }
0xd1: {  	[sflag:s29] =	ssyncset.done @!p2 $0x0  }
0xd2: {  	s10 =	sadd.s32 @!p2 $0x19080, s12;
	[sflag:s29] =	ssyncadd.s32 @!p2 $0xFFFFFC00  }
0xd3: {  	[hbm4b:s10+s13] =	stream.linear.scatter @!p2 [tilespmem:s17], [sflag:$0x9], $0x400, $0x38;
	[tilespmem:$0x3600] =	vst v63  }
0xd4: {  	_ =	swait.ge @!p2 [sflag:s29], $0x400  }
0xd5: {  	[sflag:s29] =	ssyncset.done @!p2 $0x0  }
0xd6: {  	[sflag:s29] =	ssyncadd.s32 @!p2 $0xFFFFFC00  }
0xd7: {  	_ =	swait.ge [sflag:s24], $0x80  }
0xd8: {  	[sflag:s24] =	ssyncset.done $0x0  }
0xd9: {  	[sflag:s24] =	ssyncadd.s32 $0xFFFFFF80  }
0xda: {  	_ =	swait.ge [sflag:s25], $0x80  }
0xdb: {  	[sflag:s25] =	ssyncset.done $0x0  }
0xdc: {  	s17 =	sadd.s32 $0x200, s9;
	[sflag:s25] =	ssyncadd.s32 $0xFFFFFF80  }
0xdd: {  	[spmem:s2] =	stream.indirect.scatter.add.f32 [tilespmem:s19], [sflag:$0x1], $0x1, s17, s18, $0xb8;
	[tilespmem:$0x3600] =	vst v63  }
0xde: {  	s29 =	sadd.s32 $0xA00, s9  }
0xdf: {  	[spmem:s3] =	stream.indirect.scatter.add.f32 [tilespmem:s19], [sflag:$0x5], $0x1, s29, s18, $0xb8;
	[tilespmem:$0x3600] =	vst v63  }
0xe0: {  	_ =	swait.ge [sflag:s26], $0x80  }
0xe1: {  	[sflag:s26] =	ssyncset.done $0x0  }
0xe2: {  	[sflag:s26] =	ssyncadd.s32 $0xFFFFFF80  }
0xe3: {  	_ =	swait.ge [sflag:s28], $0x80  }
0xe4: {  	[sflag:s28] =	ssyncset.done $0x0  }
0xe5: {  	s12 =	sadd.s32 $0x280, s9;
	[sflag:s28] =	ssyncadd.s32 $0xFFFFFF80  }
0xe6: {  	[spmem:s2] =	stream.indirect.scatter.add.f32 [tilespmem:s19], [sflag:$0x2], $0x1, s12, s18, $0xb8;
	[tilespmem:$0x3600] =	vst v63  }
0xe7: {  	s13 =	sadd.s32 $0xA80, s9  }
0xe8: {  	[spmem:s3] =	stream.indirect.scatter.add.f32 [tilespmem:s19], [sflag:$0x6], $0x1, s13, s18, $0xb8;
	[tilespmem:$0x3600] =	vst v63  }
0xe9: {  	_ =	swait.ge [sflag:s20], $0x80  }
0xea: {  	[sflag:s20] =	ssyncset.done $0x0  }
0xeb: {  	[sflag:s20] =	ssyncadd.s32 $0xFFFFFF80  }
0xec: {  	_ =	swait.ge [sflag:s21], $0x80  }
0xed: {  	[sflag:s21] =	ssyncset.done $0x0  }
0xee: {  	s31 =	smov.u32 s14;
	s14 =	sadd.s32 $0x300, s9;
	[sflag:s21] =	ssyncadd.s32 $0xFFFFFF80  }
0xef: {  	[spmem:s2] =	stream.indirect.scatter.add.f32 [tilespmem:s19], [sflag:$0x3], $0x1, s14, s18, $0xb8;
	[tilespmem:$0x3600] =	vst v63  }
0xf0: {  	s17 =	sadd.s32 $0xB00, s9  }
0xf1: {  	[spmem:s3] =	stream.indirect.scatter.add.f32 [tilespmem:s19], [sflag:$0x7], $0x1, s17, s18, $0xb8;
	[tilespmem:$0x3600] =	vst v63  }
0xf2: {  	s7 =	sadd.s32 $0x80, s7;
	_ =	swait.ge [sflag:s22], $0x80  }
0xf3: {  	p1 =	sne.s32 s7, $0xC80;
	[sflag:s22] =	ssyncset.done $0x0  }
.Ltmp1:
0xf4: {  	[sflag:s22] =	ssyncadd.s32 $0xFFFFFF80;
	(pc) =	sbr.rel @p1 .LBB2_4-.Ltmp1, $4  }
0xf5: {  	_ =	swait.ge [sflag:s23], $0x80  }
0xf6: {  	s8 =	sadd.s32 $0x400, s8;
	[sflag:s23] =	ssyncset.done $0x0  }
0xf7: {  	s29 =	sadd.s32 $0x380, s9;
	s14 =	sadd.s32 $0xB80, s9;
	[sflag:s23] =	ssyncadd.s32 $0xFFFFFF80  }
0xf8: {  	[spmem:s2] =	stream.indirect.scatter.add.f32 [tilespmem:s19], [sflag:$0x4], $0x1, s29, s18, $0xb8;
	[tilespmem:$0x3600] =	vst v63  }
0xf9: {  	s7 =	simm.s32 @p0 $0x3  }
0xfa: {  	[spmem:s3] =	stream.indirect.scatter.add.f32 [tilespmem:s19], [sflag:$0x8], $0x1, s14, s18, $0xb8;
	[tilespmem:$0x3600] =	vst v63  }
0xfb: {  	_ =	swait.ge @p0 [sflag:s7], $0x80  }
0xfc: {  	[sflag:s7] =	ssyncset.done @p0 $0x0  }
0xfd: {  	[sflag:s7] =	ssyncadd.s32 @p0 $0xFFFFFF80;
	s7 =	simm.s32 @p0 $0x7  }
0xfe: {  	_ =	swait.ge @p0 [sflag:s7], $0x80  }
0xff: {  	[sflag:s7] =	ssyncset.done @p0 $0x0  }
0x100: {  	s8 =	simm.s32 @p0 $0x2580;
	[sflag:s7] =	ssyncadd.s32 @p0 $0xFFFFFF80;
	s7 =	simm.s32 @p0 $0x80  }
0x101: {  	[spmem:s2] =	stream.indirect.scatter.add.f32 @p0 [tilespmem:s8], [sflag:$0x1], $0x1, s16, s7, $0xb8;
	[tilespmem:$0x3600] =	vst v63  }
0x102: {  	s9 =	simm.s32 @p0 $0x4  }
0x103: {  	[spmem:s3] =	stream.indirect.scatter.add.f32 @p0 [tilespmem:s8], [sflag:$0x5], $0x1, s1, s7, $0xb8;
	[tilespmem:$0x3600] =	vst v63  }
0x104: {  	_ =	swait.ge @p0 [sflag:s9], $0x80  }
0x105: {  	[sflag:s9] =	ssyncset.done @p0 $0x0  }
0x106: {  	s1 =	simm.s32 @p0 $0x8;
	[sflag:s9] =	ssyncadd.s32 @p0 $0xFFFFFF80  }
0x107: {  	_ =	swait.ge @p0 [sflag:s1], $0x80  }
0x108: {  	s7 =	simm.s32 @!p0 $0x2580;
	[sflag:s1] =	ssyncset.done @p0 $0x0  }
0x109: {  	s8 =	simm.s32 @!p0 $0x2600;
	[sflag:s1] =	ssyncadd.s32 @p0 $0xFFFFFF80;
	s1 =	simm.s32 @!p0 $0x80  }
0x10a: {  	[spmem:s2] =	stream.indirect.scatter.add.f32 @!p0 [tilespmem:s7], [sflag:$0x1], $0x1, s8, s1, $0xb8;
	[tilespmem:$0x3600] =	vst v63  }
0x10b: {  	s8 =	simm.s32 @!p0 $0x2E00  }
0x10c: {  	[spmem:s3] =	stream.indirect.scatter.add.f32 @!p0 [tilespmem:s7], [sflag:$0x5], $0x1, s8, s1, $0xb8;
	[tilespmem:$0x3600] =	vst v63  }
0x10d: {  	s12 =	sadd.s32 $0x80, s0  }
0x10e: {  	[spmem:s2] =	stream.indirect.scatter.add.f32 [tilespmem:s19], [sflag:$0x2], $0x1, s12, s18, $0xb8;
	[tilespmem:$0x3600] =	vst v63  }
0x10f: {  	s13 =	sadd.s32 $0x880, s0  }
0x110: {  	[spmem:s3] =	stream.indirect.scatter.add.f32 [tilespmem:s19], [sflag:$0x6], $0x1, s13, s18, $0xb8;
	[tilespmem:$0x3600] =	vst v63  }
0x111: {  	_ =	swait.ge [sflag:s20], $0x80  }
0x112: {  	[sflag:s20] =	ssyncset.done $0x0  }
0x113: {  	[sflag:s20] =	ssyncadd.s32 $0xFFFFFF80  }
0x114: {  	_ =	swait.ge [sflag:s21], $0x80  }
0x115: {  	[sflag:s21] =	ssyncset.done $0x0  }
0x116: {  	s14 =	sadd.s32 $0x100, s0;
	[sflag:s21] =	ssyncadd.s32 $0xFFFFFF80  }
0x117: {  	[spmem:s2] =	stream.indirect.scatter.add.f32 [tilespmem:s19], [sflag:$0x3], $0x1, s14, s18, $0xb8;
	[tilespmem:$0x3600] =	vst v63  }
0x118: {  	s16 =	sadd.s32 $0x900, s0  }
0x119: {  	[spmem:s3] =	stream.indirect.scatter.add.f32 [tilespmem:s19], [sflag:$0x7], $0x1, s16, s18, $0xb8;
	[tilespmem:$0x3600] =	vst v63  }
0x11a: {  	_ =	swait.ge [sflag:s22], $0x80  }
0x11b: {  	[sflag:s22] =	ssyncset.done $0x0  }
0x11c: {  	[sflag:s22] =	ssyncadd.s32 $0xFFFFFF80  }
0x11d: {  	_ =	swait.ge [sflag:s23], $0x80  }
0x11e: {  	s17 =	sadd.s32 $0x180, s0;
	[sflag:s23] =	ssyncset.done $0x0  }
0x11f: {  	p0 =	seq.s32 s30, $0xC00;
	s7 =	rddreg [dreg:$0x4];
	[sflag:s23] =	ssyncadd.s32 $0xFFFFFF80  }
0x120: {  	[spmem:s2] =	stream.indirect.scatter.add.f32 [tilespmem:s19], [sflag:$0x4], $0x1, s17, s18, $0xb8;
	[tilespmem:$0x3600] =	vst v63  }
0x121: {  	s29 =	sadd.s32 $0x980, s0;
	s1 =	sadd.s32 @!p0 s30, s7  }
0x122: {  	[spmem:s3] =	stream.indirect.scatter.add.f32 [tilespmem:s19], [sflag:$0x8], $0x1, s29, s18, $0xb8;
	[tilespmem:$0x3600] =	vst v63  }
0x123: {  	s8 =	simm.s32 @!p0 $0x0;
	s7 =	ssub.s32 @!p0 $0x2A00, s31;
	s9 =	sadd.s32 @!p0 $0x80, s1  }
0x124: {  	[tilespmem:s7], [sflag:$0x9] =	stream.linear.gather @!p0 [hbm4b:s9+s8], $0x400, $0x38;
	[tilespmem:$0x3600] =	vst v63  }
0x125: {  	s9 =	simm.s32 @!p0 $0x9  }
0x126: {  	_ =	swait.ge @!p0 [sflag:s9], $0x400  }
0x127: {  	[sflag:s9] =	ssyncset.done @!p0 $0x0  }
0x128: {  	s10 =	ssub.s32 @!p0 $0x3200, s31;
	s1 =	sadd.s32 @!p0 $0x19080, s1;
	[sflag:s9] =	ssyncadd.s32 @!p0 $0xFFFFFC00  }
0x129: {  	[tilespmem:s10], [sflag:$0x9] =	stream.linear.gather @!p0 [hbm4b:s1+s8], $0x400, $0x38;
	[tilespmem:$0x3600] =	vst v63  }
0x12a: {  	_ =	swait.ge @!p0 [sflag:s9], $0x400  }
0x12b: {  	s1 =	rddreg [dreg:$0x5]  }
0x12c: {  	[sflag:s9] =	ssyncset.done @!p0 $0x0;
	s1 =	sadd.s32 @!p0 s30, s1  }
0x12d: {  	[sflag:s9] =	ssyncadd.s32 @!p0 $0xFFFFFC00;
	s11 =	sadd.s32 @!p0 $0x80, s1  }
0x12e: {  	[hbm4b:s11+s8] =	stream.linear.scatter @!p0 [tilespmem:s7], [sflag:$0x9], $0x400, $0x38;
	[tilespmem:$0x3600] =	vst v63  }
0x12f: {  	_ =	swait.ge @!p0 [sflag:s9], $0x400  }
0x130: {  	[sflag:s9] =	ssyncset.done @!p0 $0x0  }
0x131: {  	s1 =	sadd.s32 @!p0 $0x19080, s1;
	[sflag:s9] =	ssyncadd.s32 @!p0 $0xFFFFFC00  }
0x132: {  	[hbm4b:s1+s8] =	stream.linear.scatter @!p0 [tilespmem:s10], [sflag:$0x9], $0x400, $0x38;
	[tilespmem:$0x3600] =	vst v63  }
0x133: {  	_ =	swait.ge @!p0 [sflag:s9], $0x400  }
0x134: {  	[sflag:s9] =	ssyncset.done @!p0 $0x0  }
0x135: {  	[sflag:s9] =	ssyncadd.s32 @!p0 $0xFFFFFC00  }
0x136: {  	_ =	swait.ge [sflag:s24], $0x80  }
0x137: {  	[sflag:s24] =	ssyncset.done $0x0  }
0x138: {  	[sflag:s24] =	ssyncadd.s32 $0xFFFFFF80  }
0x139: {  	_ =	swait.ge [sflag:s25], $0x80  }
0x13a: {  	[sflag:s25] =	ssyncset.done $0x0  }
0x13b: {  	s31 =	sadd.s32 $0x200, s0;
	[sflag:s25] =	ssyncadd.s32 $0xFFFFFF80  }
0x13c: {  	[spmem:s2] =	stream.indirect.scatter.add.f32 [tilespmem:s19], [sflag:$0x1], $0x1, s31, s18, $0xb8;
	[tilespmem:$0x3600] =	vst v63  }
0x13d: {  	s7 =	sadd.s32 $0xA00, s0  }
0x13e: {  	[spmem:s3] =	stream.indirect.scatter.add.f32 [tilespmem:s19], [sflag:$0x5], $0x1, s7, s18, $0xb8;
	[tilespmem:$0x3600] =	vst v63  }
0x13f: {  	_ =	swait.ge [sflag:s26], $0x80  }
0x140: {  	[sflag:s26] =	ssyncset.done $0x0  }
0x141: {  	[sflag:s26] =	ssyncadd.s32 $0xFFFFFF80  }
0x142: {  	_ =	swait.ge [sflag:s28], $0x80  }
0x143: {  	[sflag:s28] =	ssyncset.done $0x0  }
0x144: {  	s8 =	sadd.s32 $0x280, s0;
	[sflag:s28] =	ssyncadd.s32 $0xFFFFFF80  }
0x145: {  	[spmem:s2] =	stream.indirect.scatter.add.f32 [tilespmem:s19], [sflag:$0x2], $0x1, s8, s18, $0xb8;
	[tilespmem:$0x3600] =	vst v63  }
0x146: {  	s9 =	sadd.s32 $0xA80, s0  }
0x147: {  	[spmem:s3] =	stream.indirect.scatter.add.f32 [tilespmem:s19], [sflag:$0x6], $0x1, s9, s18, $0xb8;
	[tilespmem:$0x3600] =	vst v63  }
0x148: {  	_ =	swait.ge [sflag:s20], $0x80  }
0x149: {  	[sflag:s20] =	ssyncset.done $0x0  }
0x14a: {  	[sflag:s20] =	ssyncadd.s32 $0xFFFFFF80  }
0x14b: {  	_ =	swait.ge [sflag:s21], $0x80  }
0x14c: {  	[sflag:s21] =	ssyncset.done $0x0  }
0x14d: {  	s10 =	sadd.s32 $0x300, s0;
	[sflag:s21] =	ssyncadd.s32 $0xFFFFFF80  }
0x14e: {  	[spmem:s2] =	stream.indirect.scatter.add.f32 [tilespmem:s19], [sflag:$0x3], $0x1, s10, s18, $0xb8;
	[tilespmem:$0x3600] =	vst v63  }
0x14f: {  	s11 =	sadd.s32 $0xB00, s0  }
0x150: {  	[spmem:s3] =	stream.indirect.scatter.add.f32 [tilespmem:s19], [sflag:$0x7], $0x1, s11, s18, $0xb8;
	[tilespmem:$0x3600] =	vst v63  }
0x151: {  	_ =	swait.ge [sflag:s22], $0x80  }
0x152: {  	[sflag:s22] =	ssyncset.done $0x0  }
0x153: {  	[sflag:s22] =	ssyncadd.s32 $0xFFFFFF80  }
0x154: {  	_ =	swait.ge [sflag:s23], $0x80  }
0x155: {  	[sflag:s23] =	ssyncset.done $0x0  }
0x156: {  	s12 =	sadd.s32 $0x380, s0;
	[sflag:s23] =	ssyncadd.s32 $0xFFFFFF80  }
0x157: {  	[spmem:s2] =	stream.indirect.scatter.add.f32 [tilespmem:s19], [sflag:$0x4], $0x1, s12, s18, $0xb8;
	[tilespmem:$0x3600] =	vst v63  }
0x158: {  	s13 =	sadd.s32 $0xB80, s0  }
0x159: {  	[spmem:s3] =	stream.indirect.scatter.add.f32 [tilespmem:s19], [sflag:$0x8], $0x1, s13, s18, $0xb8;
	[tilespmem:$0x3600] =	vst v63  }
0x15a: {  	_ =	swait.ge [sflag:s24], $0x80  }
0x15b: {  	[sflag:s24] =	ssyncset.done $0x0  }
0x15c: {  	[sflag:s24] =	ssyncadd.s32 $0xFFFFFF80  }
0x15d: {  	_ =	swait.ge [sflag:s25], $0x80  }
0x15e: {  	[sflag:s25] =	ssyncset.done $0x0  }
0x15f: {  	[sflag:s25] =	ssyncadd.s32 $0xFFFFFF80  }
0x160: {  	_ =	swait.ge [sflag:s26], $0x80  }
0x161: {  	[sflag:s26] =	ssyncset.done $0x0  }
0x162: {  	[sflag:s26] =	ssyncadd.s32 $0xFFFFFF80  }
0x163: {  	_ =	swait.ge [sflag:s28], $0x80  }
0x164: {  	[sflag:s28] =	ssyncset.done $0x0  }
0x165: {  	s14 =	stileid.u32;
	[sflag:s28] =	ssyncadd.s32 $0xFFFFFF80  }
0x166: {  	s0 =	sshll.u32 s14, $0x6;
	[bflag:$0x0] =	sbarrier.arrive $0xFFFF  }
0x167: {  	s16 =	sshrl.u32 s5, $0x3;
	s0 =	sor.u32 $0x1C09, s0;
	s17 =	rddreg [dreg:$0xa]  }
0x168: {  	[hbm:s17], [sflag:s0] =	dma.local [spmem:s16], $0x190  }
0x169: {  	_ =	swait.ge [sflag:s15], $0x190  }
0x16a: {  	[sflag:s15] =	ssyncset.done $0x0  }
0x16b: {  	s29 =	sshrl.u32 s6, $0x3;
	s30 =	rddreg [dreg:$0xb];
	[sflag:s15] =	ssyncadd.s32 $0xFFFFFE70  }
0x16c: {  	[hbm:s30], [sflag:s0] =	dma.local [spmem:s29], $0x190  }
0x16d: {  	_ =	swait.ge [sflag:s15], $0x190  }
0x16e: {  	s4 =	sadd.s32 $0x1, s4;
	s31 =	rddreg [dreg:$0xc]  }
0x16f: {  	p0 =	sne.s32 s4, s31  }
.Ltmp2:
0x170: {  	_ = 	snop;
	(pc) =	sbr.rel @p0 .LBB2_1-.Ltmp2, $3  }
0x171: {  	_ =	sdelay $0x1  }
0x172: {  	[sflag:s15] =	ssyncset.done $0x0  }
0x173: {  	[sflag:s15] =	ssyncadd.s32 $0xFFFFFE70  }
0x174: {  	_ =	sfence.sel $0x180000  }
0x175: {  	[bflag:$0x0] =	sbarrier.arrive $0xFFFF  }
0x176: {  	_ =	strace $0x90000047  }
0x177: {  	s0 =	stileid.u32;
	[bflag:$0x2] =	sbarrier.arrive $0xFFFF  }
0x178: {  	p0 =	sne.s32 s0, $0x0;
	s0 =	rddreg [dreg:$0x3]  }
0x179: {  	s0 =	sadd.s32 @!p0 $0x100000, s0  }
0x17a: {  	[sflag:s0] =	ssyncadd.tile.s32 @!p0 $0x1;
	_ =	shalt  }
.Lfunc_end2:
_tile_overlayer_lowered:
.L_overlay_start_2:
0x17b: {  	(tag) =	ssettag $0x2  }
0x17c: {  	s0 =	rddreg [dreg:$0x0];
	s2 =	stileid.u32  }
0x17d: {  	s1 =	rddreg [dreg:$0x1];
	p0 =	sne.s32 s2, $0x0  }
0x17e: {  	s3 =	rddreg [dreg:$0x2];
	[bflag:$0x3] =	sbarrier.arrive $0xFFFF;
	s2 =	simm.s32 @!p0 $0x1C09  }
0x17f: {  	[timem:s3], [sflag:s2] =	dma.local @!p0 [hbm:s0], s1  }
0x180: {  	s0 =	simm.s32 @!p0 $0x9  }
0x181: {  	_ =	swait.ge @!p0 [sflag:s0], s1  }
0x182: {  	s1 =	ssub.s32 @!p0 $0x0, s1;
	[sflag:s0] =	ssyncset.done @!p0 $0x0  }
0x183: {  	[sflag:s0] =	ssyncadd.s32 @!p0 s1  }
0x184: {  	[bflag:$0x3] =	sbarrier.arrive $0xFFFF  }
0x185: {  	_ =	shalt  }

// kernel: kernel.13.cloned.1.call-start
scs
__scs_entry_jumppad:
0x0: {  	(pc) =	sbr.rel $0x88, $3  }
0x1: {  	(tag) =	ssettag $0x0;
	lr =	simm.s32 $0x1  }
0x2: {  	[smem:$0x3F91] =	sst lr;
	_ =	strace $0xD0000000  }
0x3: {  	_ = 	snop  }
0x4: {  	_ = 	snop  }
0x5: {  	_ = 	snop  }
0x6: {  	_ = 	snop  }
0x7: {  	_ = 	snop  }
__scs_overlays_trampoline_lowered:
0x8: {  	[smem:$0x3FA0] =	sst s0  }
0x9: {  	[smem:$0x3FA1] =	sst s1  }
0xa: {  	[smem:$0x3FA2] =	sst s2  }
0xb: {  	[smem:$0x3FA3] =	sst s3  }
0xc: {  	[smem:$0x3FA4] =	sst s4  }
0xd: {  	[smem:$0x3FA5] =	sst s5  }
0xe: {  	[smem:$0x3FA6] =	sst s6  }
0xf: {  	[smem:$0x3FA7] =	sst s7  }
0x10: {  	[smem:$0x3FA8] =	sst s8  }
0x11: {  	[smem:$0x3FA9] =	sst s9;
	s0 =	simm.s32 @!p0 $0x0  }
0x12: {  	s1 =	sld [smem:$0x3F8F];
	s0 =	simm.s32 @p0 $0x1  }
0x13: {  	[smem:$0x3FAA] =	sst s0;
	s0 =	simm.s32 @!p1 $0x0  }
0x14: {  	s2 =	sld [smem:$0x3F8E];
	s0 =	simm.s32 @p1 $0x1  }
0x15: {  	[smem:$0x3FAB] =	sst s0;
	s0 =	simm.s32 @!p2 $0x0  }
0x16: {  	s3 =	sld [smem:$0x3FDB];
	s0 =	simm.s32 @p2 $0x1  }
0x17: {  	s4 =	simm.s32 $0x1BF5;
	[smem:$0x3FAD] =	sst s0  }
0x18: {  	s0 =	sld [smem:$0x3F90];
	_ =	swait.ge [sflag:s4], $0x0  }
0x19: {  	s7 =	sld [smem:$0x3F91]  }
0x1a: {  	s8 =	sadd.s32 $0xFFFFE003, lr  }
0x1b: {  	s9 =	sadd.s32 $0xFFFFFEF7, lr;
	s5 =	simm.s32 $0xFFFFFFFF;
	p2 =	slt.u32 s8, $0xFFFFF086  }
0x1c: {  	p1 =	slt.u32 s9, $0xF7A;
	s5 =	simm.s32 @!p2 $0x0  }
0x1d: {  	s5 =	simm.s32 @p1 $0x1;
	p0 =	seq.s32 s7, s2  }
0x1e: {  	s7 =	smul.u32 @!p0 $0xF7A, s2;
	p2 =	seq.s32 @!p0 s5, $0x0  }
0x1f: {  	s9 =	smul.u32 $0xF7A, s1;
	s8 =	simm.s32 @!p0 $0x1BF5;
	p2 =	por !p2, p0  }
0x20: {  	[sflag:s8] =	ssyncset.s32 @!p0 $0xFFFFF086;
	s6 =	sadd.s32 @!p0 s3, s7;
	s7 =	simm.s32 @!p0 $0x108  }
0x21: {  	s3 =	sadd.s32 s3, s9;
	s6 =	sadd.s32 @!p0 $0x88, s6;
	s7 =	simm.s32 @p2 $0x1082  }
0x22: {  	[simem:s7], [sflag:s8] =	dma.local @!p0 [hbm:s6], $0xF7A  }
0x23: {  	s9 =	sor.u32 $0xD0000000, s2;
	s6 =	simm.s32 $0x108;
	_ =	swait.ge @!p0 [sflag:s8], $0x0  }
0x24: {  	s3 =	sadd.s32 $0x88, s3;
	s6 =	simm.s32 @!p1 $0x1082;
	[sflag:s4] =	ssyncset.s32 $0xFFFFF086  }
0x25: {  	[simem:s6], [sflag:s4] =	dma.local [hbm:s3], $0xF7A  }
0x26: {  	[smem:$0x3F91] =	sst s1;
	(tag) =	ssettag s2;
	_ =	strace s9  }
0x27: {  	s1 =	sld [smem:$0x3FA1]  }
0x28: {  	s2 =	sld [smem:$0x3FA2]  }
0x29: {  	s4 =	sld [smem:$0x3FA4]  }
0x2a: {  	p0 =	seq.s32 s5, $0x0;
	s5 =	sld [smem:$0x3FA5]  }
0x2b: {  	s6 =	sld [smem:$0x3FA6]  }
0x2c: {  	s7 =	sld [smem:$0x3FA7]  }
0x2d: {  	s3 =	simm.s32 $0x108;
	s8 =	sld [smem:$0x3FA8]  }
0x2e: {  	s3 =	simm.s32 @!p0 $0x1082;
	s9 =	sld [smem:$0x3FA9]  }
0x2f: {  	lr =	sadd.s32 s0, s3;
	s0 =	sld [smem:$0x3FA0]  }
0x30: {  	s3 =	sld [smem:$0x3FA3]  }
0x31: {  	[smem:$0x3FAC] =	sst s10  }
0x32: {  	s10 =	sld [smem:$0x3FAA];
	_ =	sdelay $0x3  }
0x33: {  	p0 =	seq.s32 s10, $0x1;
	s10 =	sld [smem:$0x3FAC];
	_ =	sdelay $0x3  }
0x34: {  	[smem:$0x3FAC] =	sst s10  }
0x35: {  	s10 =	sld [smem:$0x3FAB];
	_ =	sdelay $0x3  }
0x36: {  	p1 =	seq.s32 s10, $0x1;
	s10 =	sld [smem:$0x3FAC];
	_ =	sdelay $0x3  }
0x37: {  	[smem:$0x3FAC] =	sst s10  }
0x38: {  	s10 =	sld [smem:$0x3FAD]  }
0x39: {  	_ = 	snop;
	(pc) =	sbr.ind lr, $3  }
0x3a: {  	_ = 	snop  }
0x3b: {  	_ = 	snop  }
0x3c: {  	p2 =	seq.s32 s10, $0x1;
	s10 =	sld [smem:$0x3FAC]  }
0x3d: {  	_ =	shalt  }
0x3e: {  	_ =	shalt  }
0x3f: {  	_ =	shalt  }
0x40: {  	_ =	shalt  }
0x41: {  	_ =	shalt  }
0x42: {  	_ =	shalt  }
0x43: {  	_ =	shalt  }
0x44: {  	_ =	shalt  }
0x45: {  	_ =	shalt  }
0x46: {  	_ =	shalt  }
0x47: {  	_ =	shalt  }
0x48: {  	_ =	shalt  }
0x49: {  	_ =	shalt  }
0x4a: {  	_ =	shalt  }
0x4b: {  	_ =	shalt  }
0x4c: {  	_ =	shalt  }
0x4d: {  	_ =	shalt  }
0x4e: {  	_ =	shalt  }
0x4f: {  	_ =	shalt  }
0x50: {  	_ =	shalt  }
0x51: {  	_ =	shalt  }
0x52: {  	_ =	shalt  }
0x53: {  	_ =	shalt  }
0x54: {  	_ =	shalt  }
0x55: {  	_ =	shalt  }
0x56: {  	_ =	shalt  }
0x57: {  	_ =	shalt  }
0x58: {  	_ =	shalt  }
0x59: {  	_ =	shalt  }
0x5a: {  	_ =	shalt  }
0x5b: {  	_ =	shalt  }
0x5c: {  	_ =	shalt  }
0x5d: {  	_ =	shalt  }
0x5e: {  	_ =	shalt  }
0x5f: {  	_ =	shalt  }
0x60: {  	_ =	shalt  }
0x61: {  	_ =	shalt  }
0x62: {  	_ =	shalt  }
0x63: {  	_ =	shalt  }
0x64: {  	_ =	shalt  }
0x65: {  	_ =	shalt  }
0x66: {  	_ =	shalt  }
0x67: {  	_ =	shalt  }
0x68: {  	_ =	shalt  }
0x69: {  	_ =	shalt  }
0x6a: {  	_ =	shalt  }
0x6b: {  	_ =	shalt  }
0x6c: {  	_ =	shalt  }
0x6d: {  	_ =	shalt  }
0x6e: {  	_ =	shalt  }
0x6f: {  	_ =	shalt  }
0x70: {  	_ =	shalt  }
0x71: {  	_ =	shalt  }
0x72: {  	_ =	shalt  }
0x73: {  	_ =	shalt  }
0x74: {  	_ =	shalt  }
0x75: {  	_ =	shalt  }
0x76: {  	_ =	shalt  }
0x77: {  	_ =	shalt  }
0x78: {  	_ =	shalt  }
0x79: {  	_ =	shalt  }
0x7a: {  	_ =	shalt  }
0x7b: {  	_ =	shalt  }
0x7c: {  	_ =	shalt  }
0x7d: {  	_ =	shalt  }
0x7e: {  	_ =	shalt  }
0x7f: {  	_ =	shalt  }
0x80: {  	_ =	shalt  }
0x81: {  	_ =	shalt  }
0x82: {  	_ =	shalt  }
0x83: {  	_ =	shalt  }
0x84: {  	_ =	shalt  }
0x85: {  	_ =	shalt  }
0x86: {  	_ =	shalt  }
0x87: {  	_ =	shalt  }
.Lfunc_end0:
.L_simem_size_0:
called_computation.1_lowered:
.L_overlay_start_0:
0x88: {  	s2 =	sld [smem:$0x3FD9]  }
0x89: {  	s3 =	sld [smem:$0x3FFE];
	_ =	sdelay $0x1  }
0x8a: {  	s1 =	srdreg.scid  }
0x8b: {  	s0 =	sand.u32 $0x1, s1  }
0x8c: {  	s16 =	sshll.u32 s0, $0xA;
	s2 =	sadd.s32 s3, s2  }
0x8d: {  	s2 =	sadd.s32 s2, s16  }
0x8e: {  	[smem:$0x3FB8] =	sst s2  }
0x8f: {  	_ = 	snop  }
0x90: {  	(tm) =	ssettm $0x1  }
0x91: {  	s17 =	sld [smem:$0x3FFB];
	_ =	sdelay $0x3  }
0x92: {  	_ =	strace s17  }
0x93: {  	s2 =	sld [smem:$0x3FFC];
	_ =	sdelay $0x3  }
0x94: {  	_ =	strace s2  }
0x95: {  	s2 =	sld [smem:$0x3FFD];
	_ =	sdelay $0x3  }
0x96: {  	_ =	strace s2  }
0x97: {  	_ =	strace $0x8FFFFFFF  }
0x98: {  	s18 =	sld [smem:$0x3FDB];
	_ =	sdelay $0x1  }
0x99: {  	s19 =	simm.s32 $_scs_section_size  }
0x9a: {  	s4 =	simm.s32 $_size__tile_overlayer_lowered;
	s5 =	simm.s32 $_tile_overlayer_lowered  }
0x9b: {  	s22 =	simm.s32 $0x1BFF;
	s21 =	sshll.u32 s5, $0x1;
	s2 =	sadd.s32 s19, s18  }
0x9c: {  	s6 =	simm.s32 $0x0;
	s20 =	sshll.u32 s4, $0x1;
	s4 =	sadd.s32 s21, s2  }
0x9d: {  	[timem:s6], [sflag:s22] =	dma.local [hbm:s4], s20  }
0x9e: {  	_ =	swait.ge [sflag:s22], s20  }
0x9f: {  	s3 =	ssub.s32 $0x0, s20;
	[sflag:s22] =	ssyncset.done $0x0  }
0xa0: {  	[sflag:s22] =	ssyncadd.s32 s3;
	_ =	sdelay $0x1  }
0xa1: {  	s23 =	simm.s32 $0x1B8B  }
0xa2: {  	_ =	swait.ge [sflag:s23], $0x1  }
0xa3: {  	[sflag:s23] =	ssyncset.done $0x0  }
0xa4: {  	s25 =	simm.s32 $0x1B8E;
	s24 =	sld [smem:$0x3FFE];
	[sflag:s23] =	ssyncadd.s32 $0xFFFFFFFF  }
0xa5: {  	s26 =	simm.s32 $execute0_lowered;
	[smem:$0x3FD2] =	sst s25  }
0xa6: {  	s4 =	sshll.u32 s26, $0x1;
	_ =	strace $0x80000049;
	[dreg:$0x1] =	wrdreg $0xFFFFFFFF  }
0xa7: {  	s28 =	simm.s32 $_size_execute0_lowered;
	s2 =	sadd.s32 s2, s4;
	[dreg:$0x0] =	wrdreg $0x0  }
0xa8: {  	s4 =	sshll.u32 s28, $0x1;
	[dreg:$0x2] =	wrdreg s2  }
0xa9: {  	[dreg:$0x3] =	wrdreg s4  }
0xaa: {  	[dreg:$0x4] =	wrdreg $0xC0  }
0xab: {  	_ =	task [dreg:s6], $0x5FFFF  }
0xac: {  	[dreg:$0x1] =	wrdreg $0xFFFFFFFF  }
0xad: {  	[dreg:$0x0] =	wrdreg $0x60  }
0xae: {  	[dreg:$0x2] =	wrdreg s24  }
0xaf: {  	[dreg:$0x3] =	wrdreg $0x0  }
0xb0: {  	[dreg:$0x4] =	wrdreg $0x9  }
0xb1: {  	_ =	task.clear_ibuf [dreg:s6], $0x5FFFF;
	_ =	strace $0x90000049  }
0xb2: {  	s29 =	simm.s32 $0x9;
	_ =	strace $0x8000004B  }
0xb3: {  	_ =	swait.ge [sflag:s29], $0x1  }
0xb4: {  	[sflag:s29] =	ssyncadd.s32 $0xFFFFFFFF  }
0xb5: {  	_ =	strace $0x9000004B  }
0xb6: {  	_ =	sfence  }
0xb7: {  	s30 =	sld [smem:$0x0];
	_ =	sdelay $0x2  }
0xb8: {  	s31 =	sshll.u32 s1, $0xD;
	s1 =	sshrl.u32 s1, $0x2  }
0xb9: {  	s3 =	sand.u32 $0x4000, s31;
	s1 =	sadd.s32 s1, s30  }
0xba: {  	s0 =	sor.u32 s3, s0;
	s1 =	sshll.u32 s1, $0x11  }
0xbb: {  	s0 =	sor.u32 s1, s0  }
0xbc: {  	s0 =	sadd.s32 $0x8F2B, s0  }
0xbd: {  	[sflag:s0] =	ssyncadd.remote.s32 $0x1  }
0xbe: {  	_ =	sfence.sel $0xFFFF  }
0xbf: {  	[dreg:$0x0] =	wrdreg $0xFFFFFFFF;
	(pc) =	sbr.abs _section_cstart, $3  }
0xc0: {  	[dreg:$0x1] =	wrdreg $0xFFFFFFFF  }
0xc1: {  	_ =	task.clear_ibuf [dreg:s6], $0x2FFFF;
	_ =	strace $0x9FFFFFFF  }
0xc2: {  	(tm) =	ssettm $0x7FFFFFFF  }
0xc3: {  	_ =	shalt  }
tec
execute0_lowered:
.L_overlay_start_1:
0x0: {  	(tag) =	ssettag $0x1  }
0x1: {  	s0 =	rddreg [dreg:$0x0]  }
0x2: {  	s1 =	rddreg [dreg:$0x1]  }
0x3: {  	s2 =	srdreg.scid;
	s10 =	simm.s32 $0x0;
	s3 =	stileid.u32  }
0x4: {  	s11 =	simm.s32 $0x9;
	s14 =	simm.s32 $0x80;
	s15 =	simm.s32 $0x1A000  }
0x5: {  	s17 =	simm.s32 $0x1B000;
	s18 =	simm.s32 $0x1C000;
	s19 =	simm.s32 $0x1  }
0x6: {  	s20 =	simm.s32 $0x1D000;
	s21 =	simm.s32 $0x2;
	s22 =	simm.s32 $0x5  }
0x7: {  	s23 =	simm.s32 $0x3;
	s28 =	simm.s32 $0x8;
	s5 =	smul.u32 $0x64000, s3  }
0x8: {  	s2 =	sand.u32 $0x1, s2;
	[smem:$0x7FF] =	sst s10;
	s25 =	smul.u32 $0xC800, s3  }
0x9: {  	s8 =	sadd.s32 $0x3AE00, s0;
	s29 =	smul.u32 $0x1900, s3;
	s3 =	simm.s32 $0x19000  }
0xa: {  	s4 =	smul.u32 $0x32000, s2;
	s6 =	sshll.u32 s2, $0x5;
	s2 =	ssub.s32 $0x2, s2  }
0xb: {  	_ =	strace $0x8000004A;
	s24 =	sor.u32 s6, s5;
	s9 =	sshrl.u32 s2, $0x1  }
0xc: {  	s26 =	sshrl.u32 s25, $0x3;
	s5 =	sshrl.u32 s5, $0x2;
	s31 =	sadd.s32 s29, s8  }
0xd: {  	s7 =	sadd.s32 s4, s0;
	s4 =	sshrl.u32 s24, $0x3;
	s2 =	ssub.s32 s2, s9  }
0xe: {  	[dreg:$0x3] =	wrdreg s31;
	s0 =	sadd.s32 s4, s0;
	s4 =	sadd.s32 s8, s26  }
0xf: {  	s25 =	simm.s32 $0x4;
	s2 =	smax.u32 s2, $0x1;
	[dreg:$0x5] =	wrdreg s4  }
0x10: {  	s5 =	sadd.s32 s5, s1;
	s30 =	sadd.s32 $0x19000, s4;
	[dreg:$0x8] =	wrdreg s2  }
0x11: {  	s24 =	simm.s32 $0x6;
	s0 =	sadd.s32 $0xD0E00, s0;
	[dreg:$0x6] =	wrdreg s30  }
0x12: {  	v0 =	vimm.f32 $0.0e+00;
	s7 =	sadd.s32 $0x6CE00, s7;
	s26 =	simm.s32 $0x7;
	[dreg:$0x7] =	wrdreg s0  }
.LBB2_1:
0x13: {  	s0 =	simm.s32 $0x0;
	s2 =	simm.s32 $0x0  }
.LBB2_2:
0x14: {  	p0 =	sne.s32 s2, $0x3FC0  }
.Ltmp0:
0x15: {  	_ = 	snop;
	(pc) =	sbr.rel @p0 .LBB2_2-.Ltmp0, $4  }
0x16: {  	s6 =	sand.u32 $0x3F80, s2  }
0x17: {  	s8 =	sand.u32 $0x10, s0;
	s6 =	sshrl.u32 s6, $0x2  }
0x18: {  	s6 =	sor.u32 s8, s6  }
0x19: {  	s0 =	sadd.s32 $0x10, s0;
	s2 =	sadd.s32 $0x40, s2;
	[tilespmem:s6+$0x19000] =	vst v0  }
0x1a: {  	[dreg:$0x4] =	wrdreg s10;
	s0 =	sadd.s32 $0x0, s5  }
0x1b: {  	[spmem:s0] =	stream.linear.scatter [tilespmem:s3], [sflag:$0x9], $0x1000, $0x38;
	[tilespmem:$0x1F000] =	vst v63  }
0x1c: {  	s0 =	simm.s32 $0x4000;
	_ =	swait.ge [sflag:s11], $0x1000  }
.LBB2_4:
0x1d: {  	s2 =	sshra.s32 s0, $0x2;
	[sflag:s11] =	ssyncset.done $0x0;
	p0 =	sne.s32 s0, $0x60000  }
.Ltmp1:
0x1e: {  	s2 =	sadd.s32 s2, s5;
	[sflag:s11] =	ssyncadd.s32 $0xFFFFF000;
	(pc) =	sbr.rel @p0 .LBB2_4-.Ltmp1, $3  }
0x1f: {  	[spmem:s2] =	stream.linear.scatter [tilespmem:s3], [sflag:$0x9], $0x1000, $0x38;
	[tilespmem:$0x1F000] =	vst v63  }
0x20: {  	s0 =	sadd.s32 $0x4000, s0;
	_ =	sdelay $0x1  }
0x21: {  	_ =	swait.ge [sflag:s11], $0x1000  }
0x22: {  	[sflag:s11] =	ssyncset.done $0x0  }
0x23: {  	[sflag:s11] =	ssyncadd.s32 $0xFFFFF000  }
0x24: {  	[bflag:$0x0] =	sbarrier.arrive $0xFFFF  }
0x25: {  	s0 =	simm.s32 $0x0;
	s3 =	simm.s32 $0x1E000;
	s2 =	rddreg [dreg:$0x5]  }
0x26: {  	[tilespmem:s3], [sflag:$0x9] =	stream.linear.gather [hbm4b:s2+s0], $0x400, $0x38;
	[tilespmem:$0x1F000] =	vst v63  }
0x27: {  	_ =	swait.ge [sflag:s11], $0x400  }
0x28: {  	[sflag:s11] =	ssyncset.done $0x0  }
0x29: {  	s4 =	simm.s32 $0x1E800;
	s9 =	rddreg [dreg:$0x6];
	[sflag:s11] =	ssyncadd.s32 $0xFFFFFC00  }
0x2a: {  	[tilespmem:s4], [sflag:$0x9] =	stream.linear.gather [hbm4b:s9+s0], $0x400, $0x38;
	[tilespmem:$0x1F000] =	vst v63  }
0x2b: {  	_ =	swait.ge [sflag:s11], $0x400  }
0x2c: {  	[sflag:s11] =	ssyncset.done $0x0  }
0x2d: {  	p0 =	por $0x1, $0x1;
	[sflag:s11] =	ssyncadd.s32 $0xFFFFFC00  }
0x2e: {  	[tilespmem:s15], [sflag:$0x1] =	stream.indirect.gather [hbm4b:s7+s14], $0x20, s3, s14, $0xb8;
	[tilespmem:$0x1F000] =	vst v63  }
0x2f: {  	s10 =	simm.s32 $0x1E080;
	s6 =	simm.s32 @!p0 $0x7  }
0x30: {  	[tilespmem:s17], [sflag:$0x2] =	stream.indirect.gather [hbm4b:s7+s14], $0x20, s10, s14, $0xb8;
	[tilespmem:$0x1F000] =	vst v63  }
0x31: {  	s0 =	sand.u32 $0x1, s0;
	_ =	swait.ge @!p0 [sflag:s6], $0x1000  }
0x32: {  	s2 =	sshll.u32 s0, $0xA;
	[sflag:s6] =	ssyncset.done @!p0 $0x0  }
0x33: {  	s12 =	sor.u32 $0x1E100, s2;
	[sflag:s6] =	ssyncadd.s32 @!p0 $0xFFFFF000  }
0x34: {  	[tilespmem:s18], [sflag:$0x3] =	stream.indirect.gather [hbm4b:s7+s14], $0x20, s12, s14, $0xb8;
	[tilespmem:$0x1F000] =	vst v63  }
0x35: {  	_ =	swait.ge [sflag:s19], $0x1000  }
0x36: {  	[sflag:s19] =	ssyncset.done $0x0  }
0x37: {  	s8 =	simm.s32 @!p0 $0x8;
	s13 =	sor.u32 $0x1E800, s2;
	[sflag:s19] =	ssyncadd.s32 $0xFFFFF000  }
0x38: {  	[spmem:s1] =	stream.indirect.scatter.add.f32 [tilespmem:s15], [sflag:$0x5], $0x20, s13, s14, $0xb8;
	[tilespmem:$0x1F000] =	vst v63  }
0x39: {  	_ =	swait.ge @!p0 [sflag:s8], $0x1000  }
0x3a: {  	[sflag:s8] =	ssyncset.done @!p0 $0x0  }
0x3b: {  	s16 =	sor.u32 $0x1E180, s2;
	[sflag:s8] =	ssyncadd.s32 @!p0 $0xFFFFF000  }
0x3c: {  	[tilespmem:s20], [sflag:$0x4] =	stream.indirect.gather [hbm4b:s7+s14], $0x20, s16, s14, $0xb8;
	[tilespmem:$0x1F000] =	vst v63  }
0x3d: {  	_ =	swait.ge [sflag:s21], $0x1000  }
0x3e: {  	[sflag:s21] =	ssyncset.done $0x0  }
0x3f: {  	s29 =	sadd.s32 $0x1E880, s2;
	[sflag:s21] =	ssyncadd.s32 $0xFFFFF000  }
0x40: {  	[spmem:s1] =	stream.indirect.scatter.add.f32 [tilespmem:s17], [sflag:$0x6], $0x20, s29, s14, $0xb8;
	[tilespmem:$0x1F000] =	vst v63  }
0x41: {  	_ =	swait.ge [sflag:s22], $0x1000  }
0x42: {  	[sflag:s22] =	ssyncset.done $0x0  }
0x43: {  	s3 =	sor.u32 $0x1E200, s2;
	[sflag:s22] =	ssyncadd.s32 $0xFFFFF000  }
0x44: {  	[tilespmem:s15], [sflag:$0x1] =	stream.indirect.gather [hbm4b:s7+s14], $0x20, s3, s14, $0xb8;
	[tilespmem:$0x1F000] =	vst v63  }
0x45: {  	_ =	swait.ge [sflag:s23], $0x1000  }
0x46: {  	s4 =	sor.u32 $0x100, s2;
	[sflag:s23] =	ssyncset.done $0x0  }
0x47: {  	s6 =	sor.u32 $0x1E800, s4;
	[sflag:s23] =	ssyncadd.s32 $0xFFFFF000  }
0x48: {  	[spmem:s1] =	stream.indirect.scatter.add.f32 [tilespmem:s18], [sflag:$0x7], $0x20, s6, s14, $0xb8;
	[tilespmem:$0x1F000] =	vst v63  }
0x49: {  	_ =	swait.ge [sflag:s24], $0x1000  }
0x4a: {  	[sflag:s24] =	ssyncset.done $0x0  }
0x4b: {  	s0 =	sxor.u32 $0x1, s0;
	s8 =	sor.u32 $0x1E280, s2;
	[sflag:s24] =	ssyncadd.s32 $0xFFFFF000  }
0x4c: {  	[tilespmem:s17], [sflag:$0x2] =	stream.indirect.gather [hbm4b:s7+s14], $0x20, s8, s14, $0xb8;
	[tilespmem:$0x1F000] =	vst v63  }
0x4d: {  	s9 =	sor.u32 $0x1E980, s2;
	p0 =	por $0x0, $0x0;
	_ =	swait.ge [sflag:s25], $0x1000  }
0x4e: {  	s0 =	sshll.u32 @!p0 s0, $0xA;
	[sflag:s25] =	ssyncset.done $0x0;
	s6 =	rddreg [dreg:$0x3]  }
0x4f: {  	s16 =	simm.s32 @!p0 $0x0;
	[sflag:s25] =	ssyncadd.s32 $0xFFFFF000;
	s6 =	sadd.s32 @!p0 $0x0, s6  }
0x50: {  	[spmem:s1] =	stream.indirect.scatter.add.f32 [tilespmem:s20], [sflag:$0x8], $0x20, s9, s14, $0xb8;
	[tilespmem:$0x1F000] =	vst v63  }
0x51: {  	s12 =	sor.u32 @!p0 $0x1E000, s0;
	s8 =	simm.s32 @!p0 $0x9;
	s13 =	sadd.s32 @!p0 $0x80, s6  }
0x52: {  	[tilespmem:s12], [sflag:$0x9] =	stream.linear.gather @!p0 [hbm4b:s13+s16], $0x400, $0x38;
	[tilespmem:$0x1F000] =	vst v63  }
0x53: {  	_ =	swait.ge @!p0 [sflag:s8], $0x400  }
0x54: {  	[sflag:s8] =	ssyncset.done @!p0 $0x0  }
0x55: {  	s6 =	sadd.s32 @!p0 $0x19080, s6;
	s13 =	sor.u32 @!p0 $0x1E800, s0;
	[sflag:s8] =	ssyncadd.s32 @!p0 $0xFFFFFC00  }
0x56: {  	[tilespmem:s13], [sflag:$0x9] =	stream.linear.gather @!p0 [hbm4b:s6+s16], $0x400, $0x38;
	[tilespmem:$0x1F000] =	vst v63  }
0x57: {  	_ =	swait.ge @!p0 [sflag:s8], $0x400  }
0x58: {  	[sflag:s8] =	ssyncset.done @!p0 $0x0  }
0x59: {  	[sflag:s8] =	ssyncadd.s32 @!p0 $0xFFFFFC00  }
0x5a: {  	_ =	swait.ge [sflag:s26], $0x1000  }
0x5b: {  	[sflag:s26] =	ssyncset.done $0x0  }
0x5c: {  	s10 =	sor.u32 $0x1E300, s2;
	[sflag:s26] =	ssyncadd.s32 $0xFFFFF000  }
0x5d: {  	[tilespmem:s18], [sflag:$0x3] =	stream.indirect.gather [hbm4b:s7+s14], $0x20, s10, s14, $0xb8;
	[tilespmem:$0x1F000] =	vst v63  }
0x5e: {  	_ =	swait.ge [sflag:s19], $0x1000  }
0x5f: {  	s13 =	sor.u32 $0x200, s2;
	[sflag:s19] =	ssyncset.done $0x0  }
0x60: {  	s6 =	sor.u32 $0x1E800, s13;
	[sflag:s19] =	ssyncadd.s32 $0xFFFFF000  }
0x61: {  	[spmem:s1] =	stream.indirect.scatter.add.f32 [tilespmem:s15], [sflag:$0x5], $0x20, s6, s14, $0xb8;
	[tilespmem:$0x1F000] =	vst v63  }
0x62: {  	_ =	swait.ge [sflag:s28], $0x1000  }
0x63: {  	[sflag:s28] =	ssyncset.done $0x0  }
0x64: {  	s16 =	sor.u32 $0x1E380, s2;
	[sflag:s28] =	ssyncadd.s32 $0xFFFFF000  }
0x65: {  	[tilespmem:s20], [sflag:$0x4] =	stream.indirect.gather [hbm4b:s7+s14], $0x20, s16, s14, $0xb8;
	[tilespmem:$0x1F000] =	vst v63  }
0x66: {  	_ =	swait.ge [sflag:s21], $0x1000  }
0x67: {  	s29 =	sor.u32 $0x280, s2;
	[sflag:s21] =	ssyncset.done $0x0  }
0x68: {  	s6 =	sor.u32 $0x1E800, s29;
	[sflag:s21] =	ssyncadd.s32 $0xFFFFF000  }
0x69: {  	[spmem:s1] =	stream.indirect.scatter.add.f32 [tilespmem:s17], [sflag:$0x6], $0x20, s6, s14, $0xb8;
	[tilespmem:$0x1F000] =	vst v63  }
0x6a: {  	_ =	swait.ge [sflag:s22], $0x1000  }
0x6b: {  	[sflag:s22] =	ssyncset.done $0x0  }
0x6c: {  	s6 =	simm.s32 @p0 $0x3;
	[sflag:s22] =	ssyncadd.s32 $0xFFFFF000  }
0x6d: {  	_ =	swait.ge @p0 [sflag:s6], $0x1000  }
0x6e: {  	s13 =	simm.s32 @p0 $0x1C000;
	s8 =	sor.u32 $0x300, s2;
	[sflag:s6] =	ssyncset.done @p0 $0x0  }
0x6f: {  	s16 =	simm.s32 @p0 $0x80;
	[sflag:s6] =	ssyncadd.s32 @p0 $0xFFFFF000;
	s6 =	sor.u32 @p0 $0x1E800, s8  }
0x70: {  	[spmem:s1] =	stream.indirect.scatter.add.f32 @p0 [tilespmem:s13], [sflag:$0x7], $0x20, s6, s16, $0xb8;
	[tilespmem:$0x1F000] =	vst v63  }
0x71: {  	s6 =	simm.s32 @p0 $0x6  }
0x72: {  	_ =	swait.ge @p0 [sflag:s6], $0x1000  }
0x73: {  	[sflag:s6] =	ssyncset.done @p0 $0x0  }
0x74: {  	s13 =	simm.s32 @!p0 $0x1A000;
	[sflag:s6] =	ssyncadd.s32 @p0 $0xFFFFF000;
	s6 =	simm.s32 @!p0 $0x80  }
0x75: {  	[tilespmem:s13], [sflag:$0x1] =	stream.indirect.gather @!p0 [hbm4b:s7+s6], $0x20, s12, s6, $0xb8;
	[tilespmem:$0x1F000] =	vst v63  }
0x76: {  	s12 =	simm.s32 @!p0 $0x3  }
0x77: {  	_ =	swait.ge @!p0 [sflag:s12], $0x1000  }
0x78: {  	[sflag:s12] =	ssyncset.done @!p0 $0x0  }
0x79: {  	s8 =	sor.u32 @!p0 $0x1E800, s8;
	[sflag:s12] =	ssyncadd.s32 @!p0 $0xFFFFF000;
	s12 =	simm.s32 @!p0 $0x1C000  }
0x7a: {  	[spmem:s1] =	stream.indirect.scatter.add.f32 @!p0 [tilespmem:s12], [sflag:$0x7], $0x20, s8, s6, $0xb8;
	[tilespmem:$0x1F000] =	vst v63  }
0x7b: {  	s8 =	simm.s32 @!p0 $0x6  }
0x7c: {  	_ =	swait.ge @!p0 [sflag:s8], $0x1000  }
0x7d: {  	s30 =	simm.s32 $0x80;
	s31 =	simm.s32 $0x1;
	[sflag:s8] =	ssyncset.done @!p0 $0x0  }
0x7e: {  	s0 =	sor.u32 @!p0 $0x1E080, s0;
	[sflag:s8] =	ssyncadd.s32 @!p0 $0xFFFFF000;
	s8 =	simm.s32 @!p0 $0x1B000  }
0x7f: {  	[tilespmem:s8], [sflag:$0x2] =	stream.indirect.gather @!p0 [hbm4b:s7+s6], $0x20, s0, s6, $0xb8;
	[tilespmem:$0x1F000] =	vst v63  }
0x80: {  	p2 =	por $0x0, $0x0;
	s2 =	sor.u32 $0x380, s2;
	_ =	swait.ge [sflag:s25], $0x1000  }
0x81: {  	s2 =	sor.u32 $0x1E800, s2;
	s0 =	simm.s32 $0x100;
	[sflag:s25] =	ssyncset.done $0x0  }
.LBB2_6:
0x82: {  	s6 =	simm.s32 @!p2 $0x7;
	[sflag:s25] =	ssyncadd.s32 $0xFFFFF000  }
0x83: {  	[spmem:s1] =	stream.indirect.scatter.add.f32 [tilespmem:s20], [sflag:$0x8], $0x20, s2, s14, $0xb8;
	[tilespmem:$0x1F000] =	vst v63  }
0x84: {  	s16 =	sand.u32 $0x1, s31;
	_ =	swait.ge @!p2 [sflag:s6], $0x1000  }
0x85: {  	s2 =	sshll.u32 s16, $0xA;
	[sflag:s6] =	ssyncset.done @!p2 $0x0  }
0x86: {  	s29 =	sor.u32 $0x1E100, s2;
	[sflag:s6] =	ssyncadd.s32 @!p2 $0xFFFFF000  }
0x87: {  	[tilespmem:s18], [sflag:$0x3] =	stream.indirect.gather [hbm4b:s7+s14], $0x20, s29, s14, $0xb8;
	[tilespmem:$0x1F000] =	vst v63  }
0x88: {  	_ =	swait.ge [sflag:s19], $0x1000  }
0x89: {  	s4 =	simm.s32 @!p2 $0x8;
	[sflag:s19] =	ssyncset.done $0x0  }
0x8a: {  	s12 =	sxor.u32 $0x1, s16;
	s16 =	sor.u32 $0x1E800, s2;
	[sflag:s19] =	ssyncadd.s32 $0xFFFFF000  }
0x8b: {  	[spmem:s1] =	stream.indirect.scatter.add.f32 [tilespmem:s15], [sflag:$0x5], $0x20, s16, s14, $0xb8;
	[tilespmem:$0x1F000] =	vst v63  }
0x8c: {  	_ =	swait.ge @!p2 [sflag:s4], $0x1000  }
0x8d: {  	[sflag:s4] =	ssyncset.done @!p2 $0x0  }
0x8e: {  	s3 =	sor.u32 $0x1E180, s2;
	[sflag:s4] =	ssyncadd.s32 @!p2 $0xFFFFF000  }
0x8f: {  	[tilespmem:s20], [sflag:$0x4] =	stream.indirect.gather [hbm4b:s7+s14], $0x20, s3, s14, $0xb8;
	[tilespmem:$0x1F000] =	vst v63  }
0x90: {  	_ =	swait.ge [sflag:s21], $0x1000  }
0x91: {  	[sflag:s21] =	ssyncset.done $0x0  }
0x92: {  	s10 =	sadd.s32 $0x1E880, s2;
	[sflag:s21] =	ssyncadd.s32 $0xFFFFF000  }
0x93: {  	[spmem:s1] =	stream.indirect.scatter.add.f32 [tilespmem:s17], [sflag:$0x6], $0x20, s10, s14, $0xb8;
	[tilespmem:$0x1F000] =	vst v63  }
0x94: {  	_ =	swait.ge [sflag:s22], $0x1000  }
0x95: {  	[sflag:s22] =	ssyncset.done $0x0  }
0x96: {  	s3 =	sor.u32 $0x1E200, s2;
	[sflag:s22] =	ssyncadd.s32 $0xFFFFF000  }
0x97: {  	[tilespmem:s15], [sflag:$0x1] =	stream.indirect.gather [hbm4b:s7+s14], $0x20, s3, s14, $0xb8;
	[tilespmem:$0x1F000] =	vst v63  }
0x98: {  	_ =	swait.ge [sflag:s23], $0x1000  }
0x99: {  	s9 =	sor.u32 $0x100, s2;
	[sflag:s23] =	ssyncset.done $0x0  }
0x9a: {  	s9 =	sor.u32 $0x1E800, s9;
	[sflag:s23] =	ssyncadd.s32 $0xFFFFF000  }
0x9b: {  	[spmem:s1] =	stream.indirect.scatter.add.f32 [tilespmem:s18], [sflag:$0x7], $0x20, s9, s14, $0xb8;
	[tilespmem:$0x1F000] =	vst v63  }
0x9c: {  	_ =	swait.ge [sflag:s24], $0x1000  }
0x9d: {  	s8 =	smov.u32 s0;
	[sflag:s24] =	ssyncset.done $0x0  }
0x9e: {  	p0 =	seq.s32 s30, $0x1880;
	s10 =	sor.u32 $0x1E280, s2;
	[sflag:s24] =	ssyncadd.s32 $0xFFFFF000  }
0x9f: {  	[tilespmem:s17], [sflag:$0x2] =	stream.indirect.gather [hbm4b:s7+s14], $0x20, s10, s14, $0xb8;
	[tilespmem:$0x1F000] =	vst v63  }
0xa0: {  	s13 =	sshll.u32 @!p0 s12, $0xA;
	s3 =	sor.u32 $0x1E980, s2;
	_ =	swait.ge [sflag:s25], $0x1000  }
0xa1: {  	s9 =	simm.s32 @!p0 $0x9;
	[sflag:s25] =	ssyncset.done $0x0;
	s4 =	rddreg [dreg:$0x3]  }
0xa2: {  	s10 =	simm.s32 @!p0 $0x0;
	[sflag:s25] =	ssyncadd.s32 $0xFFFFF000;
	s4 =	sadd.s32 @!p0 s30, s4  }
0xa3: {  	[spmem:s1] =	stream.indirect.scatter.add.f32 [tilespmem:s20], [sflag:$0x8], $0x20, s3, s14, $0xb8;
	[tilespmem:$0x1F000] =	vst v63  }
0xa4: {  	s30 =	smov.u32 s8;
	s8 =	sor.u32 @!p0 $0x1E000, s13;
	s3 =	sadd.s32 @!p0 $0x80, s4  }
0xa5: {  	[tilespmem:s8], [sflag:$0x9] =	stream.linear.gather @!p0 [hbm4b:s3+s10], $0x400, $0x38;
	[tilespmem:$0x1F000] =	vst v63  }
0xa6: {  	_ =	swait.ge @!p0 [sflag:s9], $0x400  }
0xa7: {  	[sflag:s9] =	ssyncset.done @!p0 $0x0  }
0xa8: {  	s4 =	sadd.s32 @!p0 $0x19080, s4;
	s3 =	sor.u32 @!p0 $0x1E800, s13;
	[sflag:s9] =	ssyncadd.s32 @!p0 $0xFFFFFC00  }
0xa9: {  	[tilespmem:s3], [sflag:$0x9] =	stream.linear.gather @!p0 [hbm4b:s4+s10], $0x400, $0x38;
	[tilespmem:$0x1F000] =	vst v63  }
0xaa: {  	_ =	swait.ge @!p0 [sflag:s9], $0x400  }
0xab: {  	[sflag:s9] =	ssyncset.done @!p0 $0x0  }
0xac: {  	[sflag:s9] =	ssyncadd.s32 @!p0 $0xFFFFFC00  }
0xad: {  	_ =	swait.ge [sflag:s26], $0x1000  }
0xae: {  	[sflag:s26] =	ssyncset.done $0x0  }
0xaf: {  	s9 =	sor.u32 $0x1E300, s2;
	[sflag:s26] =	ssyncadd.s32 $0xFFFFF000  }
0xb0: {  	[tilespmem:s18], [sflag:$0x3] =	stream.indirect.gather [hbm4b:s7+s14], $0x20, s9, s14, $0xb8;
	[tilespmem:$0x1F000] =	vst v63  }
0xb1: {  	_ =	swait.ge [sflag:s19], $0x1000  }
0xb2: {  	s6 =	sor.u32 $0x200, s2;
	[sflag:s19] =	ssyncset.done $0x0  }
0xb3: {  	s10 =	sor.u32 $0x1E800, s6;
	[sflag:s19] =	ssyncadd.s32 $0xFFFFF000  }
0xb4: {  	[spmem:s1] =	stream.indirect.scatter.add.f32 [tilespmem:s15], [sflag:$0x5], $0x20, s10, s14, $0xb8;
	[tilespmem:$0x1F000] =	vst v63  }
0xb5: {  	_ =	swait.ge [sflag:s28], $0x1000  }
0xb6: {  	s12 =	sor.u32 $0x280, s2;
	s29 =	sor.u32 $0x300, s2;
	[sflag:s28] =	ssyncset.done $0x0  }
0xb7: {  	s16 =	sor.u32 $0x380, s2;
	s2 =	sor.u32 $0x1E380, s2;
	[sflag:s28] =	ssyncadd.s32 $0xFFFFF000  }
0xb8: {  	[tilespmem:s20], [sflag:$0x4] =	stream.indirect.gather [hbm4b:s7+s14], $0x20, s2, s14, $0xb8;
	[tilespmem:$0x1F000] =	vst v63  }
0xb9: {  	_ =	swait.ge [sflag:s21], $0x1000  }
0xba: {  	[sflag:s21] =	ssyncset.done $0x0  }
0xbb: {  	s12 =	sor.u32 $0x1E800, s12;
	[sflag:s21] =	ssyncadd.s32 $0xFFFFF000  }
0xbc: {  	[spmem:s1] =	stream.indirect.scatter.add.f32 [tilespmem:s17], [sflag:$0x6], $0x20, s12, s14, $0xb8;
	[tilespmem:$0x1F000] =	vst v63  }
0xbd: {  	_ =	swait.ge [sflag:s22], $0x1000  }
0xbe: {  	[sflag:s22] =	ssyncset.done $0x0  }
0xbf: {  	s2 =	simm.s32 @p0 $0x3;
	[sflag:s22] =	ssyncadd.s32 $0xFFFFF000  }
0xc0: {  	_ =	swait.ge @p0 [sflag:s2], $0x1000  }
0xc1: {  	s3 =	simm.s32 @p0 $0x1C000;
	s4 =	simm.s32 @p0 $0x6;
	[sflag:s2] =	ssyncset.done @p0 $0x0  }
0xc2: {  	s6 =	simm.s32 @p0 $0x80;
	[sflag:s2] =	ssyncadd.s32 @p0 $0xFFFFF000;
	s2 =	sor.u32 @p0 $0x1E800, s29  }
0xc3: {  	[spmem:s1] =	stream.indirect.scatter.add.f32 @p0 [tilespmem:s3], [sflag:$0x7], $0x20, s2, s6, $0xb8;
	[tilespmem:$0x1F000] =	vst v63  }
0xc4: {  	_ =	swait.ge @p0 [sflag:s4], $0x1000  }
0xc5: {  	s2 =	simm.s32 @!p0 $0x3;
	[sflag:s4] =	ssyncset.done @p0 $0x0  }
0xc6: {  	s3 =	simm.s32 @!p0 $0x80;
	[sflag:s4] =	ssyncadd.s32 @p0 $0xFFFFF000;
	s4 =	simm.s32 @!p0 $0x1A000  }
0xc7: {  	[tilespmem:s4], [sflag:$0x1] =	stream.indirect.gather @!p0 [hbm4b:s7+s3], $0x20, s8, s3, $0xb8;
	[tilespmem:$0x1F000] =	vst v63  }
0xc8: {  	_ =	swait.ge @!p0 [sflag:s2], $0x1000  }
0xc9: {  	s0 =	sadd.s32 $0x80, s0;
	s6 =	simm.s32 @!p0 $0x1C000;
	[sflag:s2] =	ssyncset.done @!p0 $0x0  }
0xca: {  	s4 =	simm.s32 @!p0 $0x6;
	[sflag:s2] =	ssyncadd.s32 @!p0 $0xFFFFF000;
	s2 =	sor.u32 @!p0 $0x1E800, s29  }
0xcb: {  	[spmem:s1] =	stream.indirect.scatter.add.f32 @!p0 [tilespmem:s6], [sflag:$0x7], $0x20, s2, s3, $0xb8;
	[tilespmem:$0x1F000] =	vst v63  }
0xcc: {  	p1 =	sne.s32 s0, $0x1900;
	_ =	swait.ge @!p0 [sflag:s4], $0x1000  }
.Ltmp2:
0xcd: {  	[sflag:s4] =	ssyncset.done @!p0 $0x0;
	(pc) =	sbr.rel @p1 .LBB2_6-.Ltmp2, $4  }
0xce: {  	s2 =	sor.u32 @!p0 $0x1E080, s13;
	[sflag:s4] =	ssyncadd.s32 @!p0 $0xFFFFF000;
	s4 =	simm.s32 @!p0 $0x1B000  }
0xcf: {  	[tilespmem:s4], [sflag:$0x2] =	stream.indirect.gather @!p0 [hbm4b:s7+s3], $0x20, s2, s3, $0xb8;
	[tilespmem:$0x1F000] =	vst v63  }
0xd0: {  	s31 =	sadd.s32 $0x1, s31;
	_ =	swait.ge [sflag:s25], $0x1000  }
0xd1: {  	p2 =	seq.s32 s30, $0x0;
	s2 =	sor.u32 $0x1E800, s16;
	[sflag:s25] =	ssyncset.done $0x0  }
0xd2: {  	s3 =	simm.s32 @!p2 $0x7;
	[sflag:s25] =	ssyncadd.s32 $0xFFFFF000  }
0xd3: {  	[spmem:s1] =	stream.indirect.scatter.add.f32 [tilespmem:s20], [sflag:$0x8], $0x20, s2, s14, $0xb8;
	[tilespmem:$0x1F000] =	vst v63  }
0xd4: {  	s9 =	sand.u32 $0x1, s31;
	_ =	swait.ge @!p2 [sflag:s3], $0x1000  }
0xd5: {  	s0 =	sshll.u32 s9, $0xA;
	[sflag:s3] =	ssyncset.done @!p2 $0x0  }
0xd6: {  	s10 =	sor.u32 $0x1E100, s0;
	[sflag:s3] =	ssyncadd.s32 @!p2 $0xFFFFF000  }
0xd7: {  	[tilespmem:s18], [sflag:$0x3] =	stream.indirect.gather [hbm4b:s7+s14], $0x20, s10, s14, $0xb8;
	[tilespmem:$0x1F000] =	vst v63  }
0xd8: {  	_ =	swait.ge [sflag:s19], $0x1000  }
0xd9: {  	[sflag:s19] =	ssyncset.done $0x0  }
0xda: {  	s4 =	simm.s32 @!p2 $0x8;
	s12 =	sor.u32 $0x1E800, s0;
	[sflag:s19] =	ssyncadd.s32 $0xFFFFF000  }
0xdb: {  	[spmem:s1] =	stream.indirect.scatter.add.f32 [tilespmem:s15], [sflag:$0x5], $0x20, s12, s14, $0xb8;
	[tilespmem:$0x1F000] =	vst v63  }
0xdc: {  	_ =	swait.ge @!p2 [sflag:s4], $0x1000  }
0xdd: {  	[sflag:s4] =	ssyncset.done @!p2 $0x0  }
0xde: {  	s13 =	sor.u32 $0x1E180, s0;
	[sflag:s4] =	ssyncadd.s32 @!p2 $0xFFFFF000  }
0xdf: {  	[tilespmem:s20], [sflag:$0x4] =	stream.indirect.gather [hbm4b:s7+s14], $0x20, s13, s14, $0xb8;
	[tilespmem:$0x1F000] =	vst v63  }
0xe0: {  	_ =	swait.ge [sflag:s21], $0x1000  }
0xe1: {  	[sflag:s21] =	ssyncset.done $0x0  }
0xe2: {  	s16 =	sadd.s32 $0x1E880, s0;
	[sflag:s21] =	ssyncadd.s32 $0xFFFFF000  }
0xe3: {  	[spmem:s1] =	stream.indirect.scatter.add.f32 [tilespmem:s17], [sflag:$0x6], $0x20, s16, s14, $0xb8;
	[tilespmem:$0x1F000] =	vst v63  }
0xe4: {  	_ =	swait.ge [sflag:s22], $0x1000  }
0xe5: {  	[sflag:s22] =	ssyncset.done $0x0  }
0xe6: {  	s29 =	sor.u32 $0x1E200, s0;
	[sflag:s22] =	ssyncadd.s32 $0xFFFFF000  }
0xe7: {  	[tilespmem:s15], [sflag:$0x1] =	stream.indirect.gather [hbm4b:s7+s14], $0x20, s29, s14, $0xb8;
	[tilespmem:$0x1F000] =	vst v63  }
0xe8: {  	_ =	swait.ge [sflag:s23], $0x1000  }
0xe9: {  	s31 =	sor.u32 $0x100, s0;
	[sflag:s23] =	ssyncset.done $0x0  }
0xea: {  	s3 =	sor.u32 $0x1E800, s31;
	[sflag:s23] =	ssyncadd.s32 $0xFFFFF000  }
0xeb: {  	[spmem:s1] =	stream.indirect.scatter.add.f32 [tilespmem:s18], [sflag:$0x7], $0x20, s3, s14, $0xb8;
	[tilespmem:$0x1F000] =	vst v63  }
0xec: {  	_ =	swait.ge [sflag:s24], $0x1000  }
0xed: {  	[sflag:s24] =	ssyncset.done $0x0  }
0xee: {  	p0 =	seq.s32 s30, $0x1880;
	s4 =	sor.u32 $0x1E280, s0;
	[sflag:s24] =	ssyncadd.s32 $0xFFFFF000  }
0xef: {  	[tilespmem:s17], [sflag:$0x2] =	stream.indirect.gather [hbm4b:s7+s14], $0x20, s4, s14, $0xb8;
	[tilespmem:$0x1F000] =	vst v63  }
0xf0: {  	s2 =	sxor.u32 $0x1, s9;
	s9 =	simm.s32 @!p0 $0x0;
	_ =	swait.ge [sflag:s25], $0x1000  }
0xf1: {  	s6 =	sor.u32 $0x1E980, s0;
	[sflag:s25] =	ssyncset.done $0x0;
	s3 =	rddreg [dreg:$0x3]  }
0xf2: {  	s2 =	sshll.u32 @!p0 s2, $0xA;
	[sflag:s25] =	ssyncadd.s32 $0xFFFFF000;
	s3 =	sadd.s32 @!p0 s30, s3  }
0xf3: {  	[spmem:s1] =	stream.indirect.scatter.add.f32 [tilespmem:s20], [sflag:$0x8], $0x20, s6, s14, $0xb8;
	[tilespmem:$0x1F000] =	vst v63  }
0xf4: {  	s4 =	simm.s32 @!p0 $0x9;
	s6 =	sor.u32 @!p0 $0x1E000, s2;
	s8 =	sadd.s32 @!p0 $0x80, s3  }
0xf5: {  	[tilespmem:s6], [sflag:$0x9] =	stream.linear.gather @!p0 [hbm4b:s8+s9], $0x400, $0x38;
	[tilespmem:$0x1F000] =	vst v63  }
0xf6: {  	_ =	swait.ge @!p0 [sflag:s4], $0x400  }
0xf7: {  	[sflag:s4] =	ssyncset.done @!p0 $0x0  }
0xf8: {  	s3 =	sadd.s32 @!p0 $0x19080, s3;
	s8 =	sor.u32 @!p0 $0x1E800, s2;
	[sflag:s4] =	ssyncadd.s32 @!p0 $0xFFFFFC00  }
0xf9: {  	[tilespmem:s8], [sflag:$0x9] =	stream.linear.gather @!p0 [hbm4b:s3+s9], $0x400, $0x38;
	[tilespmem:$0x1F000] =	vst v63  }
0xfa: {  	_ =	swait.ge @!p0 [sflag:s4], $0x400  }
0xfb: {  	[sflag:s4] =	ssyncset.done @!p0 $0x0  }
0xfc: {  	[sflag:s4] =	ssyncadd.s32 @!p0 $0xFFFFFC00  }
0xfd: {  	_ =	swait.ge [sflag:s26], $0x1000  }
0xfe: {  	[sflag:s26] =	ssyncset.done $0x0  }
0xff: {  	s8 =	sor.u32 $0x1E300, s0;
	[sflag:s26] =	ssyncadd.s32 $0xFFFFF000  }
0x100: {  	[tilespmem:s18], [sflag:$0x3] =	stream.indirect.gather [hbm4b:s7+s14], $0x20, s8, s14, $0xb8;
	[tilespmem:$0x1F000] =	vst v63  }
0x101: {  	_ =	swait.ge [sflag:s19], $0x1000  }
0x102: {  	s9 =	sor.u32 $0x200, s0;
	[sflag:s19] =	ssyncset.done $0x0  }
0x103: {  	s3 =	sor.u32 $0x1E800, s9;
	[sflag:s19] =	ssyncadd.s32 $0xFFFFF000  }
0x104: {  	[spmem:s1] =	stream.indirect.scatter.add.f32 [tilespmem:s15], [sflag:$0x5], $0x20, s3, s14, $0xb8;
	[tilespmem:$0x1F000] =	vst v63  }
0x105: {  	_ =	swait.ge [sflag:s28], $0x1000  }
0x106: {  	[sflag:s28] =	ssyncset.done $0x0  }
0x107: {  	s10 =	sor.u32 $0x1E380, s0;
	[sflag:s28] =	ssyncadd.s32 $0xFFFFF000  }
0x108: {  	[tilespmem:s20], [sflag:$0x4] =	stream.indirect.gather [hbm4b:s7+s14], $0x20, s10, s14, $0xb8;
	[tilespmem:$0x1F000] =	vst v63  }
0x109: {  	_ =	swait.ge [sflag:s21], $0x1000  }
0x10a: {  	s12 =	sor.u32 $0x280, s0;
	[sflag:s21] =	ssyncset.done $0x0  }
0x10b: {  	s3 =	sor.u32 $0x1E800, s12;
	[sflag:s21] =	ssyncadd.s32 $0xFFFFF000  }
0x10c: {  	[spmem:s1] =	stream.indirect.scatter.add.f32 [tilespmem:s17], [sflag:$0x6], $0x20, s3, s14, $0xb8;
	[tilespmem:$0x1F000] =	vst v63  }
0x10d: {  	_ =	swait.ge [sflag:s22], $0x1000  }
0x10e: {  	[sflag:s22] =	ssyncset.done $0x0  }
0x10f: {  	s3 =	simm.s32 @p0 $0x3;
	[sflag:s22] =	ssyncadd.s32 $0xFFFFF000  }
0x110: {  	_ =	swait.ge @p0 [sflag:s3], $0x1000  }
0x111: {  	s9 =	simm.s32 @p0 $0x80;
	s4 =	sor.u32 $0x300, s0;
	[sflag:s3] =	ssyncset.done @p0 $0x0  }
0x112: {  	s8 =	simm.s32 @p0 $0x1C000;
	[sflag:s3] =	ssyncadd.s32 @p0 $0xFFFFF000;
	s3 =	sor.u32 @p0 $0x1E800, s4  }
0x113: {  	[spmem:s1] =	stream.indirect.scatter.add.f32 @p0 [tilespmem:s8], [sflag:$0x7], $0x20, s3, s9, $0xb8;
	[tilespmem:$0x1F000] =	vst v63  }
0x114: {  	s3 =	simm.s32 @p0 $0x6  }
0x115: {  	_ =	swait.ge @p0 [sflag:s3], $0x1000  }
0x116: {  	[sflag:s3] =	ssyncset.done @p0 $0x0  }
0x117: {  	s8 =	simm.s32 @!p0 $0x1A000;
	[sflag:s3] =	ssyncadd.s32 @p0 $0xFFFFF000;
	s3 =	simm.s32 @!p0 $0x80  }
0x118: {  	[tilespmem:s8], [sflag:$0x1] =	stream.indirect.gather @!p0 [hbm4b:s7+s3], $0x20, s6, s3, $0xb8;
	[tilespmem:$0x1F000] =	vst v63  }
0x119: {  	s6 =	simm.s32 @!p0 $0x3  }
0x11a: {  	_ =	swait.ge @!p0 [sflag:s6], $0x1000  }
0x11b: {  	[sflag:s6] =	ssyncset.done @!p0 $0x0  }
0x11c: {  	s4 =	sor.u32 @!p0 $0x1E800, s4;
	[sflag:s6] =	ssyncadd.s32 @!p0 $0xFFFFF000;
	s6 =	simm.s32 @!p0 $0x1C000  }
0x11d: {  	[spmem:s1] =	stream.indirect.scatter.add.f32 @!p0 [tilespmem:s6], [sflag:$0x7], $0x20, s4, s3, $0xb8;
	[tilespmem:$0x1F000] =	vst v63  }
0x11e: {  	s4 =	simm.s32 @!p0 $0x6  }
0x11f: {  	_ =	swait.ge @!p0 [sflag:s4], $0x1000  }
0x120: {  	[sflag:s4] =	ssyncset.done @!p0 $0x0  }
0x121: {  	s2 =	sor.u32 @!p0 $0x1E080, s2;
	[sflag:s4] =	ssyncadd.s32 @!p0 $0xFFFFF000;
	s4 =	simm.s32 @!p0 $0x1B000  }
0x122: {  	[tilespmem:s4], [sflag:$0x2] =	stream.indirect.gather @!p0 [hbm4b:s7+s3], $0x20, s2, s3, $0xb8;
	[tilespmem:$0x1F000] =	vst v63  }
0x123: {  	_ =	swait.ge [sflag:s25], $0x1000  }
0x124: {  	s0 =	sor.u32 $0x380, s0;
	[sflag:s25] =	ssyncset.done $0x0  }
0x125: {  	s0 =	sor.u32 $0x1E800, s0;
	[sflag:s25] =	ssyncadd.s32 $0xFFFFF000  }
0x126: {  	[spmem:s1] =	stream.indirect.scatter.add.f32 [tilespmem:s20], [sflag:$0x8], $0x20, s0, s14, $0xb8;
	[tilespmem:$0x1F000] =	vst v63  }
0x127: {  	_ =	swait.ge [sflag:s26], $0x1000  }
0x128: {  	[sflag:s26] =	ssyncset.done $0x0  }
0x129: {  	[sflag:s26] =	ssyncadd.s32 $0xFFFFF000  }
0x12a: {  	_ =	swait.ge [sflag:s28], $0x1000  }
0x12b: {  	[sflag:s28] =	ssyncset.done $0x0  }
0x12c: {  	s13 =	stileid.u32;
	[sflag:s28] =	ssyncadd.s32 $0xFFFFF000  }
0x12d: {  	s16 =	sshrl.u32 s5, $0x3;
	s0 =	sshll.u32 s13, $0x6;
	[bflag:$0x0] =	sbarrier.arrive $0xFFFF  }
0x12e: {  	s30 =	simm.s32 $0x10;
	s0 =	sor.u32 $0x1C09, s0;
	s29 =	rddreg [dreg:$0x7]  }
0x12f: {  	[hbm:s29@s30], [sflag:s0] =	dma.strided [spmem:s16@s25], $0x3200, s19, $0x4   }
0x130: {  	_ =	swait.ge [sflag:s11], $0x3200  }
0x131: {  	s10 =	rddreg [dreg:$0x4]  }
0x132: {  	s31 =	rddreg [dreg:$0x8];
	s10 =	sadd.s32 $0x1, s10  }
0x133: {  	p0 =	sne.s32 s10, s31  }
.Ltmp3:
0x134: {  	_ = 	snop;
	(pc) =	sbr.rel @p0 .LBB2_1-.Ltmp3, $3  }
0x135: {  	_ =	sdelay $0x1  }
0x136: {  	[sflag:s11] =	ssyncset.done $0x0  }
0x137: {  	s3 =	simm.s32 $0x19000;
	[sflag:s11] =	ssyncadd.s32 $0xFFFFCE00  }
0x138: {  	_ =	sfence.sel $0x180000  }
0x139: {  	[bflag:$0x0] =	sbarrier.arrive $0xFFFF  }
0x13a: {  	_ =	strace $0x9000004A  }
0x13b: {  	s0 =	stileid.u32;
	[bflag:$0x2] =	sbarrier.arrive $0xFFFF  }
0x13c: {  	p0 =	sne.s32 s0, $0x0;
	s0 =	rddreg [dreg:$0x2]  }
0x13d: {  	s0 =	sadd.s32 @!p0 $0x100000, s0  }
0x13e: {  	[sflag:s0] =	ssyncadd.tile.s32 @!p0 $0x1;
	_ =	shalt  }
.Lfunc_end2:
_tile_overlayer_lowered:
.L_overlay_start_2:
0x13f: {  	(tag) =	ssettag $0x2  }
0x140: {  	s0 =	rddreg [dreg:$0x0];
	s2 =	stileid.u32  }
0x141: {  	s1 =	rddreg [dreg:$0x1];
	p0 =	sne.s32 s2, $0x0  }
0x142: {  	s3 =	rddreg [dreg:$0x2];
	[bflag:$0x3] =	sbarrier.arrive $0xFFFF;
	s2 =	simm.s32 @!p0 $0x1C09  }
0x143: {  	[timem:s3], [sflag:s2] =	dma.local @!p0 [hbm:s0], s1  }
0x144: {  	s0 =	simm.s32 @!p0 $0x9  }
0x145: {  	_ =	swait.ge @!p0 [sflag:s0], s1  }
0x146: {  	s1 =	ssub.s32 @!p0 $0x0, s1;
	[sflag:s0] =	ssyncset.done @!p0 $0x0  }
0x147: {  	[sflag:s0] =	ssyncadd.s32 @!p0 s1  }
0x148: {  	[bflag:$0x3] =	sbarrier.arrive $0xFFFF  }
0x149: {  	_ =	shalt  }

// kernel: kernel.16.cloned.1.call-start
scs
__scs_entry_jumppad:
0x0: {  	(pc) =	sbr.rel $0x88, $3  }
0x1: {  	(tag) =	ssettag $0x0;
	lr =	simm.s32 $0x1  }
0x2: {  	[smem:$0x3F91] =	sst lr;
	_ =	strace $0xD0000000  }
0x3: {  	_ = 	snop  }
0x4: {  	_ = 	snop  }
0x5: {  	_ = 	snop  }
0x6: {  	_ = 	snop  }
0x7: {  	_ = 	snop  }
__scs_overlays_trampoline_lowered:
0x8: {  	[smem:$0x3FA0] =	sst s0  }
0x9: {  	[smem:$0x3FA1] =	sst s1  }
0xa: {  	[smem:$0x3FA2] =	sst s2  }
0xb: {  	[smem:$0x3FA3] =	sst s3  }
0xc: {  	[smem:$0x3FA4] =	sst s4  }
0xd: {  	[smem:$0x3FA5] =	sst s5  }
0xe: {  	[smem:$0x3FA6] =	sst s6  }
0xf: {  	[smem:$0x3FA7] =	sst s7  }
0x10: {  	[smem:$0x3FA8] =	sst s8  }
0x11: {  	[smem:$0x3FA9] =	sst s9;
	s0 =	simm.s32 @!p0 $0x0  }
0x12: {  	s1 =	sld [smem:$0x3F8F];
	s0 =	simm.s32 @p0 $0x1  }
0x13: {  	[smem:$0x3FAA] =	sst s0;
	s0 =	simm.s32 @!p1 $0x0  }
0x14: {  	s2 =	sld [smem:$0x3F8E];
	s0 =	simm.s32 @p1 $0x1  }
0x15: {  	[smem:$0x3FAB] =	sst s0;
	s0 =	simm.s32 @!p2 $0x0  }
0x16: {  	s3 =	sld [smem:$0x3FDB];
	s0 =	simm.s32 @p2 $0x1  }
0x17: {  	s4 =	simm.s32 $0x1BF5;
	[smem:$0x3FAD] =	sst s0  }
0x18: {  	s0 =	sld [smem:$0x3F90];
	_ =	swait.ge [sflag:s4], $0x0  }
0x19: {  	s7 =	sld [smem:$0x3F91]  }
0x1a: {  	s8 =	sadd.s32 $0xFFFFE003, lr  }
0x1b: {  	s9 =	sadd.s32 $0xFFFFFEF7, lr;
	s5 =	simm.s32 $0xFFFFFFFF;
	p2 =	slt.u32 s8, $0xFFFFF086  }
0x1c: {  	p1 =	slt.u32 s9, $0xF7A;
	s5 =	simm.s32 @!p2 $0x0  }
0x1d: {  	s5 =	simm.s32 @p1 $0x1;
	p0 =	seq.s32 s7, s2  }
0x1e: {  	s7 =	smul.u32 @!p0 $0xF7A, s2;
	p2 =	seq.s32 @!p0 s5, $0x0  }
0x1f: {  	s9 =	smul.u32 $0xF7A, s1;
	s8 =	simm.s32 @!p0 $0x1BF5;
	p2 =	por !p2, p0  }
0x20: {  	[sflag:s8] =	ssyncset.s32 @!p0 $0xFFFFF086;
	s6 =	sadd.s32 @!p0 s3, s7;
	s7 =	simm.s32 @!p0 $0x108  }
0x21: {  	s3 =	sadd.s32 s3, s9;
	s6 =	sadd.s32 @!p0 $0x88, s6;
	s7 =	simm.s32 @p2 $0x1082  }
0x22: {  	[simem:s7], [sflag:s8] =	dma.local @!p0 [hbm:s6], $0xF7A  }
0x23: {  	s9 =	sor.u32 $0xD0000000, s2;
	s6 =	simm.s32 $0x108;
	_ =	swait.ge @!p0 [sflag:s8], $0x0  }
0x24: {  	s3 =	sadd.s32 $0x88, s3;
	s6 =	simm.s32 @!p1 $0x1082;
	[sflag:s4] =	ssyncset.s32 $0xFFFFF086  }
0x25: {  	[simem:s6], [sflag:s4] =	dma.local [hbm:s3], $0xF7A  }
0x26: {  	[smem:$0x3F91] =	sst s1;
	(tag) =	ssettag s2;
	_ =	strace s9  }
0x27: {  	s1 =	sld [smem:$0x3FA1]  }
0x28: {  	s2 =	sld [smem:$0x3FA2]  }
0x29: {  	s4 =	sld [smem:$0x3FA4]  }
0x2a: {  	p0 =	seq.s32 s5, $0x0;
	s5 =	sld [smem:$0x3FA5]  }
0x2b: {  	s6 =	sld [smem:$0x3FA6]  }
0x2c: {  	s7 =	sld [smem:$0x3FA7]  }
0x2d: {  	s3 =	simm.s32 $0x108;
	s8 =	sld [smem:$0x3FA8]  }
0x2e: {  	s3 =	simm.s32 @!p0 $0x1082;
	s9 =	sld [smem:$0x3FA9]  }
0x2f: {  	lr =	sadd.s32 s0, s3;
	s0 =	sld [smem:$0x3FA0]  }
0x30: {  	s3 =	sld [smem:$0x3FA3]  }
0x31: {  	[smem:$0x3FAC] =	sst s10  }
0x32: {  	s10 =	sld [smem:$0x3FAA];
	_ =	sdelay $0x3  }
0x33: {  	p0 =	seq.s32 s10, $0x1;
	s10 =	sld [smem:$0x3FAC];
	_ =	sdelay $0x3  }
0x34: {  	[smem:$0x3FAC] =	sst s10  }
0x35: {  	s10 =	sld [smem:$0x3FAB];
	_ =	sdelay $0x3  }
0x36: {  	p1 =	seq.s32 s10, $0x1;
	s10 =	sld [smem:$0x3FAC];
	_ =	sdelay $0x3  }
0x37: {  	[smem:$0x3FAC] =	sst s10  }
0x38: {  	s10 =	sld [smem:$0x3FAD]  }
0x39: {  	_ = 	snop;
	(pc) =	sbr.ind lr, $3  }
0x3a: {  	_ = 	snop  }
0x3b: {  	_ = 	snop  }
0x3c: {  	p2 =	seq.s32 s10, $0x1;
	s10 =	sld [smem:$0x3FAC]  }
0x3d: {  	_ =	shalt  }
0x3e: {  	_ =	shalt  }
0x3f: {  	_ =	shalt  }
0x40: {  	_ =	shalt  }
0x41: {  	_ =	shalt  }
0x42: {  	_ =	shalt  }
0x43: {  	_ =	shalt  }
0x44: {  	_ =	shalt  }
0x45: {  	_ =	shalt  }
0x46: {  	_ =	shalt  }
0x47: {  	_ =	shalt  }
0x48: {  	_ =	shalt  }
0x49: {  	_ =	shalt  }
0x4a: {  	_ =	shalt  }
0x4b: {  	_ =	shalt  }
0x4c: {  	_ =	shalt  }
0x4d: {  	_ =	shalt  }
0x4e: {  	_ =	shalt  }
0x4f: {  	_ =	shalt  }
0x50: {  	_ =	shalt  }
0x51: {  	_ =	shalt  }
0x52: {  	_ =	shalt  }
0x53: {  	_ =	shalt  }
0x54: {  	_ =	shalt  }
0x55: {  	_ =	shalt  }
0x56: {  	_ =	shalt  }
0x57: {  	_ =	shalt  }
0x58: {  	_ =	shalt  }
0x59: {  	_ =	shalt  }
0x5a: {  	_ =	shalt  }
0x5b: {  	_ =	shalt  }
0x5c: {  	_ =	shalt  }
0x5d: {  	_ =	shalt  }
0x5e: {  	_ =	shalt  }
0x5f: {  	_ =	shalt  }
0x60: {  	_ =	shalt  }
0x61: {  	_ =	shalt  }
0x62: {  	_ =	shalt  }
0x63: {  	_ =	shalt  }
0x64: {  	_ =	shalt  }
0x65: {  	_ =	shalt  }
0x66: {  	_ =	shalt  }
0x67: {  	_ =	shalt  }
0x68: {  	_ =	shalt  }
0x69: {  	_ =	shalt  }
0x6a: {  	_ =	shalt  }
0x6b: {  	_ =	shalt  }
0x6c: {  	_ =	shalt  }
0x6d: {  	_ =	shalt  }
0x6e: {  	_ =	shalt  }
0x6f: {  	_ =	shalt  }
0x70: {  	_ =	shalt  }
0x71: {  	_ =	shalt  }
0x72: {  	_ =	shalt  }
0x73: {  	_ =	shalt  }
0x74: {  	_ =	shalt  }
0x75: {  	_ =	shalt  }
0x76: {  	_ =	shalt  }
0x77: {  	_ =	shalt  }
0x78: {  	_ =	shalt  }
0x79: {  	_ =	shalt  }
0x7a: {  	_ =	shalt  }
0x7b: {  	_ =	shalt  }
0x7c: {  	_ =	shalt  }
0x7d: {  	_ =	shalt  }
0x7e: {  	_ =	shalt  }
0x7f: {  	_ =	shalt  }
0x80: {  	_ =	shalt  }
0x81: {  	_ =	shalt  }
0x82: {  	_ =	shalt  }
0x83: {  	_ =	shalt  }
0x84: {  	_ =	shalt  }
0x85: {  	_ =	shalt  }
0x86: {  	_ =	shalt  }
0x87: {  	_ =	shalt  }
.Lfunc_end0:
.L_simem_size_0:
called_computation.2_lowered:
.L_overlay_start_0:
0x88: {  	s2 =	sld [smem:$0x3FD9]  }
0x89: {  	s3 =	sld [smem:$0x3FFE];
	_ =	sdelay $0x1  }
0x8a: {  	s1 =	srdreg.scid  }
0x8b: {  	s0 =	sand.u32 $0x1, s1  }
0x8c: {  	s16 =	sshll.u32 s0, $0xA;
	s2 =	sadd.s32 s3, s2  }
0x8d: {  	s2 =	sadd.s32 s2, s16  }
0x8e: {  	[smem:$0x3FB8] =	sst s2  }
0x8f: {  	_ = 	snop  }
0x90: {  	(tm) =	ssettm $0x1  }
0x91: {  	s17 =	sld [smem:$0x3FFB];
	_ =	sdelay $0x3  }
0x92: {  	_ =	strace s17  }
0x93: {  	s2 =	sld [smem:$0x3FFC];
	_ =	sdelay $0x3  }
0x94: {  	_ =	strace s2  }
0x95: {  	s2 =	sld [smem:$0x3FFD];
	_ =	sdelay $0x3  }
0x96: {  	_ =	strace s2  }
0x97: {  	_ =	strace $0x8FFFFFFF  }
0x98: {  	s18 =	sld [smem:$0x3FDB];
	_ =	sdelay $0x1  }
0x99: {  	s19 =	simm.s32 $_scs_section_size  }
0x9a: {  	s4 =	simm.s32 $_size__tile_overlayer_lowered;
	s5 =	simm.s32 $_tile_overlayer_lowered  }
0x9b: {  	s22 =	simm.s32 $0x1BFF;
	s21 =	sshll.u32 s5, $0x1;
	s2 =	sadd.s32 s19, s18  }
0x9c: {  	s6 =	simm.s32 $0x0;
	s20 =	sshll.u32 s4, $0x1;
	s4 =	sadd.s32 s21, s2  }
0x9d: {  	[timem:s6], [sflag:s22] =	dma.local [hbm:s4], s20  }
0x9e: {  	_ =	swait.ge [sflag:s22], s20  }
0x9f: {  	s3 =	ssub.s32 $0x0, s20;
	[sflag:s22] =	ssyncset.done $0x0  }
0xa0: {  	[sflag:s22] =	ssyncadd.s32 s3;
	_ =	sdelay $0x1  }
0xa1: {  	s23 =	simm.s32 $0x1B8B  }
0xa2: {  	_ =	swait.ge [sflag:s23], $0x1  }
0xa3: {  	[sflag:s23] =	ssyncset.done $0x0  }
0xa4: {  	s25 =	simm.s32 $0x1B8E;
	s24 =	sld [smem:$0x3FFE];
	[sflag:s23] =	ssyncadd.s32 $0xFFFFFFFF  }
0xa5: {  	s26 =	simm.s32 $execute0_lowered;
	[smem:$0x3FD2] =	sst s25  }
0xa6: {  	s4 =	sshll.u32 s26, $0x1;
	_ =	strace $0x8000004C;
	[dreg:$0x1] =	wrdreg $0xFFFFFFFF  }
0xa7: {  	s28 =	simm.s32 $_size_execute0_lowered;
	s2 =	sadd.s32 s2, s4;
	[dreg:$0x0] =	wrdreg $0x0  }
0xa8: {  	s4 =	sshll.u32 s28, $0x1;
	[dreg:$0x2] =	wrdreg s2  }
0xa9: {  	[dreg:$0x3] =	wrdreg s4  }
0xaa: {  	[dreg:$0x4] =	wrdreg $0xC0  }
0xab: {  	_ =	task [dreg:s6], $0x5FFFF  }
0xac: {  	[dreg:$0x1] =	wrdreg $0xFFFFFFFF  }
0xad: {  	[dreg:$0x0] =	wrdreg $0x60  }
0xae: {  	[dreg:$0x2] =	wrdreg s24  }
0xaf: {  	[dreg:$0x3] =	wrdreg $0x0  }
0xb0: {  	[dreg:$0x4] =	wrdreg $0x9  }
0xb1: {  	_ =	task.clear_ibuf [dreg:s6], $0x5FFFF;
	_ =	strace $0x9000004C  }
0xb2: {  	s29 =	simm.s32 $0x9;
	_ =	strace $0x8000004E  }
0xb3: {  	_ =	swait.ge [sflag:s29], $0x1  }
0xb4: {  	[sflag:s29] =	ssyncadd.s32 $0xFFFFFFFF  }
0xb5: {  	_ =	strace $0x9000004E  }
0xb6: {  	_ =	sfence  }
0xb7: {  	s30 =	sld [smem:$0x0];
	_ =	sdelay $0x2  }
0xb8: {  	s31 =	sshll.u32 s1, $0xD;
	s1 =	sshrl.u32 s1, $0x2  }
0xb9: {  	s3 =	sand.u32 $0x4000, s31;
	s1 =	sadd.s32 s1, s30  }
0xba: {  	s0 =	sor.u32 s3, s0;
	s1 =	sshll.u32 s1, $0x11  }
0xbb: {  	s0 =	sor.u32 s1, s0  }
0xbc: {  	s0 =	sadd.s32 $0x8F2B, s0  }
0xbd: {  	[sflag:s0] =	ssyncadd.remote.s32 $0x1  }
0xbe: {  	_ =	sfence.sel $0xFFFF  }
0xbf: {  	[dreg:$0x0] =	wrdreg $0xFFFFFFFF;
	(pc) =	sbr.abs _section_cstart, $3  }
0xc0: {  	[dreg:$0x1] =	wrdreg $0xFFFFFFFF  }
0xc1: {  	_ =	task.clear_ibuf [dreg:s6], $0x2FFFF;
	_ =	strace $0x9FFFFFFF  }
0xc2: {  	(tm) =	ssettm $0x7FFFFFFF  }
0xc3: {  	_ =	shalt  }
tec
execute0_lowered:
.L_overlay_start_1:
0x0: {  	(tag) =	ssettag $0x1  }
0x1: {  	s0 =	rddreg [dreg:$0x0]  }
0x2: {  	s1 =	rddreg [dreg:$0x1]  }
0x3: {  	s2 =	srdreg.scid;
	s10 =	simm.s32 $0x0;
	s3 =	stileid.u32  }
0x4: {  	s11 =	simm.s32 $0x9;
	s14 =	simm.s32 $0x80;
	s15 =	simm.s32 $0x1A000  }
0x5: {  	s17 =	simm.s32 $0x1B000;
	s18 =	simm.s32 $0x1C000;
	s19 =	simm.s32 $0x1  }
0x6: {  	s20 =	simm.s32 $0x1D000;
	s21 =	simm.s32 $0x2;
	s22 =	simm.s32 $0x5  }
0x7: {  	s23 =	simm.s32 $0x3;
	s28 =	simm.s32 $0x8;
	s5 =	smul.u32 $0x64000, s3  }
0x8: {  	s2 =	sand.u32 $0x1, s2;
	[smem:$0x7FF] =	sst s10;
	s25 =	smul.u32 $0xC800, s3  }
0x9: {  	s8 =	sadd.s32 $0x3AE00, s0;
	s29 =	smul.u32 $0x1900, s3;
	s3 =	simm.s32 $0x19000  }
0xa: {  	s4 =	smul.u32 $0x32000, s2;
	s6 =	sshll.u32 s2, $0x5;
	s2 =	ssub.s32 $0x2, s2  }
0xb: {  	_ =	strace $0x8000004D;
	s24 =	sor.u32 s6, s5;
	s9 =	sshrl.u32 s2, $0x1  }
0xc: {  	s26 =	sshrl.u32 s25, $0x3;
	s5 =	sshrl.u32 s5, $0x2;
	s31 =	sadd.s32 s29, s8  }
0xd: {  	s7 =	sadd.s32 s4, s0;
	s4 =	sshrl.u32 s24, $0x3;
	s2 =	ssub.s32 s2, s9  }
0xe: {  	[dreg:$0x3] =	wrdreg s31;
	s0 =	sadd.s32 s4, s0;
	s4 =	sadd.s32 s8, s26  }
0xf: {  	s25 =	simm.s32 $0x4;
	s2 =	smax.u32 s2, $0x1;
	[dreg:$0x5] =	wrdreg s4  }
0x10: {  	s5 =	sadd.s32 s5, s1;
	s30 =	sadd.s32 $0x19000, s4;
	[dreg:$0x8] =	wrdreg s2  }
0x11: {  	s24 =	simm.s32 $0x6;
	s0 =	sadd.s32 $0xD0E00, s0;
	[dreg:$0x6] =	wrdreg s30  }
0x12: {  	v0 =	vimm.f32 $0.0e+00;
	s7 =	sadd.s32 $0x6CE00, s7;
	s26 =	simm.s32 $0x7;
	[dreg:$0x7] =	wrdreg s0  }
.LBB2_1:
0x13: {  	s0 =	simm.s32 $0x0;
	s2 =	simm.s32 $0x0  }
.LBB2_2:
0x14: {  	p0 =	sne.s32 s2, $0x3FC0  }
.Ltmp0:
0x15: {  	_ = 	snop;
	(pc) =	sbr.rel @p0 .LBB2_2-.Ltmp0, $4  }
0x16: {  	s6 =	sand.u32 $0x3F80, s2  }
0x17: {  	s8 =	sand.u32 $0x10, s0;
	s6 =	sshrl.u32 s6, $0x2  }
0x18: {  	s6 =	sor.u32 s8, s6  }
0x19: {  	s0 =	sadd.s32 $0x10, s0;
	s2 =	sadd.s32 $0x40, s2;
	[tilespmem:s6+$0x19000] =	vst v0  }
0x1a: {  	[dreg:$0x4] =	wrdreg s10;
	s0 =	sadd.s32 $0x0, s5  }
0x1b: {  	[spmem:s0] =	stream.linear.scatter [tilespmem:s3], [sflag:$0x9], $0x1000, $0x38;
	[tilespmem:$0x1F000] =	vst v63  }
0x1c: {  	s0 =	simm.s32 $0x4000;
	_ =	swait.ge [sflag:s11], $0x1000  }
.LBB2_4:
0x1d: {  	s2 =	sshra.s32 s0, $0x2;
	[sflag:s11] =	ssyncset.done $0x0;
	p0 =	sne.s32 s0, $0x60000  }
.Ltmp1:
0x1e: {  	s2 =	sadd.s32 s2, s5;
	[sflag:s11] =	ssyncadd.s32 $0xFFFFF000;
	(pc) =	sbr.rel @p0 .LBB2_4-.Ltmp1, $3  }
0x1f: {  	[spmem:s2] =	stream.linear.scatter [tilespmem:s3], [sflag:$0x9], $0x1000, $0x38;
	[tilespmem:$0x1F000] =	vst v63  }
0x20: {  	s0 =	sadd.s32 $0x4000, s0;
	_ =	sdelay $0x1  }
0x21: {  	_ =	swait.ge [sflag:s11], $0x1000  }
0x22: {  	[sflag:s11] =	ssyncset.done $0x0  }
0x23: {  	[sflag:s11] =	ssyncadd.s32 $0xFFFFF000  }
0x24: {  	[bflag:$0x0] =	sbarrier.arrive $0xFFFF  }
0x25: {  	s0 =	simm.s32 $0x0;
	s3 =	simm.s32 $0x1E000;
	s2 =	rddreg [dreg:$0x5]  }
0x26: {  	[tilespmem:s3], [sflag:$0x9] =	stream.linear.gather [hbm4b:s2+s0], $0x400, $0x38;
	[tilespmem:$0x1F000] =	vst v63  }
0x27: {  	_ =	swait.ge [sflag:s11], $0x400  }
0x28: {  	[sflag:s11] =	ssyncset.done $0x0  }
0x29: {  	s4 =	simm.s32 $0x1E800;
	s9 =	rddreg [dreg:$0x6];
	[sflag:s11] =	ssyncadd.s32 $0xFFFFFC00  }
0x2a: {  	[tilespmem:s4], [sflag:$0x9] =	stream.linear.gather [hbm4b:s9+s0], $0x400, $0x38;
	[tilespmem:$0x1F000] =	vst v63  }
0x2b: {  	_ =	swait.ge [sflag:s11], $0x400  }
0x2c: {  	[sflag:s11] =	ssyncset.done $0x0  }
0x2d: {  	p0 =	por $0x1, $0x1;
	[sflag:s11] =	ssyncadd.s32 $0xFFFFFC00  }
0x2e: {  	[tilespmem:s15], [sflag:$0x1] =	stream.indirect.gather [hbm4b:s7+s14], $0x20, s3, s14, $0xb8;
	[tilespmem:$0x1F000] =	vst v63  }
0x2f: {  	s10 =	simm.s32 $0x1E080;
	s6 =	simm.s32 @!p0 $0x7  }
0x30: {  	[tilespmem:s17], [sflag:$0x2] =	stream.indirect.gather [hbm4b:s7+s14], $0x20, s10, s14, $0xb8;
	[tilespmem:$0x1F000] =	vst v63  }
0x31: {  	s0 =	sand.u32 $0x1, s0;
	_ =	swait.ge @!p0 [sflag:s6], $0x1000  }
0x32: {  	s2 =	sshll.u32 s0, $0xA;
	[sflag:s6] =	ssyncset.done @!p0 $0x0  }
0x33: {  	s12 =	sor.u32 $0x1E100, s2;
	[sflag:s6] =	ssyncadd.s32 @!p0 $0xFFFFF000  }
0x34: {  	[tilespmem:s18], [sflag:$0x3] =	stream.indirect.gather [hbm4b:s7+s14], $0x20, s12, s14, $0xb8;
	[tilespmem:$0x1F000] =	vst v63  }
0x35: {  	_ =	swait.ge [sflag:s19], $0x1000  }
0x36: {  	[sflag:s19] =	ssyncset.done $0x0  }
0x37: {  	s8 =	simm.s32 @!p0 $0x8;
	s13 =	sor.u32 $0x1E800, s2;
	[sflag:s19] =	ssyncadd.s32 $0xFFFFF000  }
0x38: {  	[spmem:s1] =	stream.indirect.scatter.add.f32 [tilespmem:s15], [sflag:$0x5], $0x20, s13, s14, $0xb8;
	[tilespmem:$0x1F000] =	vst v63  }
0x39: {  	_ =	swait.ge @!p0 [sflag:s8], $0x1000  }
0x3a: {  	[sflag:s8] =	ssyncset.done @!p0 $0x0  }
0x3b: {  	s16 =	sor.u32 $0x1E180, s2;
	[sflag:s8] =	ssyncadd.s32 @!p0 $0xFFFFF000  }
0x3c: {  	[tilespmem:s20], [sflag:$0x4] =	stream.indirect.gather [hbm4b:s7+s14], $0x20, s16, s14, $0xb8;
	[tilespmem:$0x1F000] =	vst v63  }
0x3d: {  	_ =	swait.ge [sflag:s21], $0x1000  }
0x3e: {  	[sflag:s21] =	ssyncset.done $0x0  }
0x3f: {  	s29 =	sadd.s32 $0x1E880, s2;
	[sflag:s21] =	ssyncadd.s32 $0xFFFFF000  }
0x40: {  	[spmem:s1] =	stream.indirect.scatter.add.f32 [tilespmem:s17], [sflag:$0x6], $0x20, s29, s14, $0xb8;
	[tilespmem:$0x1F000] =	vst v63  }
0x41: {  	_ =	swait.ge [sflag:s22], $0x1000  }
0x42: {  	[sflag:s22] =	ssyncset.done $0x0  }
0x43: {  	s3 =	sor.u32 $0x1E200, s2;
	[sflag:s22] =	ssyncadd.s32 $0xFFFFF000  }
0x44: {  	[tilespmem:s15], [sflag:$0x1] =	stream.indirect.gather [hbm4b:s7+s14], $0x20, s3, s14, $0xb8;
	[tilespmem:$0x1F000] =	vst v63  }
0x45: {  	_ =	swait.ge [sflag:s23], $0x1000  }
0x46: {  	s4 =	sor.u32 $0x100, s2;
	[sflag:s23] =	ssyncset.done $0x0  }
0x47: {  	s6 =	sor.u32 $0x1E800, s4;
	[sflag:s23] =	ssyncadd.s32 $0xFFFFF000  }
0x48: {  	[spmem:s1] =	stream.indirect.scatter.add.f32 [tilespmem:s18], [sflag:$0x7], $0x20, s6, s14, $0xb8;
	[tilespmem:$0x1F000] =	vst v63  }
0x49: {  	_ =	swait.ge [sflag:s24], $0x1000  }
0x4a: {  	[sflag:s24] =	ssyncset.done $0x0  }
0x4b: {  	s0 =	sxor.u32 $0x1, s0;
	s8 =	sor.u32 $0x1E280, s2;
	[sflag:s24] =	ssyncadd.s32 $0xFFFFF000  }
0x4c: {  	[tilespmem:s17], [sflag:$0x2] =	stream.indirect.gather [hbm4b:s7+s14], $0x20, s8, s14, $0xb8;
	[tilespmem:$0x1F000] =	vst v63  }
0x4d: {  	s9 =	sor.u32 $0x1E980, s2;
	p0 =	por $0x0, $0x0;
	_ =	swait.ge [sflag:s25], $0x1000  }
0x4e: {  	s0 =	sshll.u32 @!p0 s0, $0xA;
	[sflag:s25] =	ssyncset.done $0x0;
	s6 =	rddreg [dreg:$0x3]  }
0x4f: {  	s16 =	simm.s32 @!p0 $0x0;
	[sflag:s25] =	ssyncadd.s32 $0xFFFFF000;
	s6 =	sadd.s32 @!p0 $0x0, s6  }
0x50: {  	[spmem:s1] =	stream.indirect.scatter.add.f32 [tilespmem:s20], [sflag:$0x8], $0x20, s9, s14, $0xb8;
	[tilespmem:$0x1F000] =	vst v63  }
0x51: {  	s12 =	sor.u32 @!p0 $0x1E000, s0;
	s8 =	simm.s32 @!p0 $0x9;
	s13 =	sadd.s32 @!p0 $0x80, s6  }
0x52: {  	[tilespmem:s12], [sflag:$0x9] =	stream.linear.gather @!p0 [hbm4b:s13+s16], $0x400, $0x38;
	[tilespmem:$0x1F000] =	vst v63  }
0x53: {  	_ =	swait.ge @!p0 [sflag:s8], $0x400  }
0x54: {  	[sflag:s8] =	ssyncset.done @!p0 $0x0  }
0x55: {  	s6 =	sadd.s32 @!p0 $0x19080, s6;
	s13 =	sor.u32 @!p0 $0x1E800, s0;
	[sflag:s8] =	ssyncadd.s32 @!p0 $0xFFFFFC00  }
0x56: {  	[tilespmem:s13], [sflag:$0x9] =	stream.linear.gather @!p0 [hbm4b:s6+s16], $0x400, $0x38;
	[tilespmem:$0x1F000] =	vst v63  }
0x57: {  	_ =	swait.ge @!p0 [sflag:s8], $0x400  }
0x58: {  	[sflag:s8] =	ssyncset.done @!p0 $0x0  }
0x59: {  	[sflag:s8] =	ssyncadd.s32 @!p0 $0xFFFFFC00  }
0x5a: {  	_ =	swait.ge [sflag:s26], $0x1000  }
0x5b: {  	[sflag:s26] =	ssyncset.done $0x0  }
0x5c: {  	s10 =	sor.u32 $0x1E300, s2;
	[sflag:s26] =	ssyncadd.s32 $0xFFFFF000  }
0x5d: {  	[tilespmem:s18], [sflag:$0x3] =	stream.indirect.gather [hbm4b:s7+s14], $0x20, s10, s14, $0xb8;
	[tilespmem:$0x1F000] =	vst v63  }
0x5e: {  	_ =	swait.ge [sflag:s19], $0x1000  }
0x5f: {  	s13 =	sor.u32 $0x200, s2;
	[sflag:s19] =	ssyncset.done $0x0  }
0x60: {  	s6 =	sor.u32 $0x1E800, s13;
	[sflag:s19] =	ssyncadd.s32 $0xFFFFF000  }
0x61: {  	[spmem:s1] =	stream.indirect.scatter.add.f32 [tilespmem:s15], [sflag:$0x5], $0x20, s6, s14, $0xb8;
	[tilespmem:$0x1F000] =	vst v63  }
0x62: {  	_ =	swait.ge [sflag:s28], $0x1000  }
0x63: {  	[sflag:s28] =	ssyncset.done $0x0  }
0x64: {  	s16 =	sor.u32 $0x1E380, s2;
	[sflag:s28] =	ssyncadd.s32 $0xFFFFF000  }
0x65: {  	[tilespmem:s20], [sflag:$0x4] =	stream.indirect.gather [hbm4b:s7+s14], $0x20, s16, s14, $0xb8;
	[tilespmem:$0x1F000] =	vst v63  }
0x66: {  	_ =	swait.ge [sflag:s21], $0x1000  }
0x67: {  	s29 =	sor.u32 $0x280, s2;
	[sflag:s21] =	ssyncset.done $0x0  }
0x68: {  	s6 =	sor.u32 $0x1E800, s29;
	[sflag:s21] =	ssyncadd.s32 $0xFFFFF000  }
0x69: {  	[spmem:s1] =	stream.indirect.scatter.add.f32 [tilespmem:s17], [sflag:$0x6], $0x20, s6, s14, $0xb8;
	[tilespmem:$0x1F000] =	vst v63  }
0x6a: {  	_ =	swait.ge [sflag:s22], $0x1000  }
0x6b: {  	[sflag:s22] =	ssyncset.done $0x0  }
0x6c: {  	s6 =	simm.s32 @p0 $0x3;
	[sflag:s22] =	ssyncadd.s32 $0xFFFFF000  }
0x6d: {  	_ =	swait.ge @p0 [sflag:s6], $0x1000  }
0x6e: {  	s13 =	simm.s32 @p0 $0x1C000;
	s8 =	sor.u32 $0x300, s2;
	[sflag:s6] =	ssyncset.done @p0 $0x0  }
0x6f: {  	s16 =	simm.s32 @p0 $0x80;
	[sflag:s6] =	ssyncadd.s32 @p0 $0xFFFFF000;
	s6 =	sor.u32 @p0 $0x1E800, s8  }
0x70: {  	[spmem:s1] =	stream.indirect.scatter.add.f32 @p0 [tilespmem:s13], [sflag:$0x7], $0x20, s6, s16, $0xb8;
	[tilespmem:$0x1F000] =	vst v63  }
0x71: {  	s6 =	simm.s32 @p0 $0x6  }
0x72: {  	_ =	swait.ge @p0 [sflag:s6], $0x1000  }
0x73: {  	[sflag:s6] =	ssyncset.done @p0 $0x0  }
0x74: {  	s13 =	simm.s32 @!p0 $0x1A000;
	[sflag:s6] =	ssyncadd.s32 @p0 $0xFFFFF000;
	s6 =	simm.s32 @!p0 $0x80  }
0x75: {  	[tilespmem:s13], [sflag:$0x1] =	stream.indirect.gather @!p0 [hbm4b:s7+s6], $0x20, s12, s6, $0xb8;
	[tilespmem:$0x1F000] =	vst v63  }
0x76: {  	s12 =	simm.s32 @!p0 $0x3  }
0x77: {  	_ =	swait.ge @!p0 [sflag:s12], $0x1000  }
0x78: {  	[sflag:s12] =	ssyncset.done @!p0 $0x0  }
0x79: {  	s8 =	sor.u32 @!p0 $0x1E800, s8;
	[sflag:s12] =	ssyncadd.s32 @!p0 $0xFFFFF000;
	s12 =	simm.s32 @!p0 $0x1C000  }
0x7a: {  	[spmem:s1] =	stream.indirect.scatter.add.f32 @!p0 [tilespmem:s12], [sflag:$0x7], $0x20, s8, s6, $0xb8;
	[tilespmem:$0x1F000] =	vst v63  }
0x7b: {  	s8 =	simm.s32 @!p0 $0x6  }
0x7c: {  	_ =	swait.ge @!p0 [sflag:s8], $0x1000  }
0x7d: {  	s30 =	simm.s32 $0x80;
	s31 =	simm.s32 $0x1;
	[sflag:s8] =	ssyncset.done @!p0 $0x0  }
0x7e: {  	s0 =	sor.u32 @!p0 $0x1E080, s0;
	[sflag:s8] =	ssyncadd.s32 @!p0 $0xFFFFF000;
	s8 =	simm.s32 @!p0 $0x1B000  }
0x7f: {  	[tilespmem:s8], [sflag:$0x2] =	stream.indirect.gather @!p0 [hbm4b:s7+s6], $0x20, s0, s6, $0xb8;
	[tilespmem:$0x1F000] =	vst v63  }
0x80: {  	p2 =	por $0x0, $0x0;
	s2 =	sor.u32 $0x380, s2;
	_ =	swait.ge [sflag:s25], $0x1000  }
0x81: {  	s2 =	sor.u32 $0x1E800, s2;
	s0 =	simm.s32 $0x100;
	[sflag:s25] =	ssyncset.done $0x0  }
.LBB2_6:
0x82: {  	s6 =	simm.s32 @!p2 $0x7;
	[sflag:s25] =	ssyncadd.s32 $0xFFFFF000  }
0x83: {  	[spmem:s1] =	stream.indirect.scatter.add.f32 [tilespmem:s20], [sflag:$0x8], $0x20, s2, s14, $0xb8;
	[tilespmem:$0x1F000] =	vst v63  }
0x84: {  	s16 =	sand.u32 $0x1, s31;
	_ =	swait.ge @!p2 [sflag:s6], $0x1000  }
0x85: {  	s2 =	sshll.u32 s16, $0xA;
	[sflag:s6] =	ssyncset.done @!p2 $0x0  }
0x86: {  	s29 =	sor.u32 $0x1E100, s2;
	[sflag:s6] =	ssyncadd.s32 @!p2 $0xFFFFF000  }
0x87: {  	[tilespmem:s18], [sflag:$0x3] =	stream.indirect.gather [hbm4b:s7+s14], $0x20, s29, s14, $0xb8;
	[tilespmem:$0x1F000] =	vst v63  }
0x88: {  	_ =	swait.ge [sflag:s19], $0x1000  }
0x89: {  	s4 =	simm.s32 @!p2 $0x8;
	[sflag:s19] =	ssyncset.done $0x0  }
0x8a: {  	s12 =	sxor.u32 $0x1, s16;
	s16 =	sor.u32 $0x1E800, s2;
	[sflag:s19] =	ssyncadd.s32 $0xFFFFF000  }
0x8b: {  	[spmem:s1] =	stream.indirect.scatter.add.f32 [tilespmem:s15], [sflag:$0x5], $0x20, s16, s14, $0xb8;
	[tilespmem:$0x1F000] =	vst v63  }
0x8c: {  	_ =	swait.ge @!p2 [sflag:s4], $0x1000  }
0x8d: {  	[sflag:s4] =	ssyncset.done @!p2 $0x0  }
0x8e: {  	s3 =	sor.u32 $0x1E180, s2;
	[sflag:s4] =	ssyncadd.s32 @!p2 $0xFFFFF000  }
0x8f: {  	[tilespmem:s20], [sflag:$0x4] =	stream.indirect.gather [hbm4b:s7+s14], $0x20, s3, s14, $0xb8;
	[tilespmem:$0x1F000] =	vst v63  }
0x90: {  	_ =	swait.ge [sflag:s21], $0x1000  }
0x91: {  	[sflag:s21] =	ssyncset.done $0x0  }
0x92: {  	s10 =	sadd.s32 $0x1E880, s2;
	[sflag:s21] =	ssyncadd.s32 $0xFFFFF000  }
0x93: {  	[spmem:s1] =	stream.indirect.scatter.add.f32 [tilespmem:s17], [sflag:$0x6], $0x20, s10, s14, $0xb8;
	[tilespmem:$0x1F000] =	vst v63  }
0x94: {  	_ =	swait.ge [sflag:s22], $0x1000  }
0x95: {  	[sflag:s22] =	ssyncset.done $0x0  }
0x96: {  	s3 =	sor.u32 $0x1E200, s2;
	[sflag:s22] =	ssyncadd.s32 $0xFFFFF000  }
0x97: {  	[tilespmem:s15], [sflag:$0x1] =	stream.indirect.gather [hbm4b:s7+s14], $0x20, s3, s14, $0xb8;
	[tilespmem:$0x1F000] =	vst v63  }
0x98: {  	_ =	swait.ge [sflag:s23], $0x1000  }
0x99: {  	s9 =	sor.u32 $0x100, s2;
	[sflag:s23] =	ssyncset.done $0x0  }
0x9a: {  	s9 =	sor.u32 $0x1E800, s9;
	[sflag:s23] =	ssyncadd.s32 $0xFFFFF000  }
0x9b: {  	[spmem:s1] =	stream.indirect.scatter.add.f32 [tilespmem:s18], [sflag:$0x7], $0x20, s9, s14, $0xb8;
	[tilespmem:$0x1F000] =	vst v63  }
0x9c: {  	_ =	swait.ge [sflag:s24], $0x1000  }
0x9d: {  	s8 =	smov.u32 s0;
	[sflag:s24] =	ssyncset.done $0x0  }
0x9e: {  	p0 =	seq.s32 s30, $0x1880;
	s10 =	sor.u32 $0x1E280, s2;
	[sflag:s24] =	ssyncadd.s32 $0xFFFFF000  }
0x9f: {  	[tilespmem:s17], [sflag:$0x2] =	stream.indirect.gather [hbm4b:s7+s14], $0x20, s10, s14, $0xb8;
	[tilespmem:$0x1F000] =	vst v63  }
0xa0: {  	s13 =	sshll.u32 @!p0 s12, $0xA;
	s3 =	sor.u32 $0x1E980, s2;
	_ =	swait.ge [sflag:s25], $0x1000  }
0xa1: {  	s9 =	simm.s32 @!p0 $0x9;
	[sflag:s25] =	ssyncset.done $0x0;
	s4 =	rddreg [dreg:$0x3]  }
0xa2: {  	s10 =	simm.s32 @!p0 $0x0;
	[sflag:s25] =	ssyncadd.s32 $0xFFFFF000;
	s4 =	sadd.s32 @!p0 s30, s4  }
0xa3: {  	[spmem:s1] =	stream.indirect.scatter.add.f32 [tilespmem:s20], [sflag:$0x8], $0x20, s3, s14, $0xb8;
	[tilespmem:$0x1F000] =	vst v63  }
0xa4: {  	s30 =	smov.u32 s8;
	s8 =	sor.u32 @!p0 $0x1E000, s13;
	s3 =	sadd.s32 @!p0 $0x80, s4  }
0xa5: {  	[tilespmem:s8], [sflag:$0x9] =	stream.linear.gather @!p0 [hbm4b:s3+s10], $0x400, $0x38;
	[tilespmem:$0x1F000] =	vst v63  }
0xa6: {  	_ =	swait.ge @!p0 [sflag:s9], $0x400  }
0xa7: {  	[sflag:s9] =	ssyncset.done @!p0 $0x0  }
0xa8: {  	s4 =	sadd.s32 @!p0 $0x19080, s4;
	s3 =	sor.u32 @!p0 $0x1E800, s13;
	[sflag:s9] =	ssyncadd.s32 @!p0 $0xFFFFFC00  }
0xa9: {  	[tilespmem:s3], [sflag:$0x9] =	stream.linear.gather @!p0 [hbm4b:s4+s10], $0x400, $0x38;
	[tilespmem:$0x1F000] =	vst v63  }
0xaa: {  	_ =	swait.ge @!p0 [sflag:s9], $0x400  }
0xab: {  	[sflag:s9] =	ssyncset.done @!p0 $0x0  }
0xac: {  	[sflag:s9] =	ssyncadd.s32 @!p0 $0xFFFFFC00  }
0xad: {  	_ =	swait.ge [sflag:s26], $0x1000  }
0xae: {  	[sflag:s26] =	ssyncset.done $0x0  }
0xaf: {  	s9 =	sor.u32 $0x1E300, s2;
	[sflag:s26] =	ssyncadd.s32 $0xFFFFF000  }
0xb0: {  	[tilespmem:s18], [sflag:$0x3] =	stream.indirect.gather [hbm4b:s7+s14], $0x20, s9, s14, $0xb8;
	[tilespmem:$0x1F000] =	vst v63  }
0xb1: {  	_ =	swait.ge [sflag:s19], $0x1000  }
0xb2: {  	s6 =	sor.u32 $0x200, s2;
	[sflag:s19] =	ssyncset.done $0x0  }
0xb3: {  	s10 =	sor.u32 $0x1E800, s6;
	[sflag:s19] =	ssyncadd.s32 $0xFFFFF000  }
0xb4: {  	[spmem:s1] =	stream.indirect.scatter.add.f32 [tilespmem:s15], [sflag:$0x5], $0x20, s10, s14, $0xb8;
	[tilespmem:$0x1F000] =	vst v63  }
0xb5: {  	_ =	swait.ge [sflag:s28], $0x1000  }
0xb6: {  	s12 =	sor.u32 $0x280, s2;
	s29 =	sor.u32 $0x300, s2;
	[sflag:s28] =	ssyncset.done $0x0  }
0xb7: {  	s16 =	sor.u32 $0x380, s2;
	s2 =	sor.u32 $0x1E380, s2;
	[sflag:s28] =	ssyncadd.s32 $0xFFFFF000  }
0xb8: {  	[tilespmem:s20], [sflag:$0x4] =	stream.indirect.gather [hbm4b:s7+s14], $0x20, s2, s14, $0xb8;
	[tilespmem:$0x1F000] =	vst v63  }
0xb9: {  	_ =	swait.ge [sflag:s21], $0x1000  }
0xba: {  	[sflag:s21] =	ssyncset.done $0x0  }
0xbb: {  	s12 =	sor.u32 $0x1E800, s12;
	[sflag:s21] =	ssyncadd.s32 $0xFFFFF000  }
0xbc: {  	[spmem:s1] =	stream.indirect.scatter.add.f32 [tilespmem:s17], [sflag:$0x6], $0x20, s12, s14, $0xb8;
	[tilespmem:$0x1F000] =	vst v63  }
0xbd: {  	_ =	swait.ge [sflag:s22], $0x1000  }
0xbe: {  	[sflag:s22] =	ssyncset.done $0x0  }
0xbf: {  	s2 =	simm.s32 @p0 $0x3;
	[sflag:s22] =	ssyncadd.s32 $0xFFFFF000  }
0xc0: {  	_ =	swait.ge @p0 [sflag:s2], $0x1000  }
0xc1: {  	s3 =	simm.s32 @p0 $0x1C000;
	s4 =	simm.s32 @p0 $0x6;
	[sflag:s2] =	ssyncset.done @p0 $0x0  }
0xc2: {  	s6 =	simm.s32 @p0 $0x80;
	[sflag:s2] =	ssyncadd.s32 @p0 $0xFFFFF000;
	s2 =	sor.u32 @p0 $0x1E800, s29  }
0xc3: {  	[spmem:s1] =	stream.indirect.scatter.add.f32 @p0 [tilespmem:s3], [sflag:$0x7], $0x20, s2, s6, $0xb8;
	[tilespmem:$0x1F000] =	vst v63  }
0xc4: {  	_ =	swait.ge @p0 [sflag:s4], $0x1000  }
0xc5: {  	s2 =	simm.s32 @!p0 $0x3;
	[sflag:s4] =	ssyncset.done @p0 $0x0  }
0xc6: {  	s3 =	simm.s32 @!p0 $0x80;
	[sflag:s4] =	ssyncadd.s32 @p0 $0xFFFFF000;
	s4 =	simm.s32 @!p0 $0x1A000  }
0xc7: {  	[tilespmem:s4], [sflag:$0x1] =	stream.indirect.gather @!p0 [hbm4b:s7+s3], $0x20, s8, s3, $0xb8;
	[tilespmem:$0x1F000] =	vst v63  }
0xc8: {  	_ =	swait.ge @!p0 [sflag:s2], $0x1000  }
0xc9: {  	s0 =	sadd.s32 $0x80, s0;
	s6 =	simm.s32 @!p0 $0x1C000;
	[sflag:s2] =	ssyncset.done @!p0 $0x0  }
0xca: {  	s4 =	simm.s32 @!p0 $0x6;
	[sflag:s2] =	ssyncadd.s32 @!p0 $0xFFFFF000;
	s2 =	sor.u32 @!p0 $0x1E800, s29  }
0xcb: {  	[spmem:s1] =	stream.indirect.scatter.add.f32 @!p0 [tilespmem:s6], [sflag:$0x7], $0x20, s2, s3, $0xb8;
	[tilespmem:$0x1F000] =	vst v63  }
0xcc: {  	p1 =	sne.s32 s0, $0x1900;
	_ =	swait.ge @!p0 [sflag:s4], $0x1000  }
.Ltmp2:
0xcd: {  	[sflag:s4] =	ssyncset.done @!p0 $0x0;
	(pc) =	sbr.rel @p1 .LBB2_6-.Ltmp2, $4  }
0xce: {  	s2 =	sor.u32 @!p0 $0x1E080, s13;
	[sflag:s4] =	ssyncadd.s32 @!p0 $0xFFFFF000;
	s4 =	simm.s32 @!p0 $0x1B000  }
0xcf: {  	[tilespmem:s4], [sflag:$0x2] =	stream.indirect.gather @!p0 [hbm4b:s7+s3], $0x20, s2, s3, $0xb8;
	[tilespmem:$0x1F000] =	vst v63  }
0xd0: {  	s31 =	sadd.s32 $0x1, s31;
	_ =	swait.ge [sflag:s25], $0x1000  }
0xd1: {  	p2 =	seq.s32 s30, $0x0;
	s2 =	sor.u32 $0x1E800, s16;
	[sflag:s25] =	ssyncset.done $0x0  }
0xd2: {  	s3 =	simm.s32 @!p2 $0x7;
	[sflag:s25] =	ssyncadd.s32 $0xFFFFF000  }
0xd3: {  	[spmem:s1] =	stream.indirect.scatter.add.f32 [tilespmem:s20], [sflag:$0x8], $0x20, s2, s14, $0xb8;
	[tilespmem:$0x1F000] =	vst v63  }
0xd4: {  	s9 =	sand.u32 $0x1, s31;
	_ =	swait.ge @!p2 [sflag:s3], $0x1000  }
0xd5: {  	s0 =	sshll.u32 s9, $0xA;
	[sflag:s3] =	ssyncset.done @!p2 $0x0  }
0xd6: {  	s10 =	sor.u32 $0x1E100, s0;
	[sflag:s3] =	ssyncadd.s32 @!p2 $0xFFFFF000  }
0xd7: {  	[tilespmem:s18], [sflag:$0x3] =	stream.indirect.gather [hbm4b:s7+s14], $0x20, s10, s14, $0xb8;
	[tilespmem:$0x1F000] =	vst v63  }
0xd8: {  	_ =	swait.ge [sflag:s19], $0x1000  }
0xd9: {  	[sflag:s19] =	ssyncset.done $0x0  }
0xda: {  	s4 =	simm.s32 @!p2 $0x8;
	s12 =	sor.u32 $0x1E800, s0;
	[sflag:s19] =	ssyncadd.s32 $0xFFFFF000  }
0xdb: {  	[spmem:s1] =	stream.indirect.scatter.add.f32 [tilespmem:s15], [sflag:$0x5], $0x20, s12, s14, $0xb8;
	[tilespmem:$0x1F000] =	vst v63  }
0xdc: {  	_ =	swait.ge @!p2 [sflag:s4], $0x1000  }
0xdd: {  	[sflag:s4] =	ssyncset.done @!p2 $0x0  }
0xde: {  	s13 =	sor.u32 $0x1E180, s0;
	[sflag:s4] =	ssyncadd.s32 @!p2 $0xFFFFF000  }
0xdf: {  	[tilespmem:s20], [sflag:$0x4] =	stream.indirect.gather [hbm4b:s7+s14], $0x20, s13, s14, $0xb8;
	[tilespmem:$0x1F000] =	vst v63  }
0xe0: {  	_ =	swait.ge [sflag:s21], $0x1000  }
0xe1: {  	[sflag:s21] =	ssyncset.done $0x0  }
0xe2: {  	s16 =	sadd.s32 $0x1E880, s0;
	[sflag:s21] =	ssyncadd.s32 $0xFFFFF000  }
0xe3: {  	[spmem:s1] =	stream.indirect.scatter.add.f32 [tilespmem:s17], [sflag:$0x6], $0x20, s16, s14, $0xb8;
	[tilespmem:$0x1F000] =	vst v63  }
0xe4: {  	_ =	swait.ge [sflag:s22], $0x1000  }
0xe5: {  	[sflag:s22] =	ssyncset.done $0x0  }
0xe6: {  	s29 =	sor.u32 $0x1E200, s0;
	[sflag:s22] =	ssyncadd.s32 $0xFFFFF000  }
0xe7: {  	[tilespmem:s15], [sflag:$0x1] =	stream.indirect.gather [hbm4b:s7+s14], $0x20, s29, s14, $0xb8;
	[tilespmem:$0x1F000] =	vst v63  }
0xe8: {  	_ =	swait.ge [sflag:s23], $0x1000  }
0xe9: {  	s31 =	sor.u32 $0x100, s0;
	[sflag:s23] =	ssyncset.done $0x0  }
0xea: {  	s3 =	sor.u32 $0x1E800, s31;
	[sflag:s23] =	ssyncadd.s32 $0xFFFFF000  }
0xeb: {  	[spmem:s1] =	stream.indirect.scatter.add.f32 [tilespmem:s18], [sflag:$0x7], $0x20, s3, s14, $0xb8;
	[tilespmem:$0x1F000] =	vst v63  }
0xec: {  	_ =	swait.ge [sflag:s24], $0x1000  }
0xed: {  	[sflag:s24] =	ssyncset.done $0x0  }
0xee: {  	p0 =	seq.s32 s30, $0x1880;
	s4 =	sor.u32 $0x1E280, s0;
	[sflag:s24] =	ssyncadd.s32 $0xFFFFF000  }
0xef: {  	[tilespmem:s17], [sflag:$0x2] =	stream.indirect.gather [hbm4b:s7+s14], $0x20, s4, s14, $0xb8;
	[tilespmem:$0x1F000] =	vst v63  }
0xf0: {  	s2 =	sxor.u32 $0x1, s9;
	s9 =	simm.s32 @!p0 $0x0;
	_ =	swait.ge [sflag:s25], $0x1000  }
0xf1: {  	s6 =	sor.u32 $0x1E980, s0;
	[sflag:s25] =	ssyncset.done $0x0;
	s3 =	rddreg [dreg:$0x3]  }
0xf2: {  	s2 =	sshll.u32 @!p0 s2, $0xA;
	[sflag:s25] =	ssyncadd.s32 $0xFFFFF000;
	s3 =	sadd.s32 @!p0 s30, s3  }
0xf3: {  	[spmem:s1] =	stream.indirect.scatter.add.f32 [tilespmem:s20], [sflag:$0x8], $0x20, s6, s14, $0xb8;
	[tilespmem:$0x1F000] =	vst v63  }
0xf4: {  	s4 =	simm.s32 @!p0 $0x9;
	s6 =	sor.u32 @!p0 $0x1E000, s2;
	s8 =	sadd.s32 @!p0 $0x80, s3  }
0xf5: {  	[tilespmem:s6], [sflag:$0x9] =	stream.linear.gather @!p0 [hbm4b:s8+s9], $0x400, $0x38;
	[tilespmem:$0x1F000] =	vst v63  }
0xf6: {  	_ =	swait.ge @!p0 [sflag:s4], $0x400  }
0xf7: {  	[sflag:s4] =	ssyncset.done @!p0 $0x0  }
0xf8: {  	s3 =	sadd.s32 @!p0 $0x19080, s3;
	s8 =	sor.u32 @!p0 $0x1E800, s2;
	[sflag:s4] =	ssyncadd.s32 @!p0 $0xFFFFFC00  }
0xf9: {  	[tilespmem:s8], [sflag:$0x9] =	stream.linear.gather @!p0 [hbm4b:s3+s9], $0x400, $0x38;
	[tilespmem:$0x1F000] =	vst v63  }
0xfa: {  	_ =	swait.ge @!p0 [sflag:s4], $0x400  }
0xfb: {  	[sflag:s4] =	ssyncset.done @!p0 $0x0  }
0xfc: {  	[sflag:s4] =	ssyncadd.s32 @!p0 $0xFFFFFC00  }
0xfd: {  	_ =	swait.ge [sflag:s26], $0x1000  }
0xfe: {  	[sflag:s26] =	ssyncset.done $0x0  }
0xff: {  	s8 =	sor.u32 $0x1E300, s0;
	[sflag:s26] =	ssyncadd.s32 $0xFFFFF000  }
0x100: {  	[tilespmem:s18], [sflag:$0x3] =	stream.indirect.gather [hbm4b:s7+s14], $0x20, s8, s14, $0xb8;
	[tilespmem:$0x1F000] =	vst v63  }
0x101: {  	_ =	swait.ge [sflag:s19], $0x1000  }
0x102: {  	s9 =	sor.u32 $0x200, s0;
	[sflag:s19] =	ssyncset.done $0x0  }
0x103: {  	s3 =	sor.u32 $0x1E800, s9;
	[sflag:s19] =	ssyncadd.s32 $0xFFFFF000  }
0x104: {  	[spmem:s1] =	stream.indirect.scatter.add.f32 [tilespmem:s15], [sflag:$0x5], $0x20, s3, s14, $0xb8;
	[tilespmem:$0x1F000] =	vst v63  }
0x105: {  	_ =	swait.ge [sflag:s28], $0x1000  }
0x106: {  	[sflag:s28] =	ssyncset.done $0x0  }
0x107: {  	s10 =	sor.u32 $0x1E380, s0;
	[sflag:s28] =	ssyncadd.s32 $0xFFFFF000  }
0x108: {  	[tilespmem:s20], [sflag:$0x4] =	stream.indirect.gather [hbm4b:s7+s14], $0x20, s10, s14, $0xb8;
	[tilespmem:$0x1F000] =	vst v63  }
0x109: {  	_ =	swait.ge [sflag:s21], $0x1000  }
0x10a: {  	s12 =	sor.u32 $0x280, s0;
	[sflag:s21] =	ssyncset.done $0x0  }
0x10b: {  	s3 =	sor.u32 $0x1E800, s12;
	[sflag:s21] =	ssyncadd.s32 $0xFFFFF000  }
0x10c: {  	[spmem:s1] =	stream.indirect.scatter.add.f32 [tilespmem:s17], [sflag:$0x6], $0x20, s3, s14, $0xb8;
	[tilespmem:$0x1F000] =	vst v63  }
0x10d: {  	_ =	swait.ge [sflag:s22], $0x1000  }
0x10e: {  	[sflag:s22] =	ssyncset.done $0x0  }
0x10f: {  	s3 =	simm.s32 @p0 $0x3;
	[sflag:s22] =	ssyncadd.s32 $0xFFFFF000  }
0x110: {  	_ =	swait.ge @p0 [sflag:s3], $0x1000  }
0x111: {  	s9 =	simm.s32 @p0 $0x80;
	s4 =	sor.u32 $0x300, s0;
	[sflag:s3] =	ssyncset.done @p0 $0x0  }
0x112: {  	s8 =	simm.s32 @p0 $0x1C000;
	[sflag:s3] =	ssyncadd.s32 @p0 $0xFFFFF000;
	s3 =	sor.u32 @p0 $0x1E800, s4  }
0x113: {  	[spmem:s1] =	stream.indirect.scatter.add.f32 @p0 [tilespmem:s8], [sflag:$0x7], $0x20, s3, s9, $0xb8;
	[tilespmem:$0x1F000] =	vst v63  }
0x114: {  	s3 =	simm.s32 @p0 $0x6  }
0x115: {  	_ =	swait.ge @p0 [sflag:s3], $0x1000  }
0x116: {  	[sflag:s3] =	ssyncset.done @p0 $0x0  }
0x117: {  	s8 =	simm.s32 @!p0 $0x1A000;
	[sflag:s3] =	ssyncadd.s32 @p0 $0xFFFFF000;
	s3 =	simm.s32 @!p0 $0x80  }
0x118: {  	[tilespmem:s8], [sflag:$0x1] =	stream.indirect.gather @!p0 [hbm4b:s7+s3], $0x20, s6, s3, $0xb8;
	[tilespmem:$0x1F000] =	vst v63  }
0x119: {  	s6 =	simm.s32 @!p0 $0x3  }
0x11a: {  	_ =	swait.ge @!p0 [sflag:s6], $0x1000  }
0x11b: {  	[sflag:s6] =	ssyncset.done @!p0 $0x0  }
0x11c: {  	s4 =	sor.u32 @!p0 $0x1E800, s4;
	[sflag:s6] =	ssyncadd.s32 @!p0 $0xFFFFF000;
	s6 =	simm.s32 @!p0 $0x1C000  }
0x11d: {  	[spmem:s1] =	stream.indirect.scatter.add.f32 @!p0 [tilespmem:s6], [sflag:$0x7], $0x20, s4, s3, $0xb8;
	[tilespmem:$0x1F000] =	vst v63  }
0x11e: {  	s4 =	simm.s32 @!p0 $0x6  }
0x11f: {  	_ =	swait.ge @!p0 [sflag:s4], $0x1000  }
0x120: {  	[sflag:s4] =	ssyncset.done @!p0 $0x0  }
0x121: {  	s2 =	sor.u32 @!p0 $0x1E080, s2;
	[sflag:s4] =	ssyncadd.s32 @!p0 $0xFFFFF000;
	s4 =	simm.s32 @!p0 $0x1B000  }
0x122: {  	[tilespmem:s4], [sflag:$0x2] =	stream.indirect.gather @!p0 [hbm4b:s7+s3], $0x20, s2, s3, $0xb8;
	[tilespmem:$0x1F000] =	vst v63  }
0x123: {  	_ =	swait.ge [sflag:s25], $0x1000  }
0x124: {  	s0 =	sor.u32 $0x380, s0;
	[sflag:s25] =	ssyncset.done $0x0  }
0x125: {  	s0 =	sor.u32 $0x1E800, s0;
	[sflag:s25] =	ssyncadd.s32 $0xFFFFF000  }
0x126: {  	[spmem:s1] =	stream.indirect.scatter.add.f32 [tilespmem:s20], [sflag:$0x8], $0x20, s0, s14, $0xb8;
	[tilespmem:$0x1F000] =	vst v63  }
0x127: {  	_ =	swait.ge [sflag:s26], $0x1000  }
0x128: {  	[sflag:s26] =	ssyncset.done $0x0  }
0x129: {  	[sflag:s26] =	ssyncadd.s32 $0xFFFFF000  }
0x12a: {  	_ =	swait.ge [sflag:s28], $0x1000  }
0x12b: {  	[sflag:s28] =	ssyncset.done $0x0  }
0x12c: {  	s13 =	stileid.u32;
	[sflag:s28] =	ssyncadd.s32 $0xFFFFF000  }
0x12d: {  	s16 =	sshrl.u32 s5, $0x3;
	s0 =	sshll.u32 s13, $0x6;
	[bflag:$0x0] =	sbarrier.arrive $0xFFFF  }
0x12e: {  	s30 =	simm.s32 $0x10;
	s0 =	sor.u32 $0x1C09, s0;
	s29 =	rddreg [dreg:$0x7]  }
0x12f: {  	[hbm:s29@s30], [sflag:s0] =	dma.strided [spmem:s16@s25], $0x3200, s19, $0x4   }
0x130: {  	_ =	swait.ge [sflag:s11], $0x3200  }
0x131: {  	s10 =	rddreg [dreg:$0x4]  }
0x132: {  	s31 =	rddreg [dreg:$0x8];
	s10 =	sadd.s32 $0x1, s10  }
0x133: {  	p0 =	sne.s32 s10, s31  }
.Ltmp3:
0x134: {  	_ = 	snop;
	(pc) =	sbr.rel @p0 .LBB2_1-.Ltmp3, $3  }
0x135: {  	_ =	sdelay $0x1  }
0x136: {  	[sflag:s11] =	ssyncset.done $0x0  }
0x137: {  	s3 =	simm.s32 $0x19000;
	[sflag:s11] =	ssyncadd.s32 $0xFFFFCE00  }
0x138: {  	_ =	sfence.sel $0x180000  }
0x139: {  	[bflag:$0x0] =	sbarrier.arrive $0xFFFF  }
0x13a: {  	_ =	strace $0x9000004D  }
0x13b: {  	s0 =	stileid.u32;
	[bflag:$0x2] =	sbarrier.arrive $0xFFFF  }
0x13c: {  	p0 =	sne.s32 s0, $0x0;
	s0 =	rddreg [dreg:$0x2]  }
0x13d: {  	s0 =	sadd.s32 @!p0 $0x100000, s0  }
0x13e: {  	[sflag:s0] =	ssyncadd.tile.s32 @!p0 $0x1;
	_ =	shalt  }
.Lfunc_end2:
_tile_overlayer_lowered:
.L_overlay_start_2:
0x13f: {  	(tag) =	ssettag $0x2  }
0x140: {  	s0 =	rddreg [dreg:$0x0];
	s2 =	stileid.u32  }
0x141: {  	s1 =	rddreg [dreg:$0x1];
	p0 =	sne.s32 s2, $0x0  }
0x142: {  	s3 =	rddreg [dreg:$0x2];
	[bflag:$0x3] =	sbarrier.arrive $0xFFFF;
	s2 =	simm.s32 @!p0 $0x1C09  }
0x143: {  	[timem:s3], [sflag:s2] =	dma.local @!p0 [hbm:s0], s1  }
0x144: {  	s0 =	simm.s32 @!p0 $0x9  }
0x145: {  	_ =	swait.ge @!p0 [sflag:s0], s1  }
0x146: {  	s1 =	ssub.s32 @!p0 $0x0, s1;
	[sflag:s0] =	ssyncset.done @!p0 $0x0  }
0x147: {  	[sflag:s0] =	ssyncadd.s32 @!p0 s1  }
0x148: {  	[bflag:$0x3] =	sbarrier.arrive $0xFFFF  }
0x149: {  	_ =	shalt  }

</sc_bundles>
